<compile_context>
chip_gen: v7x
topology: tpu7x:2x2x1
jax: 0.10.2.dev20260603
libtpu: 0.0.44.dev20260713+nightly
codegen_flags: <defaults>
</compile_context>

<pallas_src>
import functools

import jax
import jax.numpy as jnp
from jax import lax
from jax.experimental import pallas as pl
from jax.experimental.pallas import tpu as pltpu
from jax.experimental.pallas import tpu_sc as plsc

N = 10000
E = 320000
D = 128
P = 20000
PP = 20480
K = 128
NP = 10112
EC = E // K
TW = 78
NC = 2
NS = 16
NW = NC * NS
PCW = PP // K // NW
RPT = NP // NS
BR = 1000
BP = 1024

_mesh = plsc.VectorSubcoreMesh(core_axis_name="c", subcore_axis_name="s")



@functools.partial(
    pl.kernel,
    mesh=_mesh,
    out_type=jax.ShapeDtypeStruct((NC, NP, D), jnp.float32),
    scratch_types=(
        [pltpu.VMEM((K,), jnp.int32)] * 12
        + [pltpu.VMEM((K, D), jnp.float32)] * 2
        + [pltpu.SemaphoreType.DMA] * 12
        + [pltpu.VMEM_SHARED((NP, D), jnp.float32)]
    ),
)
def _sc_degrees(src_hbm, dst_hbm, ones_s_hbm, ones_d_hbm, zeros_hbm, out_hbm,
                is0, is1, is2, is3, is4, is5, id0, id1, id2, id3, id4, id5,
                ones_s, ones_d,
                im0, im1, im2, im3, im4, im5, sm0, sm1, sm2, dm0, dm1, dm2,
                deg):
    c = lax.axis_index("c")
    s = lax.axis_index("s")
    wid = s * NC + c
    r0 = s * RPT
    isx = (is0, is1, is2, is3, is4, is5)
    idx = (id0, id1, id2, id3, id4, id5)
    isem = (im0, im1, im2, im3, im4, im5)
    ssem = (sm0, sm1, sm2)
    dsem = (dm0, dm1, dm2)
    pltpu.sync_copy(zeros_hbm.at[pl.ds(r0, RPT)], deg.at[pl.ds(r0, RPT)])
    pltpu.sync_copy(ones_s_hbm, ones_s)
    pltpu.sync_copy(ones_d_hbm, ones_d)
    plsc.subcore_barrier()

    def e0_of(t):
        return (wid * TW + t) * K

    def load_idx(t, q):
        pltpu.async_copy(src_hbm.at[pl.ds(e0_of(t), K)], isx[q], isem[q])
        pltpu.async_copy(dst_hbm.at[pl.ds(e0_of(t), K)], idx[q], isem[q])

    def wait_idx(q):
        pltpu.make_async_copy(src_hbm.at[pl.ds(0, K)], isx[q], isem[q]).wait()
        pltpu.make_async_copy(dst_hbm.at[pl.ds(0, K)], idx[q], isem[q]).wait()

    def start_scatter(r, q):
        pltpu.async_copy(ones_s, deg.at[isx[q]], ssem[r], add=True)
        pltpu.async_copy(ones_d, deg.at[idx[q]], dsem[r], add=True)

    def wait_scatter(r, q):
        pltpu.make_async_copy(ones_s, deg.at[isx[q]], ssem[r]).wait()
        pltpu.make_async_copy(ones_d, deg.at[idx[q]], dsem[r]).wait()

    for q in range(4):
        load_idx(q, q)

    def body(i, carry):
        for k in range(6):
            t = 6 * i + k
            q = k
            r = k % 3
            wait_idx(q)
            start_scatter(r, q)

            @pl.when(t >= 2)
            def _():
                wait_scatter((k + 1) % 3, (k + 4) % 6)

            @pl.when(t + 4 < TW)
            def _():
                load_idx(t + 4, (k + 4) % 6)

        return carry

    lax.fori_loop(0, TW // 6, body, 0)
    wait_scatter((TW - 2) % 3, (TW - 2) % 6)
    wait_scatter((TW - 1) % 3, (TW - 1) % 6)

    @pl.when(wid < EC - TW * NW)
    def _():
        e0 = (TW * NW + wid) * K
        pltpu.sync_copy(src_hbm.at[pl.ds(e0, K)], is0)
        pltpu.sync_copy(dst_hbm.at[pl.ds(e0, K)], id0)
        pltpu.sync_copy(ones_s, deg.at[is0], add=True)
        pltpu.sync_copy(ones_d, deg.at[id0], add=True)

    plsc.subcore_barrier()
    pltpu.sync_copy(deg.at[pl.ds(r0, RPT)], out_hbm.at[c, pl.ds(r0, RPT)])


@functools.partial(
    pl.kernel,
    mesh=_mesh,
    out_type=jax.ShapeDtypeStruct((NC, NP, D), jnp.float32),
    scratch_types=(
        [pltpu.VMEM((K,), jnp.int32)] * 12
        + [pltpu.VMEM((K, D), jnp.float32)] * 2
        + [pltpu.SemaphoreType.DMA] * 10
        + [pltpu.VMEM_SHARED((NP, D), jnp.float32)]
    ),
)
def _sc_aggregate(hs_hbm, src_hbm, dst_hbm, zeros_hbm, out_hbm,
                  is0, is1, is2, is3, is4, is5, id0, id1, id2, id3, id4, id5,
                  rows0, rows1,
                  im0, im1, im2, im3, im4, im5, gm0, gm1, sm0, sm1,
                  acc):
    c = lax.axis_index("c")
    s = lax.axis_index("s")
    wid = s * NC + c
    r0 = s * RPT
    isx = (is0, is1, is2, is3, is4, is5)
    idx = (id0, id1, id2, id3, id4, id5)
    rows = (rows0, rows1)
    isem = (im0, im1, im2, im3, im4, im5)
    gsem = (gm0, gm1)
    ssem = (sm0, sm1)
    pltpu.sync_copy(zeros_hbm.at[pl.ds(r0, RPT)], acc.at[pl.ds(r0, RPT)])
    plsc.subcore_barrier()

    def e0_of(t):
        return (wid * TW + t) * K

    def load_idx(t, q):
        pltpu.async_copy(src_hbm.at[pl.ds(e0_of(t), K)], isx[q], isem[q])
        pltpu.async_copy(dst_hbm.at[pl.ds(e0_of(t), K)], idx[q], isem[q])

    def wait_idx(q):
        pltpu.make_async_copy(src_hbm.at[pl.ds(0, K)], isx[q], isem[q]).wait()
        pltpu.make_async_copy(dst_hbm.at[pl.ds(0, K)], idx[q], isem[q]).wait()

    def start_gather(r, q):
        pltpu.async_copy(hs_hbm.at[isx[q]], rows[r], gsem[r])

    def wait_gather(r, q):
        pltpu.make_async_copy(hs_hbm.at[isx[q]], rows[r], gsem[r]).wait()

    def start_scatter(r, q):
        pltpu.async_copy(rows[r], acc.at[idx[q]], ssem[r], add=True)

    def wait_scatter(r, q):
        pltpu.make_async_copy(rows[r], acc.at[idx[q]], ssem[r]).wait()

    for q in range(4):
        load_idx(q, q)
    wait_idx(0)
    start_gather(0, 0)

    def body(i, carry):
        for k in range(6):
            t = 6 * i + k
            q = k
            r = k % 2
            qn = (k + 1) % 6
            rn = (k + 1) % 2

            @pl.when(t >= 1)
            def _():
                wait_scatter(rn, (k + 5) % 6)

            @pl.when(t + 1 < TW)
            def _():
                wait_idx(qn)
                start_gather(rn, qn)

            wait_gather(r, q)
            start_scatter(r, q)

            @pl.when(t + 4 < TW)
            def _():
                load_idx(t + 4, (k + 4) % 6)

        return carry

    lax.fori_loop(0, TW // 6, body, 0)
    wait_scatter((TW - 1) % 2, (TW - 1) % 6)

    @pl.when(wid < EC - TW * NW)
    def _():
        e0 = (TW * NW + wid) * K
        pltpu.sync_copy(src_hbm.at[pl.ds(e0, K)], is0)
        pltpu.sync_copy(dst_hbm.at[pl.ds(e0, K)], id0)
        pltpu.async_copy(hs_hbm.at[is0], rows0, gm0).wait()
        pltpu.sync_copy(rows0, acc.at[id0], add=True)

    plsc.subcore_barrier()
    pltpu.sync_copy(acc.at[pl.ds(r0, RPT)], out_hbm.at[c, pl.ds(r0, RPT)])


@functools.partial(
    pl.kernel,
    mesh=_mesh,
    out_type=(jax.ShapeDtypeStruct((PP, D), jnp.float32),
              jax.ShapeDtypeStruct((PP, D), jnp.float32)),
    scratch_types=(
        [pltpu.VMEM((PCW * K,), jnp.int32)] * 2
        + [pltpu.VMEM((K, D), jnp.float32)] * 2
        + [pltpu.SemaphoreType.DMA] * 2
    ),
)
def _sc_pair_gather(ha_hbm, hb_hbm, u_hbm, v_hbm, outa_hbm, outb_hbm,
                    uidx, vidx, rows0, rows1, gm0, gm1):
    c = lax.axis_index("c")
    s = lax.axis_index("s")
    wid = s * NC + c
    p0 = wid * PCW * K
    rows = (rows0, rows1)
    gsem = (gm0, gm1)
    pltpu.sync_copy(u_hbm.at[pl.ds(p0, PCW * K)], uidx)
    pltpu.sync_copy(v_hbm.at[pl.ds(p0, PCW * K)], vidx)

    def src_of(unit):
        j = unit // 2
        if unit % 2 == 0:
            return ha_hbm, uidx.at[pl.ds(j * K, K)], outa_hbm
        return hb_hbm, vidx.at[pl.ds(j * K, K)], outb_hbm

    def start(unit, r):
        tab, ix, _ = src_of(unit)
        pltpu.async_copy(tab.at[ix], rows[r], gsem[r])

    def finish(unit, r):
        tab, ix, out = src_of(unit)
        pltpu.make_async_copy(tab.at[ix], rows[r], gsem[r]).wait()
        pltpu.sync_copy(rows[r], out.at[pl.ds(p0 + (unit // 2) * K, K)])

    start(0, 0)
    for unit in range(2 * PCW):
        if unit + 1 < 2 * PCW:
            start(unit + 1, (unit + 1) % 2)
        finish(unit, unit % 2)



def _rsqrt_deg(a_ref, b_ref, col):
    deg = a_ref[:, col:col + 1] + b_ref[:, col:col + 1]
    return lax.rsqrt(jnp.maximum(deg, 1.0))


def _enc_body(t_ref, emb_ref, aw_ref, ab_ref, d0_ref, d1_ref, o_ref):
    t = t_ref[...]
    oh = (t == lax.broadcasted_iota(jnp.int32, (BR, D), 1)).astype(jnp.float32)
    embw = jnp.dot(emb_ref[...], aw_ref[...], preferred_element_type=jnp.float32)
    h = jnp.dot(oh, embw, preferred_element_type=jnp.float32) + ab_ref[...]
    o_ref[...] = h * _rsqrt_deg(d0_ref, d1_ref, 0)


def _layer_body(p0_ref, p1_ref, d0_ref, d1_ref, w_ref, b_ref, o_ref):
    agg = (p0_ref[...] + p1_ref[...]) * _rsqrt_deg(d0_ref, d1_ref, 64)
    h = jnp.dot(agg, w_ref[...], preferred_element_type=jnp.float32) + b_ref[...]
    h = jnp.maximum(h, 0.0)
    o_ref[...] = h * _rsqrt_deg(d0_ref, d1_ref, 0)


def _layer3_body(p0_ref, p1_ref, d0_ref, d1_ref, w_ref, b_ref,
                 w1a_ref, w1b_ref, b1_ref, oa_ref, ob_ref):
    agg = (p0_ref[...] + p1_ref[...]) * _rsqrt_deg(d0_ref, d1_ref, 64)
    h = jnp.dot(agg, w_ref[...], preferred_element_type=jnp.float32) + b_ref[...]
    h = jnp.maximum(h, 0.0)
    oa_ref[...] = jnp.dot(h, w1a_ref[...], preferred_element_type=jnp.float32) + b1_ref[...]
    ob_ref[...] = jnp.dot(h, w1b_ref[...], preferred_element_type=jnp.float32)


def _score_body(a_ref, b_ref, w2_ref, b2_ref, o_ref):
    hid = jnp.maximum(a_ref[...] + b_ref[...], 0.0)
    s = jnp.sum(hid * w2_ref[...], axis=1, keepdims=True)
    o_ref[...] = s + b2_ref[:, 0:1]


def _row_spec(bs):
    return pl.BlockSpec(bs, lambda i: (i, 0))


def _full_spec(shape):
    return pl.BlockSpec(shape, lambda i: (0, 0))


def _tc_encoder(types2, emb_pad, atom_W, atom_b2, dg0, dg1):
    return pl.pallas_call(
        _enc_body,
        grid=(N // BR,),
        in_specs=[_row_spec((BR, 1)), _full_spec((D, D)), _full_spec((D, D)),
                  _full_spec((1, D)), _row_spec((BR, D)), _row_spec((BR, D))],
        out_specs=_row_spec((BR, D)),
        out_shape=jax.ShapeDtypeStruct((N, D), jnp.float32),
    )(types2, emb_pad, atom_W, atom_b2, dg0, dg1)


def _tc_layer(p0, p1, dg0, dg1, w, b2):
    return pl.pallas_call(
        _layer_body,
        grid=(N // BR,),
        in_specs=[_row_spec((BR, D)), _row_spec((BR, D)),
                  _row_spec((BR, D)), _row_spec((BR, D)),
                  _full_spec((D, D)), _full_spec((1, D))],
        out_specs=_row_spec((BR, D)),
        out_shape=jax.ShapeDtypeStruct((N, D), jnp.float32),
    )(p0, p1, dg0, dg1, w, b2)


def _tc_layer3(p0, p1, dg0, dg1, w, b2, w1a, w1b, b12):
    return pl.pallas_call(
        _layer3_body,
        grid=(N // BR,),
        in_specs=[_row_spec((BR, D)), _row_spec((BR, D)),
                  _row_spec((BR, D)), _row_spec((BR, D)),
                  _full_spec((D, D)), _full_spec((1, D)),
                  _full_spec((D, D)), _full_spec((D, D)), _full_spec((1, D))],
        out_specs=(_row_spec((BR, D)), _row_spec((BR, D))),
        out_shape=(jax.ShapeDtypeStruct((N, D), jnp.float32),
                   jax.ShapeDtypeStruct((N, D), jnp.float32)),
    )(p0, p1, dg0, dg1, w, b2, w1a, w1b, b12)


def _tc_score(hag, hbg, w2row, b2row):
    return pl.pallas_call(
        _score_body,
        grid=(PP // BP,),
        in_specs=[_row_spec((BP, D)), _row_spec((BP, D)),
                  _full_spec((1, D)), _full_spec((1, D))],
        out_specs=_row_spec((BP, 1)),
        out_shape=jax.ShapeDtypeStruct((PP, 1), jnp.float32),
    )(hag, hbg, w2row, b2row)



def kernel(atom_types, bond_types, edge_index, candidates,
           atom_embed, atom_W, atom_b,
           bond_embed, bond_W, bond_b,
           conv_W0, conv_b0, conv_W1, conv_b1, conv_W2, conv_b2,
           sc_W1, sc_b1, sc_W2, sc_b2):
    f32 = jnp.float32
    src = edge_index[0].astype(jnp.int32)
    dst = edge_index[1].astype(jnp.int32)
    types2 = atom_types.astype(jnp.int32).reshape(N, 1)
    emb_pad = jnp.pad(atom_embed, ((0, D - atom_embed.shape[0]), (0, 0)))

    zerosND = jnp.zeros((NP, D), f32)
    col = jnp.arange(D, dtype=jnp.int32)
    ones_s = jnp.broadcast_to((col == 0).astype(f32), (K, D))
    ones_d = jnp.broadcast_to((col == 64).astype(f32), (K, D))

    degp = _sc_degrees(src, dst, ones_s, ones_d, zerosND)
    dg0, dg1 = degp[0], degp[1]

    h = _tc_encoder(types2, emb_pad, atom_W, atom_b.reshape(1, D), dg0, dg1)

    agg = _sc_aggregate(h, src, dst, zerosND)
    h = _tc_layer(agg[0], agg[1], dg0, dg1, conv_W0, conv_b0.reshape(1, D))
    agg = _sc_aggregate(h, src, dst, zerosND)
    h = _tc_layer(agg[0], agg[1], dg0, dg1, conv_W1, conv_b1.reshape(1, D))
    agg = _sc_aggregate(h, src, dst, zerosND)

    ha, hb = _tc_layer3(agg[0], agg[1], dg0, dg1,
                        conv_W2, conv_b2.reshape(1, D),
                        sc_W1[:D], sc_W1[D:], sc_b1.reshape(1, D))

    pad = (jnp.arange(PP - P, dtype=jnp.int32) * 37) % N
    u = jnp.concatenate([candidates[:, 0].astype(jnp.int32), pad])
    v = jnp.concatenate([candidates[:, 1].astype(jnp.int32), pad])

    hag, hbg = _sc_pair_gather(ha, hb, u, v)

    w2row = sc_W2.reshape(1, D)
    b2row = jnp.broadcast_to(sc_b2.reshape(1, 1), (1, D))
    scores = _tc_score(hag, hbg, w2row, b2row)
    return scores[:P, 0]

# --- scband reference (transcript-rebuilt; emitter-appended) ---
"""Pipeline reference for scband-wln-80393197846860 (READ-ONLY COPY).

The authoritative reference and input builder live on the scoring server;
editing this copy changes nothing except your own understanding.
"""

import jax, jax.numpy as jnp
import numpy as np

N = 10000
E = 320000
D = 128
P = 20000


def _graph_conv(h, src, dst, W, b, n):
    # DGL GraphConv, norm='both': symmetric normalization
    ones = jnp.ones((src.shape[0],), dtype=h.dtype)
    deg_out = jnp.clip(jnp.zeros((n,), dtype=h.dtype).at[src].add(ones), 1.0, None)
    deg_in = jnp.clip(jnp.zeros((n,), dtype=h.dtype).at[dst].add(ones), 1.0, None)
    h = h * (deg_out ** -0.5)[:, None]
    msgs = h[src]
    agg = jnp.zeros_like(h).at[dst].add(msgs)
    agg = agg * (deg_in ** -0.5)[:, None]
    return agg @ W + b


def setup_inputs(seed: int = 0) -> dict:
    key = jax.random.key(seed)
    ks = jax.random.split(key, 20)
    s = 0.05
    inp = {}
    inp["atom_types"] = jax.random.randint(ks[0], (N,), 0, 100, dtype=jnp.int64 if jax.config.jax_enable_x64 else jnp.int32)
    inp["bond_types"] = jax.random.randint(ks[1], (E,), 0, 10)
    inp["edge_index"] = jax.random.randint(ks[2], (2, E), 0, N)
    inp["candidates"] = jax.random.randint(ks[3], (P, 2), 0, N)
    inp["atom_embed"] = jax.random.normal(ks[4], (100, D), dtype=jnp.float32) * s
    inp["atom_W"] = jax.random.normal(ks[5], (D, D), dtype=jnp.float32) * s
    inp["atom_b"] = jnp.zeros((D,), dtype=jnp.float32)
    inp["bond_embed"] = jax.random.normal(ks[6], (10, D), dtype=jnp.float32) * s
    inp["bond_W"] = jax.random.normal(ks[7], (D, D), dtype=jnp.float32) * s
    inp["bond_b"] = jnp.zeros((D,), dtype=jnp.float32)
    inp["conv_W0"] = jax.random.normal(ks[8], (D, D), dtype=jnp.float32) * s
    inp["conv_b0"] = jnp.zeros((D,), dtype=jnp.float32)
    inp["conv_W1"] = jax.random.normal(ks[9], (D, D), dtype=jnp.float32) * s
    inp["conv_b1"] = jnp.zeros((D,), dtype=jnp.float32)
    inp["conv_W2"] = jax.random.normal(ks[10], (D, D), dtype=jnp.float32) * s
    inp["conv_b2"] = jnp.zeros((D,), dtype=jnp.float32)
    inp["sc_W1"] = jax.random.normal(ks[11], (2 * D, D), dtype=jnp.float32) * s
    inp["sc_b1"] = jnp.zeros((D,), dtype=jnp.float32)
    inp["sc_W2"] = jax.random.normal(ks[12], (D, 1), dtype=jnp.float32) * s
    inp["sc_b2"] = jnp.zeros((1,), dtype=jnp.float32)
    return inp


def reference(atom_types, bond_types, edge_index, candidates,
              atom_embed, atom_W, atom_b,
              bond_embed, bond_W, bond_b,
              conv_W0, conv_b0, conv_W1, conv_b1, conv_W2, conv_b2,
              sc_W1, sc_b1, sc_W2, sc_b2):
    n = atom_embed.shape[1] * 0 + N
    # AtomEncoder: embedding lookup + linear
    h = jnp.take(atom_embed, atom_types, axis=0) @ atom_W + atom_b
    # BondEncoder (computed per original forward; unused downstream)
    e = jnp.take(bond_embed, bond_types, axis=0) @ bond_W + bond_b
    src = edge_index[0]
    dst = edge_index[1]
    for W, b in ((conv_W0, conv_b0), (conv_W1, conv_b1), (conv_W2, conv_b2)):
        h = _graph_conv(h, src, dst, W, b, n)
        h = jax.nn.relu(h)
    u = candidates[:, 0]
    v = candidates[:, 1]
    pair_emb = jnp.concatenate([h[u], h[v]], axis=-1)
    hid = jax.nn.relu(pair_emb @ sc_W1 + sc_b1)
    scores = hid @ sc_W2 + sc_b2
    return scores.squeeze(-1)


if False:  # reference __main__ guard neutralized (emitter)
    out = reference(**setup_inputs())
    print(out.shape)

if __name__ == "__main__":
    import jax
    _d = setup_inputs()
    print(jax.jit(kernel)(*tuple(_d.values())))

</pallas_src>

<mosaic_0001>
#map = affine_map<(d0, d1) -> (0, 0)>
#map1 = affine_map<(d0, d1) -> (0)>
#map2 = affine_map<(d0, d1) -> (0, 0, 0)>
module attributes {stable_mosaic.version = 14 : i64} {
  func.func @_sc_aggregate(%arg0: i32, %arg1: i32, %arg2: memref<10000x128xf32, #tpu.memory_space<hbm>>, %arg3: memref<320000xi32, #tpu.memory_space<hbm>>, %arg4: memref<320000xi32, #tpu.memory_space<hbm>>, %arg5: memref<10112x128xf32, #tpu.memory_space<hbm>>, %arg6: memref<2x10112x128xf32, #tpu.memory_space<hbm>>, %arg7: memref<128xi32, #tpu.memory_space<vmem>>, %arg8: memref<128xi32, #tpu.memory_space<vmem>>, %arg9: memref<128xi32, #tpu.memory_space<vmem>>, %arg10: memref<128xi32, #tpu.memory_space<vmem>>, %arg11: memref<128xi32, #tpu.memory_space<vmem>>, %arg12: memref<128xi32, #tpu.memory_space<vmem>>, %arg13: memref<128xi32, #tpu.memory_space<vmem>>, %arg14: memref<128xi32, #tpu.memory_space<vmem>>, %arg15: memref<128xi32, #tpu.memory_space<vmem>>, %arg16: memref<128xi32, #tpu.memory_space<vmem>>, %arg17: memref<128xi32, #tpu.memory_space<vmem>>, %arg18: memref<128xi32, #tpu.memory_space<vmem>>, %arg19: memref<128x128xf32, #tpu.memory_space<vmem>>, %arg20: memref<128x128xf32, #tpu.memory_space<vmem>>, %arg21: memref<!tpu.dma_semaphore, #tpu.memory_space<semaphore_mem>>, %arg22: memref<!tpu.dma_semaphore, #tpu.memory_space<semaphore_mem>>, %arg23: memref<!tpu.dma_semaphore, #tpu.memory_space<semaphore_mem>>, %arg24: memref<!tpu.dma_semaphore, #tpu.memory_space<semaphore_mem>>, %arg25: memref<!tpu.dma_semaphore, #tpu.memory_space<semaphore_mem>>, %arg26: memref<!tpu.dma_semaphore, #tpu.memory_space<semaphore_mem>>, %arg27: memref<!tpu.dma_semaphore, #tpu.memory_space<semaphore_mem>>, %arg28: memref<!tpu.dma_semaphore, #tpu.memory_space<semaphore_mem>>, %arg29: memref<!tpu.dma_semaphore, #tpu.memory_space<semaphore_mem>>, %arg30: memref<!tpu.dma_semaphore, #tpu.memory_space<semaphore_mem>>, %arg31: memref<10112x128xf32, #tpu.memory_space<vmem_shared>>) attributes {dimension_semantics = [#tpu.dimension_semantics<core_parallel>, #tpu.dimension_semantics<subcore_parallel>], iteration_bounds = array<i64: 2, 16>, scalar_prefetch = 0 : i64, scratch_operands = 25 : i64, tpu.core_type = #tpu.core_type<sc_vector_subcore>, window_params = [{transform_indices = #map}, {transform_indices = #map1}, {transform_indices = #map1}, {transform_indices = #map}, {transform_indices = #map2}]} {
    %mul3A = arith.constant 2 : i32
    %mul3A_0 = arith.muli %arg1, %mul3A : i32
    %add3A = arith.addi %mul3A_0, %arg0 : i32
    %mul3A_1 = arith.constant 632 : i32
    %mul3A_2 = arith.muli %arg1, %mul3A_1 : i32
    "tpu.region"() ({
      %run_scoped3A = tpu.sem_alloc : memref<!tpu.dma_semaphore, #tpu.memory_space<semaphore_mem>>
      %dma_start3A_87 = arith.constant 0 : i32
      %dma_start3A_88 = tpu.memref_slice %arg31[%mul3A_2, %dma_start3A_87] : memref<10112x128xf32, #tpu.memory_space<vmem_shared>> -> memref<632x128xf32, #tpu.memory_space<vmem_shared>>
      %dma_start3A_89 = arith.constant 0 : i32
      %dma_start3A_90 = tpu.memref_slice %arg5[%mul3A_2, %dma_start3A_89] : memref<10112x128xf32, #tpu.memory_space<hbm>> -> memref<632x128xf32, #tpu.memory_space<hbm>>
      tpu.enqueue_dma source(%dma_start3A_90 : memref<632x128xf32, #tpu.memory_space<hbm>>) target(%dma_start3A_88 : memref<632x128xf32, #tpu.memory_space<vmem_shared>>) target_semaphore(%run_scoped3A : memref<!tpu.dma_semaphore, #tpu.memory_space<semaphore_mem>>)
      %dma_wait3A_91 = arith.constant 0 : i32
      %dma_wait3A_92 = tpu.memref_slice %arg31[%mul3A_2, %dma_wait3A_91] : memref<10112x128xf32, #tpu.memory_space<vmem_shared>> -> memref<632x128xf32, #tpu.memory_space<vmem_shared>>
      %dma_wait3A_93 = arith.constant 0 : i32
      %dma_wait3A_94 = tpu.memref_slice %arg5[%mul3A_2, %dma_wait3A_93] : memref<10112x128xf32, #tpu.memory_space<hbm>> -> memref<632x128xf32, #tpu.memory_space<hbm>>
      tpu.wait_dma2 semaphore(%run_scoped3A : memref<!tpu.dma_semaphore, #tpu.memory_space<semaphore_mem>>) src(%dma_wait3A_94 : memref<632x128xf32, #tpu.memory_space<hbm>>) dst(%dma_wait3A_92 : memref<632x128xf32, #tpu.memory_space<vmem_shared>>)
      tpu.yield
    }) : () -> ()
    %barrier3A = arith.constant 0 : index
    tpu.barrier barrier_id(%barrier3A)
    %mul3A_3 = arith.constant 78 : i32
    %mul3A_4 = arith.muli %add3A, %mul3A_3 : i32
    %add3A_5 = arith.constant 0 : i32
    %add3A_6 = arith.addi %mul3A_4, %add3A_5 : i32
    %mul3A_7 = arith.constant 128 : i32
    %mul3A_8 = arith.muli %add3A_6, %mul3A_7 : i32
    %dma_start3A = tpu.memref_slice %arg3[%mul3A_8] : memref<320000xi32, #tpu.memory_space<hbm>> -> memref<128xi32, #tpu.memory_space<hbm>>
    %dma_start3A_9 = tpu.memref_slice %arg3[%mul3A_8] : memref<320000xi32, #tpu.memory_space<hbm>> -> memref<128xi32, #tpu.memory_space<hbm>>
    tpu.enqueue_dma source(%dma_start3A_9 : memref<128xi32, #tpu.memory_space<hbm>>) target(%arg7 : memref<128xi32, #tpu.memory_space<vmem>>) target_semaphore(%arg21 : memref<!tpu.dma_semaphore, #tpu.memory_space<semaphore_mem>>)
    %mul3A_10 = arith.constant 78 : i32
    %mul3A_11 = arith.muli %add3A, %mul3A_10 : i32
    %add3A_12 = arith.constant 0 : i32
    %add3A_13 = arith.addi %mul3A_11, %add3A_12 : i32
    %mul3A_14 = arith.constant 128 : i32
    %mul3A_15 = arith.muli %add3A_13, %mul3A_14 : i32
    %dma_start3A_16 = tpu.memref_slice %arg4[%mul3A_15] : memref<320000xi32, #tpu.memory_space<hbm>> -> memref<128xi32, #tpu.memory_space<hbm>>
    %dma_start3A_17 = tpu.memref_slice %arg4[%mul3A_15] : memref<320000xi32, #tpu.memory_space<hbm>> -> memref<128xi32, #tpu.memory_space<hbm>>
    tpu.enqueue_dma source(%dma_start3A_17 : memref<128xi32, #tpu.memory_space<hbm>>) target(%arg13 : memref<128xi32, #tpu.memory_space<vmem>>) target_semaphore(%arg21 : memref<!tpu.dma_semaphore, #tpu.memory_space<semaphore_mem>>)
    %mul3A_18 = arith.constant 78 : i32
    %mul3A_19 = arith.muli %add3A, %mul3A_18 : i32
    %add3A_20 = arith.constant 1 : i32
    %add3A_21 = arith.addi %mul3A_19, %add3A_20 : i32
    %mul3A_22 = arith.constant 128 : i32
    %mul3A_23 = arith.muli %add3A_21, %mul3A_22 : i32
    %dma_start3A_24 = tpu.memref_slice %arg3[%mul3A_23] : memref<320000xi32, #tpu.memory_space<hbm>> -> memref<128xi32, #tpu.memory_space<hbm>>
    %dma_start3A_25 = tpu.memref_slice %arg3[%mul3A_23] : memref<320000xi32, #tpu.memory_space<hbm>> -> memref<128xi32, #tpu.memory_space<hbm>>
    tpu.enqueue_dma source(%dma_start3A_25 : memref<128xi32, #tpu.memory_space<hbm>>) target(%arg8 : memref<128xi32, #tpu.memory_space<vmem>>) target_semaphore(%arg22 : memref<!tpu.dma_semaphore, #tpu.memory_space<semaphore_mem>>)
    %mul3A_26 = arith.constant 78 : i32
    %mul3A_27 = arith.muli %add3A, %mul3A_26 : i32
    %add3A_28 = arith.constant 1 : i32
    %add3A_29 = arith.addi %mul3A_27, %add3A_28 : i32
    %mul3A_30 = arith.constant 128 : i32
    %mul3A_31 = arith.muli %add3A_29, %mul3A_30 : i32
    %dma_start3A_32 = tpu.memref_slice %arg4[%mul3A_31] : memref<320000xi32, #tpu.memory_space<hbm>> -> memref<128xi32, #tpu.memory_space<hbm>>
    %dma_start3A_33 = tpu.memref_slice %arg4[%mul3A_31] : memref<320000xi32, #tpu.memory_space<hbm>> -> memref<128xi32, #tpu.memory_space<hbm>>
    tpu.enqueue_dma source(%dma_start3A_33 : memref<128xi32, #tpu.memory_space<hbm>>) target(%arg14 : memref<128xi32, #tpu.memory_space<vmem>>) target_semaphore(%arg22 : memref<!tpu.dma_semaphore, #tpu.memory_space<semaphore_mem>>)
    %mul3A_34 = arith.constant 78 : i32
    %mul3A_35 = arith.muli %add3A, %mul3A_34 : i32
    %add3A_36 = arith.constant 2 : i32
    %add3A_37 = arith.addi %mul3A_35, %add3A_36 : i32
    %mul3A_38 = arith.constant 128 : i32
    %mul3A_39 = arith.muli %add3A_37, %mul3A_38 : i32
    %dma_start3A_40 = tpu.memref_slice %arg3[%mul3A_39] : memref<320000xi32, #tpu.memory_space<hbm>> -> memref<128xi32, #tpu.memory_space<hbm>>
    %dma_start3A_41 = tpu.memref_slice %arg3[%mul3A_39] : memref<320000xi32, #tpu.memory_space<hbm>> -> memref<128xi32, #tpu.memory_space<hbm>>
    tpu.enqueue_dma source(%dma_start3A_41 : memref<128xi32, #tpu.memory_space<hbm>>) target(%arg9 : memref<128xi32, #tpu.memory_space<vmem>>) target_semaphore(%arg23 : memref<!tpu.dma_semaphore, #tpu.memory_space<semaphore_mem>>)
    %mul3A_42 = arith.constant 78 : i32
    %mul3A_43 = arith.muli %add3A, %mul3A_42 : i32
    %add3A_44 = arith.constant 2 : i32
    %add3A_45 = arith.addi %mul3A_43, %add3A_44 : i32
    %mul3A_46 = arith.constant 128 : i32
    %mul3A_47 = arith.muli %add3A_45, %mul3A_46 : i32
    %dma_start3A_48 = tpu.memref_slice %arg4[%mul3A_47] : memref<320000xi32, #tpu.memory_space<hbm>> -> memref<128xi32, #tpu.memory_space<hbm>>
    %dma_start3A_49 = tpu.memref_slice %arg4[%mul3A_47] : memref<320000xi32, #tpu.memory_space<hbm>> -> memref<128xi32, #tpu.memory_space<hbm>>
    tpu.enqueue_dma source(%dma_start3A_49 : memref<128xi32, #tpu.memory_space<hbm>>) target(%arg15 : memref<128xi32, #tpu.memory_space<vmem>>) target_semaphore(%arg23 : memref<!tpu.dma_semaphore, #tpu.memory_space<semaphore_mem>>)
    %mul3A_50 = arith.constant 78 : i32
    %mul3A_51 = arith.muli %add3A, %mul3A_50 : i32
    %add3A_52 = arith.constant 3 : i32
    %add3A_53 = arith.addi %mul3A_51, %add3A_52 : i32
    %mul3A_54 = arith.constant 128 : i32
    %mul3A_55 = arith.muli %add3A_53, %mul3A_54 : i32
    %dma_start3A_56 = tpu.memref_slice %arg3[%mul3A_55] : memref<320000xi32, #tpu.memory_space<hbm>> -> memref<128xi32, #tpu.memory_space<hbm>>
    %dma_start3A_57 = tpu.memref_slice %arg3[%mul3A_55] : memref<320000xi32, #tpu.memory_space<hbm>> -> memref<128xi32, #tpu.memory_space<hbm>>
    tpu.enqueue_dma source(%dma_start3A_57 : memref<128xi32, #tpu.memory_space<hbm>>) target(%arg10 : memref<128xi32, #tpu.memory_space<vmem>>) target_semaphore(%arg24 : memref<!tpu.dma_semaphore, #tpu.memory_space<semaphore_mem>>)
    %mul3A_58 = arith.constant 78 : i32
    %mul3A_59 = arith.muli %add3A, %mul3A_58 : i32
    %add3A_60 = arith.constant 3 : i32
    %add3A_61 = arith.addi %mul3A_59, %add3A_60 : i32
    %mul3A_62 = arith.constant 128 : i32
    %mul3A_63 = arith.muli %add3A_61, %mul3A_62 : i32
    %dma_start3A_64 = tpu.memref_slice %arg4[%mul3A_63] : memref<320000xi32, #tpu.memory_space<hbm>> -> memref<128xi32, #tpu.memory_space<hbm>>
    %dma_start3A_65 = tpu.memref_slice %arg4[%mul3A_63] : memref<320000xi32, #tpu.memory_space<hbm>> -> memref<128xi32, #tpu.memory_space<hbm>>
    tpu.enqueue_dma source(%dma_start3A_65 : memref<128xi32, #tpu.memory_space<hbm>>) target(%arg16 : memref<128xi32, #tpu.memory_space<vmem>>) target_semaphore(%arg24 : memref<!tpu.dma_semaphore, #tpu.memory_space<semaphore_mem>>)
    %dma_wait3A = arith.constant 0 : i32
    %dma_wait3A_66 = tpu.memref_slice %arg3[%dma_wait3A] : memref<320000xi32, #tpu.memory_space<hbm>> -> memref<128xi32, #tpu.memory_space<hbm>>
    %dma_wait3A_67 = arith.constant 0 : i32
    %dma_wait3A_68 = tpu.memref_slice %arg3[%dma_wait3A_67] : memref<320000xi32, #tpu.memory_space<hbm>> -> memref<128xi32, #tpu.memory_space<hbm>>
    tpu.wait_dma2 semaphore(%arg21 : memref<!tpu.dma_semaphore, #tpu.memory_space<semaphore_mem>>) src(%dma_wait3A_68 : memref<128xi32, #tpu.memory_space<hbm>>) dst(%arg7 : memref<128xi32, #tpu.memory_space<vmem>>)
    %dma_wait3A_69 = arith.constant 0 : i32
    %dma_wait3A_70 = tpu.memref_slice %arg4[%dma_wait3A_69] : memref<320000xi32, #tpu.memory_space<hbm>> -> memref<128xi32, #tpu.memory_space<hbm>>
    %dma_wait3A_71 = arith.constant 0 : i32
    %dma_wait3A_72 = tpu.memref_slice %arg4[%dma_wait3A_71] : memref<320000xi32, #tpu.memory_space<hbm>> -> memref<128xi32, #tpu.memory_space<hbm>>
    tpu.wait_dma2 semaphore(%arg21 : memref<!tpu.dma_semaphore, #tpu.memory_space<semaphore_mem>>) src(%dma_wait3A_72 : memref<128xi32, #tpu.memory_space<hbm>>) dst(%arg13 : memref<128xi32, #tpu.memory_space<vmem>>)
    %dma_start3A_73 = arith.constant 0 : i32
    %dma_start3A_74 = arith.constant 0 : i32
    %dma_start3A_75 = tpu.memref_slice %arg2[%dma_start3A_73, %dma_start3A_74] : memref<10000x128xf32, #tpu.memory_space<hbm>> -> memref<10000x128xf32, #tpu.memory_space<hbm>>
    tpu.enqueue_indirect_dma source(%dma_start3A_75 : memref<10000x128xf32, #tpu.memory_space<hbm>>) target(%arg19 : memref<128x128xf32, #tpu.memory_space<vmem>>) offsets(%arg7 : memref<128xi32, #tpu.memory_space<vmem>>) semaphore(%arg27 : memref<!tpu.dma_semaphore, #tpu.memory_space<semaphore_mem>>)
    %scan3A = arith.constant 0 : i32
    %scan3A_76 = arith.constant 0 : i32
    %scan3A_77 = arith.constant 13 : i32
    %scan3A_78 = arith.addi %scan3A_76, %scan3A_77 : i32
    %scan3A_79 = arith.constant 1 : i32
    scf.for %scan3A_87 = %scan3A_76 to %scan3A_78 step %scan3A_79  : i32 {
      %mul3A_88 = arith.constant 6 : i32
      %mul3A_89 = arith.muli %mul3A_88, %scan3A_87 : i32
      %add3A_90 = arith.constant 0 : i32
      %add3A_91 = arith.addi %mul3A_89, %add3A_90 : i32
      %ge3A = arith.constant 1 : i32
      %ge3A_92 = arith.cmpi sge, %add3A_91, %ge3A : i32
      %convert_element_type3A_93 = arith.extui %ge3A_92 : i1 to i32
      %cond3A_94 = arith.constant 0 : i32
      %cond3A_95 = arith.cmpi ne, %convert_element_type3A_93, %cond3A_94 : i32
      scf.if %cond3A_95 {
        %dma_wait3A_261 = arith.constant 0 : i32
        %dma_wait3A_262 = arith.constant 0 : i32
        %dma_wait3A_263 = tpu.memref_slice %arg31[%dma_wait3A_261, %dma_wait3A_262] : memref<10112x128xf32, #tpu.memory_space<vmem_shared>> -> memref<10112x128xf32, #tpu.memory_space<vmem_shared>>
        tpu.wait_indirect_dma semaphore(%arg30 : memref<!tpu.dma_semaphore, #tpu.memory_space<semaphore_mem>>) src(%arg20 : memref<128x128xf32, #tpu.memory_space<vmem>>) dst(%dma_wait3A_263 : memref<10112x128xf32, #tpu.memory_space<vmem_shared>>)
      } else {
      }
      %add3A_96 = arith.constant 1 : i32
      %add3A_97 = arith.addi %add3A_91, %add3A_96 : i32
      %lt3A_98 = arith.constant 78 : i32
      %lt3A_99 = arith.cmpi slt, %add3A_97, %lt3A_98 : i32
      %convert_element_type3A_100 = arith.extui %lt3A_99 : i1 to i32
      %cond3A_101 = arith.constant 0 : i32
      %cond3A_102 = arith.cmpi ne, %convert_element_type3A_100, %cond3A_101 : i32
      scf.if %cond3A_102 {
        %dma_wait3A_261 = arith.constant 0 : i32
        %dma_wait3A_262 = tpu.memref_slice %arg3[%dma_wait3A_261] : memref<320000xi32, #tpu.memory_space<hbm>> -> memref<128xi32, #tpu.memory_space<hbm>>
        %dma_wait3A_263 = arith.constant 0 : i32
        %dma_wait3A_264 = tpu.memref_slice %arg3[%dma_wait3A_263] : memref<320000xi32, #tpu.memory_space<hbm>> -> memref<128xi32, #tpu.memory_space<hbm>>
        tpu.wait_dma2 semaphore(%arg22 : memref<!tpu.dma_semaphore, #tpu.memory_space<semaphore_mem>>) src(%dma_wait3A_264 : memref<128xi32, #tpu.memory_space<hbm>>) dst(%arg8 : memref<128xi32, #tpu.memory_space<vmem>>)
        %dma_wait3A_265 = arith.constant 0 : i32
        %dma_wait3A_266 = tpu.memref_slice %arg4[%dma_wait3A_265] : memref<320000xi32, #tpu.memory_space<hbm>> -> memref<128xi32, #tpu.memory_space<hbm>>
        %dma_wait3A_267 = arith.constant 0 : i32
        %dma_wait3A_268 = tpu.memref_slice %arg4[%dma_wait3A_267] : memref<320000xi32, #tpu.memory_space<hbm>> -> memref<128xi32, #tpu.memory_space<hbm>>
        tpu.wait_dma2 semaphore(%arg22 : memref<!tpu.dma_semaphore, #tpu.memory_space<semaphore_mem>>) src(%dma_wait3A_268 : memref<128xi32, #tpu.memory_space<hbm>>) dst(%arg14 : memref<128xi32, #tpu.memory_space<vmem>>)
        %dma_start3A_269 = arith.constant 0 : i32
        %dma_start3A_270 = arith.constant 0 : i32
        %dma_start3A_271 = tpu.memref_slice %arg2[%dma_start3A_269, %dma_start3A_270] : memref<10000x128xf32, #tpu.memory_space<hbm>> -> memref<10000x128xf32, #tpu.memory_space<hbm>>
        tpu.enqueue_indirect_dma source(%dma_start3A_271 : memref<10000x128xf32, #tpu.memory_space<hbm>>) target(%arg20 : memref<128x128xf32, #tpu.memory_space<vmem>>) offsets(%arg8 : memref<128xi32, #tpu.memory_space<vmem>>) semaphore(%arg28 : memref<!tpu.dma_semaphore, #tpu.memory_space<semaphore_mem>>)
      } else {
      }
      %dma_wait3A_103 = arith.constant 0 : i32
      %dma_wait3A_104 = arith.constant 0 : i32
      %dma_wait3A_105 = tpu.memref_slice %arg2[%dma_wait3A_103, %dma_wait3A_104] : memref<10000x128xf32, #tpu.memory_space<hbm>> -> memref<10000x128xf32, #tpu.memory_space<hbm>>
      tpu.wait_indirect_dma semaphore(%arg27 : memref<!tpu.dma_semaphore, #tpu.memory_space<semaphore_mem>>) src(%dma_wait3A_105 : memref<10000x128xf32, #tpu.memory_space<hbm>>) dst(%arg19 : memref<128x128xf32, #tpu.memory_space<vmem>>)
      %dma_start3A_106 = arith.constant 0 : i32
      %dma_start3A_107 = arith.constant 0 : i32
      %dma_start3A_108 = tpu.memref_slice %arg31[%dma_start3A_106, %dma_start3A_107] : memref<10112x128xf32, #tpu.memory_space<vmem_shared>> -> memref<10112x128xf32, #tpu.memory_space<vmem_shared>>
      tpu.enqueue_indirect_dma source(%arg19 : memref<128x128xf32, #tpu.memory_space<vmem>>) target(%dma_start3A_108 : memref<10112x128xf32, #tpu.memory_space<vmem_shared>>) offsets(%arg13 : memref<128xi32, #tpu.memory_space<vmem>>) semaphore(%arg29 : memref<!tpu.dma_semaphore, #tpu.memory_space<semaphore_mem>>) {add = true}
      %add3A_109 = arith.constant 4 : i32
      %add3A_110 = arith.addi %add3A_91, %add3A_109 : i32
      %lt3A_111 = arith.constant 78 : i32
      %lt3A_112 = arith.cmpi slt, %add3A_110, %lt3A_111 : i32
      %convert_element_type3A_113 = arith.extui %lt3A_112 : i1 to i32
      %cond3A_114 = arith.constant 0 : i32
      %cond3A_115 = arith.cmpi ne, %convert_element_type3A_113, %cond3A_114 : i32
      scf.if %cond3A_115 {
        %add3A_261 = arith.constant 4 : i32
        %add3A_262 = arith.addi %add3A_91, %add3A_261 : i32
        %mul3A_263 = arith.constant 78 : i32
        %mul3A_264 = arith.muli %add3A, %mul3A_263 : i32
        %add3A_265 = arith.addi %mul3A_264, %add3A_262 : i32
        %mul3A_266 = arith.constant 128 : i32
        %mul3A_267 = arith.muli %add3A_265, %mul3A_266 : i32
        %dma_start3A_268 = tpu.memref_slice %arg3[%mul3A_267] : memref<320000xi32, #tpu.memory_space<hbm>> -> memref<128xi32, #tpu.memory_space<hbm>>
        %dma_start3A_269 = tpu.memref_slice %arg3[%mul3A_267] : memref<320000xi32, #tpu.memory_space<hbm>> -> memref<128xi32, #tpu.memory_space<hbm>>
        tpu.enqueue_dma source(%dma_start3A_269 : memref<128xi32, #tpu.memory_space<hbm>>) target(%arg11 : memref<128xi32, #tpu.memory_space<vmem>>) target_semaphore(%arg25 : memref<!tpu.dma_semaphore, #tpu.memory_space<semaphore_mem>>)
        %mul3A_270 = arith.constant 78 : i32
        %mul3A_271 = arith.muli %add3A, %mul3A_270 : i32
        %add3A_272 = arith.addi %mul3A_271, %add3A_262 : i32
        %mul3A_273 = arith.constant 128 : i32
        %mul3A_274 = arith.muli %add3A_272, %mul3A_273 : i32
        %dma_start3A_275 = tpu.memref_slice %arg4[%mul3A_274] : memref<320000xi32, #tpu.memory_space<hbm>> -> memref<128xi32, #tpu.memory_space<hbm>>
        %dma_start3A_276 = tpu.memref_slice %arg4[%mul3A_274] : memref<320000xi32, #tpu.memory_space<hbm>> -> memref<128xi32, #tpu.memory_space<hbm>>
        tpu.enqueue_dma source(%dma_start3A_276 : memref<128xi32, #tpu.memory_space<hbm>>) target(%arg17 : memref<128xi32, #tpu.memory_space<vmem>>) target_semaphore(%arg25 : memref<!tpu.dma_semaphore, #tpu.memory_space<semaphore_mem>>)
      } else {
      }
      %mul3A_116 = arith.constant 6 : i32
      %mul3A_117 = arith.muli %mul3A_116, %scan3A_87 : i32
      %add3A_118 = arith.constant 1 : i32
      %add3A_119 = arith.addi %mul3A_117, %add3A_118 : i32
      %ge3A_120 = arith.constant 1 : i32
      %ge3A_121 = arith.cmpi sge, %add3A_119, %ge3A_120 : i32
      %convert_element_type3A_122 = arith.extui %ge3A_121 : i1 to i32
      %cond3A_123 = arith.constant 0 : i32
      %cond3A_124 = arith.cmpi ne, %convert_element_type3A_122, %cond3A_123 : i32
      scf.if %cond3A_124 {
        %dma_wait3A_261 = arith.constant 0 : i32
        %dma_wait3A_262 = arith.constant 0 : i32
        %dma_wait3A_263 = tpu.memref_slice %arg31[%dma_wait3A_261, %dma_wait3A_262] : memref<10112x128xf32, #tpu.memory_space<vmem_shared>> -> memref<10112x128xf32, #tpu.memory_space<vmem_shared>>
        tpu.wait_indirect_dma semaphore(%arg29 : memref<!tpu.dma_semaphore, #tpu.memory_space<semaphore_mem>>) src(%arg19 : memref<128x128xf32, #tpu.memory_space<vmem>>) dst(%dma_wait3A_263 : memref<10112x128xf32, #tpu.memory_space<vmem_shared>>)
      } else {
      }
      %add3A_125 = arith.constant 1 : i32
      %add3A_126 = arith.addi %add3A_119, %add3A_125 : i32
      %lt3A_127 = arith.constant 78 : i32
      %lt3A_128 = arith.cmpi slt, %add3A_126, %lt3A_127 : i32
      %convert_element_type3A_129 = arith.extui %lt3A_128 : i1 to i32
      %cond3A_130 = arith.constant 0 : i32
      %cond3A_131 = arith.cmpi ne, %convert_element_type3A_129, %cond3A_130 : i32
      scf.if %cond3A_131 {
        %dma_wait3A_261 = arith.constant 0 : i32
        %dma_wait3A_262 = tpu.memref_slice %arg3[%dma_wait3A_261] : memref<320000xi32, #tpu.memory_space<hbm>> -> memref<128xi32, #tpu.memory_space<hbm>>
        %dma_wait3A_263 = arith.constant 0 : i32
        %dma_wait3A_264 = tpu.memref_slice %arg3[%dma_wait3A_263] : memref<320000xi32, #tpu.memory_space<hbm>> -> memref<128xi32, #tpu.memory_space<hbm>>
        tpu.wait_dma2 semaphore(%arg23 : memref<!tpu.dma_semaphore, #tpu.memory_space<semaphore_mem>>) src(%dma_wait3A_264 : memref<128xi32, #tpu.memory_space<hbm>>) dst(%arg9 : memref<128xi32, #tpu.memory_space<vmem>>)
        %dma_wait3A_265 = arith.constant 0 : i32
        %dma_wait3A_266 = tpu.memref_slice %arg4[%dma_wait3A_265] : memref<320000xi32, #tpu.memory_space<hbm>> -> memref<128xi32, #tpu.memory_space<hbm>>
        %dma_wait3A_267 = arith.constant 0 : i32
        %dma_wait3A_268 = tpu.memref_slice %arg4[%dma_wait3A_267] : memref<320000xi32, #tpu.memory_space<hbm>> -> memref<128xi32, #tpu.memory_space<hbm>>
        tpu.wait_dma2 semaphore(%arg23 : memref<!tpu.dma_semaphore, #tpu.memory_space<semaphore_mem>>) src(%dma_wait3A_268 : memref<128xi32, #tpu.memory_space<hbm>>) dst(%arg15 : memref<128xi32, #tpu.memory_space<vmem>>)
        %dma_start3A_269 = arith.constant 0 : i32
        %dma_start3A_270 = arith.constant 0 : i32
        %dma_start3A_271 = tpu.memref_slice %arg2[%dma_start3A_269, %dma_start3A_270] : memref<10000x128xf32, #tpu.memory_space<hbm>> -> memref<10000x128xf32, #tpu.memory_space<hbm>>
        tpu.enqueue_indirect_dma source(%dma_start3A_271 : memref<10000x128xf32, #tpu.memory_space<hbm>>) target(%arg19 : memref<128x128xf32, #tpu.memory_space<vmem>>) offsets(%arg9 : memref<128xi32, #tpu.memory_space<vmem>>) semaphore(%arg27 : memref<!tpu.dma_semaphore, #tpu.memory_space<semaphore_mem>>)
      } else {
      }
      %dma_wait3A_132 = arith.constant 0 : i32
      %dma_wait3A_133 = arith.constant 0 : i32
      %dma_wait3A_134 = tpu.memref_slice %arg2[%dma_wait3A_132, %dma_wait3A_133] : memref<10000x128xf32, #tpu.memory_space<hbm>> -> memref<10000x128xf32, #tpu.memory_space<hbm>>
      tpu.wait_indirect_dma semaphore(%arg28 : memref<!tpu.dma_semaphore, #tpu.memory_space<semaphore_mem>>) src(%dma_wait3A_134 : memref<10000x128xf32, #tpu.memory_space<hbm>>) dst(%arg20 : memref<128x128xf32, #tpu.memory_space<vmem>>)
      %dma_start3A_135 = arith.constant 0 : i32
      %dma_start3A_136 = arith.constant 0 : i32
      %dma_start3A_137 = tpu.memref_slice %arg31[%dma_start3A_135, %dma_start3A_136] : memref<10112x128xf32, #tpu.memory_space<vmem_shared>> -> memref<10112x128xf32, #tpu.memory_space<vmem_shared>>
      tpu.enqueue_indirect_dma source(%arg20 : memref<128x128xf32, #tpu.memory_space<vmem>>) target(%dma_start3A_137 : memref<10112x128xf32, #tpu.memory_space<vmem_shared>>) offsets(%arg14 : memref<128xi32, #tpu.memory_space<vmem>>) semaphore(%arg30 : memref<!tpu.dma_semaphore, #tpu.memory_space<semaphore_mem>>) {add = true}
      %add3A_138 = arith.constant 4 : i32
      %add3A_139 = arith.addi %add3A_119, %add3A_138 : i32
      %lt3A_140 = arith.constant 78 : i32
      %lt3A_141 = arith.cmpi slt, %add3A_139, %lt3A_140 : i32
      %convert_element_type3A_142 = arith.extui %lt3A_141 : i1 to i32
      %cond3A_143 = arith.constant 0 : i32
      %cond3A_144 = arith.cmpi ne, %convert_element_type3A_142, %cond3A_143 : i32
      scf.if %cond3A_144 {
        %add3A_261 = arith.constant 4 : i32
        %add3A_262 = arith.addi %add3A_119, %add3A_261 : i32
        %mul3A_263 = arith.constant 78 : i32
        %mul3A_264 = arith.muli %add3A, %mul3A_263 : i32
        %add3A_265 = arith.addi %mul3A_264, %add3A_262 : i32
        %mul3A_266 = arith.constant 128 : i32
        %mul3A_267 = arith.muli %add3A_265, %mul3A_266 : i32
        %dma_start3A_268 = tpu.memref_slice %arg3[%mul3A_267] : memref<320000xi32, #tpu.memory_space<hbm>> -> memref<128xi32, #tpu.memory_space<hbm>>
        %dma_start3A_269 = tpu.memref_slice %arg3[%mul3A_267] : memref<320000xi32, #tpu.memory_space<hbm>> -> memref<128xi32, #tpu.memory_space<hbm>>
        tpu.enqueue_dma source(%dma_start3A_269 : memref<128xi32, #tpu.memory_space<hbm>>) target(%arg12 : memref<128xi32, #tpu.memory_space<vmem>>) target_semaphore(%arg26 : memref<!tpu.dma_semaphore, #tpu.memory_space<semaphore_mem>>)
        %mul3A_270 = arith.constant 78 : i32
        %mul3A_271 = arith.muli %add3A, %mul3A_270 : i32
        %add3A_272 = arith.addi %mul3A_271, %add3A_262 : i32
        %mul3A_273 = arith.constant 128 : i32
        %mul3A_274 = arith.muli %add3A_272, %mul3A_273 : i32
        %dma_start3A_275 = tpu.memref_slice %arg4[%mul3A_274] : memref<320000xi32, #tpu.memory_space<hbm>> -> memref<128xi32, #tpu.memory_space<hbm>>
        %dma_start3A_276 = tpu.memref_slice %arg4[%mul3A_274] : memref<320000xi32, #tpu.memory_space<hbm>> -> memref<128xi32, #tpu.memory_space<hbm>>
        tpu.enqueue_dma source(%dma_start3A_276 : memref<128xi32, #tpu.memory_space<hbm>>) target(%arg18 : memref<128xi32, #tpu.memory_space<vmem>>) target_semaphore(%arg26 : memref<!tpu.dma_semaphore, #tpu.memory_space<semaphore_mem>>)
      } else {
      }
      %mul3A_145 = arith.constant 6 : i32
      %mul3A_146 = arith.muli %mul3A_145, %scan3A_87 : i32
      %add3A_147 = arith.constant 2 : i32
      %add3A_148 = arith.addi %mul3A_146, %add3A_147 : i32
      %ge3A_149 = arith.constant 1 : i32
      %ge3A_150 = arith.cmpi sge, %add3A_148, %ge3A_149 : i32
      %convert_element_type3A_151 = arith.extui %ge3A_150 : i1 to i32
      %cond3A_152 = arith.constant 0 : i32
      %cond3A_153 = arith.cmpi ne, %convert_element_type3A_151, %cond3A_152 : i32
      scf.if %cond3A_153 {
        %dma_wait3A_261 = arith.constant 0 : i32
        %dma_wait3A_262 = arith.constant 0 : i32
        %dma_wait3A_263 = tpu.memref_slice %arg31[%dma_wait3A_261, %dma_wait3A_262] : memref<10112x128xf32, #tpu.memory_space<vmem_shared>> -> memref<10112x128xf32, #tpu.memory_space<vmem_shared>>
        tpu.wait_indirect_dma semaphore(%arg30 : memref<!tpu.dma_semaphore, #tpu.memory_space<semaphore_mem>>) src(%arg20 : memref<128x128xf32, #tpu.memory_space<vmem>>) dst(%dma_wait3A_263 : memref<10112x128xf32, #tpu.memory_space<vmem_shared>>)
      } else {
      }
      %add3A_154 = arith.constant 1 : i32
      %add3A_155 = arith.addi %add3A_148, %add3A_154 : i32
      %lt3A_156 = arith.constant 78 : i32
      %lt3A_157 = arith.cmpi slt, %add3A_155, %lt3A_156 : i32
      %convert_element_type3A_158 = arith.extui %lt3A_157 : i1 to i32
      %cond3A_159 = arith.constant 0 : i32
      %cond3A_160 = arith.cmpi ne, %convert_element_type3A_158, %cond3A_159 : i32
      scf.if %cond3A_160 {
        %dma_wait3A_261 = arith.constant 0 : i32
        %dma_wait3A_262 = tpu.memref_slice %arg3[%dma_wait3A_261] : memref<320000xi32, #tpu.memory_space<hbm>> -> memref<128xi32, #tpu.memory_space<hbm>>
        %dma_wait3A_263 = arith.constant 0 : i32
        %dma_wait3A_264 = tpu.memref_slice %arg3[%dma_wait3A_263] : memref<320000xi32, #tpu.memory_space<hbm>> -> memref<128xi32, #tpu.memory_space<hbm>>
        tpu.wait_dma2 semaphore(%arg24 : memref<!tpu.dma_semaphore, #tpu.memory_space<semaphore_mem>>) src(%dma_wait3A_264 : memref<128xi32, #tpu.memory_space<hbm>>) dst(%arg10 : memref<128xi32, #tpu.memory_space<vmem>>)
        %dma_wait3A_265 = arith.constant 0 : i32
        %dma_wait3A_266 = tpu.memref_slice %arg4[%dma_wait3A_265] : memref<320000xi32, #tpu.memory_space<hbm>> -> memref<128xi32, #tpu.memory_space<hbm>>
        %dma_wait3A_267 = arith.constant 0 : i32
        %dma_wait3A_268 = tpu.memref_slice %arg4[%dma_wait3A_267] : memref<320000xi32, #tpu.memory_space<hbm>> -> memref<128xi32, #tpu.memory_space<hbm>>
        tpu.wait_dma2 semaphore(%arg24 : memref<!tpu.dma_semaphore, #tpu.memory_space<semaphore_mem>>) src(%dma_wait3A_268 : memref<128xi32, #tpu.memory_space<hbm>>) dst(%arg16 : memref<128xi32, #tpu.memory_space<vmem>>)
        %dma_start3A_269 = arith.constant 0 : i32
        %dma_start3A_270 = arith.constant 0 : i32
        %dma_start3A_271 = tpu.memref_slice %arg2[%dma_start3A_269, %dma_start3A_270] : memref<10000x128xf32, #tpu.memory_space<hbm>> -> memref<10000x128xf32, #tpu.memory_space<hbm>>
        tpu.enqueue_indirect_dma source(%dma_start3A_271 : memref<10000x128xf32, #tpu.memory_space<hbm>>) target(%arg20 : memref<128x128xf32, #tpu.memory_space<vmem>>) offsets(%arg10 : memref<128xi32, #tpu.memory_space<vmem>>) semaphore(%arg28 : memref<!tpu.dma_semaphore, #tpu.memory_space<semaphore_mem>>)
      } else {
      }
      %dma_wait3A_161 = arith.constant 0 : i32
      %dma_wait3A_162 = arith.constant 0 : i32
      %dma_wait3A_163 = tpu.memref_slice %arg2[%dma_wait3A_161, %dma_wait3A_162] : memref<10000x128xf32, #tpu.memory_space<hbm>> -> memref<10000x128xf32, #tpu.memory_space<hbm>>
      tpu.wait_indirect_dma semaphore(%arg27 : memref<!tpu.dma_semaphore, #tpu.memory_space<semaphore_mem>>) src(%dma_wait3A_163 : memref<10000x128xf32, #tpu.memory_space<hbm>>) dst(%arg19 : memref<128x128xf32, #tpu.memory_space<vmem>>)
      %dma_start3A_164 = arith.constant 0 : i32
      %dma_start3A_165 = arith.constant 0 : i32
      %dma_start3A_166 = tpu.memref_slice %arg31[%dma_start3A_164, %dma_start3A_165] : memref<10112x128xf32, #tpu.memory_space<vmem_shared>> -> memref<10112x128xf32, #tpu.memory_space<vmem_shared>>
      tpu.enqueue_indirect_dma source(%arg19 : memref<128x128xf32, #tpu.memory_space<vmem>>) target(%dma_start3A_166 : memref<10112x128xf32, #tpu.memory_space<vmem_shared>>) offsets(%arg15 : memref<128xi32, #tpu.memory_space<vmem>>) semaphore(%arg29 : memref<!tpu.dma_semaphore, #tpu.memory_space<semaphore_mem>>) {add = true}
      %add3A_167 = arith.constant 4 : i32
      %add3A_168 = arith.addi %add3A_148, %add3A_167 : i32
      %lt3A_169 = arith.constant 78 : i32
      %lt3A_170 = arith.cmpi slt, %add3A_168, %lt3A_169 : i32
      %convert_element_type3A_171 = arith.extui %lt3A_170 : i1 to i32
      %cond3A_172 = arith.constant 0 : i32
      %cond3A_173 = arith.cmpi ne, %convert_element_type3A_171, %cond3A_172 : i32
      scf.if %cond3A_173 {
        %add3A_261 = arith.constant 4 : i32
        %add3A_262 = arith.addi %add3A_148, %add3A_261 : i32
        %mul3A_263 = arith.constant 78 : i32
        %mul3A_264 = arith.muli %add3A, %mul3A_263 : i32
        %add3A_265 = arith.addi %mul3A_264, %add3A_262 : i32
        %mul3A_266 = arith.constant 128 : i32
        %mul3A_267 = arith.muli %add3A_265, %mul3A_266 : i32
        %dma_start3A_268 = tpu.memref_slice %arg3[%mul3A_267] : memref<320000xi32, #tpu.memory_space<hbm>> -> memref<128xi32, #tpu.memory_space<hbm>>
        %dma_start3A_269 = tpu.memref_slice %arg3[%mul3A_267] : memref<320000xi32, #tpu.memory_space<hbm>> -> memref<128xi32, #tpu.memory_space<hbm>>
        tpu.enqueue_dma source(%dma_start3A_269 : memref<128xi32, #tpu.memory_space<hbm>>) target(%arg7 : memref<128xi32, #tpu.memory_space<vmem>>) target_semaphore(%arg21 : memref<!tpu.dma_semaphore, #tpu.memory_space<semaphore_mem>>)
        %mul3A_270 = arith.constant 78 : i32
        %mul3A_271 = arith.muli %add3A, %mul3A_270 : i32
        %add3A_272 = arith.addi %mul3A_271, %add3A_262 : i32
        %mul3A_273 = arith.constant 128 : i32
        %mul3A_274 = arith.muli %add3A_272, %mul3A_273 : i32
        %dma_start3A_275 = tpu.memref_slice %arg4[%mul3A_274] : memref<320000xi32, #tpu.memory_space<hbm>> -> memref<128xi32, #tpu.memory_space<hbm>>
        %dma_start3A_276 = tpu.memref_slice %arg4[%mul3A_274] : memref<320000xi32, #tpu.memory_space<hbm>> -> memref<128xi32, #tpu.memory_space<hbm>>
        tpu.enqueue_dma source(%dma_start3A_276 : memref<128xi32, #tpu.memory_space<hbm>>) target(%arg13 : memref<128xi32, #tpu.memory_space<vmem>>) target_semaphore(%arg21 : memref<!tpu.dma_semaphore, #tpu.memory_space<semaphore_mem>>)
      } else {
      }
      %mul3A_174 = arith.constant 6 : i32
      %mul3A_175 = arith.muli %mul3A_174, %scan3A_87 : i32
      %add3A_176 = arith.constant 3 : i32
      %add3A_177 = arith.addi %mul3A_175, %add3A_176 : i32
      %ge3A_178 = arith.constant 1 : i32
      %ge3A_179 = arith.cmpi sge, %add3A_177, %ge3A_178 : i32
      %convert_element_type3A_180 = arith.extui %ge3A_179 : i1 to i32
      %cond3A_181 = arith.constant 0 : i32
      %cond3A_182 = arith.cmpi ne, %convert_element_type3A_180, %cond3A_181 : i32
      scf.if %cond3A_182 {
        %dma_wait3A_261 = arith.constant 0 : i32
        %dma_wait3A_262 = arith.constant 0 : i32
        %dma_wait3A_263 = tpu.memref_slice %arg31[%dma_wait3A_261, %dma_wait3A_262] : memref<10112x128xf32, #tpu.memory_space<vmem_shared>> -> memref<10112x128xf32, #tpu.memory_space<vmem_shared>>
        tpu.wait_indirect_dma semaphore(%arg29 : memref<!tpu.dma_semaphore, #tpu.memory_space<semaphore_mem>>) src(%arg19 : memref<128x128xf32, #tpu.memory_space<vmem>>) dst(%dma_wait3A_263 : memref<10112x128xf32, #tpu.memory_space<vmem_shared>>)
      } else {
      }
      %add3A_183 = arith.constant 1 : i32
      %add3A_184 = arith.addi %add3A_177, %add3A_183 : i32
      %lt3A_185 = arith.constant 78 : i32
      %lt3A_186 = arith.cmpi slt, %add3A_184, %lt3A_185 : i32
      %convert_element_type3A_187 = arith.extui %lt3A_186 : i1 to i32
      %cond3A_188 = arith.constant 0 : i32
      %cond3A_189 = arith.cmpi ne, %convert_element_type3A_187, %cond3A_188 : i32
      scf.if %cond3A_189 {
        %dma_wait3A_261 = arith.constant 0 : i32
        %dma_wait3A_262 = tpu.memref_slice %arg3[%dma_wait3A_261] : memref<320000xi32, #tpu.memory_space<hbm>> -> memref<128xi32, #tpu.memory_space<hbm>>
        %dma_wait3A_263 = arith.constant 0 : i32
        %dma_wait3A_264 = tpu.memref_slice %arg3[%dma_wait3A_263] : memref<320000xi32, #tpu.memory_space<hbm>> -> memref<128xi32, #tpu.memory_space<hbm>>
        tpu.wait_dma2 semaphore(%arg25 : memref<!tpu.dma_semaphore, #tpu.memory_space<semaphore_mem>>) src(%dma_wait3A_264 : memref<128xi32, #tpu.memory_space<hbm>>) dst(%arg11 : memref<128xi32, #tpu.memory_space<vmem>>)
        %dma_wait3A_265 = arith.constant 0 : i32
        %dma_wait3A_266 = tpu.memref_slice %arg4[%dma_wait3A_265] : memref<320000xi32, #tpu.memory_space<hbm>> -> memref<128xi32, #tpu.memory_space<hbm>>
        %dma_wait3A_267 = arith.constant 0 : i32
        %dma_wait3A_268 = tpu.memref_slice %arg4[%dma_wait3A_267] : memref<320000xi32, #tpu.memory_space<hbm>> -> memref<128xi32, #tpu.memory_space<hbm>>
        tpu.wait_dma2 semaphore(%arg25 : memref<!tpu.dma_semaphore, #tpu.memory_space<semaphore_mem>>) src(%dma_wait3A_268 : memref<128xi32, #tpu.memory_space<hbm>>) dst(%arg17 : memref<128xi32, #tpu.memory_space<vmem>>)
        %dma_start3A_269 = arith.constant 0 : i32
        %dma_start3A_270 = arith.constant 0 : i32
        %dma_start3A_271 = tpu.memref_slice %arg2[%dma_start3A_269, %dma_start3A_270] : memref<10000x128xf32, #tpu.memory_space<hbm>> -> memref<10000x128xf32, #tpu.memory_space<hbm>>
        tpu.enqueue_indirect_dma source(%dma_start3A_271 : memref<10000x128xf32, #tpu.memory_space<hbm>>) target(%arg19 : memref<128x128xf32, #tpu.memory_space<vmem>>) offsets(%arg11 : memref<128xi32, #tpu.memory_space<vmem>>) semaphore(%arg27 : memref<!tpu.dma_semaphore, #tpu.memory_space<semaphore_mem>>)
      } else {
      }
      %dma_wait3A_190 = arith.constant 0 : i32
      %dma_wait3A_191 = arith.constant 0 : i32
      %dma_wait3A_192 = tpu.memref_slice %arg2[%dma_wait3A_190, %dma_wait3A_191] : memref<10000x128xf32, #tpu.memory_space<hbm>> -> memref<10000x128xf32, #tpu.memory_space<hbm>>
      tpu.wait_indirect_dma semaphore(%arg28 : memref<!tpu.dma_semaphore, #tpu.memory_space<semaphore_mem>>) src(%dma_wait3A_192 : memref<10000x128xf32, #tpu.memory_space<hbm>>) dst(%arg20 : memref<128x128xf32, #tpu.memory_space<vmem>>)
      %dma_start3A_193 = arith.constant 0 : i32
      %dma_start3A_194 = arith.constant 0 : i32
      %dma_start3A_195 = tpu.memref_slice %arg31[%dma_start3A_193, %dma_start3A_194] : memref<10112x128xf32, #tpu.memory_space<vmem_shared>> -> memref<10112x128xf32, #tpu.memory_space<vmem_shared>>
      tpu.enqueue_indirect_dma source(%arg20 : memref<128x128xf32, #tpu.memory_space<vmem>>) target(%dma_start3A_195 : memref<10112x128xf32, #tpu.memory_space<vmem_shared>>) offsets(%arg16 : memref<128xi32, #tpu.memory_space<vmem>>) semaphore(%arg30 : memref<!tpu.dma_semaphore, #tpu.memory_space<semaphore_mem>>) {add = true}
      %add3A_196 = arith.constant 4 : i32
      %add3A_197 = arith.addi %add3A_177, %add3A_196 : i32
      %lt3A_198 = arith.constant 78 : i32
      %lt3A_199 = arith.cmpi slt, %add3A_197, %lt3A_198 : i32
      %convert_element_type3A_200 = arith.extui %lt3A_199 : i1 to i32
      %cond3A_201 = arith.constant 0 : i32
      %cond3A_202 = arith.cmpi ne, %convert_element_type3A_200, %cond3A_201 : i32
      scf.if %cond3A_202 {
        %add3A_261 = arith.constant 4 : i32
        %add3A_262 = arith.addi %add3A_177, %add3A_261 : i32
        %mul3A_263 = arith.constant 78 : i32
        %mul3A_264 = arith.muli %add3A, %mul3A_263 : i32
        %add3A_265 = arith.addi %mul3A_264, %add3A_262 : i32
        %mul3A_266 = arith.constant 128 : i32
        %mul3A_267 = arith.muli %add3A_265, %mul3A_266 : i32
        %dma_start3A_268 = tpu.memref_slice %arg3[%mul3A_267] : memref<320000xi32, #tpu.memory_space<hbm>> -> memref<128xi32, #tpu.memory_space<hbm>>
        %dma_start3A_269 = tpu.memref_slice %arg3[%mul3A_267] : memref<320000xi32, #tpu.memory_space<hbm>> -> memref<128xi32, #tpu.memory_space<hbm>>
        tpu.enqueue_dma source(%dma_start3A_269 : memref<128xi32, #tpu.memory_space<hbm>>) target(%arg8 : memref<128xi32, #tpu.memory_space<vmem>>) target_semaphore(%arg22 : memref<!tpu.dma_semaphore, #tpu.memory_space<semaphore_mem>>)
        %mul3A_270 = arith.constant 78 : i32
        %mul3A_271 = arith.muli %add3A, %mul3A_270 : i32
        %add3A_272 = arith.addi %mul3A_271, %add3A_262 : i32
        %mul3A_273 = arith.constant 128 : i32
        %mul3A_274 = arith.muli %add3A_272, %mul3A_273 : i32
        %dma_start3A_275 = tpu.memref_slice %arg4[%mul3A_274] : memref<320000xi32, #tpu.memory_space<hbm>> -> memref<128xi32, #tpu.memory_space<hbm>>
        %dma_start3A_276 = tpu.memref_slice %arg4[%mul3A_274] : memref<320000xi32, #tpu.memory_space<hbm>> -> memref<128xi32, #tpu.memory_space<hbm>>
        tpu.enqueue_dma source(%dma_start3A_276 : memref<128xi32, #tpu.memory_space<hbm>>) target(%arg14 : memref<128xi32, #tpu.memory_space<vmem>>) target_semaphore(%arg22 : memref<!tpu.dma_semaphore, #tpu.memory_space<semaphore_mem>>)
      } else {
      }
      %mul3A_203 = arith.constant 6 : i32
      %mul3A_204 = arith.muli %mul3A_203, %scan3A_87 : i32
      %add3A_205 = arith.constant 4 : i32
      %add3A_206 = arith.addi %mul3A_204, %add3A_205 : i32
      %ge3A_207 = arith.constant 1 : i32
      %ge3A_208 = arith.cmpi sge, %add3A_206, %ge3A_207 : i32
      %convert_element_type3A_209 = arith.extui %ge3A_208 : i1 to i32
      %cond3A_210 = arith.constant 0 : i32
      %cond3A_211 = arith.cmpi ne, %convert_element_type3A_209, %cond3A_210 : i32
      scf.if %cond3A_211 {
        %dma_wait3A_261 = arith.constant 0 : i32
        %dma_wait3A_262 = arith.constant 0 : i32
        %dma_wait3A_263 = tpu.memref_slice %arg31[%dma_wait3A_261, %dma_wait3A_262] : memref<10112x128xf32, #tpu.memory_space<vmem_shared>> -> memref<10112x128xf32, #tpu.memory_space<vmem_shared>>
        tpu.wait_indirect_dma semaphore(%arg30 : memref<!tpu.dma_semaphore, #tpu.memory_space<semaphore_mem>>) src(%arg20 : memref<128x128xf32, #tpu.memory_space<vmem>>) dst(%dma_wait3A_263 : memref<10112x128xf32, #tpu.memory_space<vmem_shared>>)
      } else {
      }
      %add3A_212 = arith.constant 1 : i32
      %add3A_213 = arith.addi %add3A_206, %add3A_212 : i32
      %lt3A_214 = arith.constant 78 : i32
      %lt3A_215 = arith.cmpi slt, %add3A_213, %lt3A_214 : i32
      %convert_element_type3A_216 = arith.extui %lt3A_215 : i1 to i32
      %cond3A_217 = arith.constant 0 : i32
      %cond3A_218 = arith.cmpi ne, %convert_element_type3A_216, %cond3A_217 : i32
      scf.if %cond3A_218 {
        %dma_wait3A_261 = arith.constant 0 : i32
        %dma_wait3A_262 = tpu.memref_slice %arg3[%dma_wait3A_261] : memref<320000xi32, #tpu.memory_space<hbm>> -> memref<128xi32, #tpu.memory_space<hbm>>
        %dma_wait3A_263 = arith.constant 0 : i32
        %dma_wait3A_264 = tpu.memref_slice %arg3[%dma_wait3A_263] : memref<320000xi32, #tpu.memory_space<hbm>> -> memref<128xi32, #tpu.memory_space<hbm>>
        tpu.wait_dma2 semaphore(%arg26 : memref<!tpu.dma_semaphore, #tpu.memory_space<semaphore_mem>>) src(%dma_wait3A_264 : memref<128xi32, #tpu.memory_space<hbm>>) dst(%arg12 : memref<128xi32, #tpu.memory_space<vmem>>)
        %dma_wait3A_265 = arith.constant 0 : i32
        %dma_wait3A_266 = tpu.memref_slice %arg4[%dma_wait3A_265] : memref<320000xi32, #tpu.memory_space<hbm>> -> memref<128xi32, #tpu.memory_space<hbm>>
        %dma_wait3A_267 = arith.constant 0 : i32
        %dma_wait3A_268 = tpu.memref_slice %arg4[%dma_wait3A_267] : memref<320000xi32, #tpu.memory_space<hbm>> -> memref<128xi32, #tpu.memory_space<hbm>>
        tpu.wait_dma2 semaphore(%arg26 : memref<!tpu.dma_semaphore, #tpu.memory_space<semaphore_mem>>) src(%dma_wait3A_268 : memref<128xi32, #tpu.memory_space<hbm>>) dst(%arg18 : memref<128xi32, #tpu.memory_space<vmem>>)
        %dma_start3A_269 = arith.constant 0 : i32
        %dma_start3A_270 = arith.constant 0 : i32
        %dma_start3A_271 = tpu.memref_slice %arg2[%dma_start3A_269, %dma_start3A_270] : memref<10000x128xf32, #tpu.memory_space<hbm>> -> memref<10000x128xf32, #tpu.memory_space<hbm>>
        tpu.enqueue_indirect_dma source(%dma_start3A_271 : memref<10000x128xf32, #tpu.memory_space<hbm>>) target(%arg20 : memref<128x128xf32, #tpu.memory_space<vmem>>) offsets(%arg12 : memref<128xi32, #tpu.memory_space<vmem>>) semaphore(%arg28 : memref<!tpu.dma_semaphore, #tpu.memory_space<semaphore_mem>>)
      } else {
      }
      %dma_wait3A_219 = arith.constant 0 : i32
      %dma_wait3A_220 = arith.constant 0 : i32
      %dma_wait3A_221 = tpu.memref_slice %arg2[%dma_wait3A_219, %dma_wait3A_220] : memref<10000x128xf32, #tpu.memory_space<hbm>> -> memref<10000x128xf32, #tpu.memory_space<hbm>>
      tpu.wait_indirect_dma semaphore(%arg27 : memref<!tpu.dma_semaphore, #tpu.memory_space<semaphore_mem>>) src(%dma_wait3A_221 : memref<10000x128xf32, #tpu.memory_space<hbm>>) dst(%arg19 : memref<128x128xf32, #tpu.memory_space<vmem>>)
      %dma_start3A_222 = arith.constant 0 : i32
      %dma_start3A_223 = arith.constant 0 : i32
      %dma_start3A_224 = tpu.memref_slice %arg31[%dma_start3A_222, %dma_start3A_223] : memref<10112x128xf32, #tpu.memory_space<vmem_shared>> -> memref<10112x128xf32, #tpu.memory_space<vmem_shared>>
      tpu.enqueue_indirect_dma source(%arg19 : memref<128x128xf32, #tpu.memory_space<vmem>>) target(%dma_start3A_224 : memref<10112x128xf32, #tpu.memory_space<vmem_shared>>) offsets(%arg17 : memref<128xi32, #tpu.memory_space<vmem>>) semaphore(%arg29 : memref<!tpu.dma_semaphore, #tpu.memory_space<semaphore_mem>>) {add = true}
      %add3A_225 = arith.constant 4 : i32
      %add3A_226 = arith.addi %add3A_206, %add3A_225 : i32
      %lt3A_227 = arith.constant 78 : i32
      %lt3A_228 = arith.cmpi slt, %add3A_226, %lt3A_227 : i32
      %convert_element_type3A_229 = arith.extui %lt3A_228 : i1 to i32
      %cond3A_230 = arith.constant 0 : i32
      %cond3A_231 = arith.cmpi ne, %convert_element_type3A_229, %cond3A_230 : i32
      scf.if %cond3A_231 {
        %add3A_261 = arith.constant 4 : i32
        %add3A_262 = arith.addi %add3A_206, %add3A_261 : i32
        %mul3A_263 = arith.constant 78 : i32
        %mul3A_264 = arith.muli %add3A, %mul3A_263 : i32
        %add3A_265 = arith.addi %mul3A_264, %add3A_262 : i32
        %mul3A_266 = arith.constant 128 : i32
        %mul3A_267 = arith.muli %add3A_265, %mul3A_266 : i32
        %dma_start3A_268 = tpu.memref_slice %arg3[%mul3A_267] : memref<320000xi32, #tpu.memory_space<hbm>> -> memref<128xi32, #tpu.memory_space<hbm>>
        %dma_start3A_269 = tpu.memref_slice %arg3[%mul3A_267] : memref<320000xi32, #tpu.memory_space<hbm>> -> memref<128xi32, #tpu.memory_space<hbm>>
        tpu.enqueue_dma source(%dma_start3A_269 : memref<128xi32, #tpu.memory_space<hbm>>) target(%arg9 : memref<128xi32, #tpu.memory_space<vmem>>) target_semaphore(%arg23 : memref<!tpu.dma_semaphore, #tpu.memory_space<semaphore_mem>>)
        %mul3A_270 = arith.constant 78 : i32
        %mul3A_271 = arith.muli %add3A, %mul3A_270 : i32
        %add3A_272 = arith.addi %mul3A_271, %add3A_262 : i32
        %mul3A_273 = arith.constant 128 : i32
        %mul3A_274 = arith.muli %add3A_272, %mul3A_273 : i32
        %dma_start3A_275 = tpu.memref_slice %arg4[%mul3A_274] : memref<320000xi32, #tpu.memory_space<hbm>> -> memref<128xi32, #tpu.memory_space<hbm>>
        %dma_start3A_276 = tpu.memref_slice %arg4[%mul3A_274] : memref<320000xi32, #tpu.memory_space<hbm>> -> memref<128xi32, #tpu.memory_space<hbm>>
        tpu.enqueue_dma source(%dma_start3A_276 : memref<128xi32, #tpu.memory_space<hbm>>) target(%arg15 : memref<128xi32, #tpu.memory_space<vmem>>) target_semaphore(%arg23 : memref<!tpu.dma_semaphore, #tpu.memory_space<semaphore_mem>>)
      } else {
      }
      %mul3A_232 = arith.constant 6 : i32
      %mul3A_233 = arith.muli %mul3A_232, %scan3A_87 : i32
      %add3A_234 = arith.constant 5 : i32
      %add3A_235 = arith.addi %mul3A_233, %add3A_234 : i32
      %ge3A_236 = arith.constant 1 : i32
      %ge3A_237 = arith.cmpi sge, %add3A_235, %ge3A_236 : i32
      %convert_element_type3A_238 = arith.extui %ge3A_237 : i1 to i32
      %cond3A_239 = arith.constant 0 : i32
      %cond3A_240 = arith.cmpi ne, %convert_element_type3A_238, %cond3A_239 : i32
      scf.if %cond3A_240 {
        %dma_wait3A_261 = arith.constant 0 : i32
        %dma_wait3A_262 = arith.constant 0 : i32
        %dma_wait3A_263 = tpu.memref_slice %arg31[%dma_wait3A_261, %dma_wait3A_262] : memref<10112x128xf32, #tpu.memory_space<vmem_shared>> -> memref<10112x128xf32, #tpu.memory_space<vmem_shared>>
        tpu.wait_indirect_dma semaphore(%arg29 : memref<!tpu.dma_semaphore, #tpu.memory_space<semaphore_mem>>) src(%arg19 : memref<128x128xf32, #tpu.memory_space<vmem>>) dst(%dma_wait3A_263 : memref<10112x128xf32, #tpu.memory_space<vmem_shared>>)
      } else {
      }
      %add3A_241 = arith.constant 1 : i32
      %add3A_242 = arith.addi %add3A_235, %add3A_241 : i32
      %lt3A_243 = arith.constant 78 : i32
      %lt3A_244 = arith.cmpi slt, %add3A_242, %lt3A_243 : i32
      %convert_element_type3A_245 = arith.extui %lt3A_244 : i1 to i32
      %cond3A_246 = arith.constant 0 : i32
      %cond3A_247 = arith.cmpi ne, %convert_element_type3A_245, %cond3A_246 : i32
      scf.if %cond3A_247 {
        %dma_wait3A_261 = arith.constant 0 : i32
        %dma_wait3A_262 = tpu.memref_slice %arg3[%dma_wait3A_261] : memref<320000xi32, #tpu.memory_space<hbm>> -> memref<128xi32, #tpu.memory_space<hbm>>
        %dma_wait3A_263 = arith.constant 0 : i32
        %dma_wait3A_264 = tpu.memref_slice %arg3[%dma_wait3A_263] : memref<320000xi32, #tpu.memory_space<hbm>> -> memref<128xi32, #tpu.memory_space<hbm>>
        tpu.wait_dma2 semaphore(%arg21 : memref<!tpu.dma_semaphore, #tpu.memory_space<semaphore_mem>>) src(%dma_wait3A_264 : memref<128xi32, #tpu.memory_space<hbm>>) dst(%arg7 : memref<128xi32, #tpu.memory_space<vmem>>)
        %dma_wait3A_265 = arith.constant 0 : i32
        %dma_wait3A_266 = tpu.memref_slice %arg4[%dma_wait3A_265] : memref<320000xi32, #tpu.memory_space<hbm>> -> memref<128xi32, #tpu.memory_space<hbm>>
        %dma_wait3A_267 = arith.constant 0 : i32
        %dma_wait3A_268 = tpu.memref_slice %arg4[%dma_wait3A_267] : memref<320000xi32, #tpu.memory_space<hbm>> -> memref<128xi32, #tpu.memory_space<hbm>>
        tpu.wait_dma2 semaphore(%arg21 : memref<!tpu.dma_semaphore, #tpu.memory_space<semaphore_mem>>) src(%dma_wait3A_268 : memref<128xi32, #tpu.memory_space<hbm>>) dst(%arg13 : memref<128xi32, #tpu.memory_space<vmem>>)
        %dma_start3A_269 = arith.constant 0 : i32
        %dma_start3A_270 = arith.constant 0 : i32
        %dma_start3A_271 = tpu.memref_slice %arg2[%dma_start3A_269, %dma_start3A_270] : memref<10000x128xf32, #tpu.memory_space<hbm>> -> memref<10000x128xf32, #tpu.memory_space<hbm>>
        tpu.enqueue_indirect_dma source(%dma_start3A_271 : memref<10000x128xf32, #tpu.memory_space<hbm>>) target(%arg19 : memref<128x128xf32, #tpu.memory_space<vmem>>) offsets(%arg7 : memref<128xi32, #tpu.memory_space<vmem>>) semaphore(%arg27 : memref<!tpu.dma_semaphore, #tpu.memory_space<semaphore_mem>>)
      } else {
      }
      %dma_wait3A_248 = arith.constant 0 : i32
      %dma_wait3A_249 = arith.constant 0 : i32
      %dma_wait3A_250 = tpu.memref_slice %arg2[%dma_wait3A_248, %dma_wait3A_249] : memref<10000x128xf32, #tpu.memory_space<hbm>> -> memref<10000x128xf32, #tpu.memory_space<hbm>>
      tpu.wait_indirect_dma semaphore(%arg28 : memref<!tpu.dma_semaphore, #tpu.memory_space<semaphore_mem>>) src(%dma_wait3A_250 : memref<10000x128xf32, #tpu.memory_space<hbm>>) dst(%arg20 : memref<128x128xf32, #tpu.memory_space<vmem>>)
      %dma_start3A_251 = arith.constant 0 : i32
      %dma_start3A_252 = arith.constant 0 : i32
      %dma_start3A_253 = tpu.memref_slice %arg31[%dma_start3A_251, %dma_start3A_252] : memref<10112x128xf32, #tpu.memory_space<vmem_shared>> -> memref<10112x128xf32, #tpu.memory_space<vmem_shared>>
      tpu.enqueue_indirect_dma source(%arg20 : memref<128x128xf32, #tpu.memory_space<vmem>>) target(%dma_start3A_253 : memref<10112x128xf32, #tpu.memory_space<vmem_shared>>) offsets(%arg18 : memref<128xi32, #tpu.memory_space<vmem>>) semaphore(%arg30 : memref<!tpu.dma_semaphore, #tpu.memory_space<semaphore_mem>>) {add = true}
      %add3A_254 = arith.constant 4 : i32
      %add3A_255 = arith.addi %add3A_235, %add3A_254 : i32
      %lt3A_256 = arith.constant 78 : i32
      %lt3A_257 = arith.cmpi slt, %add3A_255, %lt3A_256 : i32
      %convert_element_type3A_258 = arith.extui %lt3A_257 : i1 to i32
      %cond3A_259 = arith.constant 0 : i32
      %cond3A_260 = arith.cmpi ne, %convert_element_type3A_258, %cond3A_259 : i32
      scf.if %cond3A_260 {
        %add3A_261 = arith.constant 4 : i32
        %add3A_262 = arith.addi %add3A_235, %add3A_261 : i32
        %mul3A_263 = arith.constant 78 : i32
        %mul3A_264 = arith.muli %add3A, %mul3A_263 : i32
        %add3A_265 = arith.addi %mul3A_264, %add3A_262 : i32
        %mul3A_266 = arith.constant 128 : i32
        %mul3A_267 = arith.muli %add3A_265, %mul3A_266 : i32
        %dma_start3A_268 = tpu.memref_slice %arg3[%mul3A_267] : memref<320000xi32, #tpu.memory_space<hbm>> -> memref<128xi32, #tpu.memory_space<hbm>>
        %dma_start3A_269 = tpu.memref_slice %arg3[%mul3A_267] : memref<320000xi32, #tpu.memory_space<hbm>> -> memref<128xi32, #tpu.memory_space<hbm>>
        tpu.enqueue_dma source(%dma_start3A_269 : memref<128xi32, #tpu.memory_space<hbm>>) target(%arg10 : memref<128xi32, #tpu.memory_space<vmem>>) target_semaphore(%arg24 : memref<!tpu.dma_semaphore, #tpu.memory_space<semaphore_mem>>)
        %mul3A_270 = arith.constant 78 : i32
        %mul3A_271 = arith.muli %add3A, %mul3A_270 : i32
        %add3A_272 = arith.addi %mul3A_271, %add3A_262 : i32
        %mul3A_273 = arith.constant 128 : i32
        %mul3A_274 = arith.muli %add3A_272, %mul3A_273 : i32
        %dma_start3A_275 = tpu.memref_slice %arg4[%mul3A_274] : memref<320000xi32, #tpu.memory_space<hbm>> -> memref<128xi32, #tpu.memory_space<hbm>>
        %dma_start3A_276 = tpu.memref_slice %arg4[%mul3A_274] : memref<320000xi32, #tpu.memory_space<hbm>> -> memref<128xi32, #tpu.memory_space<hbm>>
        tpu.enqueue_dma source(%dma_start3A_276 : memref<128xi32, #tpu.memory_space<hbm>>) target(%arg16 : memref<128xi32, #tpu.memory_space<vmem>>) target_semaphore(%arg24 : memref<!tpu.dma_semaphore, #tpu.memory_space<semaphore_mem>>)
      } else {
      }
    }
    %scan3A_80 = arith.constant 13 : i32
    %dma_wait3A_81 = arith.constant 0 : i32
    %dma_wait3A_82 = arith.constant 0 : i32
    %dma_wait3A_83 = tpu.memref_slice %arg31[%dma_wait3A_81, %dma_wait3A_82] : memref<10112x128xf32, #tpu.memory_space<vmem_shared>> -> memref<10112x128xf32, #tpu.memory_space<vmem_shared>>
    tpu.wait_indirect_dma semaphore(%arg30 : memref<!tpu.dma_semaphore, #tpu.memory_space<semaphore_mem>>) src(%arg20 : memref<128x128xf32, #tpu.memory_space<vmem>>) dst(%dma_wait3A_83 : memref<10112x128xf32, #tpu.memory_space<vmem_shared>>)
    %lt3A = arith.constant 4 : i32
    %lt3A_84 = arith.cmpi slt, %add3A, %lt3A : i32
    %convert_element_type3A = arith.extui %lt3A_84 : i1 to i32
    %cond3A = arith.constant 0 : i32
    %cond3A_85 = arith.cmpi ne, %convert_element_type3A, %cond3A : i32
    scf.if %cond3A_85 {
      %add3A_87 = arith.constant 2496 : i32
      %add3A_88 = arith.addi %add3A_87, %add3A : i32
      %mul3A_89 = arith.constant 128 : i32
      %mul3A_90 = arith.muli %add3A_88, %mul3A_89 : i32
      "tpu.region"() ({
        %run_scoped3A = tpu.sem_alloc : memref<!tpu.dma_semaphore, #tpu.memory_space<semaphore_mem>>
        %dma_start3A_97 = tpu.memref_slice %arg3[%mul3A_90] : memref<320000xi32, #tpu.memory_space<hbm>> -> memref<128xi32, #tpu.memory_space<hbm>>
        %dma_start3A_98 = tpu.memref_slice %arg3[%mul3A_90] : memref<320000xi32, #tpu.memory_space<hbm>> -> memref<128xi32, #tpu.memory_space<hbm>>
        tpu.enqueue_dma source(%dma_start3A_98 : memref<128xi32, #tpu.memory_space<hbm>>) target(%arg7 : memref<128xi32, #tpu.memory_space<vmem>>) target_semaphore(%run_scoped3A : memref<!tpu.dma_semaphore, #tpu.memory_space<semaphore_mem>>)
        %dma_wait3A_99 = tpu.memref_slice %arg3[%mul3A_90] : memref<320000xi32, #tpu.memory_space<hbm>> -> memref<128xi32, #tpu.memory_space<hbm>>
        %dma_wait3A_100 = tpu.memref_slice %arg3[%mul3A_90] : memref<320000xi32, #tpu.memory_space<hbm>> -> memref<128xi32, #tpu.memory_space<hbm>>
        tpu.wait_dma2 semaphore(%run_scoped3A : memref<!tpu.dma_semaphore, #tpu.memory_space<semaphore_mem>>) src(%dma_wait3A_100 : memref<128xi32, #tpu.memory_space<hbm>>) dst(%arg7 : memref<128xi32, #tpu.memory_space<vmem>>)
        tpu.yield
      }) : () -> ()
      "tpu.region"() ({
        %run_scoped3A = tpu.sem_alloc : memref<!tpu.dma_semaphore, #tpu.memory_space<semaphore_mem>>
        %dma_start3A_97 = tpu.memref_slice %arg4[%mul3A_90] : memref<320000xi32, #tpu.memory_space<hbm>> -> memref<128xi32, #tpu.memory_space<hbm>>
        %dma_start3A_98 = tpu.memref_slice %arg4[%mul3A_90] : memref<320000xi32, #tpu.memory_space<hbm>> -> memref<128xi32, #tpu.memory_space<hbm>>
        tpu.enqueue_dma source(%dma_start3A_98 : memref<128xi32, #tpu.memory_space<hbm>>) target(%arg13 : memref<128xi32, #tpu.memory_space<vmem>>) target_semaphore(%run_scoped3A : memref<!tpu.dma_semaphore, #tpu.memory_space<semaphore_mem>>)
        %dma_wait3A_99 = tpu.memref_slice %arg4[%mul3A_90] : memref<320000xi32, #tpu.memory_space<hbm>> -> memref<128xi32, #tpu.memory_space<hbm>>
        %dma_wait3A_100 = tpu.memref_slice %arg4[%mul3A_90] : memref<320000xi32, #tpu.memory_space<hbm>> -> memref<128xi32, #tpu.memory_space<hbm>>
        tpu.wait_dma2 semaphore(%run_scoped3A : memref<!tpu.dma_semaphore, #tpu.memory_space<semaphore_mem>>) src(%dma_wait3A_100 : memref<128xi32, #tpu.memory_space<hbm>>) dst(%arg13 : memref<128xi32, #tpu.memory_space<vmem>>)
        tpu.yield
      }) : () -> ()
      %dma_start3A_91 = arith.constant 0 : i32
      %dma_start3A_92 = arith.constant 0 : i32
      %dma_start3A_93 = tpu.memref_slice %arg2[%dma_start3A_91, %dma_start3A_92] : memref<10000x128xf32, #tpu.memory_space<hbm>> -> memref<10000x128xf32, #tpu.memory_space<hbm>>
      tpu.enqueue_indirect_dma source(%dma_start3A_93 : memref<10000x128xf32, #tpu.memory_space<hbm>>) target(%arg19 : memref<128x128xf32, #tpu.memory_space<vmem>>) offsets(%arg7 : memref<128xi32, #tpu.memory_space<vmem>>) semaphore(%arg27 : memref<!tpu.dma_semaphore, #tpu.memory_space<semaphore_mem>>)
      %dma_wait3A_94 = arith.constant 0 : i32
      %dma_wait3A_95 = arith.constant 0 : i32
      %dma_wait3A_96 = tpu.memref_slice %arg2[%dma_wait3A_94, %dma_wait3A_95] : memref<10000x128xf32, #tpu.memory_space<hbm>> -> memref<10000x128xf32, #tpu.memory_space<hbm>>
      tpu.wait_indirect_dma semaphore(%arg27 : memref<!tpu.dma_semaphore, #tpu.memory_space<semaphore_mem>>) src(%dma_wait3A_96 : memref<10000x128xf32, #tpu.memory_space<hbm>>) dst(%arg19 : memref<128x128xf32, #tpu.memory_space<vmem>>)
      "tpu.region"() ({
        %run_scoped3A = tpu.sem_alloc : memref<!tpu.dma_semaphore, #tpu.memory_space<semaphore_mem>>
        %dma_start3A_97 = arith.constant 0 : i32
        %dma_start3A_98 = arith.constant 0 : i32
        %dma_start3A_99 = tpu.memref_slice %arg31[%dma_start3A_97, %dma_start3A_98] : memref<10112x128xf32, #tpu.memory_space<vmem_shared>> -> memref<10112x128xf32, #tpu.memory_space<vmem_shared>>
        tpu.enqueue_indirect_dma source(%arg19 : memref<128x128xf32, #tpu.memory_space<vmem>>) target(%dma_start3A_99 : memref<10112x128xf32, #tpu.memory_space<vmem_shared>>) offsets(%arg13 : memref<128xi32, #tpu.memory_space<vmem>>) semaphore(%run_scoped3A : memref<!tpu.dma_semaphore, #tpu.memory_space<semaphore_mem>>) {add = true}
        %dma_wait3A_100 = arith.constant 0 : i32
        %dma_wait3A_101 = arith.constant 0 : i32
        %dma_wait3A_102 = tpu.memref_slice %arg31[%dma_wait3A_100, %dma_wait3A_101] : memref<10112x128xf32, #tpu.memory_space<vmem_shared>> -> memref<10112x128xf32, #tpu.memory_space<vmem_shared>>
        tpu.wait_indirect_dma semaphore(%run_scoped3A : memref<!tpu.dma_semaphore, #tpu.memory_space<semaphore_mem>>) src(%arg19 : memref<128x128xf32, #tpu.memory_space<vmem>>) dst(%dma_wait3A_102 : memref<10112x128xf32, #tpu.memory_space<vmem_shared>>)
        tpu.yield
      }) : () -> ()
    } else {
    }
    %barrier3A_86 = arith.constant 0 : index
    tpu.barrier barrier_id(%barrier3A_86)
    "tpu.region"() ({
      %run_scoped3A = tpu.sem_alloc : memref<!tpu.dma_semaphore, #tpu.memory_space<semaphore_mem>>
      %dma_start3A_87 = arith.constant 0 : i32
      %dma_start3A_88 = tpu.memref_slice %arg6[%arg0, %mul3A_2, %dma_start3A_87] : memref<2x10112x128xf32, #tpu.memory_space<hbm>> -> memref<1x632x128xf32, #tpu.memory_space<hbm>>
      %dma_start3A_89 = tpu.memref_squeeze %dma_start3A_88 : memref<1x632x128xf32, #tpu.memory_space<hbm>> -> memref<632x128xf32, #tpu.memory_space<hbm>>
      %dma_start3A_90 = arith.constant 0 : i32
      %dma_start3A_91 = tpu.memref_slice %arg31[%mul3A_2, %dma_start3A_90] : memref<10112x128xf32, #tpu.memory_space<vmem_shared>> -> memref<632x128xf32, #tpu.memory_space<vmem_shared>>
      tpu.enqueue_dma source(%dma_start3A_91 : memref<632x128xf32, #tpu.memory_space<vmem_shared>>) target(%dma_start3A_89 : memref<632x128xf32, #tpu.memory_space<hbm>>) target_semaphore(%run_scoped3A : memref<!tpu.dma_semaphore, #tpu.memory_space<semaphore_mem>>)
      %dma_wait3A_92 = arith.constant 0 : i32
      %dma_wait3A_93 = tpu.memref_slice %arg6[%arg0, %mul3A_2, %dma_wait3A_92] : memref<2x10112x128xf32, #tpu.memory_space<hbm>> -> memref<1x632x128xf32, #tpu.memory_space<hbm>>
      %dma_wait3A_94 = tpu.memref_squeeze %dma_wait3A_93 : memref<1x632x128xf32, #tpu.memory_space<hbm>> -> memref<632x128xf32, #tpu.memory_space<hbm>>
      %dma_wait3A_95 = arith.constant 0 : i32
      %dma_wait3A_96 = tpu.memref_slice %arg31[%mul3A_2, %dma_wait3A_95] : memref<10112x128xf32, #tpu.memory_space<vmem_shared>> -> memref<632x128xf32, #tpu.memory_space<vmem_shared>>
      tpu.wait_dma2 semaphore(%run_scoped3A : memref<!tpu.dma_semaphore, #tpu.memory_space<semaphore_mem>>) src(%dma_wait3A_96 : memref<632x128xf32, #tpu.memory_space<vmem_shared>>) dst(%dma_wait3A_94 : memref<632x128xf32, #tpu.memory_space<hbm>>)
      tpu.yield
    }) : () -> ()
    return
  }
}

#map = affine_map<(d0, d1) -> (0)>
#map1 = affine_map<(d0, d1) -> (0, 0)>
#map2 = affine_map<(d0, d1) -> (0, 0, 0)>
module attributes {stable_mosaic.version = 14 : i64} {
  func.func @_sc_degrees(%arg0: i32, %arg1: i32, %arg2: memref<320000xi32, #tpu.memory_space<hbm>>, %arg3: memref<320000xi32, #tpu.memory_space<hbm>>, %arg4: memref<128x128xf32, #tpu.memory_space<hbm>>, %arg5: memref<128x128xf32, #tpu.memory_space<hbm>>, %arg6: memref<10112x128xf32, #tpu.memory_space<hbm>>, %arg7: memref<2x10112x128xf32, #tpu.memory_space<hbm>>, %arg8: memref<128xi32, #tpu.memory_space<vmem>>, %arg9: memref<128xi32, #tpu.memory_space<vmem>>, %arg10: memref<128xi32, #tpu.memory_space<vmem>>, %arg11: memref<128xi32, #tpu.memory_space<vmem>>, %arg12: memref<128xi32, #tpu.memory_space<vmem>>, %arg13: memref<128xi32, #tpu.memory_space<vmem>>, %arg14: memref<128xi32, #tpu.memory_space<vmem>>, %arg15: memref<128xi32, #tpu.memory_space<vmem>>, %arg16: memref<128xi32, #tpu.memory_space<vmem>>, %arg17: memref<128xi32, #tpu.memory_space<vmem>>, %arg18: memref<128xi32, #tpu.memory_space<vmem>>, %arg19: memref<128xi32, #tpu.memory_space<vmem>>, %arg20: memref<128x128xf32, #tpu.memory_space<vmem>>, %arg21: memref<128x128xf32, #tpu.memory_space<vmem>>, %arg22: memref<!tpu.dma_semaphore, #tpu.memory_space<semaphore_mem>>, %arg23: memref<!tpu.dma_semaphore, #tpu.memory_space<semaphore_mem>>, %arg24: memref<!tpu.dma_semaphore, #tpu.memory_space<semaphore_mem>>, %arg25: memref<!tpu.dma_semaphore, #tpu.memory_space<semaphore_mem>>, %arg26: memref<!tpu.dma_semaphore, #tpu.memory_space<semaphore_mem>>, %arg27: memref<!tpu.dma_semaphore, #tpu.memory_space<semaphore_mem>>, %arg28: memref<!tpu.dma_semaphore, #tpu.memory_space<semaphore_mem>>, %arg29: memref<!tpu.dma_semaphore, #tpu.memory_space<semaphore_mem>>, %arg30: memref<!tpu.dma_semaphore, #tpu.memory_space<semaphore_mem>>, %arg31: memref<!tpu.dma_semaphore, #tpu.memory_space<semaphore_mem>>, %arg32: memref<!tpu.dma_semaphore, #tpu.memory_space<semaphore_mem>>, %arg33: memref<!tpu.dma_semaphore, #tpu.memory_space<semaphore_mem>>, %arg34: memref<10112x128xf32, #tpu.memory_space<vmem_shared>>) attributes {dimension_semantics = [#tpu.dimension_semantics<core_parallel>, #tpu.dimension_semantics<subcore_parallel>], iteration_bounds = array<i64: 2, 16>, scalar_prefetch = 0 : i64, scratch_operands = 27 : i64, tpu.core_type = #tpu.core_type<sc_vector_subcore>, window_params = [{transform_indices = #map}, {transform_indices = #map}, {transform_indices = #map1}, {transform_indices = #map1}, {transform_indices = #map1}, {transform_indices = #map2}]} {
    %mul3A = arith.constant 2 : i32
    %mul3A_0 = arith.muli %arg1, %mul3A : i32
    %add3A = arith.addi %mul3A_0, %arg0 : i32
    %mul3A_1 = arith.constant 632 : i32
    %mul3A_2 = arith.muli %arg1, %mul3A_1 : i32
    "tpu.region"() ({
      %run_scoped3A = tpu.sem_alloc : memref<!tpu.dma_semaphore, #tpu.memory_space<semaphore_mem>>
      %dma_start3A_85 = arith.constant 0 : i32
      %dma_start3A_86 = tpu.memref_slice %arg34[%mul3A_2, %dma_start3A_85] : memref<10112x128xf32, #tpu.memory_space<vmem_shared>> -> memref<632x128xf32, #tpu.memory_space<vmem_shared>>
      %dma_start3A_87 = arith.constant 0 : i32
      %dma_start3A_88 = tpu.memref_slice %arg6[%mul3A_2, %dma_start3A_87] : memref<10112x128xf32, #tpu.memory_space<hbm>> -> memref<632x128xf32, #tpu.memory_space<hbm>>
      tpu.enqueue_dma source(%dma_start3A_88 : memref<632x128xf32, #tpu.memory_space<hbm>>) target(%dma_start3A_86 : memref<632x128xf32, #tpu.memory_space<vmem_shared>>) target_semaphore(%run_scoped3A : memref<!tpu.dma_semaphore, #tpu.memory_space<semaphore_mem>>)
      %dma_wait3A_89 = arith.constant 0 : i32
      %dma_wait3A_90 = tpu.memref_slice %arg34[%mul3A_2, %dma_wait3A_89] : memref<10112x128xf32, #tpu.memory_space<vmem_shared>> -> memref<632x128xf32, #tpu.memory_space<vmem_shared>>
      %dma_wait3A_91 = arith.constant 0 : i32
      %dma_wait3A_92 = tpu.memref_slice %arg6[%mul3A_2, %dma_wait3A_91] : memref<10112x128xf32, #tpu.memory_space<hbm>> -> memref<632x128xf32, #tpu.memory_space<hbm>>
      tpu.wait_dma2 semaphore(%run_scoped3A : memref<!tpu.dma_semaphore, #tpu.memory_space<semaphore_mem>>) src(%dma_wait3A_92 : memref<632x128xf32, #tpu.memory_space<hbm>>) dst(%dma_wait3A_90 : memref<632x128xf32, #tpu.memory_space<vmem_shared>>)
      tpu.yield
    }) : () -> ()
    "tpu.region"() ({
      %run_scoped3A = tpu.sem_alloc : memref<!tpu.dma_semaphore, #tpu.memory_space<semaphore_mem>>
      tpu.enqueue_dma source(%arg4 : memref<128x128xf32, #tpu.memory_space<hbm>>) target(%arg20 : memref<128x128xf32, #tpu.memory_space<vmem>>) target_semaphore(%run_scoped3A : memref<!tpu.dma_semaphore, #tpu.memory_space<semaphore_mem>>)
      tpu.wait_dma2 semaphore(%run_scoped3A : memref<!tpu.dma_semaphore, #tpu.memory_space<semaphore_mem>>) src(%arg4 : memref<128x128xf32, #tpu.memory_space<hbm>>) dst(%arg20 : memref<128x128xf32, #tpu.memory_space<vmem>>)
      tpu.yield
    }) : () -> ()
    "tpu.region"() ({
      %run_scoped3A = tpu.sem_alloc : memref<!tpu.dma_semaphore, #tpu.memory_space<semaphore_mem>>
      tpu.enqueue_dma source(%arg5 : memref<128x128xf32, #tpu.memory_space<hbm>>) target(%arg21 : memref<128x128xf32, #tpu.memory_space<vmem>>) target_semaphore(%run_scoped3A : memref<!tpu.dma_semaphore, #tpu.memory_space<semaphore_mem>>)
      tpu.wait_dma2 semaphore(%run_scoped3A : memref<!tpu.dma_semaphore, #tpu.memory_space<semaphore_mem>>) src(%arg5 : memref<128x128xf32, #tpu.memory_space<hbm>>) dst(%arg21 : memref<128x128xf32, #tpu.memory_space<vmem>>)
      tpu.yield
    }) : () -> ()
    %barrier3A = arith.constant 0 : index
    tpu.barrier barrier_id(%barrier3A)
    %mul3A_3 = arith.constant 78 : i32
    %mul3A_4 = arith.muli %add3A, %mul3A_3 : i32
    %add3A_5 = arith.constant 0 : i32
    %add3A_6 = arith.addi %mul3A_4, %add3A_5 : i32
    %mul3A_7 = arith.constant 128 : i32
    %mul3A_8 = arith.muli %add3A_6, %mul3A_7 : i32
    %dma_start3A = tpu.memref_slice %arg2[%mul3A_8] : memref<320000xi32, #tpu.memory_space<hbm>> -> memref<128xi32, #tpu.memory_space<hbm>>
    %dma_start3A_9 = tpu.memref_slice %arg2[%mul3A_8] : memref<320000xi32, #tpu.memory_space<hbm>> -> memref<128xi32, #tpu.memory_space<hbm>>
    tpu.enqueue_dma source(%dma_start3A_9 : memref<128xi32, #tpu.memory_space<hbm>>) target(%arg8 : memref<128xi32, #tpu.memory_space<vmem>>) target_semaphore(%arg22 : memref<!tpu.dma_semaphore, #tpu.memory_space<semaphore_mem>>)
    %mul3A_10 = arith.constant 78 : i32
    %mul3A_11 = arith.muli %add3A, %mul3A_10 : i32
    %add3A_12 = arith.constant 0 : i32
    %add3A_13 = arith.addi %mul3A_11, %add3A_12 : i32
    %mul3A_14 = arith.constant 128 : i32
    %mul3A_15 = arith.muli %add3A_13, %mul3A_14 : i32
    %dma_start3A_16 = tpu.memref_slice %arg3[%mul3A_15] : memref<320000xi32, #tpu.memory_space<hbm>> -> memref<128xi32, #tpu.memory_space<hbm>>
    %dma_start3A_17 = tpu.memref_slice %arg3[%mul3A_15] : memref<320000xi32, #tpu.memory_space<hbm>> -> memref<128xi32, #tpu.memory_space<hbm>>
    tpu.enqueue_dma source(%dma_start3A_17 : memref<128xi32, #tpu.memory_space<hbm>>) target(%arg14 : memref<128xi32, #tpu.memory_space<vmem>>) target_semaphore(%arg22 : memref<!tpu.dma_semaphore, #tpu.memory_space<semaphore_mem>>)
    %mul3A_18 = arith.constant 78 : i32
    %mul3A_19 = arith.muli %add3A, %mul3A_18 : i32
    %add3A_20 = arith.constant 1 : i32
    %add3A_21 = arith.addi %mul3A_19, %add3A_20 : i32
    %mul3A_22 = arith.constant 128 : i32
    %mul3A_23 = arith.muli %add3A_21, %mul3A_22 : i32
    %dma_start3A_24 = tpu.memref_slice %arg2[%mul3A_23] : memref<320000xi32, #tpu.memory_space<hbm>> -> memref<128xi32, #tpu.memory_space<hbm>>
    %dma_start3A_25 = tpu.memref_slice %arg2[%mul3A_23] : memref<320000xi32, #tpu.memory_space<hbm>> -> memref<128xi32, #tpu.memory_space<hbm>>
    tpu.enqueue_dma source(%dma_start3A_25 : memref<128xi32, #tpu.memory_space<hbm>>) target(%arg9 : memref<128xi32, #tpu.memory_space<vmem>>) target_semaphore(%arg23 : memref<!tpu.dma_semaphore, #tpu.memory_space<semaphore_mem>>)
    %mul3A_26 = arith.constant 78 : i32
    %mul3A_27 = arith.muli %add3A, %mul3A_26 : i32
    %add3A_28 = arith.constant 1 : i32
    %add3A_29 = arith.addi %mul3A_27, %add3A_28 : i32
    %mul3A_30 = arith.constant 128 : i32
    %mul3A_31 = arith.muli %add3A_29, %mul3A_30 : i32
    %dma_start3A_32 = tpu.memref_slice %arg3[%mul3A_31] : memref<320000xi32, #tpu.memory_space<hbm>> -> memref<128xi32, #tpu.memory_space<hbm>>
    %dma_start3A_33 = tpu.memref_slice %arg3[%mul3A_31] : memref<320000xi32, #tpu.memory_space<hbm>> -> memref<128xi32, #tpu.memory_space<hbm>>
    tpu.enqueue_dma source(%dma_start3A_33 : memref<128xi32, #tpu.memory_space<hbm>>) target(%arg15 : memref<128xi32, #tpu.memory_space<vmem>>) target_semaphore(%arg23 : memref<!tpu.dma_semaphore, #tpu.memory_space<semaphore_mem>>)
    %mul3A_34 = arith.constant 78 : i32
    %mul3A_35 = arith.muli %add3A, %mul3A_34 : i32
    %add3A_36 = arith.constant 2 : i32
    %add3A_37 = arith.addi %mul3A_35, %add3A_36 : i32
    %mul3A_38 = arith.constant 128 : i32
    %mul3A_39 = arith.muli %add3A_37, %mul3A_38 : i32
    %dma_start3A_40 = tpu.memref_slice %arg2[%mul3A_39] : memref<320000xi32, #tpu.memory_space<hbm>> -> memref<128xi32, #tpu.memory_space<hbm>>
    %dma_start3A_41 = tpu.memref_slice %arg2[%mul3A_39] : memref<320000xi32, #tpu.memory_space<hbm>> -> memref<128xi32, #tpu.memory_space<hbm>>
    tpu.enqueue_dma source(%dma_start3A_41 : memref<128xi32, #tpu.memory_space<hbm>>) target(%arg10 : memref<128xi32, #tpu.memory_space<vmem>>) target_semaphore(%arg24 : memref<!tpu.dma_semaphore, #tpu.memory_space<semaphore_mem>>)
    %mul3A_42 = arith.constant 78 : i32
    %mul3A_43 = arith.muli %add3A, %mul3A_42 : i32
    %add3A_44 = arith.constant 2 : i32
    %add3A_45 = arith.addi %mul3A_43, %add3A_44 : i32
    %mul3A_46 = arith.constant 128 : i32
    %mul3A_47 = arith.muli %add3A_45, %mul3A_46 : i32
    %dma_start3A_48 = tpu.memref_slice %arg3[%mul3A_47] : memref<320000xi32, #tpu.memory_space<hbm>> -> memref<128xi32, #tpu.memory_space<hbm>>
    %dma_start3A_49 = tpu.memref_slice %arg3[%mul3A_47] : memref<320000xi32, #tpu.memory_space<hbm>> -> memref<128xi32, #tpu.memory_space<hbm>>
    tpu.enqueue_dma source(%dma_start3A_49 : memref<128xi32, #tpu.memory_space<hbm>>) target(%arg16 : memref<128xi32, #tpu.memory_space<vmem>>) target_semaphore(%arg24 : memref<!tpu.dma_semaphore, #tpu.memory_space<semaphore_mem>>)
    %mul3A_50 = arith.constant 78 : i32
    %mul3A_51 = arith.muli %add3A, %mul3A_50 : i32
    %add3A_52 = arith.constant 3 : i32
    %add3A_53 = arith.addi %mul3A_51, %add3A_52 : i32
    %mul3A_54 = arith.constant 128 : i32
    %mul3A_55 = arith.muli %add3A_53, %mul3A_54 : i32
    %dma_start3A_56 = tpu.memref_slice %arg2[%mul3A_55] : memref<320000xi32, #tpu.memory_space<hbm>> -> memref<128xi32, #tpu.memory_space<hbm>>
    %dma_start3A_57 = tpu.memref_slice %arg2[%mul3A_55] : memref<320000xi32, #tpu.memory_space<hbm>> -> memref<128xi32, #tpu.memory_space<hbm>>
    tpu.enqueue_dma source(%dma_start3A_57 : memref<128xi32, #tpu.memory_space<hbm>>) target(%arg11 : memref<128xi32, #tpu.memory_space<vmem>>) target_semaphore(%arg25 : memref<!tpu.dma_semaphore, #tpu.memory_space<semaphore_mem>>)
    %mul3A_58 = arith.constant 78 : i32
    %mul3A_59 = arith.muli %add3A, %mul3A_58 : i32
    %add3A_60 = arith.constant 3 : i32
    %add3A_61 = arith.addi %mul3A_59, %add3A_60 : i32
    %mul3A_62 = arith.constant 128 : i32
    %mul3A_63 = arith.muli %add3A_61, %mul3A_62 : i32
    %dma_start3A_64 = tpu.memref_slice %arg3[%mul3A_63] : memref<320000xi32, #tpu.memory_space<hbm>> -> memref<128xi32, #tpu.memory_space<hbm>>
    %dma_start3A_65 = tpu.memref_slice %arg3[%mul3A_63] : memref<320000xi32, #tpu.memory_space<hbm>> -> memref<128xi32, #tpu.memory_space<hbm>>
    tpu.enqueue_dma source(%dma_start3A_65 : memref<128xi32, #tpu.memory_space<hbm>>) target(%arg17 : memref<128xi32, #tpu.memory_space<vmem>>) target_semaphore(%arg25 : memref<!tpu.dma_semaphore, #tpu.memory_space<semaphore_mem>>)
    %scan3A = arith.constant 0 : i32
    %scan3A_66 = arith.constant 0 : i32
    %scan3A_67 = arith.constant 13 : i32
    %scan3A_68 = arith.addi %scan3A_66, %scan3A_67 : i32
    %scan3A_69 = arith.constant 1 : i32
    scf.for %scan3A_85 = %scan3A_66 to %scan3A_68 step %scan3A_69  : i32 {
      %mul3A_86 = arith.constant 6 : i32
      %mul3A_87 = arith.muli %mul3A_86, %scan3A_85 : i32
      %add3A_88 = arith.constant 0 : i32
      %add3A_89 = arith.addi %mul3A_87, %add3A_88 : i32
      %dma_wait3A_90 = arith.constant 0 : i32
      %dma_wait3A_91 = tpu.memref_slice %arg2[%dma_wait3A_90] : memref<320000xi32, #tpu.memory_space<hbm>> -> memref<128xi32, #tpu.memory_space<hbm>>
      %dma_wait3A_92 = arith.constant 0 : i32
      %dma_wait3A_93 = tpu.memref_slice %arg2[%dma_wait3A_92] : memref<320000xi32, #tpu.memory_space<hbm>> -> memref<128xi32, #tpu.memory_space<hbm>>
      tpu.wait_dma2 semaphore(%arg22 : memref<!tpu.dma_semaphore, #tpu.memory_space<semaphore_mem>>) src(%dma_wait3A_93 : memref<128xi32, #tpu.memory_space<hbm>>) dst(%arg8 : memref<128xi32, #tpu.memory_space<vmem>>)
      %dma_wait3A_94 = arith.constant 0 : i32
      %dma_wait3A_95 = tpu.memref_slice %arg3[%dma_wait3A_94] : memref<320000xi32, #tpu.memory_space<hbm>> -> memref<128xi32, #tpu.memory_space<hbm>>
      %dma_wait3A_96 = arith.constant 0 : i32
      %dma_wait3A_97 = tpu.memref_slice %arg3[%dma_wait3A_96] : memref<320000xi32, #tpu.memory_space<hbm>> -> memref<128xi32, #tpu.memory_space<hbm>>
      tpu.wait_dma2 semaphore(%arg22 : memref<!tpu.dma_semaphore, #tpu.memory_space<semaphore_mem>>) src(%dma_wait3A_97 : memref<128xi32, #tpu.memory_space<hbm>>) dst(%arg14 : memref<128xi32, #tpu.memory_space<vmem>>)
      %dma_start3A_98 = arith.constant 0 : i32
      %dma_start3A_99 = arith.constant 0 : i32
      %dma_start3A_100 = tpu.memref_slice %arg34[%dma_start3A_98, %dma_start3A_99] : memref<10112x128xf32, #tpu.memory_space<vmem_shared>> -> memref<10112x128xf32, #tpu.memory_space<vmem_shared>>
      tpu.enqueue_indirect_dma source(%arg20 : memref<128x128xf32, #tpu.memory_space<vmem>>) target(%dma_start3A_100 : memref<10112x128xf32, #tpu.memory_space<vmem_shared>>) offsets(%arg8 : memref<128xi32, #tpu.memory_space<vmem>>) semaphore(%arg28 : memref<!tpu.dma_semaphore, #tpu.memory_space<semaphore_mem>>) {add = true}
      %dma_start3A_101 = arith.constant 0 : i32
      %dma_start3A_102 = arith.constant 0 : i32
      %dma_start3A_103 = tpu.memref_slice %arg34[%dma_start3A_101, %dma_start3A_102] : memref<10112x128xf32, #tpu.memory_space<vmem_shared>> -> memref<10112x128xf32, #tpu.memory_space<vmem_shared>>
      tpu.enqueue_indirect_dma source(%arg21 : memref<128x128xf32, #tpu.memory_space<vmem>>) target(%dma_start3A_103 : memref<10112x128xf32, #tpu.memory_space<vmem_shared>>) offsets(%arg14 : memref<128xi32, #tpu.memory_space<vmem>>) semaphore(%arg31 : memref<!tpu.dma_semaphore, #tpu.memory_space<semaphore_mem>>) {add = true}
      %ge3A = arith.constant 2 : i32
      %ge3A_104 = arith.cmpi sge, %add3A_89, %ge3A : i32
      %convert_element_type3A_105 = arith.extui %ge3A_104 : i1 to i32
      %cond3A_106 = arith.constant 0 : i32
      %cond3A_107 = arith.cmpi ne, %convert_element_type3A_105, %cond3A_106 : i32
      scf.if %cond3A_107 {
        %dma_wait3A_265 = arith.constant 0 : i32
        %dma_wait3A_266 = arith.constant 0 : i32
        %dma_wait3A_267 = tpu.memref_slice %arg34[%dma_wait3A_265, %dma_wait3A_266] : memref<10112x128xf32, #tpu.memory_space<vmem_shared>> -> memref<10112x128xf32, #tpu.memory_space<vmem_shared>>
        tpu.wait_indirect_dma semaphore(%arg29 : memref<!tpu.dma_semaphore, #tpu.memory_space<semaphore_mem>>) src(%arg20 : memref<128x128xf32, #tpu.memory_space<vmem>>) dst(%dma_wait3A_267 : memref<10112x128xf32, #tpu.memory_space<vmem_shared>>)
        %dma_wait3A_268 = arith.constant 0 : i32
        %dma_wait3A_269 = arith.constant 0 : i32
        %dma_wait3A_270 = tpu.memref_slice %arg34[%dma_wait3A_268, %dma_wait3A_269] : memref<10112x128xf32, #tpu.memory_space<vmem_shared>> -> memref<10112x128xf32, #tpu.memory_space<vmem_shared>>
        tpu.wait_indirect_dma semaphore(%arg32 : memref<!tpu.dma_semaphore, #tpu.memory_space<semaphore_mem>>) src(%arg21 : memref<128x128xf32, #tpu.memory_space<vmem>>) dst(%dma_wait3A_270 : memref<10112x128xf32, #tpu.memory_space<vmem_shared>>)
      } else {
      }
      %add3A_108 = arith.constant 4 : i32
      %add3A_109 = arith.addi %add3A_89, %add3A_108 : i32
      %lt3A_110 = arith.constant 78 : i32
      %lt3A_111 = arith.cmpi slt, %add3A_109, %lt3A_110 : i32
      %convert_element_type3A_112 = arith.extui %lt3A_111 : i1 to i32
      %cond3A_113 = arith.constant 0 : i32
      %cond3A_114 = arith.cmpi ne, %convert_element_type3A_112, %cond3A_113 : i32
      scf.if %cond3A_114 {
        %add3A_265 = arith.constant 4 : i32
        %add3A_266 = arith.addi %add3A_89, %add3A_265 : i32
        %mul3A_267 = arith.constant 78 : i32
        %mul3A_268 = arith.muli %add3A, %mul3A_267 : i32
        %add3A_269 = arith.addi %mul3A_268, %add3A_266 : i32
        %mul3A_270 = arith.constant 128 : i32
        %mul3A_271 = arith.muli %add3A_269, %mul3A_270 : i32
        %dma_start3A_272 = tpu.memref_slice %arg2[%mul3A_271] : memref<320000xi32, #tpu.memory_space<hbm>> -> memref<128xi32, #tpu.memory_space<hbm>>
        %dma_start3A_273 = tpu.memref_slice %arg2[%mul3A_271] : memref<320000xi32, #tpu.memory_space<hbm>> -> memref<128xi32, #tpu.memory_space<hbm>>
        tpu.enqueue_dma source(%dma_start3A_273 : memref<128xi32, #tpu.memory_space<hbm>>) target(%arg12 : memref<128xi32, #tpu.memory_space<vmem>>) target_semaphore(%arg26 : memref<!tpu.dma_semaphore, #tpu.memory_space<semaphore_mem>>)
        %mul3A_274 = arith.constant 78 : i32
        %mul3A_275 = arith.muli %add3A, %mul3A_274 : i32
        %add3A_276 = arith.addi %mul3A_275, %add3A_266 : i32
        %mul3A_277 = arith.constant 128 : i32
        %mul3A_278 = arith.muli %add3A_276, %mul3A_277 : i32
        %dma_start3A_279 = tpu.memref_slice %arg3[%mul3A_278] : memref<320000xi32, #tpu.memory_space<hbm>> -> memref<128xi32, #tpu.memory_space<hbm>>
        %dma_start3A_280 = tpu.memref_slice %arg3[%mul3A_278] : memref<320000xi32, #tpu.memory_space<hbm>> -> memref<128xi32, #tpu.memory_space<hbm>>
        tpu.enqueue_dma source(%dma_start3A_280 : memref<128xi32, #tpu.memory_space<hbm>>) target(%arg18 : memref<128xi32, #tpu.memory_space<vmem>>) target_semaphore(%arg26 : memref<!tpu.dma_semaphore, #tpu.memory_space<semaphore_mem>>)
      } else {
      }
      %mul3A_115 = arith.constant 6 : i32
      %mul3A_116 = arith.muli %mul3A_115, %scan3A_85 : i32
      %add3A_117 = arith.constant 1 : i32
      %add3A_118 = arith.addi %mul3A_116, %add3A_117 : i32
      %dma_wait3A_119 = arith.constant 0 : i32
      %dma_wait3A_120 = tpu.memref_slice %arg2[%dma_wait3A_119] : memref<320000xi32, #tpu.memory_space<hbm>> -> memref<128xi32, #tpu.memory_space<hbm>>
      %dma_wait3A_121 = arith.constant 0 : i32
      %dma_wait3A_122 = tpu.memref_slice %arg2[%dma_wait3A_121] : memref<320000xi32, #tpu.memory_space<hbm>> -> memref<128xi32, #tpu.memory_space<hbm>>
      tpu.wait_dma2 semaphore(%arg23 : memref<!tpu.dma_semaphore, #tpu.memory_space<semaphore_mem>>) src(%dma_wait3A_122 : memref<128xi32, #tpu.memory_space<hbm>>) dst(%arg9 : memref<128xi32, #tpu.memory_space<vmem>>)
      %dma_wait3A_123 = arith.constant 0 : i32
      %dma_wait3A_124 = tpu.memref_slice %arg3[%dma_wait3A_123] : memref<320000xi32, #tpu.memory_space<hbm>> -> memref<128xi32, #tpu.memory_space<hbm>>
      %dma_wait3A_125 = arith.constant 0 : i32
      %dma_wait3A_126 = tpu.memref_slice %arg3[%dma_wait3A_125] : memref<320000xi32, #tpu.memory_space<hbm>> -> memref<128xi32, #tpu.memory_space<hbm>>
      tpu.wait_dma2 semaphore(%arg23 : memref<!tpu.dma_semaphore, #tpu.memory_space<semaphore_mem>>) src(%dma_wait3A_126 : memref<128xi32, #tpu.memory_space<hbm>>) dst(%arg15 : memref<128xi32, #tpu.memory_space<vmem>>)
      %dma_start3A_127 = arith.constant 0 : i32
      %dma_start3A_128 = arith.constant 0 : i32
      %dma_start3A_129 = tpu.memref_slice %arg34[%dma_start3A_127, %dma_start3A_128] : memref<10112x128xf32, #tpu.memory_space<vmem_shared>> -> memref<10112x128xf32, #tpu.memory_space<vmem_shared>>
      tpu.enqueue_indirect_dma source(%arg20 : memref<128x128xf32, #tpu.memory_space<vmem>>) target(%dma_start3A_129 : memref<10112x128xf32, #tpu.memory_space<vmem_shared>>) offsets(%arg9 : memref<128xi32, #tpu.memory_space<vmem>>) semaphore(%arg29 : memref<!tpu.dma_semaphore, #tpu.memory_space<semaphore_mem>>) {add = true}
      %dma_start3A_130 = arith.constant 0 : i32
      %dma_start3A_131 = arith.constant 0 : i32
      %dma_start3A_132 = tpu.memref_slice %arg34[%dma_start3A_130, %dma_start3A_131] : memref<10112x128xf32, #tpu.memory_space<vmem_shared>> -> memref<10112x128xf32, #tpu.memory_space<vmem_shared>>
      tpu.enqueue_indirect_dma source(%arg21 : memref<128x128xf32, #tpu.memory_space<vmem>>) target(%dma_start3A_132 : memref<10112x128xf32, #tpu.memory_space<vmem_shared>>) offsets(%arg15 : memref<128xi32, #tpu.memory_space<vmem>>) semaphore(%arg32 : memref<!tpu.dma_semaphore, #tpu.memory_space<semaphore_mem>>) {add = true}
      %ge3A_133 = arith.constant 2 : i32
      %ge3A_134 = arith.cmpi sge, %add3A_118, %ge3A_133 : i32
      %convert_element_type3A_135 = arith.extui %ge3A_134 : i1 to i32
      %cond3A_136 = arith.constant 0 : i32
      %cond3A_137 = arith.cmpi ne, %convert_element_type3A_135, %cond3A_136 : i32
      scf.if %cond3A_137 {
        %dma_wait3A_265 = arith.constant 0 : i32
        %dma_wait3A_266 = arith.constant 0 : i32
        %dma_wait3A_267 = tpu.memref_slice %arg34[%dma_wait3A_265, %dma_wait3A_266] : memref<10112x128xf32, #tpu.memory_space<vmem_shared>> -> memref<10112x128xf32, #tpu.memory_space<vmem_shared>>
        tpu.wait_indirect_dma semaphore(%arg30 : memref<!tpu.dma_semaphore, #tpu.memory_space<semaphore_mem>>) src(%arg20 : memref<128x128xf32, #tpu.memory_space<vmem>>) dst(%dma_wait3A_267 : memref<10112x128xf32, #tpu.memory_space<vmem_shared>>)
        %dma_wait3A_268 = arith.constant 0 : i32
        %dma_wait3A_269 = arith.constant 0 : i32
        %dma_wait3A_270 = tpu.memref_slice %arg34[%dma_wait3A_268, %dma_wait3A_269] : memref<10112x128xf32, #tpu.memory_space<vmem_shared>> -> memref<10112x128xf32, #tpu.memory_space<vmem_shared>>
        tpu.wait_indirect_dma semaphore(%arg33 : memref<!tpu.dma_semaphore, #tpu.memory_space<semaphore_mem>>) src(%arg21 : memref<128x128xf32, #tpu.memory_space<vmem>>) dst(%dma_wait3A_270 : memref<10112x128xf32, #tpu.memory_space<vmem_shared>>)
      } else {
      }
      %add3A_138 = arith.constant 4 : i32
      %add3A_139 = arith.addi %add3A_118, %add3A_138 : i32
      %lt3A_140 = arith.constant 78 : i32
      %lt3A_141 = arith.cmpi slt, %add3A_139, %lt3A_140 : i32
      %convert_element_type3A_142 = arith.extui %lt3A_141 : i1 to i32
      %cond3A_143 = arith.constant 0 : i32
      %cond3A_144 = arith.cmpi ne, %convert_element_type3A_142, %cond3A_143 : i32
      scf.if %cond3A_144 {
        %add3A_265 = arith.constant 4 : i32
        %add3A_266 = arith.addi %add3A_118, %add3A_265 : i32
        %mul3A_267 = arith.constant 78 : i32
        %mul3A_268 = arith.muli %add3A, %mul3A_267 : i32
        %add3A_269 = arith.addi %mul3A_268, %add3A_266 : i32
        %mul3A_270 = arith.constant 128 : i32
        %mul3A_271 = arith.muli %add3A_269, %mul3A_270 : i32
        %dma_start3A_272 = tpu.memref_slice %arg2[%mul3A_271] : memref<320000xi32, #tpu.memory_space<hbm>> -> memref<128xi32, #tpu.memory_space<hbm>>
        %dma_start3A_273 = tpu.memref_slice %arg2[%mul3A_271] : memref<320000xi32, #tpu.memory_space<hbm>> -> memref<128xi32, #tpu.memory_space<hbm>>
        tpu.enqueue_dma source(%dma_start3A_273 : memref<128xi32, #tpu.memory_space<hbm>>) target(%arg13 : memref<128xi32, #tpu.memory_space<vmem>>) target_semaphore(%arg27 : memref<!tpu.dma_semaphore, #tpu.memory_space<semaphore_mem>>)
        %mul3A_274 = arith.constant 78 : i32
        %mul3A_275 = arith.muli %add3A, %mul3A_274 : i32
        %add3A_276 = arith.addi %mul3A_275, %add3A_266 : i32
        %mul3A_277 = arith.constant 128 : i32
        %mul3A_278 = arith.muli %add3A_276, %mul3A_277 : i32
        %dma_start3A_279 = tpu.memref_slice %arg3[%mul3A_278] : memref<320000xi32, #tpu.memory_space<hbm>> -> memref<128xi32, #tpu.memory_space<hbm>>
        %dma_start3A_280 = tpu.memref_slice %arg3[%mul3A_278] : memref<320000xi32, #tpu.memory_space<hbm>> -> memref<128xi32, #tpu.memory_space<hbm>>
        tpu.enqueue_dma source(%dma_start3A_280 : memref<128xi32, #tpu.memory_space<hbm>>) target(%arg19 : memref<128xi32, #tpu.memory_space<vmem>>) target_semaphore(%arg27 : memref<!tpu.dma_semaphore, #tpu.memory_space<semaphore_mem>>)
      } else {
      }
      %mul3A_145 = arith.constant 6 : i32
      %mul3A_146 = arith.muli %mul3A_145, %scan3A_85 : i32
      %add3A_147 = arith.constant 2 : i32
      %add3A_148 = arith.addi %mul3A_146, %add3A_147 : i32
      %dma_wait3A_149 = arith.constant 0 : i32
      %dma_wait3A_150 = tpu.memref_slice %arg2[%dma_wait3A_149] : memref<320000xi32, #tpu.memory_space<hbm>> -> memref<128xi32, #tpu.memory_space<hbm>>
      %dma_wait3A_151 = arith.constant 0 : i32
      %dma_wait3A_152 = tpu.memref_slice %arg2[%dma_wait3A_151] : memref<320000xi32, #tpu.memory_space<hbm>> -> memref<128xi32, #tpu.memory_space<hbm>>
      tpu.wait_dma2 semaphore(%arg24 : memref<!tpu.dma_semaphore, #tpu.memory_space<semaphore_mem>>) src(%dma_wait3A_152 : memref<128xi32, #tpu.memory_space<hbm>>) dst(%arg10 : memref<128xi32, #tpu.memory_space<vmem>>)
      %dma_wait3A_153 = arith.constant 0 : i32
      %dma_wait3A_154 = tpu.memref_slice %arg3[%dma_wait3A_153] : memref<320000xi32, #tpu.memory_space<hbm>> -> memref<128xi32, #tpu.memory_space<hbm>>
      %dma_wait3A_155 = arith.constant 0 : i32
      %dma_wait3A_156 = tpu.memref_slice %arg3[%dma_wait3A_155] : memref<320000xi32, #tpu.memory_space<hbm>> -> memref<128xi32, #tpu.memory_space<hbm>>
      tpu.wait_dma2 semaphore(%arg24 : memref<!tpu.dma_semaphore, #tpu.memory_space<semaphore_mem>>) src(%dma_wait3A_156 : memref<128xi32, #tpu.memory_space<hbm>>) dst(%arg16 : memref<128xi32, #tpu.memory_space<vmem>>)
      %dma_start3A_157 = arith.constant 0 : i32
      %dma_start3A_158 = arith.constant 0 : i32
      %dma_start3A_159 = tpu.memref_slice %arg34[%dma_start3A_157, %dma_start3A_158] : memref<10112x128xf32, #tpu.memory_space<vmem_shared>> -> memref<10112x128xf32, #tpu.memory_space<vmem_shared>>
      tpu.enqueue_indirect_dma source(%arg20 : memref<128x128xf32, #tpu.memory_space<vmem>>) target(%dma_start3A_159 : memref<10112x128xf32, #tpu.memory_space<vmem_shared>>) offsets(%arg10 : memref<128xi32, #tpu.memory_space<vmem>>) semaphore(%arg30 : memref<!tpu.dma_semaphore, #tpu.memory_space<semaphore_mem>>) {add = true}
      %dma_start3A_160 = arith.constant 0 : i32
      %dma_start3A_161 = arith.constant 0 : i32
      %dma_start3A_162 = tpu.memref_slice %arg34[%dma_start3A_160, %dma_start3A_161] : memref<10112x128xf32, #tpu.memory_space<vmem_shared>> -> memref<10112x128xf32, #tpu.memory_space<vmem_shared>>
      tpu.enqueue_indirect_dma source(%arg21 : memref<128x128xf32, #tpu.memory_space<vmem>>) target(%dma_start3A_162 : memref<10112x128xf32, #tpu.memory_space<vmem_shared>>) offsets(%arg16 : memref<128xi32, #tpu.memory_space<vmem>>) semaphore(%arg33 : memref<!tpu.dma_semaphore, #tpu.memory_space<semaphore_mem>>) {add = true}
      %ge3A_163 = arith.constant 2 : i32
      %ge3A_164 = arith.cmpi sge, %add3A_148, %ge3A_163 : i32
      %convert_element_type3A_165 = arith.extui %ge3A_164 : i1 to i32
      %cond3A_166 = arith.constant 0 : i32
      %cond3A_167 = arith.cmpi ne, %convert_element_type3A_165, %cond3A_166 : i32
      scf.if %cond3A_167 {
        %dma_wait3A_265 = arith.constant 0 : i32
        %dma_wait3A_266 = arith.constant 0 : i32
        %dma_wait3A_267 = tpu.memref_slice %arg34[%dma_wait3A_265, %dma_wait3A_266] : memref<10112x128xf32, #tpu.memory_space<vmem_shared>> -> memref<10112x128xf32, #tpu.memory_space<vmem_shared>>
        tpu.wait_indirect_dma semaphore(%arg28 : memref<!tpu.dma_semaphore, #tpu.memory_space<semaphore_mem>>) src(%arg20 : memref<128x128xf32, #tpu.memory_space<vmem>>) dst(%dma_wait3A_267 : memref<10112x128xf32, #tpu.memory_space<vmem_shared>>)
        %dma_wait3A_268 = arith.constant 0 : i32
        %dma_wait3A_269 = arith.constant 0 : i32
        %dma_wait3A_270 = tpu.memref_slice %arg34[%dma_wait3A_268, %dma_wait3A_269] : memref<10112x128xf32, #tpu.memory_space<vmem_shared>> -> memref<10112x128xf32, #tpu.memory_space<vmem_shared>>
        tpu.wait_indirect_dma semaphore(%arg31 : memref<!tpu.dma_semaphore, #tpu.memory_space<semaphore_mem>>) src(%arg21 : memref<128x128xf32, #tpu.memory_space<vmem>>) dst(%dma_wait3A_270 : memref<10112x128xf32, #tpu.memory_space<vmem_shared>>)
      } else {
      }
      %add3A_168 = arith.constant 4 : i32
      %add3A_169 = arith.addi %add3A_148, %add3A_168 : i32
      %lt3A_170 = arith.constant 78 : i32
      %lt3A_171 = arith.cmpi slt, %add3A_169, %lt3A_170 : i32
      %convert_element_type3A_172 = arith.extui %lt3A_171 : i1 to i32
      %cond3A_173 = arith.constant 0 : i32
      %cond3A_174 = arith.cmpi ne, %convert_element_type3A_172, %cond3A_173 : i32
      scf.if %cond3A_174 {
        %add3A_265 = arith.constant 4 : i32
        %add3A_266 = arith.addi %add3A_148, %add3A_265 : i32
        %mul3A_267 = arith.constant 78 : i32
        %mul3A_268 = arith.muli %add3A, %mul3A_267 : i32
        %add3A_269 = arith.addi %mul3A_268, %add3A_266 : i32
        %mul3A_270 = arith.constant 128 : i32
        %mul3A_271 = arith.muli %add3A_269, %mul3A_270 : i32
        %dma_start3A_272 = tpu.memref_slice %arg2[%mul3A_271] : memref<320000xi32, #tpu.memory_space<hbm>> -> memref<128xi32, #tpu.memory_space<hbm>>
        %dma_start3A_273 = tpu.memref_slice %arg2[%mul3A_271] : memref<320000xi32, #tpu.memory_space<hbm>> -> memref<128xi32, #tpu.memory_space<hbm>>
        tpu.enqueue_dma source(%dma_start3A_273 : memref<128xi32, #tpu.memory_space<hbm>>) target(%arg8 : memref<128xi32, #tpu.memory_space<vmem>>) target_semaphore(%arg22 : memref<!tpu.dma_semaphore, #tpu.memory_space<semaphore_mem>>)
        %mul3A_274 = arith.constant 78 : i32
        %mul3A_275 = arith.muli %add3A, %mul3A_274 : i32
        %add3A_276 = arith.addi %mul3A_275, %add3A_266 : i32
        %mul3A_277 = arith.constant 128 : i32
        %mul3A_278 = arith.muli %add3A_276, %mul3A_277 : i32
        %dma_start3A_279 = tpu.memref_slice %arg3[%mul3A_278] : memref<320000xi32, #tpu.memory_space<hbm>> -> memref<128xi32, #tpu.memory_space<hbm>>
        %dma_start3A_280 = tpu.memref_slice %arg3[%mul3A_278] : memref<320000xi32, #tpu.memory_space<hbm>> -> memref<128xi32, #tpu.memory_space<hbm>>
        tpu.enqueue_dma source(%dma_start3A_280 : memref<128xi32, #tpu.memory_space<hbm>>) target(%arg14 : memref<128xi32, #tpu.memory_space<vmem>>) target_semaphore(%arg22 : memref<!tpu.dma_semaphore, #tpu.memory_space<semaphore_mem>>)
      } else {
      }
      %mul3A_175 = arith.constant 6 : i32
      %mul3A_176 = arith.muli %mul3A_175, %scan3A_85 : i32
      %add3A_177 = arith.constant 3 : i32
      %add3A_178 = arith.addi %mul3A_176, %add3A_177 : i32
      %dma_wait3A_179 = arith.constant 0 : i32
      %dma_wait3A_180 = tpu.memref_slice %arg2[%dma_wait3A_179] : memref<320000xi32, #tpu.memory_space<hbm>> -> memref<128xi32, #tpu.memory_space<hbm>>
      %dma_wait3A_181 = arith.constant 0 : i32
      %dma_wait3A_182 = tpu.memref_slice %arg2[%dma_wait3A_181] : memref<320000xi32, #tpu.memory_space<hbm>> -> memref<128xi32, #tpu.memory_space<hbm>>
      tpu.wait_dma2 semaphore(%arg25 : memref<!tpu.dma_semaphore, #tpu.memory_space<semaphore_mem>>) src(%dma_wait3A_182 : memref<128xi32, #tpu.memory_space<hbm>>) dst(%arg11 : memref<128xi32, #tpu.memory_space<vmem>>)
      %dma_wait3A_183 = arith.constant 0 : i32
      %dma_wait3A_184 = tpu.memref_slice %arg3[%dma_wait3A_183] : memref<320000xi32, #tpu.memory_space<hbm>> -> memref<128xi32, #tpu.memory_space<hbm>>
      %dma_wait3A_185 = arith.constant 0 : i32
      %dma_wait3A_186 = tpu.memref_slice %arg3[%dma_wait3A_185] : memref<320000xi32, #tpu.memory_space<hbm>> -> memref<128xi32, #tpu.memory_space<hbm>>
      tpu.wait_dma2 semaphore(%arg25 : memref<!tpu.dma_semaphore, #tpu.memory_space<semaphore_mem>>) src(%dma_wait3A_186 : memref<128xi32, #tpu.memory_space<hbm>>) dst(%arg17 : memref<128xi32, #tpu.memory_space<vmem>>)
      %dma_start3A_187 = arith.constant 0 : i32
      %dma_start3A_188 = arith.constant 0 : i32
      %dma_start3A_189 = tpu.memref_slice %arg34[%dma_start3A_187, %dma_start3A_188] : memref<10112x128xf32, #tpu.memory_space<vmem_shared>> -> memref<10112x128xf32, #tpu.memory_space<vmem_shared>>
      tpu.enqueue_indirect_dma source(%arg20 : memref<128x128xf32, #tpu.memory_space<vmem>>) target(%dma_start3A_189 : memref<10112x128xf32, #tpu.memory_space<vmem_shared>>) offsets(%arg11 : memref<128xi32, #tpu.memory_space<vmem>>) semaphore(%arg28 : memref<!tpu.dma_semaphore, #tpu.memory_space<semaphore_mem>>) {add = true}
      %dma_start3A_190 = arith.constant 0 : i32
      %dma_start3A_191 = arith.constant 0 : i32
      %dma_start3A_192 = tpu.memref_slice %arg34[%dma_start3A_190, %dma_start3A_191] : memref<10112x128xf32, #tpu.memory_space<vmem_shared>> -> memref<10112x128xf32, #tpu.memory_space<vmem_shared>>
      tpu.enqueue_indirect_dma source(%arg21 : memref<128x128xf32, #tpu.memory_space<vmem>>) target(%dma_start3A_192 : memref<10112x128xf32, #tpu.memory_space<vmem_shared>>) offsets(%arg17 : memref<128xi32, #tpu.memory_space<vmem>>) semaphore(%arg31 : memref<!tpu.dma_semaphore, #tpu.memory_space<semaphore_mem>>) {add = true}
      %ge3A_193 = arith.constant 2 : i32
      %ge3A_194 = arith.cmpi sge, %add3A_178, %ge3A_193 : i32
      %convert_element_type3A_195 = arith.extui %ge3A_194 : i1 to i32
      %cond3A_196 = arith.constant 0 : i32
      %cond3A_197 = arith.cmpi ne, %convert_element_type3A_195, %cond3A_196 : i32
      scf.if %cond3A_197 {
        %dma_wait3A_265 = arith.constant 0 : i32
        %dma_wait3A_266 = arith.constant 0 : i32
        %dma_wait3A_267 = tpu.memref_slice %arg34[%dma_wait3A_265, %dma_wait3A_266] : memref<10112x128xf32, #tpu.memory_space<vmem_shared>> -> memref<10112x128xf32, #tpu.memory_space<vmem_shared>>
        tpu.wait_indirect_dma semaphore(%arg29 : memref<!tpu.dma_semaphore, #tpu.memory_space<semaphore_mem>>) src(%arg20 : memref<128x128xf32, #tpu.memory_space<vmem>>) dst(%dma_wait3A_267 : memref<10112x128xf32, #tpu.memory_space<vmem_shared>>)
        %dma_wait3A_268 = arith.constant 0 : i32
        %dma_wait3A_269 = arith.constant 0 : i32
        %dma_wait3A_270 = tpu.memref_slice %arg34[%dma_wait3A_268, %dma_wait3A_269] : memref<10112x128xf32, #tpu.memory_space<vmem_shared>> -> memref<10112x128xf32, #tpu.memory_space<vmem_shared>>
        tpu.wait_indirect_dma semaphore(%arg32 : memref<!tpu.dma_semaphore, #tpu.memory_space<semaphore_mem>>) src(%arg21 : memref<128x128xf32, #tpu.memory_space<vmem>>) dst(%dma_wait3A_270 : memref<10112x128xf32, #tpu.memory_space<vmem_shared>>)
      } else {
      }
      %add3A_198 = arith.constant 4 : i32
      %add3A_199 = arith.addi %add3A_178, %add3A_198 : i32
      %lt3A_200 = arith.constant 78 : i32
      %lt3A_201 = arith.cmpi slt, %add3A_199, %lt3A_200 : i32
      %convert_element_type3A_202 = arith.extui %lt3A_201 : i1 to i32
      %cond3A_203 = arith.constant 0 : i32
      %cond3A_204 = arith.cmpi ne, %convert_element_type3A_202, %cond3A_203 : i32
      scf.if %cond3A_204 {
        %add3A_265 = arith.constant 4 : i32
        %add3A_266 = arith.addi %add3A_178, %add3A_265 : i32
        %mul3A_267 = arith.constant 78 : i32
        %mul3A_268 = arith.muli %add3A, %mul3A_267 : i32
        %add3A_269 = arith.addi %mul3A_268, %add3A_266 : i32
        %mul3A_270 = arith.constant 128 : i32
        %mul3A_271 = arith.muli %add3A_269, %mul3A_270 : i32
        %dma_start3A_272 = tpu.memref_slice %arg2[%mul3A_271] : memref<320000xi32, #tpu.memory_space<hbm>> -> memref<128xi32, #tpu.memory_space<hbm>>
        %dma_start3A_273 = tpu.memref_slice %arg2[%mul3A_271] : memref<320000xi32, #tpu.memory_space<hbm>> -> memref<128xi32, #tpu.memory_space<hbm>>
        tpu.enqueue_dma source(%dma_start3A_273 : memref<128xi32, #tpu.memory_space<hbm>>) target(%arg9 : memref<128xi32, #tpu.memory_space<vmem>>) target_semaphore(%arg23 : memref<!tpu.dma_semaphore, #tpu.memory_space<semaphore_mem>>)
        %mul3A_274 = arith.constant 78 : i32
        %mul3A_275 = arith.muli %add3A, %mul3A_274 : i32
        %add3A_276 = arith.addi %mul3A_275, %add3A_266 : i32
        %mul3A_277 = arith.constant 128 : i32
        %mul3A_278 = arith.muli %add3A_276, %mul3A_277 : i32
        %dma_start3A_279 = tpu.memref_slice %arg3[%mul3A_278] : memref<320000xi32, #tpu.memory_space<hbm>> -> memref<128xi32, #tpu.memory_space<hbm>>
        %dma_start3A_280 = tpu.memref_slice %arg3[%mul3A_278] : memref<320000xi32, #tpu.memory_space<hbm>> -> memref<128xi32, #tpu.memory_space<hbm>>
        tpu.enqueue_dma source(%dma_start3A_280 : memref<128xi32, #tpu.memory_space<hbm>>) target(%arg15 : memref<128xi32, #tpu.memory_space<vmem>>) target_semaphore(%arg23 : memref<!tpu.dma_semaphore, #tpu.memory_space<semaphore_mem>>)
      } else {
      }
      %mul3A_205 = arith.constant 6 : i32
      %mul3A_206 = arith.muli %mul3A_205, %scan3A_85 : i32
      %add3A_207 = arith.constant 4 : i32
      %add3A_208 = arith.addi %mul3A_206, %add3A_207 : i32
      %dma_wait3A_209 = arith.constant 0 : i32
      %dma_wait3A_210 = tpu.memref_slice %arg2[%dma_wait3A_209] : memref<320000xi32, #tpu.memory_space<hbm>> -> memref<128xi32, #tpu.memory_space<hbm>>
      %dma_wait3A_211 = arith.constant 0 : i32
      %dma_wait3A_212 = tpu.memref_slice %arg2[%dma_wait3A_211] : memref<320000xi32, #tpu.memory_space<hbm>> -> memref<128xi32, #tpu.memory_space<hbm>>
      tpu.wait_dma2 semaphore(%arg26 : memref<!tpu.dma_semaphore, #tpu.memory_space<semaphore_mem>>) src(%dma_wait3A_212 : memref<128xi32, #tpu.memory_space<hbm>>) dst(%arg12 : memref<128xi32, #tpu.memory_space<vmem>>)
      %dma_wait3A_213 = arith.constant 0 : i32
      %dma_wait3A_214 = tpu.memref_slice %arg3[%dma_wait3A_213] : memref<320000xi32, #tpu.memory_space<hbm>> -> memref<128xi32, #tpu.memory_space<hbm>>
      %dma_wait3A_215 = arith.constant 0 : i32
      %dma_wait3A_216 = tpu.memref_slice %arg3[%dma_wait3A_215] : memref<320000xi32, #tpu.memory_space<hbm>> -> memref<128xi32, #tpu.memory_space<hbm>>
      tpu.wait_dma2 semaphore(%arg26 : memref<!tpu.dma_semaphore, #tpu.memory_space<semaphore_mem>>) src(%dma_wait3A_216 : memref<128xi32, #tpu.memory_space<hbm>>) dst(%arg18 : memref<128xi32, #tpu.memory_space<vmem>>)
      %dma_start3A_217 = arith.constant 0 : i32
      %dma_start3A_218 = arith.constant 0 : i32
      %dma_start3A_219 = tpu.memref_slice %arg34[%dma_start3A_217, %dma_start3A_218] : memref<10112x128xf32, #tpu.memory_space<vmem_shared>> -> memref<10112x128xf32, #tpu.memory_space<vmem_shared>>
      tpu.enqueue_indirect_dma source(%arg20 : memref<128x128xf32, #tpu.memory_space<vmem>>) target(%dma_start3A_219 : memref<10112x128xf32, #tpu.memory_space<vmem_shared>>) offsets(%arg12 : memref<128xi32, #tpu.memory_space<vmem>>) semaphore(%arg29 : memref<!tpu.dma_semaphore, #tpu.memory_space<semaphore_mem>>) {add = true}
      %dma_start3A_220 = arith.constant 0 : i32
      %dma_start3A_221 = arith.constant 0 : i32
      %dma_start3A_222 = tpu.memref_slice %arg34[%dma_start3A_220, %dma_start3A_221] : memref<10112x128xf32, #tpu.memory_space<vmem_shared>> -> memref<10112x128xf32, #tpu.memory_space<vmem_shared>>
      tpu.enqueue_indirect_dma source(%arg21 : memref<128x128xf32, #tpu.memory_space<vmem>>) target(%dma_start3A_222 : memref<10112x128xf32, #tpu.memory_space<vmem_shared>>) offsets(%arg18 : memref<128xi32, #tpu.memory_space<vmem>>) semaphore(%arg32 : memref<!tpu.dma_semaphore, #tpu.memory_space<semaphore_mem>>) {add = true}
      %ge3A_223 = arith.constant 2 : i32
      %ge3A_224 = arith.cmpi sge, %add3A_208, %ge3A_223 : i32
      %convert_element_type3A_225 = arith.extui %ge3A_224 : i1 to i32
      %cond3A_226 = arith.constant 0 : i32
      %cond3A_227 = arith.cmpi ne, %convert_element_type3A_225, %cond3A_226 : i32
      scf.if %cond3A_227 {
        %dma_wait3A_265 = arith.constant 0 : i32
        %dma_wait3A_266 = arith.constant 0 : i32
        %dma_wait3A_267 = tpu.memref_slice %arg34[%dma_wait3A_265, %dma_wait3A_266] : memref<10112x128xf32, #tpu.memory_space<vmem_shared>> -> memref<10112x128xf32, #tpu.memory_space<vmem_shared>>
        tpu.wait_indirect_dma semaphore(%arg30 : memref<!tpu.dma_semaphore, #tpu.memory_space<semaphore_mem>>) src(%arg20 : memref<128x128xf32, #tpu.memory_space<vmem>>) dst(%dma_wait3A_267 : memref<10112x128xf32, #tpu.memory_space<vmem_shared>>)
        %dma_wait3A_268 = arith.constant 0 : i32
        %dma_wait3A_269 = arith.constant 0 : i32
        %dma_wait3A_270 = tpu.memref_slice %arg34[%dma_wait3A_268, %dma_wait3A_269] : memref<10112x128xf32, #tpu.memory_space<vmem_shared>> -> memref<10112x128xf32, #tpu.memory_space<vmem_shared>>
        tpu.wait_indirect_dma semaphore(%arg33 : memref<!tpu.dma_semaphore, #tpu.memory_space<semaphore_mem>>) src(%arg21 : memref<128x128xf32, #tpu.memory_space<vmem>>) dst(%dma_wait3A_270 : memref<10112x128xf32, #tpu.memory_space<vmem_shared>>)
      } else {
      }
      %add3A_228 = arith.constant 4 : i32
      %add3A_229 = arith.addi %add3A_208, %add3A_228 : i32
      %lt3A_230 = arith.constant 78 : i32
      %lt3A_231 = arith.cmpi slt, %add3A_229, %lt3A_230 : i32
      %convert_element_type3A_232 = arith.extui %lt3A_231 : i1 to i32
      %cond3A_233 = arith.constant 0 : i32
      %cond3A_234 = arith.cmpi ne, %convert_element_type3A_232, %cond3A_233 : i32
      scf.if %cond3A_234 {
        %add3A_265 = arith.constant 4 : i32
        %add3A_266 = arith.addi %add3A_208, %add3A_265 : i32
        %mul3A_267 = arith.constant 78 : i32
        %mul3A_268 = arith.muli %add3A, %mul3A_267 : i32
        %add3A_269 = arith.addi %mul3A_268, %add3A_266 : i32
        %mul3A_270 = arith.constant 128 : i32
        %mul3A_271 = arith.muli %add3A_269, %mul3A_270 : i32
        %dma_start3A_272 = tpu.memref_slice %arg2[%mul3A_271] : memref<320000xi32, #tpu.memory_space<hbm>> -> memref<128xi32, #tpu.memory_space<hbm>>
        %dma_start3A_273 = tpu.memref_slice %arg2[%mul3A_271] : memref<320000xi32, #tpu.memory_space<hbm>> -> memref<128xi32, #tpu.memory_space<hbm>>
        tpu.enqueue_dma source(%dma_start3A_273 : memref<128xi32, #tpu.memory_space<hbm>>) target(%arg10 : memref<128xi32, #tpu.memory_space<vmem>>) target_semaphore(%arg24 : memref<!tpu.dma_semaphore, #tpu.memory_space<semaphore_mem>>)
        %mul3A_274 = arith.constant 78 : i32
        %mul3A_275 = arith.muli %add3A, %mul3A_274 : i32
        %add3A_276 = arith.addi %mul3A_275, %add3A_266 : i32
        %mul3A_277 = arith.constant 128 : i32
        %mul3A_278 = arith.muli %add3A_276, %mul3A_277 : i32
        %dma_start3A_279 = tpu.memref_slice %arg3[%mul3A_278] : memref<320000xi32, #tpu.memory_space<hbm>> -> memref<128xi32, #tpu.memory_space<hbm>>
        %dma_start3A_280 = tpu.memref_slice %arg3[%mul3A_278] : memref<320000xi32, #tpu.memory_space<hbm>> -> memref<128xi32, #tpu.memory_space<hbm>>
        tpu.enqueue_dma source(%dma_start3A_280 : memref<128xi32, #tpu.memory_space<hbm>>) target(%arg16 : memref<128xi32, #tpu.memory_space<vmem>>) target_semaphore(%arg24 : memref<!tpu.dma_semaphore, #tpu.memory_space<semaphore_mem>>)
      } else {
      }
      %mul3A_235 = arith.constant 6 : i32
      %mul3A_236 = arith.muli %mul3A_235, %scan3A_85 : i32
      %add3A_237 = arith.constant 5 : i32
      %add3A_238 = arith.addi %mul3A_236, %add3A_237 : i32
      %dma_wait3A_239 = arith.constant 0 : i32
      %dma_wait3A_240 = tpu.memref_slice %arg2[%dma_wait3A_239] : memref<320000xi32, #tpu.memory_space<hbm>> -> memref<128xi32, #tpu.memory_space<hbm>>
      %dma_wait3A_241 = arith.constant 0 : i32
      %dma_wait3A_242 = tpu.memref_slice %arg2[%dma_wait3A_241] : memref<320000xi32, #tpu.memory_space<hbm>> -> memref<128xi32, #tpu.memory_space<hbm>>
      tpu.wait_dma2 semaphore(%arg27 : memref<!tpu.dma_semaphore, #tpu.memory_space<semaphore_mem>>) src(%dma_wait3A_242 : memref<128xi32, #tpu.memory_space<hbm>>) dst(%arg13 : memref<128xi32, #tpu.memory_space<vmem>>)
      %dma_wait3A_243 = arith.constant 0 : i32
      %dma_wait3A_244 = tpu.memref_slice %arg3[%dma_wait3A_243] : memref<320000xi32, #tpu.memory_space<hbm>> -> memref<128xi32, #tpu.memory_space<hbm>>
      %dma_wait3A_245 = arith.constant 0 : i32
      %dma_wait3A_246 = tpu.memref_slice %arg3[%dma_wait3A_245] : memref<320000xi32, #tpu.memory_space<hbm>> -> memref<128xi32, #tpu.memory_space<hbm>>
      tpu.wait_dma2 semaphore(%arg27 : memref<!tpu.dma_semaphore, #tpu.memory_space<semaphore_mem>>) src(%dma_wait3A_246 : memref<128xi32, #tpu.memory_space<hbm>>) dst(%arg19 : memref<128xi32, #tpu.memory_space<vmem>>)
      %dma_start3A_247 = arith.constant 0 : i32
      %dma_start3A_248 = arith.constant 0 : i32
      %dma_start3A_249 = tpu.memref_slice %arg34[%dma_start3A_247, %dma_start3A_248] : memref<10112x128xf32, #tpu.memory_space<vmem_shared>> -> memref<10112x128xf32, #tpu.memory_space<vmem_shared>>
      tpu.enqueue_indirect_dma source(%arg20 : memref<128x128xf32, #tpu.memory_space<vmem>>) target(%dma_start3A_249 : memref<10112x128xf32, #tpu.memory_space<vmem_shared>>) offsets(%arg13 : memref<128xi32, #tpu.memory_space<vmem>>) semaphore(%arg30 : memref<!tpu.dma_semaphore, #tpu.memory_space<semaphore_mem>>) {add = true}
      %dma_start3A_250 = arith.constant 0 : i32
      %dma_start3A_251 = arith.constant 0 : i32
      %dma_start3A_252 = tpu.memref_slice %arg34[%dma_start3A_250, %dma_start3A_251] : memref<10112x128xf32, #tpu.memory_space<vmem_shared>> -> memref<10112x128xf32, #tpu.memory_space<vmem_shared>>
      tpu.enqueue_indirect_dma source(%arg21 : memref<128x128xf32, #tpu.memory_space<vmem>>) target(%dma_start3A_252 : memref<10112x128xf32, #tpu.memory_space<vmem_shared>>) offsets(%arg19 : memref<128xi32, #tpu.memory_space<vmem>>) semaphore(%arg33 : memref<!tpu.dma_semaphore, #tpu.memory_space<semaphore_mem>>) {add = true}
      %ge3A_253 = arith.constant 2 : i32
      %ge3A_254 = arith.cmpi sge, %add3A_238, %ge3A_253 : i32
      %convert_element_type3A_255 = arith.extui %ge3A_254 : i1 to i32
      %cond3A_256 = arith.constant 0 : i32
      %cond3A_257 = arith.cmpi ne, %convert_element_type3A_255, %cond3A_256 : i32
      scf.if %cond3A_257 {
        %dma_wait3A_265 = arith.constant 0 : i32
        %dma_wait3A_266 = arith.constant 0 : i32
        %dma_wait3A_267 = tpu.memref_slice %arg34[%dma_wait3A_265, %dma_wait3A_266] : memref<10112x128xf32, #tpu.memory_space<vmem_shared>> -> memref<10112x128xf32, #tpu.memory_space<vmem_shared>>
        tpu.wait_indirect_dma semaphore(%arg28 : memref<!tpu.dma_semaphore, #tpu.memory_space<semaphore_mem>>) src(%arg20 : memref<128x128xf32, #tpu.memory_space<vmem>>) dst(%dma_wait3A_267 : memref<10112x128xf32, #tpu.memory_space<vmem_shared>>)
        %dma_wait3A_268 = arith.constant 0 : i32
        %dma_wait3A_269 = arith.constant 0 : i32
        %dma_wait3A_270 = tpu.memref_slice %arg34[%dma_wait3A_268, %dma_wait3A_269] : memref<10112x128xf32, #tpu.memory_space<vmem_shared>> -> memref<10112x128xf32, #tpu.memory_space<vmem_shared>>
        tpu.wait_indirect_dma semaphore(%arg31 : memref<!tpu.dma_semaphore, #tpu.memory_space<semaphore_mem>>) src(%arg21 : memref<128x128xf32, #tpu.memory_space<vmem>>) dst(%dma_wait3A_270 : memref<10112x128xf32, #tpu.memory_space<vmem_shared>>)
      } else {
      }
      %add3A_258 = arith.constant 4 : i32
      %add3A_259 = arith.addi %add3A_238, %add3A_258 : i32
      %lt3A_260 = arith.constant 78 : i32
      %lt3A_261 = arith.cmpi slt, %add3A_259, %lt3A_260 : i32
      %convert_element_type3A_262 = arith.extui %lt3A_261 : i1 to i32
      %cond3A_263 = arith.constant 0 : i32
      %cond3A_264 = arith.cmpi ne, %convert_element_type3A_262, %cond3A_263 : i32
      scf.if %cond3A_264 {
        %add3A_265 = arith.constant 4 : i32
        %add3A_266 = arith.addi %add3A_238, %add3A_265 : i32
        %mul3A_267 = arith.constant 78 : i32
        %mul3A_268 = arith.muli %add3A, %mul3A_267 : i32
        %add3A_269 = arith.addi %mul3A_268, %add3A_266 : i32
        %mul3A_270 = arith.constant 128 : i32
        %mul3A_271 = arith.muli %add3A_269, %mul3A_270 : i32
        %dma_start3A_272 = tpu.memref_slice %arg2[%mul3A_271] : memref<320000xi32, #tpu.memory_space<hbm>> -> memref<128xi32, #tpu.memory_space<hbm>>
        %dma_start3A_273 = tpu.memref_slice %arg2[%mul3A_271] : memref<320000xi32, #tpu.memory_space<hbm>> -> memref<128xi32, #tpu.memory_space<hbm>>
        tpu.enqueue_dma source(%dma_start3A_273 : memref<128xi32, #tpu.memory_space<hbm>>) target(%arg11 : memref<128xi32, #tpu.memory_space<vmem>>) target_semaphore(%arg25 : memref<!tpu.dma_semaphore, #tpu.memory_space<semaphore_mem>>)
        %mul3A_274 = arith.constant 78 : i32
        %mul3A_275 = arith.muli %add3A, %mul3A_274 : i32
        %add3A_276 = arith.addi %mul3A_275, %add3A_266 : i32
        %mul3A_277 = arith.constant 128 : i32
        %mul3A_278 = arith.muli %add3A_276, %mul3A_277 : i32
        %dma_start3A_279 = tpu.memref_slice %arg3[%mul3A_278] : memref<320000xi32, #tpu.memory_space<hbm>> -> memref<128xi32, #tpu.memory_space<hbm>>
        %dma_start3A_280 = tpu.memref_slice %arg3[%mul3A_278] : memref<320000xi32, #tpu.memory_space<hbm>> -> memref<128xi32, #tpu.memory_space<hbm>>
        tpu.enqueue_dma source(%dma_start3A_280 : memref<128xi32, #tpu.memory_space<hbm>>) target(%arg17 : memref<128xi32, #tpu.memory_space<vmem>>) target_semaphore(%arg25 : memref<!tpu.dma_semaphore, #tpu.memory_space<semaphore_mem>>)
      } else {
      }
    }
    %scan3A_70 = arith.constant 13 : i32
    %dma_wait3A = arith.constant 0 : i32
    %dma_wait3A_71 = arith.constant 0 : i32
    %dma_wait3A_72 = tpu.memref_slice %arg34[%dma_wait3A, %dma_wait3A_71] : memref<10112x128xf32, #tpu.memory_space<vmem_shared>> -> memref<10112x128xf32, #tpu.memory_space<vmem_shared>>
    tpu.wait_indirect_dma semaphore(%arg29 : memref<!tpu.dma_semaphore, #tpu.memory_space<semaphore_mem>>) src(%arg20 : memref<128x128xf32, #tpu.memory_space<vmem>>) dst(%dma_wait3A_72 : memref<10112x128xf32, #tpu.memory_space<vmem_shared>>)
    %dma_wait3A_73 = arith.constant 0 : i32
    %dma_wait3A_74 = arith.constant 0 : i32
    %dma_wait3A_75 = tpu.memref_slice %arg34[%dma_wait3A_73, %dma_wait3A_74] : memref<10112x128xf32, #tpu.memory_space<vmem_shared>> -> memref<10112x128xf32, #tpu.memory_space<vmem_shared>>
    tpu.wait_indirect_dma semaphore(%arg32 : memref<!tpu.dma_semaphore, #tpu.memory_space<semaphore_mem>>) src(%arg21 : memref<128x128xf32, #tpu.memory_space<vmem>>) dst(%dma_wait3A_75 : memref<10112x128xf32, #tpu.memory_space<vmem_shared>>)
    %dma_wait3A_76 = arith.constant 0 : i32
    %dma_wait3A_77 = arith.constant 0 : i32
    %dma_wait3A_78 = tpu.memref_slice %arg34[%dma_wait3A_76, %dma_wait3A_77] : memref<10112x128xf32, #tpu.memory_space<vmem_shared>> -> memref<10112x128xf32, #tpu.memory_space<vmem_shared>>
    tpu.wait_indirect_dma semaphore(%arg30 : memref<!tpu.dma_semaphore, #tpu.memory_space<semaphore_mem>>) src(%arg20 : memref<128x128xf32, #tpu.memory_space<vmem>>) dst(%dma_wait3A_78 : memref<10112x128xf32, #tpu.memory_space<vmem_shared>>)
    %dma_wait3A_79 = arith.constant 0 : i32
    %dma_wait3A_80 = arith.constant 0 : i32
    %dma_wait3A_81 = tpu.memref_slice %arg34[%dma_wait3A_79, %dma_wait3A_80] : memref<10112x128xf32, #tpu.memory_space<vmem_shared>> -> memref<10112x128xf32, #tpu.memory_space<vmem_shared>>
    tpu.wait_indirect_dma semaphore(%arg33 : memref<!tpu.dma_semaphore, #tpu.memory_space<semaphore_mem>>) src(%arg21 : memref<128x128xf32, #tpu.memory_space<vmem>>) dst(%dma_wait3A_81 : memref<10112x128xf32, #tpu.memory_space<vmem_shared>>)
    %lt3A = arith.constant 4 : i32
    %lt3A_82 = arith.cmpi slt, %add3A, %lt3A : i32
    %convert_element_type3A = arith.extui %lt3A_82 : i1 to i32
    %cond3A = arith.constant 0 : i32
    %cond3A_83 = arith.cmpi ne, %convert_element_type3A, %cond3A : i32
    scf.if %cond3A_83 {
      %add3A_85 = arith.constant 2496 : i32
      %add3A_86 = arith.addi %add3A_85, %add3A : i32
      %mul3A_87 = arith.constant 128 : i32
      %mul3A_88 = arith.muli %add3A_86, %mul3A_87 : i32
      "tpu.region"() ({
        %run_scoped3A = tpu.sem_alloc : memref<!tpu.dma_semaphore, #tpu.memory_space<semaphore_mem>>
        %dma_start3A_89 = tpu.memref_slice %arg2[%mul3A_88] : memref<320000xi32, #tpu.memory_space<hbm>> -> memref<128xi32, #tpu.memory_space<hbm>>
        %dma_start3A_90 = tpu.memref_slice %arg2[%mul3A_88] : memref<320000xi32, #tpu.memory_space<hbm>> -> memref<128xi32, #tpu.memory_space<hbm>>
        tpu.enqueue_dma source(%dma_start3A_90 : memref<128xi32, #tpu.memory_space<hbm>>) target(%arg8 : memref<128xi32, #tpu.memory_space<vmem>>) target_semaphore(%run_scoped3A : memref<!tpu.dma_semaphore, #tpu.memory_space<semaphore_mem>>)
        %dma_wait3A_91 = tpu.memref_slice %arg2[%mul3A_88] : memref<320000xi32, #tpu.memory_space<hbm>> -> memref<128xi32, #tpu.memory_space<hbm>>
        %dma_wait3A_92 = tpu.memref_slice %arg2[%mul3A_88] : memref<320000xi32, #tpu.memory_space<hbm>> -> memref<128xi32, #tpu.memory_space<hbm>>
        tpu.wait_dma2 semaphore(%run_scoped3A : memref<!tpu.dma_semaphore, #tpu.memory_space<semaphore_mem>>) src(%dma_wait3A_92 : memref<128xi32, #tpu.memory_space<hbm>>) dst(%arg8 : memref<128xi32, #tpu.memory_space<vmem>>)
        tpu.yield
      }) : () -> ()
      "tpu.region"() ({
        %run_scoped3A = tpu.sem_alloc : memref<!tpu.dma_semaphore, #tpu.memory_space<semaphore_mem>>
        %dma_start3A_89 = tpu.memref_slice %arg3[%mul3A_88] : memref<320000xi32, #tpu.memory_space<hbm>> -> memref<128xi32, #tpu.memory_space<hbm>>
        %dma_start3A_90 = tpu.memref_slice %arg3[%mul3A_88] : memref<320000xi32, #tpu.memory_space<hbm>> -> memref<128xi32, #tpu.memory_space<hbm>>
        tpu.enqueue_dma source(%dma_start3A_90 : memref<128xi32, #tpu.memory_space<hbm>>) target(%arg14 : memref<128xi32, #tpu.memory_space<vmem>>) target_semaphore(%run_scoped3A : memref<!tpu.dma_semaphore, #tpu.memory_space<semaphore_mem>>)
        %dma_wait3A_91 = tpu.memref_slice %arg3[%mul3A_88] : memref<320000xi32, #tpu.memory_space<hbm>> -> memref<128xi32, #tpu.memory_space<hbm>>
        %dma_wait3A_92 = tpu.memref_slice %arg3[%mul3A_88] : memref<320000xi32, #tpu.memory_space<hbm>> -> memref<128xi32, #tpu.memory_space<hbm>>
        tpu.wait_dma2 semaphore(%run_scoped3A : memref<!tpu.dma_semaphore, #tpu.memory_space<semaphore_mem>>) src(%dma_wait3A_92 : memref<128xi32, #tpu.memory_space<hbm>>) dst(%arg14 : memref<128xi32, #tpu.memory_space<vmem>>)
        tpu.yield
      }) : () -> ()
      "tpu.region"() ({
        %run_scoped3A = tpu.sem_alloc : memref<!tpu.dma_semaphore, #tpu.memory_space<semaphore_mem>>
        %dma_start3A_89 = arith.constant 0 : i32
        %dma_start3A_90 = arith.constant 0 : i32
        %dma_start3A_91 = tpu.memref_slice %arg34[%dma_start3A_89, %dma_start3A_90] : memref<10112x128xf32, #tpu.memory_space<vmem_shared>> -> memref<10112x128xf32, #tpu.memory_space<vmem_shared>>
        tpu.enqueue_indirect_dma source(%arg20 : memref<128x128xf32, #tpu.memory_space<vmem>>) target(%dma_start3A_91 : memref<10112x128xf32, #tpu.memory_space<vmem_shared>>) offsets(%arg8 : memref<128xi32, #tpu.memory_space<vmem>>) semaphore(%run_scoped3A : memref<!tpu.dma_semaphore, #tpu.memory_space<semaphore_mem>>) {add = true}
        %dma_wait3A_92 = arith.constant 0 : i32
        %dma_wait3A_93 = arith.constant 0 : i32
        %dma_wait3A_94 = tpu.memref_slice %arg34[%dma_wait3A_92, %dma_wait3A_93] : memref<10112x128xf32, #tpu.memory_space<vmem_shared>> -> memref<10112x128xf32, #tpu.memory_space<vmem_shared>>
        tpu.wait_indirect_dma semaphore(%run_scoped3A : memref<!tpu.dma_semaphore, #tpu.memory_space<semaphore_mem>>) src(%arg20 : memref<128x128xf32, #tpu.memory_space<vmem>>) dst(%dma_wait3A_94 : memref<10112x128xf32, #tpu.memory_space<vmem_shared>>)
        tpu.yield
      }) : () -> ()
      "tpu.region"() ({
        %run_scoped3A = tpu.sem_alloc : memref<!tpu.dma_semaphore, #tpu.memory_space<semaphore_mem>>
        %dma_start3A_89 = arith.constant 0 : i32
        %dma_start3A_90 = arith.constant 0 : i32
        %dma_start3A_91 = tpu.memref_slice %arg34[%dma_start3A_89, %dma_start3A_90] : memref<10112x128xf32, #tpu.memory_space<vmem_shared>> -> memref<10112x128xf32, #tpu.memory_space<vmem_shared>>
        tpu.enqueue_indirect_dma source(%arg21 : memref<128x128xf32, #tpu.memory_space<vmem>>) target(%dma_start3A_91 : memref<10112x128xf32, #tpu.memory_space<vmem_shared>>) offsets(%arg14 : memref<128xi32, #tpu.memory_space<vmem>>) semaphore(%run_scoped3A : memref<!tpu.dma_semaphore, #tpu.memory_space<semaphore_mem>>) {add = true}
        %dma_wait3A_92 = arith.constant 0 : i32
        %dma_wait3A_93 = arith.constant 0 : i32
        %dma_wait3A_94 = tpu.memref_slice %arg34[%dma_wait3A_92, %dma_wait3A_93] : memref<10112x128xf32, #tpu.memory_space<vmem_shared>> -> memref<10112x128xf32, #tpu.memory_space<vmem_shared>>
        tpu.wait_indirect_dma semaphore(%run_scoped3A : memref<!tpu.dma_semaphore, #tpu.memory_space<semaphore_mem>>) src(%arg21 : memref<128x128xf32, #tpu.memory_space<vmem>>) dst(%dma_wait3A_94 : memref<10112x128xf32, #tpu.memory_space<vmem_shared>>)
        tpu.yield
      }) : () -> ()
    } else {
    }
    %barrier3A_84 = arith.constant 0 : index
    tpu.barrier barrier_id(%barrier3A_84)
    "tpu.region"() ({
      %run_scoped3A = tpu.sem_alloc : memref<!tpu.dma_semaphore, #tpu.memory_space<semaphore_mem>>
      %dma_start3A_85 = arith.constant 0 : i32
      %dma_start3A_86 = tpu.memref_slice %arg7[%arg0, %mul3A_2, %dma_start3A_85] : memref<2x10112x128xf32, #tpu.memory_space<hbm>> -> memref<1x632x128xf32, #tpu.memory_space<hbm>>
      %dma_start3A_87 = tpu.memref_squeeze %dma_start3A_86 : memref<1x632x128xf32, #tpu.memory_space<hbm>> -> memref<632x128xf32, #tpu.memory_space<hbm>>
      %dma_start3A_88 = arith.constant 0 : i32
      %dma_start3A_89 = tpu.memref_slice %arg34[%mul3A_2, %dma_start3A_88] : memref<10112x128xf32, #tpu.memory_space<vmem_shared>> -> memref<632x128xf32, #tpu.memory_space<vmem_shared>>
      tpu.enqueue_dma source(%dma_start3A_89 : memref<632x128xf32, #tpu.memory_space<vmem_shared>>) target(%dma_start3A_87 : memref<632x128xf32, #tpu.memory_space<hbm>>) target_semaphore(%run_scoped3A : memref<!tpu.dma_semaphore, #tpu.memory_space<semaphore_mem>>)
      %dma_wait3A_90 = arith.constant 0 : i32
      %dma_wait3A_91 = tpu.memref_slice %arg7[%arg0, %mul3A_2, %dma_wait3A_90] : memref<2x10112x128xf32, #tpu.memory_space<hbm>> -> memref<1x632x128xf32, #tpu.memory_space<hbm>>
      %dma_wait3A_92 = tpu.memref_squeeze %dma_wait3A_91 : memref<1x632x128xf32, #tpu.memory_space<hbm>> -> memref<632x128xf32, #tpu.memory_space<hbm>>
      %dma_wait3A_93 = arith.constant 0 : i32
      %dma_wait3A_94 = tpu.memref_slice %arg34[%mul3A_2, %dma_wait3A_93] : memref<10112x128xf32, #tpu.memory_space<vmem_shared>> -> memref<632x128xf32, #tpu.memory_space<vmem_shared>>
      tpu.wait_dma2 semaphore(%run_scoped3A : memref<!tpu.dma_semaphore, #tpu.memory_space<semaphore_mem>>) src(%dma_wait3A_94 : memref<632x128xf32, #tpu.memory_space<vmem_shared>>) dst(%dma_wait3A_92 : memref<632x128xf32, #tpu.memory_space<hbm>>)
      tpu.yield
    }) : () -> ()
    return
  }
}

#map = affine_map<(d0, d1) -> (0, 0)>
#map1 = affine_map<(d0, d1) -> (0)>
#map2 = affine_map<(d0, d1) -> (0, 0, 0)>
module attributes {stable_mosaic.version = 14 : i64} {
  func.func @_sc_aggregate(%arg0: i32, %arg1: i32, %arg2: memref<10000x128xf32, #tpu.memory_space<hbm>>, %arg3: memref<320000xi32, #tpu.memory_space<hbm>>, %arg4: memref<320000xi32, #tpu.memory_space<hbm>>, %arg5: memref<10112x128xf32, #tpu.memory_space<hbm>>, %arg6: memref<2x10112x128xf32, #tpu.memory_space<hbm>>, %arg7: memref<128xi32, #tpu.memory_space<vmem>>, %arg8: memref<128xi32, #tpu.memory_space<vmem>>, %arg9: memref<128xi32, #tpu.memory_space<vmem>>, %arg10: memref<128xi32, #tpu.memory_space<vmem>>, %arg11: memref<128xi32, #tpu.memory_space<vmem>>, %arg12: memref<128xi32, #tpu.memory_space<vmem>>, %arg13: memref<128xi32, #tpu.memory_space<vmem>>, %arg14: memref<128xi32, #tpu.memory_space<vmem>>, %arg15: memref<128xi32, #tpu.memory_space<vmem>>, %arg16: memref<128xi32, #tpu.memory_space<vmem>>, %arg17: memref<128xi32, #tpu.memory_space<vmem>>, %arg18: memref<128xi32, #tpu.memory_space<vmem>>, %arg19: memref<128x128xf32, #tpu.memory_space<vmem>>, %arg20: memref<128x128xf32, #tpu.memory_space<vmem>>, %arg21: memref<!tpu.dma_semaphore, #tpu.memory_space<semaphore_mem>>, %arg22: memref<!tpu.dma_semaphore, #tpu.memory_space<semaphore_mem>>, %arg23: memref<!tpu.dma_semaphore, #tpu.memory_space<semaphore_mem>>, %arg24: memref<!tpu.dma_semaphore, #tpu.memory_space<semaphore_mem>>, %arg25: memref<!tpu.dma_semaphore, #tpu.memory_space<semaphore_mem>>, %arg26: memref<!tpu.dma_semaphore, #tpu.memory_space<semaphore_mem>>, %arg27: memref<!tpu.dma_semaphore, #tpu.memory_space<semaphore_mem>>, %arg28: memref<!tpu.dma_semaphore, #tpu.memory_space<semaphore_mem>>, %arg29: memref<!tpu.dma_semaphore, #tpu.memory_space<semaphore_mem>>, %arg30: memref<!tpu.dma_semaphore, #tpu.memory_space<semaphore_mem>>, %arg31: memref<10112x128xf32, #tpu.memory_space<vmem_shared>>) attributes {dimension_semantics = [#tpu.dimension_semantics<core_parallel>, #tpu.dimension_semantics<subcore_parallel>], iteration_bounds = array<i64: 2, 16>, scalar_prefetch = 0 : i64, scratch_operands = 25 : i64, tpu.core_type = #tpu.core_type<sc_vector_subcore>, window_params = [{transform_indices = #map}, {transform_indices = #map1}, {transform_indices = #map1}, {transform_indices = #map}, {transform_indices = #map2}]} {
    %mul3A = arith.constant 2 : i32
    %mul3A_0 = arith.muli %arg1, %mul3A : i32
    %add3A = arith.addi %mul3A_0, %arg0 : i32
    %mul3A_1 = arith.constant 632 : i32
    %mul3A_2 = arith.muli %arg1, %mul3A_1 : i32
    "tpu.region"() ({
      %run_scoped3A = tpu.sem_alloc : memref<!tpu.dma_semaphore, #tpu.memory_space<semaphore_mem>>
      %dma_start3A_87 = arith.constant 0 : i32
      %dma_start3A_88 = tpu.memref_slice %arg31[%mul3A_2, %dma_start3A_87] : memref<10112x128xf32, #tpu.memory_space<vmem_shared>> -> memref<632x128xf32, #tpu.memory_space<vmem_shared>>
      %dma_start3A_89 = arith.constant 0 : i32
      %dma_start3A_90 = tpu.memref_slice %arg5[%mul3A_2, %dma_start3A_89] : memref<10112x128xf32, #tpu.memory_space<hbm>> -> memref<632x128xf32, #tpu.memory_space<hbm>>
      tpu.enqueue_dma source(%dma_start3A_90 : memref<632x128xf32, #tpu.memory_space<hbm>>) target(%dma_start3A_88 : memref<632x128xf32, #tpu.memory_space<vmem_shared>>) target_semaphore(%run_scoped3A : memref<!tpu.dma_semaphore, #tpu.memory_space<semaphore_mem>>)
      %dma_wait3A_91 = arith.constant 0 : i32
      %dma_wait3A_92 = tpu.memref_slice %arg31[%mul3A_2, %dma_wait3A_91] : memref<10112x128xf32, #tpu.memory_space<vmem_shared>> -> memref<632x128xf32, #tpu.memory_space<vmem_shared>>
      %dma_wait3A_93 = arith.constant 0 : i32
      %dma_wait3A_94 = tpu.memref_slice %arg5[%mul3A_2, %dma_wait3A_93] : memref<10112x128xf32, #tpu.memory_space<hbm>> -> memref<632x128xf32, #tpu.memory_space<hbm>>
      tpu.wait_dma2 semaphore(%run_scoped3A : memref<!tpu.dma_semaphore, #tpu.memory_space<semaphore_mem>>) src(%dma_wait3A_94 : memref<632x128xf32, #tpu.memory_space<hbm>>) dst(%dma_wait3A_92 : memref<632x128xf32, #tpu.memory_space<vmem_shared>>)
      tpu.yield
    }) : () -> ()
    %barrier3A = arith.constant 0 : index
    tpu.barrier barrier_id(%barrier3A)
    %mul3A_3 = arith.constant 78 : i32
    %mul3A_4 = arith.muli %add3A, %mul3A_3 : i32
    %add3A_5 = arith.constant 0 : i32
    %add3A_6 = arith.addi %mul3A_4, %add3A_5 : i32
    %mul3A_7 = arith.constant 128 : i32
    %mul3A_8 = arith.muli %add3A_6, %mul3A_7 : i32
    %dma_start3A = tpu.memref_slice %arg3[%mul3A_8] : memref<320000xi32, #tpu.memory_space<hbm>> -> memref<128xi32, #tpu.memory_space<hbm>>
    %dma_start3A_9 = tpu.memref_slice %arg3[%mul3A_8] : memref<320000xi32, #tpu.memory_space<hbm>> -> memref<128xi32, #tpu.memory_space<hbm>>
    tpu.enqueue_dma source(%dma_start3A_9 : memref<128xi32, #tpu.memory_space<hbm>>) target(%arg7 : memref<128xi32, #tpu.memory_space<vmem>>) target_semaphore(%arg21 : memref<!tpu.dma_semaphore, #tpu.memory_space<semaphore_mem>>)
    %mul3A_10 = arith.constant 78 : i32
    %mul3A_11 = arith.muli %add3A, %mul3A_10 : i32
    %add3A_12 = arith.constant 0 : i32
    %add3A_13 = arith.addi %mul3A_11, %add3A_12 : i32
    %mul3A_14 = arith.constant 128 : i32
    %mul3A_15 = arith.muli %add3A_13, %mul3A_14 : i32
    %dma_start3A_16 = tpu.memref_slice %arg4[%mul3A_15] : memref<320000xi32, #tpu.memory_space<hbm>> -> memref<128xi32, #tpu.memory_space<hbm>>
    %dma_start3A_17 = tpu.memref_slice %arg4[%mul3A_15] : memref<320000xi32, #tpu.memory_space<hbm>> -> memref<128xi32, #tpu.memory_space<hbm>>
    tpu.enqueue_dma source(%dma_start3A_17 : memref<128xi32, #tpu.memory_space<hbm>>) target(%arg13 : memref<128xi32, #tpu.memory_space<vmem>>) target_semaphore(%arg21 : memref<!tpu.dma_semaphore, #tpu.memory_space<semaphore_mem>>)
    %mul3A_18 = arith.constant 78 : i32
    %mul3A_19 = arith.muli %add3A, %mul3A_18 : i32
    %add3A_20 = arith.constant 1 : i32
    %add3A_21 = arith.addi %mul3A_19, %add3A_20 : i32
    %mul3A_22 = arith.constant 128 : i32
    %mul3A_23 = arith.muli %add3A_21, %mul3A_22 : i32
    %dma_start3A_24 = tpu.memref_slice %arg3[%mul3A_23] : memref<320000xi32, #tpu.memory_space<hbm>> -> memref<128xi32, #tpu.memory_space<hbm>>
    %dma_start3A_25 = tpu.memref_slice %arg3[%mul3A_23] : memref<320000xi32, #tpu.memory_space<hbm>> -> memref<128xi32, #tpu.memory_space<hbm>>
    tpu.enqueue_dma source(%dma_start3A_25 : memref<128xi32, #tpu.memory_space<hbm>>) target(%arg8 : memref<128xi32, #tpu.memory_space<vmem>>) target_semaphore(%arg22 : memref<!tpu.dma_semaphore, #tpu.memory_space<semaphore_mem>>)
    %mul3A_26 = arith.constant 78 : i32
    %mul3A_27 = arith.muli %add3A, %mul3A_26 : i32
    %add3A_28 = arith.constant 1 : i32
    %add3A_29 = arith.addi %mul3A_27, %add3A_28 : i32
    %mul3A_30 = arith.constant 128 : i32
    %mul3A_31 = arith.muli %add3A_29, %mul3A_30 : i32
    %dma_start3A_32 = tpu.memref_slice %arg4[%mul3A_31] : memref<320000xi32, #tpu.memory_space<hbm>> -> memref<128xi32, #tpu.memory_space<hbm>>
    %dma_start3A_33 = tpu.memref_slice %arg4[%mul3A_31] : memref<320000xi32, #tpu.memory_space<hbm>> -> memref<128xi32, #tpu.memory_space<hbm>>
    tpu.enqueue_dma source(%dma_start3A_33 : memref<128xi32, #tpu.memory_space<hbm>>) target(%arg14 : memref<128xi32, #tpu.memory_space<vmem>>) target_semaphore(%arg22 : memref<!tpu.dma_semaphore, #tpu.memory_space<semaphore_mem>>)
    %mul3A_34 = arith.constant 78 : i32
    %mul3A_35 = arith.muli %add3A, %mul3A_34 : i32
    %add3A_36 = arith.constant 2 : i32
    %add3A_37 = arith.addi %mul3A_35, %add3A_36 : i32
    %mul3A_38 = arith.constant 128 : i32
    %mul3A_39 = arith.muli %add3A_37, %mul3A_38 : i32
    %dma_start3A_40 = tpu.memref_slice %arg3[%mul3A_39] : memref<320000xi32, #tpu.memory_space<hbm>> -> memref<128xi32, #tpu.memory_space<hbm>>
    %dma_start3A_41 = tpu.memref_slice %arg3[%mul3A_39] : memref<320000xi32, #tpu.memory_space<hbm>> -> memref<128xi32, #tpu.memory_space<hbm>>
    tpu.enqueue_dma source(%dma_start3A_41 : memref<128xi32, #tpu.memory_space<hbm>>) target(%arg9 : memref<128xi32, #tpu.memory_space<vmem>>) target_semaphore(%arg23 : memref<!tpu.dma_semaphore, #tpu.memory_space<semaphore_mem>>)
    %mul3A_42 = arith.constant 78 : i32
    %mul3A_43 = arith.muli %add3A, %mul3A_42 : i32
    %add3A_44 = arith.constant 2 : i32
    %add3A_45 = arith.addi %mul3A_43, %add3A_44 : i32
    %mul3A_46 = arith.constant 128 : i32
    %mul3A_47 = arith.muli %add3A_45, %mul3A_46 : i32
    %dma_start3A_48 = tpu.memref_slice %arg4[%mul3A_47] : memref<320000xi32, #tpu.memory_space<hbm>> -> memref<128xi32, #tpu.memory_space<hbm>>
    %dma_start3A_49 = tpu.memref_slice %arg4[%mul3A_47] : memref<320000xi32, #tpu.memory_space<hbm>> -> memref<128xi32, #tpu.memory_space<hbm>>
    tpu.enqueue_dma source(%dma_start3A_49 : memref<128xi32, #tpu.memory_space<hbm>>) target(%arg15 : memref<128xi32, #tpu.memory_space<vmem>>) target_semaphore(%arg23 : memref<!tpu.dma_semaphore, #tpu.memory_space<semaphore_mem>>)
    %mul3A_50 = arith.constant 78 : i32
    %mul3A_51 = arith.muli %add3A, %mul3A_50 : i32
    %add3A_52 = arith.constant 3 : i32
    %add3A_53 = arith.addi %mul3A_51, %add3A_52 : i32
    %mul3A_54 = arith.constant 128 : i32
    %mul3A_55 = arith.muli %add3A_53, %mul3A_54 : i32
    %dma_start3A_56 = tpu.memref_slice %arg3[%mul3A_55] : memref<320000xi32, #tpu.memory_space<hbm>> -> memref<128xi32, #tpu.memory_space<hbm>>
    %dma_start3A_57 = tpu.memref_slice %arg3[%mul3A_55] : memref<320000xi32, #tpu.memory_space<hbm>> -> memref<128xi32, #tpu.memory_space<hbm>>
    tpu.enqueue_dma source(%dma_start3A_57 : memref<128xi32, #tpu.memory_space<hbm>>) target(%arg10 : memref<128xi32, #tpu.memory_space<vmem>>) target_semaphore(%arg24 : memref<!tpu.dma_semaphore, #tpu.memory_space<semaphore_mem>>)
    %mul3A_58 = arith.constant 78 : i32
    %mul3A_59 = arith.muli %add3A, %mul3A_58 : i32
    %add3A_60 = arith.constant 3 : i32
    %add3A_61 = arith.addi %mul3A_59, %add3A_60 : i32
    %mul3A_62 = arith.constant 128 : i32
    %mul3A_63 = arith.muli %add3A_61, %mul3A_62 : i32
    %dma_start3A_64 = tpu.memref_slice %arg4[%mul3A_63] : memref<320000xi32, #tpu.memory_space<hbm>> -> memref<128xi32, #tpu.memory_space<hbm>>
    %dma_start3A_65 = tpu.memref_slice %arg4[%mul3A_63] : memref<320000xi32, #tpu.memory_space<hbm>> -> memref<128xi32, #tpu.memory_space<hbm>>
    tpu.enqueue_dma source(%dma_start3A_65 : memref<128xi32, #tpu.memory_space<hbm>>) target(%arg16 : memref<128xi32, #tpu.memory_space<vmem>>) target_semaphore(%arg24 : memref<!tpu.dma_semaphore, #tpu.memory_space<semaphore_mem>>)
    %dma_wait3A = arith.constant 0 : i32
    %dma_wait3A_66 = tpu.memref_slice %arg3[%dma_wait3A] : memref<320000xi32, #tpu.memory_space<hbm>> -> memref<128xi32, #tpu.memory_space<hbm>>
    %dma_wait3A_67 = arith.constant 0 : i32
    %dma_wait3A_68 = tpu.memref_slice %arg3[%dma_wait3A_67] : memref<320000xi32, #tpu.memory_space<hbm>> -> memref<128xi32, #tpu.memory_space<hbm>>
    tpu.wait_dma2 semaphore(%arg21 : memref<!tpu.dma_semaphore, #tpu.memory_space<semaphore_mem>>) src(%dma_wait3A_68 : memref<128xi32, #tpu.memory_space<hbm>>) dst(%arg7 : memref<128xi32, #tpu.memory_space<vmem>>)
    %dma_wait3A_69 = arith.constant 0 : i32
    %dma_wait3A_70 = tpu.memref_slice %arg4[%dma_wait3A_69] : memref<320000xi32, #tpu.memory_space<hbm>> -> memref<128xi32, #tpu.memory_space<hbm>>
    %dma_wait3A_71 = arith.constant 0 : i32
    %dma_wait3A_72 = tpu.memref_slice %arg4[%dma_wait3A_71] : memref<320000xi32, #tpu.memory_space<hbm>> -> memref<128xi32, #tpu.memory_space<hbm>>
    tpu.wait_dma2 semaphore(%arg21 : memref<!tpu.dma_semaphore, #tpu.memory_space<semaphore_mem>>) src(%dma_wait3A_72 : memref<128xi32, #tpu.memory_space<hbm>>) dst(%arg13 : memref<128xi32, #tpu.memory_space<vmem>>)
    %dma_start3A_73 = arith.constant 0 : i32
    %dma_start3A_74 = arith.constant 0 : i32
    %dma_start3A_75 = tpu.memref_slice %arg2[%dma_start3A_73, %dma_start3A_74] : memref<10000x128xf32, #tpu.memory_space<hbm>> -> memref<10000x128xf32, #tpu.memory_space<hbm>>
    tpu.enqueue_indirect_dma source(%dma_start3A_75 : memref<10000x128xf32, #tpu.memory_space<hbm>>) target(%arg19 : memref<128x128xf32, #tpu.memory_space<vmem>>) offsets(%arg7 : memref<128xi32, #tpu.memory_space<vmem>>) semaphore(%arg27 : memref<!tpu.dma_semaphore, #tpu.memory_space<semaphore_mem>>)
    %scan3A = arith.constant 0 : i32
    %scan3A_76 = arith.constant 0 : i32
    %scan3A_77 = arith.constant 13 : i32
    %scan3A_78 = arith.addi %scan3A_76, %scan3A_77 : i32
    %scan3A_79 = arith.constant 1 : i32
    scf.for %scan3A_87 = %scan3A_76 to %scan3A_78 step %scan3A_79  : i32 {
      %mul3A_88 = arith.constant 6 : i32
      %mul3A_89 = arith.muli %mul3A_88, %scan3A_87 : i32
      %add3A_90 = arith.constant 0 : i32
      %add3A_91 = arith.addi %mul3A_89, %add3A_90 : i32
      %ge3A = arith.constant 1 : i32
      %ge3A_92 = arith.cmpi sge, %add3A_91, %ge3A : i32
      %convert_element_type3A_93 = arith.extui %ge3A_92 : i1 to i32
      %cond3A_94 = arith.constant 0 : i32
      %cond3A_95 = arith.cmpi ne, %convert_element_type3A_93, %cond3A_94 : i32
      scf.if %cond3A_95 {
        %dma_wait3A_261 = arith.constant 0 : i32
        %dma_wait3A_262 = arith.constant 0 : i32
        %dma_wait3A_263 = tpu.memref_slice %arg31[%dma_wait3A_261, %dma_wait3A_262] : memref<10112x128xf32, #tpu.memory_space<vmem_shared>> -> memref<10112x128xf32, #tpu.memory_space<vmem_shared>>
        tpu.wait_indirect_dma semaphore(%arg30 : memref<!tpu.dma_semaphore, #tpu.memory_space<semaphore_mem>>) src(%arg20 : memref<128x128xf32, #tpu.memory_space<vmem>>) dst(%dma_wait3A_263 : memref<10112x128xf32, #tpu.memory_space<vmem_shared>>)
      } else {
      }
      %add3A_96 = arith.constant 1 : i32
      %add3A_97 = arith.addi %add3A_91, %add3A_96 : i32
      %lt3A_98 = arith.constant 78 : i32
      %lt3A_99 = arith.cmpi slt, %add3A_97, %lt3A_98 : i32
      %convert_element_type3A_100 = arith.extui %lt3A_99 : i1 to i32
      %cond3A_101 = arith.constant 0 : i32
      %cond3A_102 = arith.cmpi ne, %convert_element_type3A_100, %cond3A_101 : i32
      scf.if %cond3A_102 {
        %dma_wait3A_261 = arith.constant 0 : i32
        %dma_wait3A_262 = tpu.memref_slice %arg3[%dma_wait3A_261] : memref<320000xi32, #tpu.memory_space<hbm>> -> memref<128xi32, #tpu.memory_space<hbm>>
        %dma_wait3A_263 = arith.constant 0 : i32
        %dma_wait3A_264 = tpu.memref_slice %arg3[%dma_wait3A_263] : memref<320000xi32, #tpu.memory_space<hbm>> -> memref<128xi32, #tpu.memory_space<hbm>>
        tpu.wait_dma2 semaphore(%arg22 : memref<!tpu.dma_semaphore, #tpu.memory_space<semaphore_mem>>) src(%dma_wait3A_264 : memref<128xi32, #tpu.memory_space<hbm>>) dst(%arg8 : memref<128xi32, #tpu.memory_space<vmem>>)
        %dma_wait3A_265 = arith.constant 0 : i32
        %dma_wait3A_266 = tpu.memref_slice %arg4[%dma_wait3A_265] : memref<320000xi32, #tpu.memory_space<hbm>> -> memref<128xi32, #tpu.memory_space<hbm>>
        %dma_wait3A_267 = arith.constant 0 : i32
        %dma_wait3A_268 = tpu.memref_slice %arg4[%dma_wait3A_267] : memref<320000xi32, #tpu.memory_space<hbm>> -> memref<128xi32, #tpu.memory_space<hbm>>
        tpu.wait_dma2 semaphore(%arg22 : memref<!tpu.dma_semaphore, #tpu.memory_space<semaphore_mem>>) src(%dma_wait3A_268 : memref<128xi32, #tpu.memory_space<hbm>>) dst(%arg14 : memref<128xi32, #tpu.memory_space<vmem>>)
        %dma_start3A_269 = arith.constant 0 : i32
        %dma_start3A_270 = arith.constant 0 : i32
        %dma_start3A_271 = tpu.memref_slice %arg2[%dma_start3A_269, %dma_start3A_270] : memref<10000x128xf32, #tpu.memory_space<hbm>> -> memref<10000x128xf32, #tpu.memory_space<hbm>>
        tpu.enqueue_indirect_dma source(%dma_start3A_271 : memref<10000x128xf32, #tpu.memory_space<hbm>>) target(%arg20 : memref<128x128xf32, #tpu.memory_space<vmem>>) offsets(%arg8 : memref<128xi32, #tpu.memory_space<vmem>>) semaphore(%arg28 : memref<!tpu.dma_semaphore, #tpu.memory_space<semaphore_mem>>)
      } else {
      }
      %dma_wait3A_103 = arith.constant 0 : i32
      %dma_wait3A_104 = arith.constant 0 : i32
      %dma_wait3A_105 = tpu.memref_slice %arg2[%dma_wait3A_103, %dma_wait3A_104] : memref<10000x128xf32, #tpu.memory_space<hbm>> -> memref<10000x128xf32, #tpu.memory_space<hbm>>
      tpu.wait_indirect_dma semaphore(%arg27 : memref<!tpu.dma_semaphore, #tpu.memory_space<semaphore_mem>>) src(%dma_wait3A_105 : memref<10000x128xf32, #tpu.memory_space<hbm>>) dst(%arg19 : memref<128x128xf32, #tpu.memory_space<vmem>>)
      %dma_start3A_106 = arith.constant 0 : i32
      %dma_start3A_107 = arith.constant 0 : i32
      %dma_start3A_108 = tpu.memref_slice %arg31[%dma_start3A_106, %dma_start3A_107] : memref<10112x128xf32, #tpu.memory_space<vmem_shared>> -> memref<10112x128xf32, #tpu.memory_space<vmem_shared>>
      tpu.enqueue_indirect_dma source(%arg19 : memref<128x128xf32, #tpu.memory_space<vmem>>) target(%dma_start3A_108 : memref<10112x128xf32, #tpu.memory_space<vmem_shared>>) offsets(%arg13 : memref<128xi32, #tpu.memory_space<vmem>>) semaphore(%arg29 : memref<!tpu.dma_semaphore, #tpu.memory_space<semaphore_mem>>) {add = true}
      %add3A_109 = arith.constant 4 : i32
      %add3A_110 = arith.addi %add3A_91, %add3A_109 : i32
      %lt3A_111 = arith.constant 78 : i32
      %lt3A_112 = arith.cmpi slt, %add3A_110, %lt3A_111 : i32
      %convert_element_type3A_113 = arith.extui %lt3A_112 : i1 to i32
      %cond3A_114 = arith.constant 0 : i32
      %cond3A_115 = arith.cmpi ne, %convert_element_type3A_113, %cond3A_114 : i32
      scf.if %cond3A_115 {
        %add3A_261 = arith.constant 4 : i32
        %add3A_262 = arith.addi %add3A_91, %add3A_261 : i32
        %mul3A_263 = arith.constant 78 : i32
        %mul3A_264 = arith.muli %add3A, %mul3A_263 : i32
        %add3A_265 = arith.addi %mul3A_264, %add3A_262 : i32
        %mul3A_266 = arith.constant 128 : i32
        %mul3A_267 = arith.muli %add3A_265, %mul3A_266 : i32
        %dma_start3A_268 = tpu.memref_slice %arg3[%mul3A_267] : memref<320000xi32, #tpu.memory_space<hbm>> -> memref<128xi32, #tpu.memory_space<hbm>>
        %dma_start3A_269 = tpu.memref_slice %arg3[%mul3A_267] : memref<320000xi32, #tpu.memory_space<hbm>> -> memref<128xi32, #tpu.memory_space<hbm>>
        tpu.enqueue_dma source(%dma_start3A_269 : memref<128xi32, #tpu.memory_space<hbm>>) target(%arg11 : memref<128xi32, #tpu.memory_space<vmem>>) target_semaphore(%arg25 : memref<!tpu.dma_semaphore, #tpu.memory_space<semaphore_mem>>)
        %mul3A_270 = arith.constant 78 : i32
        %mul3A_271 = arith.muli %add3A, %mul3A_270 : i32
        %add3A_272 = arith.addi %mul3A_271, %add3A_262 : i32
        %mul3A_273 = arith.constant 128 : i32
        %mul3A_274 = arith.muli %add3A_272, %mul3A_273 : i32
        %dma_start3A_275 = tpu.memref_slice %arg4[%mul3A_274] : memref<320000xi32, #tpu.memory_space<hbm>> -> memref<128xi32, #tpu.memory_space<hbm>>
        %dma_start3A_276 = tpu.memref_slice %arg4[%mul3A_274] : memref<320000xi32, #tpu.memory_space<hbm>> -> memref<128xi32, #tpu.memory_space<hbm>>
        tpu.enqueue_dma source(%dma_start3A_276 : memref<128xi32, #tpu.memory_space<hbm>>) target(%arg17 : memref<128xi32, #tpu.memory_space<vmem>>) target_semaphore(%arg25 : memref<!tpu.dma_semaphore, #tpu.memory_space<semaphore_mem>>)
      } else {
      }
      %mul3A_116 = arith.constant 6 : i32
      %mul3A_117 = arith.muli %mul3A_116, %scan3A_87 : i32
      %add3A_118 = arith.constant 1 : i32
      %add3A_119 = arith.addi %mul3A_117, %add3A_118 : i32
      %ge3A_120 = arith.constant 1 : i32
      %ge3A_121 = arith.cmpi sge, %add3A_119, %ge3A_120 : i32
      %convert_element_type3A_122 = arith.extui %ge3A_121 : i1 to i32
      %cond3A_123 = arith.constant 0 : i32
      %cond3A_124 = arith.cmpi ne, %convert_element_type3A_122, %cond3A_123 : i32
      scf.if %cond3A_124 {
        %dma_wait3A_261 = arith.constant 0 : i32
        %dma_wait3A_262 = arith.constant 0 : i32
        %dma_wait3A_263 = tpu.memref_slice %arg31[%dma_wait3A_261, %dma_wait3A_262] : memref<10112x128xf32, #tpu.memory_space<vmem_shared>> -> memref<10112x128xf32, #tpu.memory_space<vmem_shared>>
        tpu.wait_indirect_dma semaphore(%arg29 : memref<!tpu.dma_semaphore, #tpu.memory_space<semaphore_mem>>) src(%arg19 : memref<128x128xf32, #tpu.memory_space<vmem>>) dst(%dma_wait3A_263 : memref<10112x128xf32, #tpu.memory_space<vmem_shared>>)
      } else {
      }
      %add3A_125 = arith.constant 1 : i32
      %add3A_126 = arith.addi %add3A_119, %add3A_125 : i32
      %lt3A_127 = arith.constant 78 : i32
      %lt3A_128 = arith.cmpi slt, %add3A_126, %lt3A_127 : i32
      %convert_element_type3A_129 = arith.extui %lt3A_128 : i1 to i32
      %cond3A_130 = arith.constant 0 : i32
      %cond3A_131 = arith.cmpi ne, %convert_element_type3A_129, %cond3A_130 : i32
      scf.if %cond3A_131 {
        %dma_wait3A_261 = arith.constant 0 : i32
        %dma_wait3A_262 = tpu.memref_slice %arg3[%dma_wait3A_261] : memref<320000xi32, #tpu.memory_space<hbm>> -> memref<128xi32, #tpu.memory_space<hbm>>
        %dma_wait3A_263 = arith.constant 0 : i32
        %dma_wait3A_264 = tpu.memref_slice %arg3[%dma_wait3A_263] : memref<320000xi32, #tpu.memory_space<hbm>> -> memref<128xi32, #tpu.memory_space<hbm>>
        tpu.wait_dma2 semaphore(%arg23 : memref<!tpu.dma_semaphore, #tpu.memory_space<semaphore_mem>>) src(%dma_wait3A_264 : memref<128xi32, #tpu.memory_space<hbm>>) dst(%arg9 : memref<128xi32, #tpu.memory_space<vmem>>)
        %dma_wait3A_265 = arith.constant 0 : i32
        %dma_wait3A_266 = tpu.memref_slice %arg4[%dma_wait3A_265] : memref<320000xi32, #tpu.memory_space<hbm>> -> memref<128xi32, #tpu.memory_space<hbm>>
        %dma_wait3A_267 = arith.constant 0 : i32
        %dma_wait3A_268 = tpu.memref_slice %arg4[%dma_wait3A_267] : memref<320000xi32, #tpu.memory_space<hbm>> -> memref<128xi32, #tpu.memory_space<hbm>>
        tpu.wait_dma2 semaphore(%arg23 : memref<!tpu.dma_semaphore, #tpu.memory_space<semaphore_mem>>) src(%dma_wait3A_268 : memref<128xi32, #tpu.memory_space<hbm>>) dst(%arg15 : memref<128xi32, #tpu.memory_space<vmem>>)
        %dma_start3A_269 = arith.constant 0 : i32
        %dma_start3A_270 = arith.constant 0 : i32
        %dma_start3A_271 = tpu.memref_slice %arg2[%dma_start3A_269, %dma_start3A_270] : memref<10000x128xf32, #tpu.memory_space<hbm>> -> memref<10000x128xf32, #tpu.memory_space<hbm>>
        tpu.enqueue_indirect_dma source(%dma_start3A_271 : memref<10000x128xf32, #tpu.memory_space<hbm>>) target(%arg19 : memref<128x128xf32, #tpu.memory_space<vmem>>) offsets(%arg9 : memref<128xi32, #tpu.memory_space<vmem>>) semaphore(%arg27 : memref<!tpu.dma_semaphore, #tpu.memory_space<semaphore_mem>>)
      } else {
      }
      %dma_wait3A_132 = arith.constant 0 : i32
      %dma_wait3A_133 = arith.constant 0 : i32
      %dma_wait3A_134 = tpu.memref_slice %arg2[%dma_wait3A_132, %dma_wait3A_133] : memref<10000x128xf32, #tpu.memory_space<hbm>> -> memref<10000x128xf32, #tpu.memory_space<hbm>>
      tpu.wait_indirect_dma semaphore(%arg28 : memref<!tpu.dma_semaphore, #tpu.memory_space<semaphore_mem>>) src(%dma_wait3A_134 : memref<10000x128xf32, #tpu.memory_space<hbm>>) dst(%arg20 : memref<128x128xf32, #tpu.memory_space<vmem>>)
      %dma_start3A_135 = arith.constant 0 : i32
      %dma_start3A_136 = arith.constant 0 : i32
      %dma_start3A_137 = tpu.memref_slice %arg31[%dma_start3A_135, %dma_start3A_136] : memref<10112x128xf32, #tpu.memory_space<vmem_shared>> -> memref<10112x128xf32, #tpu.memory_space<vmem_shared>>
      tpu.enqueue_indirect_dma source(%arg20 : memref<128x128xf32, #tpu.memory_space<vmem>>) target(%dma_start3A_137 : memref<10112x128xf32, #tpu.memory_space<vmem_shared>>) offsets(%arg14 : memref<128xi32, #tpu.memory_space<vmem>>) semaphore(%arg30 : memref<!tpu.dma_semaphore, #tpu.memory_space<semaphore_mem>>) {add = true}
      %add3A_138 = arith.constant 4 : i32
      %add3A_139 = arith.addi %add3A_119, %add3A_138 : i32
      %lt3A_140 = arith.constant 78 : i32
      %lt3A_141 = arith.cmpi slt, %add3A_139, %lt3A_140 : i32
      %convert_element_type3A_142 = arith.extui %lt3A_141 : i1 to i32
      %cond3A_143 = arith.constant 0 : i32
      %cond3A_144 = arith.cmpi ne, %convert_element_type3A_142, %cond3A_143 : i32
      scf.if %cond3A_144 {
        %add3A_261 = arith.constant 4 : i32
        %add3A_262 = arith.addi %add3A_119, %add3A_261 : i32
        %mul3A_263 = arith.constant 78 : i32
        %mul3A_264 = arith.muli %add3A, %mul3A_263 : i32
        %add3A_265 = arith.addi %mul3A_264, %add3A_262 : i32
        %mul3A_266 = arith.constant 128 : i32
        %mul3A_267 = arith.muli %add3A_265, %mul3A_266 : i32
        %dma_start3A_268 = tpu.memref_slice %arg3[%mul3A_267] : memref<320000xi32, #tpu.memory_space<hbm>> -> memref<128xi32, #tpu.memory_space<hbm>>
        %dma_start3A_269 = tpu.memref_slice %arg3[%mul3A_267] : memref<320000xi32, #tpu.memory_space<hbm>> -> memref<128xi32, #tpu.memory_space<hbm>>
        tpu.enqueue_dma source(%dma_start3A_269 : memref<128xi32, #tpu.memory_space<hbm>>) target(%arg12 : memref<128xi32, #tpu.memory_space<vmem>>) target_semaphore(%arg26 : memref<!tpu.dma_semaphore, #tpu.memory_space<semaphore_mem>>)
        %mul3A_270 = arith.constant 78 : i32
        %mul3A_271 = arith.muli %add3A, %mul3A_270 : i32
        %add3A_272 = arith.addi %mul3A_271, %add3A_262 : i32
        %mul3A_273 = arith.constant 128 : i32
        %mul3A_274 = arith.muli %add3A_272, %mul3A_273 : i32
        %dma_start3A_275 = tpu.memref_slice %arg4[%mul3A_274] : memref<320000xi32, #tpu.memory_space<hbm>> -> memref<128xi32, #tpu.memory_space<hbm>>
        %dma_start3A_276 = tpu.memref_slice %arg4[%mul3A_274] : memref<320000xi32, #tpu.memory_space<hbm>> -> memref<128xi32, #tpu.memory_space<hbm>>
        tpu.enqueue_dma source(%dma_start3A_276 : memref<128xi32, #tpu.memory_space<hbm>>) target(%arg18 : memref<128xi32, #tpu.memory_space<vmem>>) target_semaphore(%arg26 : memref<!tpu.dma_semaphore, #tpu.memory_space<semaphore_mem>>)
      } else {
      }
      %mul3A_145 = arith.constant 6 : i32
      %mul3A_146 = arith.muli %mul3A_145, %scan3A_87 : i32
      %add3A_147 = arith.constant 2 : i32
      %add3A_148 = arith.addi %mul3A_146, %add3A_147 : i32
      %ge3A_149 = arith.constant 1 : i32
      %ge3A_150 = arith.cmpi sge, %add3A_148, %ge3A_149 : i32
      %convert_element_type3A_151 = arith.extui %ge3A_150 : i1 to i32
      %cond3A_152 = arith.constant 0 : i32
      %cond3A_153 = arith.cmpi ne, %convert_element_type3A_151, %cond3A_152 : i32
      scf.if %cond3A_153 {
        %dma_wait3A_261 = arith.constant 0 : i32
        %dma_wait3A_262 = arith.constant 0 : i32
        %dma_wait3A_263 = tpu.memref_slice %arg31[%dma_wait3A_261, %dma_wait3A_262] : memref<10112x128xf32, #tpu.memory_space<vmem_shared>> -> memref<10112x128xf32, #tpu.memory_space<vmem_shared>>
        tpu.wait_indirect_dma semaphore(%arg30 : memref<!tpu.dma_semaphore, #tpu.memory_space<semaphore_mem>>) src(%arg20 : memref<128x128xf32, #tpu.memory_space<vmem>>) dst(%dma_wait3A_263 : memref<10112x128xf32, #tpu.memory_space<vmem_shared>>)
      } else {
      }
      %add3A_154 = arith.constant 1 : i32
      %add3A_155 = arith.addi %add3A_148, %add3A_154 : i32
      %lt3A_156 = arith.constant 78 : i32
      %lt3A_157 = arith.cmpi slt, %add3A_155, %lt3A_156 : i32
      %convert_element_type3A_158 = arith.extui %lt3A_157 : i1 to i32
      %cond3A_159 = arith.constant 0 : i32
      %cond3A_160 = arith.cmpi ne, %convert_element_type3A_158, %cond3A_159 : i32
      scf.if %cond3A_160 {
        %dma_wait3A_261 = arith.constant 0 : i32
        %dma_wait3A_262 = tpu.memref_slice %arg3[%dma_wait3A_261] : memref<320000xi32, #tpu.memory_space<hbm>> -> memref<128xi32, #tpu.memory_space<hbm>>
        %dma_wait3A_263 = arith.constant 0 : i32
        %dma_wait3A_264 = tpu.memref_slice %arg3[%dma_wait3A_263] : memref<320000xi32, #tpu.memory_space<hbm>> -> memref<128xi32, #tpu.memory_space<hbm>>
        tpu.wait_dma2 semaphore(%arg24 : memref<!tpu.dma_semaphore, #tpu.memory_space<semaphore_mem>>) src(%dma_wait3A_264 : memref<128xi32, #tpu.memory_space<hbm>>) dst(%arg10 : memref<128xi32, #tpu.memory_space<vmem>>)
        %dma_wait3A_265 = arith.constant 0 : i32
        %dma_wait3A_266 = tpu.memref_slice %arg4[%dma_wait3A_265] : memref<320000xi32, #tpu.memory_space<hbm>> -> memref<128xi32, #tpu.memory_space<hbm>>
        %dma_wait3A_267 = arith.constant 0 : i32
        %dma_wait3A_268 = tpu.memref_slice %arg4[%dma_wait3A_267] : memref<320000xi32, #tpu.memory_space<hbm>> -> memref<128xi32, #tpu.memory_space<hbm>>
        tpu.wait_dma2 semaphore(%arg24 : memref<!tpu.dma_semaphore, #tpu.memory_space<semaphore_mem>>) src(%dma_wait3A_268 : memref<128xi32, #tpu.memory_space<hbm>>) dst(%arg16 : memref<128xi32, #tpu.memory_space<vmem>>)
        %dma_start3A_269 = arith.constant 0 : i32
        %dma_start3A_270 = arith.constant 0 : i32
        %dma_start3A_271 = tpu.memref_slice %arg2[%dma_start3A_269, %dma_start3A_270] : memref<10000x128xf32, #tpu.memory_space<hbm>> -> memref<10000x128xf32, #tpu.memory_space<hbm>>
        tpu.enqueue_indirect_dma source(%dma_start3A_271 : memref<10000x128xf32, #tpu.memory_space<hbm>>) target(%arg20 : memref<128x128xf32, #tpu.memory_space<vmem>>) offsets(%arg10 : memref<128xi32, #tpu.memory_space<vmem>>) semaphore(%arg28 : memref<!tpu.dma_semaphore, #tpu.memory_space<semaphore_mem>>)
      } else {
      }
      %dma_wait3A_161 = arith.constant 0 : i32
      %dma_wait3A_162 = arith.constant 0 : i32
      %dma_wait3A_163 = tpu.memref_slice %arg2[%dma_wait3A_161, %dma_wait3A_162] : memref<10000x128xf32, #tpu.memory_space<hbm>> -> memref<10000x128xf32, #tpu.memory_space<hbm>>
      tpu.wait_indirect_dma semaphore(%arg27 : memref<!tpu.dma_semaphore, #tpu.memory_space<semaphore_mem>>) src(%dma_wait3A_163 : memref<10000x128xf32, #tpu.memory_space<hbm>>) dst(%arg19 : memref<128x128xf32, #tpu.memory_space<vmem>>)
      %dma_start3A_164 = arith.constant 0 : i32
      %dma_start3A_165 = arith.constant 0 : i32
      %dma_start3A_166 = tpu.memref_slice %arg31[%dma_start3A_164, %dma_start3A_165] : memref<10112x128xf32, #tpu.memory_space<vmem_shared>> -> memref<10112x128xf32, #tpu.memory_space<vmem_shared>>
      tpu.enqueue_indirect_dma source(%arg19 : memref<128x128xf32, #tpu.memory_space<vmem>>) target(%dma_start3A_166 : memref<10112x128xf32, #tpu.memory_space<vmem_shared>>) offsets(%arg15 : memref<128xi32, #tpu.memory_space<vmem>>) semaphore(%arg29 : memref<!tpu.dma_semaphore, #tpu.memory_space<semaphore_mem>>) {add = true}
      %add3A_167 = arith.constant 4 : i32
      %add3A_168 = arith.addi %add3A_148, %add3A_167 : i32
      %lt3A_169 = arith.constant 78 : i32
      %lt3A_170 = arith.cmpi slt, %add3A_168, %lt3A_169 : i32
      %convert_element_type3A_171 = arith.extui %lt3A_170 : i1 to i32
      %cond3A_172 = arith.constant 0 : i32
      %cond3A_173 = arith.cmpi ne, %convert_element_type3A_171, %cond3A_172 : i32
      scf.if %cond3A_173 {
        %add3A_261 = arith.constant 4 : i32
        %add3A_262 = arith.addi %add3A_148, %add3A_261 : i32
        %mul3A_263 = arith.constant 78 : i32
        %mul3A_264 = arith.muli %add3A, %mul3A_263 : i32
        %add3A_265 = arith.addi %mul3A_264, %add3A_262 : i32
        %mul3A_266 = arith.constant 128 : i32
        %mul3A_267 = arith.muli %add3A_265, %mul3A_266 : i32
        %dma_start3A_268 = tpu.memref_slice %arg3[%mul3A_267] : memref<320000xi32, #tpu.memory_space<hbm>> -> memref<128xi32, #tpu.memory_space<hbm>>
        %dma_start3A_269 = tpu.memref_slice %arg3[%mul3A_267] : memref<320000xi32, #tpu.memory_space<hbm>> -> memref<128xi32, #tpu.memory_space<hbm>>
        tpu.enqueue_dma source(%dma_start3A_269 : memref<128xi32, #tpu.memory_space<hbm>>) target(%arg7 : memref<128xi32, #tpu.memory_space<vmem>>) target_semaphore(%arg21 : memref<!tpu.dma_semaphore, #tpu.memory_space<semaphore_mem>>)
        %mul3A_270 = arith.constant 78 : i32
        %mul3A_271 = arith.muli %add3A, %mul3A_270 : i32
        %add3A_272 = arith.addi %mul3A_271, %add3A_262 : i32
        %mul3A_273 = arith.constant 128 : i32
        %mul3A_274 = arith.muli %add3A_272, %mul3A_273 : i32
        %dma_start3A_275 = tpu.memref_slice %arg4[%mul3A_274] : memref<320000xi32, #tpu.memory_space<hbm>> -> memref<128xi32, #tpu.memory_space<hbm>>
        %dma_start3A_276 = tpu.memref_slice %arg4[%mul3A_274] : memref<320000xi32, #tpu.memory_space<hbm>> -> memref<128xi32, #tpu.memory_space<hbm>>
        tpu.enqueue_dma source(%dma_start3A_276 : memref<128xi32, #tpu.memory_space<hbm>>) target(%arg13 : memref<128xi32, #tpu.memory_space<vmem>>) target_semaphore(%arg21 : memref<!tpu.dma_semaphore, #tpu.memory_space<semaphore_mem>>)
      } else {
      }
      %mul3A_174 = arith.constant 6 : i32
      %mul3A_175 = arith.muli %mul3A_174, %scan3A_87 : i32
      %add3A_176 = arith.constant 3 : i32
      %add3A_177 = arith.addi %mul3A_175, %add3A_176 : i32
      %ge3A_178 = arith.constant 1 : i32
      %ge3A_179 = arith.cmpi sge, %add3A_177, %ge3A_178 : i32
      %convert_element_type3A_180 = arith.extui %ge3A_179 : i1 to i32
      %cond3A_181 = arith.constant 0 : i32
      %cond3A_182 = arith.cmpi ne, %convert_element_type3A_180, %cond3A_181 : i32
      scf.if %cond3A_182 {
        %dma_wait3A_261 = arith.constant 0 : i32
        %dma_wait3A_262 = arith.constant 0 : i32
        %dma_wait3A_263 = tpu.memref_slice %arg31[%dma_wait3A_261, %dma_wait3A_262] : memref<10112x128xf32, #tpu.memory_space<vmem_shared>> -> memref<10112x128xf32, #tpu.memory_space<vmem_shared>>
        tpu.wait_indirect_dma semaphore(%arg29 : memref<!tpu.dma_semaphore, #tpu.memory_space<semaphore_mem>>) src(%arg19 : memref<128x128xf32, #tpu.memory_space<vmem>>) dst(%dma_wait3A_263 : memref<10112x128xf32, #tpu.memory_space<vmem_shared>>)
      } else {
      }
      %add3A_183 = arith.constant 1 : i32
      %add3A_184 = arith.addi %add3A_177, %add3A_183 : i32
      %lt3A_185 = arith.constant 78 : i32
      %lt3A_186 = arith.cmpi slt, %add3A_184, %lt3A_185 : i32
      %convert_element_type3A_187 = arith.extui %lt3A_186 : i1 to i32
      %cond3A_188 = arith.constant 0 : i32
      %cond3A_189 = arith.cmpi ne, %convert_element_type3A_187, %cond3A_188 : i32
      scf.if %cond3A_189 {
        %dma_wait3A_261 = arith.constant 0 : i32
        %dma_wait3A_262 = tpu.memref_slice %arg3[%dma_wait3A_261] : memref<320000xi32, #tpu.memory_space<hbm>> -> memref<128xi32, #tpu.memory_space<hbm>>
        %dma_wait3A_263 = arith.constant 0 : i32
        %dma_wait3A_264 = tpu.memref_slice %arg3[%dma_wait3A_263] : memref<320000xi32, #tpu.memory_space<hbm>> -> memref<128xi32, #tpu.memory_space<hbm>>
        tpu.wait_dma2 semaphore(%arg25 : memref<!tpu.dma_semaphore, #tpu.memory_space<semaphore_mem>>) src(%dma_wait3A_264 : memref<128xi32, #tpu.memory_space<hbm>>) dst(%arg11 : memref<128xi32, #tpu.memory_space<vmem>>)
        %dma_wait3A_265 = arith.constant 0 : i32
        %dma_wait3A_266 = tpu.memref_slice %arg4[%dma_wait3A_265] : memref<320000xi32, #tpu.memory_space<hbm>> -> memref<128xi32, #tpu.memory_space<hbm>>
        %dma_wait3A_267 = arith.constant 0 : i32
        %dma_wait3A_268 = tpu.memref_slice %arg4[%dma_wait3A_267] : memref<320000xi32, #tpu.memory_space<hbm>> -> memref<128xi32, #tpu.memory_space<hbm>>
        tpu.wait_dma2 semaphore(%arg25 : memref<!tpu.dma_semaphore, #tpu.memory_space<semaphore_mem>>) src(%dma_wait3A_268 : memref<128xi32, #tpu.memory_space<hbm>>) dst(%arg17 : memref<128xi32, #tpu.memory_space<vmem>>)
        %dma_start3A_269 = arith.constant 0 : i32
        %dma_start3A_270 = arith.constant 0 : i32
        %dma_start3A_271 = tpu.memref_slice %arg2[%dma_start3A_269, %dma_start3A_270] : memref<10000x128xf32, #tpu.memory_space<hbm>> -> memref<10000x128xf32, #tpu.memory_space<hbm>>
        tpu.enqueue_indirect_dma source(%dma_start3A_271 : memref<10000x128xf32, #tpu.memory_space<hbm>>) target(%arg19 : memref<128x128xf32, #tpu.memory_space<vmem>>) offsets(%arg11 : memref<128xi32, #tpu.memory_space<vmem>>) semaphore(%arg27 : memref<!tpu.dma_semaphore, #tpu.memory_space<semaphore_mem>>)
      } else {
      }
      %dma_wait3A_190 = arith.constant 0 : i32
      %dma_wait3A_191 = arith.constant 0 : i32
      %dma_wait3A_192 = tpu.memref_slice %arg2[%dma_wait3A_190, %dma_wait3A_191] : memref<10000x128xf32, #tpu.memory_space<hbm>> -> memref<10000x128xf32, #tpu.memory_space<hbm>>
      tpu.wait_indirect_dma semaphore(%arg28 : memref<!tpu.dma_semaphore, #tpu.memory_space<semaphore_mem>>) src(%dma_wait3A_192 : memref<10000x128xf32, #tpu.memory_space<hbm>>) dst(%arg20 : memref<128x128xf32, #tpu.memory_space<vmem>>)
      %dma_start3A_193 = arith.constant 0 : i32
      %dma_start3A_194 = arith.constant 0 : i32
      %dma_start3A_195 = tpu.memref_slice %arg31[%dma_start3A_193, %dma_start3A_194] : memref<10112x128xf32, #tpu.memory_space<vmem_shared>> -> memref<10112x128xf32, #tpu.memory_space<vmem_shared>>
      tpu.enqueue_indirect_dma source(%arg20 : memref<128x128xf32, #tpu.memory_space<vmem>>) target(%dma_start3A_195 : memref<10112x128xf32, #tpu.memory_space<vmem_shared>>) offsets(%arg16 : memref<128xi32, #tpu.memory_space<vmem>>) semaphore(%arg30 : memref<!tpu.dma_semaphore, #tpu.memory_space<semaphore_mem>>) {add = true}
      %add3A_196 = arith.constant 4 : i32
      %add3A_197 = arith.addi %add3A_177, %add3A_196 : i32
      %lt3A_198 = arith.constant 78 : i32
      %lt3A_199 = arith.cmpi slt, %add3A_197, %lt3A_198 : i32
      %convert_element_type3A_200 = arith.extui %lt3A_199 : i1 to i32
      %cond3A_201 = arith.constant 0 : i32
      %cond3A_202 = arith.cmpi ne, %convert_element_type3A_200, %cond3A_201 : i32
      scf.if %cond3A_202 {
        %add3A_261 = arith.constant 4 : i32
        %add3A_262 = arith.addi %add3A_177, %add3A_261 : i32
        %mul3A_263 = arith.constant 78 : i32
        %mul3A_264 = arith.muli %add3A, %mul3A_263 : i32
        %add3A_265 = arith.addi %mul3A_264, %add3A_262 : i32
        %mul3A_266 = arith.constant 128 : i32
        %mul3A_267 = arith.muli %add3A_265, %mul3A_266 : i32
        %dma_start3A_268 = tpu.memref_slice %arg3[%mul3A_267] : memref<320000xi32, #tpu.memory_space<hbm>> -> memref<128xi32, #tpu.memory_space<hbm>>
        %dma_start3A_269 = tpu.memref_slice %arg3[%mul3A_267] : memref<320000xi32, #tpu.memory_space<hbm>> -> memref<128xi32, #tpu.memory_space<hbm>>
        tpu.enqueue_dma source(%dma_start3A_269 : memref<128xi32, #tpu.memory_space<hbm>>) target(%arg8 : memref<128xi32, #tpu.memory_space<vmem>>) target_semaphore(%arg22 : memref<!tpu.dma_semaphore, #tpu.memory_space<semaphore_mem>>)
        %mul3A_270 = arith.constant 78 : i32
        %mul3A_271 = arith.muli %add3A, %mul3A_270 : i32
        %add3A_272 = arith.addi %mul3A_271, %add3A_262 : i32
        %mul3A_273 = arith.constant 128 : i32
        %mul3A_274 = arith.muli %add3A_272, %mul3A_273 : i32
        %dma_start3A_275 = tpu.memref_slice %arg4[%mul3A_274] : memref<320000xi32, #tpu.memory_space<hbm>> -> memref<128xi32, #tpu.memory_space<hbm>>
        %dma_start3A_276 = tpu.memref_slice %arg4[%mul3A_274] : memref<320000xi32, #tpu.memory_space<hbm>> -> memref<128xi32, #tpu.memory_space<hbm>>
        tpu.enqueue_dma source(%dma_start3A_276 : memref<128xi32, #tpu.memory_space<hbm>>) target(%arg14 : memref<128xi32, #tpu.memory_space<vmem>>) target_semaphore(%arg22 : memref<!tpu.dma_semaphore, #tpu.memory_space<semaphore_mem>>)
      } else {
      }
      %mul3A_203 = arith.constant 6 : i32
      %mul3A_204 = arith.muli %mul3A_203, %scan3A_87 : i32
      %add3A_205 = arith.constant 4 : i32
      %add3A_206 = arith.addi %mul3A_204, %add3A_205 : i32
      %ge3A_207 = arith.constant 1 : i32
      %ge3A_208 = arith.cmpi sge, %add3A_206, %ge3A_207 : i32
      %convert_element_type3A_209 = arith.extui %ge3A_208 : i1 to i32
      %cond3A_210 = arith.constant 0 : i32
      %cond3A_211 = arith.cmpi ne, %convert_element_type3A_209, %cond3A_210 : i32
      scf.if %cond3A_211 {
        %dma_wait3A_261 = arith.constant 0 : i32
        %dma_wait3A_262 = arith.constant 0 : i32
        %dma_wait3A_263 = tpu.memref_slice %arg31[%dma_wait3A_261, %dma_wait3A_262] : memref<10112x128xf32, #tpu.memory_space<vmem_shared>> -> memref<10112x128xf32, #tpu.memory_space<vmem_shared>>
        tpu.wait_indirect_dma semaphore(%arg30 : memref<!tpu.dma_semaphore, #tpu.memory_space<semaphore_mem>>) src(%arg20 : memref<128x128xf32, #tpu.memory_space<vmem>>) dst(%dma_wait3A_263 : memref<10112x128xf32, #tpu.memory_space<vmem_shared>>)
      } else {
      }
      %add3A_212 = arith.constant 1 : i32
      %add3A_213 = arith.addi %add3A_206, %add3A_212 : i32
      %lt3A_214 = arith.constant 78 : i32
      %lt3A_215 = arith.cmpi slt, %add3A_213, %lt3A_214 : i32
      %convert_element_type3A_216 = arith.extui %lt3A_215 : i1 to i32
      %cond3A_217 = arith.constant 0 : i32
      %cond3A_218 = arith.cmpi ne, %convert_element_type3A_216, %cond3A_217 : i32
      scf.if %cond3A_218 {
        %dma_wait3A_261 = arith.constant 0 : i32
        %dma_wait3A_262 = tpu.memref_slice %arg3[%dma_wait3A_261] : memref<320000xi32, #tpu.memory_space<hbm>> -> memref<128xi32, #tpu.memory_space<hbm>>
        %dma_wait3A_263 = arith.constant 0 : i32
        %dma_wait3A_264 = tpu.memref_slice %arg3[%dma_wait3A_263] : memref<320000xi32, #tpu.memory_space<hbm>> -> memref<128xi32, #tpu.memory_space<hbm>>
        tpu.wait_dma2 semaphore(%arg26 : memref<!tpu.dma_semaphore, #tpu.memory_space<semaphore_mem>>) src(%dma_wait3A_264 : memref<128xi32, #tpu.memory_space<hbm>>) dst(%arg12 : memref<128xi32, #tpu.memory_space<vmem>>)
        %dma_wait3A_265 = arith.constant 0 : i32
        %dma_wait3A_266 = tpu.memref_slice %arg4[%dma_wait3A_265] : memref<320000xi32, #tpu.memory_space<hbm>> -> memref<128xi32, #tpu.memory_space<hbm>>
        %dma_wait3A_267 = arith.constant 0 : i32
        %dma_wait3A_268 = tpu.memref_slice %arg4[%dma_wait3A_267] : memref<320000xi32, #tpu.memory_space<hbm>> -> memref<128xi32, #tpu.memory_space<hbm>>
        tpu.wait_dma2 semaphore(%arg26 : memref<!tpu.dma_semaphore, #tpu.memory_space<semaphore_mem>>) src(%dma_wait3A_268 : memref<128xi32, #tpu.memory_space<hbm>>) dst(%arg18 : memref<128xi32, #tpu.memory_space<vmem>>)
        %dma_start3A_269 = arith.constant 0 : i32
        %dma_start3A_270 = arith.constant 0 : i32
        %dma_start3A_271 = tpu.memref_slice %arg2[%dma_start3A_269, %dma_start3A_270] : memref<10000x128xf32, #tpu.memory_space<hbm>> -> memref<10000x128xf32, #tpu.memory_space<hbm>>
        tpu.enqueue_indirect_dma source(%dma_start3A_271 : memref<10000x128xf32, #tpu.memory_space<hbm>>) target(%arg20 : memref<128x128xf32, #tpu.memory_space<vmem>>) offsets(%arg12 : memref<128xi32, #tpu.memory_space<vmem>>) semaphore(%arg28 : memref<!tpu.dma_semaphore, #tpu.memory_space<semaphore_mem>>)
      } else {
      }
      %dma_wait3A_219 = arith.constant 0 : i32
      %dma_wait3A_220 = arith.constant 0 : i32
      %dma_wait3A_221 = tpu.memref_slice %arg2[%dma_wait3A_219, %dma_wait3A_220] : memref<10000x128xf32, #tpu.memory_space<hbm>> -> memref<10000x128xf32, #tpu.memory_space<hbm>>
      tpu.wait_indirect_dma semaphore(%arg27 : memref<!tpu.dma_semaphore, #tpu.memory_space<semaphore_mem>>) src(%dma_wait3A_221 : memref<10000x128xf32, #tpu.memory_space<hbm>>) dst(%arg19 : memref<128x128xf32, #tpu.memory_space<vmem>>)
      %dma_start3A_222 = arith.constant 0 : i32
      %dma_start3A_223 = arith.constant 0 : i32
      %dma_start3A_224 = tpu.memref_slice %arg31[%dma_start3A_222, %dma_start3A_223] : memref<10112x128xf32, #tpu.memory_space<vmem_shared>> -> memref<10112x128xf32, #tpu.memory_space<vmem_shared>>
      tpu.enqueue_indirect_dma source(%arg19 : memref<128x128xf32, #tpu.memory_space<vmem>>) target(%dma_start3A_224 : memref<10112x128xf32, #tpu.memory_space<vmem_shared>>) offsets(%arg17 : memref<128xi32, #tpu.memory_space<vmem>>) semaphore(%arg29 : memref<!tpu.dma_semaphore, #tpu.memory_space<semaphore_mem>>) {add = true}
      %add3A_225 = arith.constant 4 : i32
      %add3A_226 = arith.addi %add3A_206, %add3A_225 : i32
      %lt3A_227 = arith.constant 78 : i32
      %lt3A_228 = arith.cmpi slt, %add3A_226, %lt3A_227 : i32
      %convert_element_type3A_229 = arith.extui %lt3A_228 : i1 to i32
      %cond3A_230 = arith.constant 0 : i32
      %cond3A_231 = arith.cmpi ne, %convert_element_type3A_229, %cond3A_230 : i32
      scf.if %cond3A_231 {
        %add3A_261 = arith.constant 4 : i32
        %add3A_262 = arith.addi %add3A_206, %add3A_261 : i32
        %mul3A_263 = arith.constant 78 : i32
        %mul3A_264 = arith.muli %add3A, %mul3A_263 : i32
        %add3A_265 = arith.addi %mul3A_264, %add3A_262 : i32
        %mul3A_266 = arith.constant 128 : i32
        %mul3A_267 = arith.muli %add3A_265, %mul3A_266 : i32
        %dma_start3A_268 = tpu.memref_slice %arg3[%mul3A_267] : memref<320000xi32, #tpu.memory_space<hbm>> -> memref<128xi32, #tpu.memory_space<hbm>>
        %dma_start3A_269 = tpu.memref_slice %arg3[%mul3A_267] : memref<320000xi32, #tpu.memory_space<hbm>> -> memref<128xi32, #tpu.memory_space<hbm>>
        tpu.enqueue_dma source(%dma_start3A_269 : memref<128xi32, #tpu.memory_space<hbm>>) target(%arg9 : memref<128xi32, #tpu.memory_space<vmem>>) target_semaphore(%arg23 : memref<!tpu.dma_semaphore, #tpu.memory_space<semaphore_mem>>)
        %mul3A_270 = arith.constant 78 : i32
        %mul3A_271 = arith.muli %add3A, %mul3A_270 : i32
        %add3A_272 = arith.addi %mul3A_271, %add3A_262 : i32
        %mul3A_273 = arith.constant 128 : i32
        %mul3A_274 = arith.muli %add3A_272, %mul3A_273 : i32
        %dma_start3A_275 = tpu.memref_slice %arg4[%mul3A_274] : memref<320000xi32, #tpu.memory_space<hbm>> -> memref<128xi32, #tpu.memory_space<hbm>>
        %dma_start3A_276 = tpu.memref_slice %arg4[%mul3A_274] : memref<320000xi32, #tpu.memory_space<hbm>> -> memref<128xi32, #tpu.memory_space<hbm>>
        tpu.enqueue_dma source(%dma_start3A_276 : memref<128xi32, #tpu.memory_space<hbm>>) target(%arg15 : memref<128xi32, #tpu.memory_space<vmem>>) target_semaphore(%arg23 : memref<!tpu.dma_semaphore, #tpu.memory_space<semaphore_mem>>)
      } else {
      }
      %mul3A_232 = arith.constant 6 : i32
      %mul3A_233 = arith.muli %mul3A_232, %scan3A_87 : i32
      %add3A_234 = arith.constant 5 : i32
      %add3A_235 = arith.addi %mul3A_233, %add3A_234 : i32
      %ge3A_236 = arith.constant 1 : i32
      %ge3A_237 = arith.cmpi sge, %add3A_235, %ge3A_236 : i32
      %convert_element_type3A_238 = arith.extui %ge3A_237 : i1 to i32
      %cond3A_239 = arith.constant 0 : i32
      %cond3A_240 = arith.cmpi ne, %convert_element_type3A_238, %cond3A_239 : i32
      scf.if %cond3A_240 {
        %dma_wait3A_261 = arith.constant 0 : i32
        %dma_wait3A_262 = arith.constant 0 : i32
        %dma_wait3A_263 = tpu.memref_slice %arg31[%dma_wait3A_261, %dma_wait3A_262] : memref<10112x128xf32, #tpu.memory_space<vmem_shared>> -> memref<10112x128xf32, #tpu.memory_space<vmem_shared>>
        tpu.wait_indirect_dma semaphore(%arg29 : memref<!tpu.dma_semaphore, #tpu.memory_space<semaphore_mem>>) src(%arg19 : memref<128x128xf32, #tpu.memory_space<vmem>>) dst(%dma_wait3A_263 : memref<10112x128xf32, #tpu.memory_space<vmem_shared>>)
      } else {
      }
      %add3A_241 = arith.constant 1 : i32
      %add3A_242 = arith.addi %add3A_235, %add3A_241 : i32
      %lt3A_243 = arith.constant 78 : i32
      %lt3A_244 = arith.cmpi slt, %add3A_242, %lt3A_243 : i32
      %convert_element_type3A_245 = arith.extui %lt3A_244 : i1 to i32
      %cond3A_246 = arith.constant 0 : i32
      %cond3A_247 = arith.cmpi ne, %convert_element_type3A_245, %cond3A_246 : i32
      scf.if %cond3A_247 {
        %dma_wait3A_261 = arith.constant 0 : i32
        %dma_wait3A_262 = tpu.memref_slice %arg3[%dma_wait3A_261] : memref<320000xi32, #tpu.memory_space<hbm>> -> memref<128xi32, #tpu.memory_space<hbm>>
        %dma_wait3A_263 = arith.constant 0 : i32
        %dma_wait3A_264 = tpu.memref_slice %arg3[%dma_wait3A_263] : memref<320000xi32, #tpu.memory_space<hbm>> -> memref<128xi32, #tpu.memory_space<hbm>>
        tpu.wait_dma2 semaphore(%arg21 : memref<!tpu.dma_semaphore, #tpu.memory_space<semaphore_mem>>) src(%dma_wait3A_264 : memref<128xi32, #tpu.memory_space<hbm>>) dst(%arg7 : memref<128xi32, #tpu.memory_space<vmem>>)
        %dma_wait3A_265 = arith.constant 0 : i32
        %dma_wait3A_266 = tpu.memref_slice %arg4[%dma_wait3A_265] : memref<320000xi32, #tpu.memory_space<hbm>> -> memref<128xi32, #tpu.memory_space<hbm>>
        %dma_wait3A_267 = arith.constant 0 : i32
        %dma_wait3A_268 = tpu.memref_slice %arg4[%dma_wait3A_267] : memref<320000xi32, #tpu.memory_space<hbm>> -> memref<128xi32, #tpu.memory_space<hbm>>
        tpu.wait_dma2 semaphore(%arg21 : memref<!tpu.dma_semaphore, #tpu.memory_space<semaphore_mem>>) src(%dma_wait3A_268 : memref<128xi32, #tpu.memory_space<hbm>>) dst(%arg13 : memref<128xi32, #tpu.memory_space<vmem>>)
        %dma_start3A_269 = arith.constant 0 : i32
        %dma_start3A_270 = arith.constant 0 : i32
        %dma_start3A_271 = tpu.memref_slice %arg2[%dma_start3A_269, %dma_start3A_270] : memref<10000x128xf32, #tpu.memory_space<hbm>> -> memref<10000x128xf32, #tpu.memory_space<hbm>>
        tpu.enqueue_indirect_dma source(%dma_start3A_271 : memref<10000x128xf32, #tpu.memory_space<hbm>>) target(%arg19 : memref<128x128xf32, #tpu.memory_space<vmem>>) offsets(%arg7 : memref<128xi32, #tpu.memory_space<vmem>>) semaphore(%arg27 : memref<!tpu.dma_semaphore, #tpu.memory_space<semaphore_mem>>)
      } else {
      }
      %dma_wait3A_248 = arith.constant 0 : i32
      %dma_wait3A_249 = arith.constant 0 : i32
      %dma_wait3A_250 = tpu.memref_slice %arg2[%dma_wait3A_248, %dma_wait3A_249] : memref<10000x128xf32, #tpu.memory_space<hbm>> -> memref<10000x128xf32, #tpu.memory_space<hbm>>
      tpu.wait_indirect_dma semaphore(%arg28 : memref<!tpu.dma_semaphore, #tpu.memory_space<semaphore_mem>>) src(%dma_wait3A_250 : memref<10000x128xf32, #tpu.memory_space<hbm>>) dst(%arg20 : memref<128x128xf32, #tpu.memory_space<vmem>>)
      %dma_start3A_251 = arith.constant 0 : i32
      %dma_start3A_252 = arith.constant 0 : i32
      %dma_start3A_253 = tpu.memref_slice %arg31[%dma_start3A_251, %dma_start3A_252] : memref<10112x128xf32, #tpu.memory_space<vmem_shared>> -> memref<10112x128xf32, #tpu.memory_space<vmem_shared>>
      tpu.enqueue_indirect_dma source(%arg20 : memref<128x128xf32, #tpu.memory_space<vmem>>) target(%dma_start3A_253 : memref<10112x128xf32, #tpu.memory_space<vmem_shared>>) offsets(%arg18 : memref<128xi32, #tpu.memory_space<vmem>>) semaphore(%arg30 : memref<!tpu.dma_semaphore, #tpu.memory_space<semaphore_mem>>) {add = true}
      %add3A_254 = arith.constant 4 : i32
      %add3A_255 = arith.addi %add3A_235, %add3A_254 : i32
      %lt3A_256 = arith.constant 78 : i32
      %lt3A_257 = arith.cmpi slt, %add3A_255, %lt3A_256 : i32
      %convert_element_type3A_258 = arith.extui %lt3A_257 : i1 to i32
      %cond3A_259 = arith.constant 0 : i32
      %cond3A_260 = arith.cmpi ne, %convert_element_type3A_258, %cond3A_259 : i32
      scf.if %cond3A_260 {
        %add3A_261 = arith.constant 4 : i32
        %add3A_262 = arith.addi %add3A_235, %add3A_261 : i32
        %mul3A_263 = arith.constant 78 : i32
        %mul3A_264 = arith.muli %add3A, %mul3A_263 : i32
        %add3A_265 = arith.addi %mul3A_264, %add3A_262 : i32
        %mul3A_266 = arith.constant 128 : i32
        %mul3A_267 = arith.muli %add3A_265, %mul3A_266 : i32
        %dma_start3A_268 = tpu.memref_slice %arg3[%mul3A_267] : memref<320000xi32, #tpu.memory_space<hbm>> -> memref<128xi32, #tpu.memory_space<hbm>>
        %dma_start3A_269 = tpu.memref_slice %arg3[%mul3A_267] : memref<320000xi32, #tpu.memory_space<hbm>> -> memref<128xi32, #tpu.memory_space<hbm>>
        tpu.enqueue_dma source(%dma_start3A_269 : memref<128xi32, #tpu.memory_space<hbm>>) target(%arg10 : memref<128xi32, #tpu.memory_space<vmem>>) target_semaphore(%arg24 : memref<!tpu.dma_semaphore, #tpu.memory_space<semaphore_mem>>)
        %mul3A_270 = arith.constant 78 : i32
        %mul3A_271 = arith.muli %add3A, %mul3A_270 : i32
        %add3A_272 = arith.addi %mul3A_271, %add3A_262 : i32
        %mul3A_273 = arith.constant 128 : i32
        %mul3A_274 = arith.muli %add3A_272, %mul3A_273 : i32
        %dma_start3A_275 = tpu.memref_slice %arg4[%mul3A_274] : memref<320000xi32, #tpu.memory_space<hbm>> -> memref<128xi32, #tpu.memory_space<hbm>>
        %dma_start3A_276 = tpu.memref_slice %arg4[%mul3A_274] : memref<320000xi32, #tpu.memory_space<hbm>> -> memref<128xi32, #tpu.memory_space<hbm>>
        tpu.enqueue_dma source(%dma_start3A_276 : memref<128xi32, #tpu.memory_space<hbm>>) target(%arg16 : memref<128xi32, #tpu.memory_space<vmem>>) target_semaphore(%arg24 : memref<!tpu.dma_semaphore, #tpu.memory_space<semaphore_mem>>)
      } else {
      }
    }
    %scan3A_80 = arith.constant 13 : i32
    %dma_wait3A_81 = arith.constant 0 : i32
    %dma_wait3A_82 = arith.constant 0 : i32
    %dma_wait3A_83 = tpu.memref_slice %arg31[%dma_wait3A_81, %dma_wait3A_82] : memref<10112x128xf32, #tpu.memory_space<vmem_shared>> -> memref<10112x128xf32, #tpu.memory_space<vmem_shared>>
    tpu.wait_indirect_dma semaphore(%arg30 : memref<!tpu.dma_semaphore, #tpu.memory_space<semaphore_mem>>) src(%arg20 : memref<128x128xf32, #tpu.memory_space<vmem>>) dst(%dma_wait3A_83 : memref<10112x128xf32, #tpu.memory_space<vmem_shared>>)
    %lt3A = arith.constant 4 : i32
    %lt3A_84 = arith.cmpi slt, %add3A, %lt3A : i32
    %convert_element_type3A = arith.extui %lt3A_84 : i1 to i32
    %cond3A = arith.constant 0 : i32
    %cond3A_85 = arith.cmpi ne, %convert_element_type3A, %cond3A : i32
    scf.if %cond3A_85 {
      %add3A_87 = arith.constant 2496 : i32
      %add3A_88 = arith.addi %add3A_87, %add3A : i32
      %mul3A_89 = arith.constant 128 : i32
      %mul3A_90 = arith.muli %add3A_88, %mul3A_89 : i32
      "tpu.region"() ({
        %run_scoped3A = tpu.sem_alloc : memref<!tpu.dma_semaphore, #tpu.memory_space<semaphore_mem>>
        %dma_start3A_97 = tpu.memref_slice %arg3[%mul3A_90] : memref<320000xi32, #tpu.memory_space<hbm>> -> memref<128xi32, #tpu.memory_space<hbm>>
        %dma_start3A_98 = tpu.memref_slice %arg3[%mul3A_90] : memref<320000xi32, #tpu.memory_space<hbm>> -> memref<128xi32, #tpu.memory_space<hbm>>
        tpu.enqueue_dma source(%dma_start3A_98 : memref<128xi32, #tpu.memory_space<hbm>>) target(%arg7 : memref<128xi32, #tpu.memory_space<vmem>>) target_semaphore(%run_scoped3A : memref<!tpu.dma_semaphore, #tpu.memory_space<semaphore_mem>>)
        %dma_wait3A_99 = tpu.memref_slice %arg3[%mul3A_90] : memref<320000xi32, #tpu.memory_space<hbm>> -> memref<128xi32, #tpu.memory_space<hbm>>
        %dma_wait3A_100 = tpu.memref_slice %arg3[%mul3A_90] : memref<320000xi32, #tpu.memory_space<hbm>> -> memref<128xi32, #tpu.memory_space<hbm>>
        tpu.wait_dma2 semaphore(%run_scoped3A : memref<!tpu.dma_semaphore, #tpu.memory_space<semaphore_mem>>) src(%dma_wait3A_100 : memref<128xi32, #tpu.memory_space<hbm>>) dst(%arg7 : memref<128xi32, #tpu.memory_space<vmem>>)
        tpu.yield
      }) : () -> ()
      "tpu.region"() ({
        %run_scoped3A = tpu.sem_alloc : memref<!tpu.dma_semaphore, #tpu.memory_space<semaphore_mem>>
        %dma_start3A_97 = tpu.memref_slice %arg4[%mul3A_90] : memref<320000xi32, #tpu.memory_space<hbm>> -> memref<128xi32, #tpu.memory_space<hbm>>
        %dma_start3A_98 = tpu.memref_slice %arg4[%mul3A_90] : memref<320000xi32, #tpu.memory_space<hbm>> -> memref<128xi32, #tpu.memory_space<hbm>>
        tpu.enqueue_dma source(%dma_start3A_98 : memref<128xi32, #tpu.memory_space<hbm>>) target(%arg13 : memref<128xi32, #tpu.memory_space<vmem>>) target_semaphore(%run_scoped3A : memref<!tpu.dma_semaphore, #tpu.memory_space<semaphore_mem>>)
        %dma_wait3A_99 = tpu.memref_slice %arg4[%mul3A_90] : memref<320000xi32, #tpu.memory_space<hbm>> -> memref<128xi32, #tpu.memory_space<hbm>>
        %dma_wait3A_100 = tpu.memref_slice %arg4[%mul3A_90] : memref<320000xi32, #tpu.memory_space<hbm>> -> memref<128xi32, #tpu.memory_space<hbm>>
        tpu.wait_dma2 semaphore(%run_scoped3A : memref<!tpu.dma_semaphore, #tpu.memory_space<semaphore_mem>>) src(%dma_wait3A_100 : memref<128xi32, #tpu.memory_space<hbm>>) dst(%arg13 : memref<128xi32, #tpu.memory_space<vmem>>)
        tpu.yield
      }) : () -> ()
      %dma_start3A_91 = arith.constant 0 : i32
      %dma_start3A_92 = arith.constant 0 : i32
      %dma_start3A_93 = tpu.memref_slice %arg2[%dma_start3A_91, %dma_start3A_92] : memref<10000x128xf32, #tpu.memory_space<hbm>> -> memref<10000x128xf32, #tpu.memory_space<hbm>>
      tpu.enqueue_indirect_dma source(%dma_start3A_93 : memref<10000x128xf32, #tpu.memory_space<hbm>>) target(%arg19 : memref<128x128xf32, #tpu.memory_space<vmem>>) offsets(%arg7 : memref<128xi32, #tpu.memory_space<vmem>>) semaphore(%arg27 : memref<!tpu.dma_semaphore, #tpu.memory_space<semaphore_mem>>)
      %dma_wait3A_94 = arith.constant 0 : i32
      %dma_wait3A_95 = arith.constant 0 : i32
      %dma_wait3A_96 = tpu.memref_slice %arg2[%dma_wait3A_94, %dma_wait3A_95] : memref<10000x128xf32, #tpu.memory_space<hbm>> -> memref<10000x128xf32, #tpu.memory_space<hbm>>
      tpu.wait_indirect_dma semaphore(%arg27 : memref<!tpu.dma_semaphore, #tpu.memory_space<semaphore_mem>>) src(%dma_wait3A_96 : memref<10000x128xf32, #tpu.memory_space<hbm>>) dst(%arg19 : memref<128x128xf32, #tpu.memory_space<vmem>>)
      "tpu.region"() ({
        %run_scoped3A = tpu.sem_alloc : memref<!tpu.dma_semaphore, #tpu.memory_space<semaphore_mem>>
        %dma_start3A_97 = arith.constant 0 : i32
        %dma_start3A_98 = arith.constant 0 : i32
        %dma_start3A_99 = tpu.memref_slice %arg31[%dma_start3A_97, %dma_start3A_98] : memref<10112x128xf32, #tpu.memory_space<vmem_shared>> -> memref<10112x128xf32, #tpu.memory_space<vmem_shared>>
        tpu.enqueue_indirect_dma source(%arg19 : memref<128x128xf32, #tpu.memory_space<vmem>>) target(%dma_start3A_99 : memref<10112x128xf32, #tpu.memory_space<vmem_shared>>) offsets(%arg13 : memref<128xi32, #tpu.memory_space<vmem>>) semaphore(%run_scoped3A : memref<!tpu.dma_semaphore, #tpu.memory_space<semaphore_mem>>) {add = true}
        %dma_wait3A_100 = arith.constant 0 : i32
        %dma_wait3A_101 = arith.constant 0 : i32
        %dma_wait3A_102 = tpu.memref_slice %arg31[%dma_wait3A_100, %dma_wait3A_101] : memref<10112x128xf32, #tpu.memory_space<vmem_shared>> -> memref<10112x128xf32, #tpu.memory_space<vmem_shared>>
        tpu.wait_indirect_dma semaphore(%run_scoped3A : memref<!tpu.dma_semaphore, #tpu.memory_space<semaphore_mem>>) src(%arg19 : memref<128x128xf32, #tpu.memory_space<vmem>>) dst(%dma_wait3A_102 : memref<10112x128xf32, #tpu.memory_space<vmem_shared>>)
        tpu.yield
      }) : () -> ()
    } else {
    }
    %barrier3A_86 = arith.constant 0 : index
    tpu.barrier barrier_id(%barrier3A_86)
    "tpu.region"() ({
      %run_scoped3A = tpu.sem_alloc : memref<!tpu.dma_semaphore, #tpu.memory_space<semaphore_mem>>
      %dma_start3A_87 = arith.constant 0 : i32
      %dma_start3A_88 = tpu.memref_slice %arg6[%arg0, %mul3A_2, %dma_start3A_87] : memref<2x10112x128xf32, #tpu.memory_space<hbm>> -> memref<1x632x128xf32, #tpu.memory_space<hbm>>
      %dma_start3A_89 = tpu.memref_squeeze %dma_start3A_88 : memref<1x632x128xf32, #tpu.memory_space<hbm>> -> memref<632x128xf32, #tpu.memory_space<hbm>>
      %dma_start3A_90 = arith.constant 0 : i32
      %dma_start3A_91 = tpu.memref_slice %arg31[%mul3A_2, %dma_start3A_90] : memref<10112x128xf32, #tpu.memory_space<vmem_shared>> -> memref<632x128xf32, #tpu.memory_space<vmem_shared>>
      tpu.enqueue_dma source(%dma_start3A_91 : memref<632x128xf32, #tpu.memory_space<vmem_shared>>) target(%dma_start3A_89 : memref<632x128xf32, #tpu.memory_space<hbm>>) target_semaphore(%run_scoped3A : memref<!tpu.dma_semaphore, #tpu.memory_space<semaphore_mem>>)
      %dma_wait3A_92 = arith.constant 0 : i32
      %dma_wait3A_93 = tpu.memref_slice %arg6[%arg0, %mul3A_2, %dma_wait3A_92] : memref<2x10112x128xf32, #tpu.memory_space<hbm>> -> memref<1x632x128xf32, #tpu.memory_space<hbm>>
      %dma_wait3A_94 = tpu.memref_squeeze %dma_wait3A_93 : memref<1x632x128xf32, #tpu.memory_space<hbm>> -> memref<632x128xf32, #tpu.memory_space<hbm>>
      %dma_wait3A_95 = arith.constant 0 : i32
      %dma_wait3A_96 = tpu.memref_slice %arg31[%mul3A_2, %dma_wait3A_95] : memref<10112x128xf32, #tpu.memory_space<vmem_shared>> -> memref<632x128xf32, #tpu.memory_space<vmem_shared>>
      tpu.wait_dma2 semaphore(%run_scoped3A : memref<!tpu.dma_semaphore, #tpu.memory_space<semaphore_mem>>) src(%dma_wait3A_96 : memref<632x128xf32, #tpu.memory_space<vmem_shared>>) dst(%dma_wait3A_94 : memref<632x128xf32, #tpu.memory_space<hbm>>)
      tpu.yield
    }) : () -> ()
    return
  }
}

#map = affine_map<(d0, d1) -> (0, 0)>
#map1 = affine_map<(d0, d1) -> (0)>
#map2 = affine_map<(d0, d1) -> (0, 0, 0)>
module attributes {stable_mosaic.version = 14 : i64} {
  func.func @_sc_aggregate(%arg0: i32, %arg1: i32, %arg2: memref<10000x128xf32, #tpu.memory_space<hbm>>, %arg3: memref<320000xi32, #tpu.memory_space<hbm>>, %arg4: memref<320000xi32, #tpu.memory_space<hbm>>, %arg5: memref<10112x128xf32, #tpu.memory_space<hbm>>, %arg6: memref<2x10112x128xf32, #tpu.memory_space<hbm>>, %arg7: memref<128xi32, #tpu.memory_space<vmem>>, %arg8: memref<128xi32, #tpu.memory_space<vmem>>, %arg9: memref<128xi32, #tpu.memory_space<vmem>>, %arg10: memref<128xi32, #tpu.memory_space<vmem>>, %arg11: memref<128xi32, #tpu.memory_space<vmem>>, %arg12: memref<128xi32, #tpu.memory_space<vmem>>, %arg13: memref<128xi32, #tpu.memory_space<vmem>>, %arg14: memref<128xi32, #tpu.memory_space<vmem>>, %arg15: memref<128xi32, #tpu.memory_space<vmem>>, %arg16: memref<128xi32, #tpu.memory_space<vmem>>, %arg17: memref<128xi32, #tpu.memory_space<vmem>>, %arg18: memref<128xi32, #tpu.memory_space<vmem>>, %arg19: memref<128x128xf32, #tpu.memory_space<vmem>>, %arg20: memref<128x128xf32, #tpu.memory_space<vmem>>, %arg21: memref<!tpu.dma_semaphore, #tpu.memory_space<semaphore_mem>>, %arg22: memref<!tpu.dma_semaphore, #tpu.memory_space<semaphore_mem>>, %arg23: memref<!tpu.dma_semaphore, #tpu.memory_space<semaphore_mem>>, %arg24: memref<!tpu.dma_semaphore, #tpu.memory_space<semaphore_mem>>, %arg25: memref<!tpu.dma_semaphore, #tpu.memory_space<semaphore_mem>>, %arg26: memref<!tpu.dma_semaphore, #tpu.memory_space<semaphore_mem>>, %arg27: memref<!tpu.dma_semaphore, #tpu.memory_space<semaphore_mem>>, %arg28: memref<!tpu.dma_semaphore, #tpu.memory_space<semaphore_mem>>, %arg29: memref<!tpu.dma_semaphore, #tpu.memory_space<semaphore_mem>>, %arg30: memref<!tpu.dma_semaphore, #tpu.memory_space<semaphore_mem>>, %arg31: memref<10112x128xf32, #tpu.memory_space<vmem_shared>>) attributes {dimension_semantics = [#tpu.dimension_semantics<core_parallel>, #tpu.dimension_semantics<subcore_parallel>], iteration_bounds = array<i64: 2, 16>, scalar_prefetch = 0 : i64, scratch_operands = 25 : i64, tpu.core_type = #tpu.core_type<sc_vector_subcore>, window_params = [{transform_indices = #map}, {transform_indices = #map1}, {transform_indices = #map1}, {transform_indices = #map}, {transform_indices = #map2}]} {
    %mul3A = arith.constant 2 : i32
    %mul3A_0 = arith.muli %arg1, %mul3A : i32
    %add3A = arith.addi %mul3A_0, %arg0 : i32
    %mul3A_1 = arith.constant 632 : i32
    %mul3A_2 = arith.muli %arg1, %mul3A_1 : i32
    "tpu.region"() ({
      %run_scoped3A = tpu.sem_alloc : memref<!tpu.dma_semaphore, #tpu.memory_space<semaphore_mem>>
      %dma_start3A_87 = arith.constant 0 : i32
      %dma_start3A_88 = tpu.memref_slice %arg31[%mul3A_2, %dma_start3A_87] : memref<10112x128xf32, #tpu.memory_space<vmem_shared>> -> memref<632x128xf32, #tpu.memory_space<vmem_shared>>
      %dma_start3A_89 = arith.constant 0 : i32
      %dma_start3A_90 = tpu.memref_slice %arg5[%mul3A_2, %dma_start3A_89] : memref<10112x128xf32, #tpu.memory_space<hbm>> -> memref<632x128xf32, #tpu.memory_space<hbm>>
      tpu.enqueue_dma source(%dma_start3A_90 : memref<632x128xf32, #tpu.memory_space<hbm>>) target(%dma_start3A_88 : memref<632x128xf32, #tpu.memory_space<vmem_shared>>) target_semaphore(%run_scoped3A : memref<!tpu.dma_semaphore, #tpu.memory_space<semaphore_mem>>)
      %dma_wait3A_91 = arith.constant 0 : i32
      %dma_wait3A_92 = tpu.memref_slice %arg31[%mul3A_2, %dma_wait3A_91] : memref<10112x128xf32, #tpu.memory_space<vmem_shared>> -> memref<632x128xf32, #tpu.memory_space<vmem_shared>>
      %dma_wait3A_93 = arith.constant 0 : i32
      %dma_wait3A_94 = tpu.memref_slice %arg5[%mul3A_2, %dma_wait3A_93] : memref<10112x128xf32, #tpu.memory_space<hbm>> -> memref<632x128xf32, #tpu.memory_space<hbm>>
      tpu.wait_dma2 semaphore(%run_scoped3A : memref<!tpu.dma_semaphore, #tpu.memory_space<semaphore_mem>>) src(%dma_wait3A_94 : memref<632x128xf32, #tpu.memory_space<hbm>>) dst(%dma_wait3A_92 : memref<632x128xf32, #tpu.memory_space<vmem_shared>>)
      tpu.yield
    }) : () -> ()
    %barrier3A = arith.constant 0 : index
    tpu.barrier barrier_id(%barrier3A)
    %mul3A_3 = arith.constant 78 : i32
    %mul3A_4 = arith.muli %add3A, %mul3A_3 : i32
    %add3A_5 = arith.constant 0 : i32
    %add3A_6 = arith.addi %mul3A_4, %add3A_5 : i32
    %mul3A_7 = arith.constant 128 : i32
    %mul3A_8 = arith.muli %add3A_6, %mul3A_7 : i32
    %dma_start3A = tpu.memref_slice %arg3[%mul3A_8] : memref<320000xi32, #tpu.memory_space<hbm>> -> memref<128xi32, #tpu.memory_space<hbm>>
    %dma_start3A_9 = tpu.memref_slice %arg3[%mul3A_8] : memref<320000xi32, #tpu.memory_space<hbm>> -> memref<128xi32, #tpu.memory_space<hbm>>
    tpu.enqueue_dma source(%dma_start3A_9 : memref<128xi32, #tpu.memory_space<hbm>>) target(%arg7 : memref<128xi32, #tpu.memory_space<vmem>>) target_semaphore(%arg21 : memref<!tpu.dma_semaphore, #tpu.memory_space<semaphore_mem>>)
    %mul3A_10 = arith.constant 78 : i32
    %mul3A_11 = arith.muli %add3A, %mul3A_10 : i32
    %add3A_12 = arith.constant 0 : i32
    %add3A_13 = arith.addi %mul3A_11, %add3A_12 : i32
    %mul3A_14 = arith.constant 128 : i32
    %mul3A_15 = arith.muli %add3A_13, %mul3A_14 : i32
    %dma_start3A_16 = tpu.memref_slice %arg4[%mul3A_15] : memref<320000xi32, #tpu.memory_space<hbm>> -> memref<128xi32, #tpu.memory_space<hbm>>
    %dma_start3A_17 = tpu.memref_slice %arg4[%mul3A_15] : memref<320000xi32, #tpu.memory_space<hbm>> -> memref<128xi32, #tpu.memory_space<hbm>>
    tpu.enqueue_dma source(%dma_start3A_17 : memref<128xi32, #tpu.memory_space<hbm>>) target(%arg13 : memref<128xi32, #tpu.memory_space<vmem>>) target_semaphore(%arg21 : memref<!tpu.dma_semaphore, #tpu.memory_space<semaphore_mem>>)
    %mul3A_18 = arith.constant 78 : i32
    %mul3A_19 = arith.muli %add3A, %mul3A_18 : i32
    %add3A_20 = arith.constant 1 : i32
    %add3A_21 = arith.addi %mul3A_19, %add3A_20 : i32
    %mul3A_22 = arith.constant 128 : i32
    %mul3A_23 = arith.muli %add3A_21, %mul3A_22 : i32
    %dma_start3A_24 = tpu.memref_slice %arg3[%mul3A_23] : memref<320000xi32, #tpu.memory_space<hbm>> -> memref<128xi32, #tpu.memory_space<hbm>>
    %dma_start3A_25 = tpu.memref_slice %arg3[%mul3A_23] : memref<320000xi32, #tpu.memory_space<hbm>> -> memref<128xi32, #tpu.memory_space<hbm>>
    tpu.enqueue_dma source(%dma_start3A_25 : memref<128xi32, #tpu.memory_space<hbm>>) target(%arg8 : memref<128xi32, #tpu.memory_space<vmem>>) target_semaphore(%arg22 : memref<!tpu.dma_semaphore, #tpu.memory_space<semaphore_mem>>)
    %mul3A_26 = arith.constant 78 : i32
    %mul3A_27 = arith.muli %add3A, %mul3A_26 : i32
    %add3A_28 = arith.constant 1 : i32
    %add3A_29 = arith.addi %mul3A_27, %add3A_28 : i32
    %mul3A_30 = arith.constant 128 : i32
    %mul3A_31 = arith.muli %add3A_29, %mul3A_30 : i32
    %dma_start3A_32 = tpu.memref_slice %arg4[%mul3A_31] : memref<320000xi32, #tpu.memory_space<hbm>> -> memref<128xi32, #tpu.memory_space<hbm>>
    %dma_start3A_33 = tpu.memref_slice %arg4[%mul3A_31] : memref<320000xi32, #tpu.memory_space<hbm>> -> memref<128xi32, #tpu.memory_space<hbm>>
    tpu.enqueue_dma source(%dma_start3A_33 : memref<128xi32, #tpu.memory_space<hbm>>) target(%arg14 : memref<128xi32, #tpu.memory_space<vmem>>) target_semaphore(%arg22 : memref<!tpu.dma_semaphore, #tpu.memory_space<semaphore_mem>>)
    %mul3A_34 = arith.constant 78 : i32
    %mul3A_35 = arith.muli %add3A, %mul3A_34 : i32
    %add3A_36 = arith.constant 2 : i32
    %add3A_37 = arith.addi %mul3A_35, %add3A_36 : i32
    %mul3A_38 = arith.constant 128 : i32
    %mul3A_39 = arith.muli %add3A_37, %mul3A_38 : i32
    %dma_start3A_40 = tpu.memref_slice %arg3[%mul3A_39] : memref<320000xi32, #tpu.memory_space<hbm>> -> memref<128xi32, #tpu.memory_space<hbm>>
    %dma_start3A_41 = tpu.memref_slice %arg3[%mul3A_39] : memref<320000xi32, #tpu.memory_space<hbm>> -> memref<128xi32, #tpu.memory_space<hbm>>
    tpu.enqueue_dma source(%dma_start3A_41 : memref<128xi32, #tpu.memory_space<hbm>>) target(%arg9 : memref<128xi32, #tpu.memory_space<vmem>>) target_semaphore(%arg23 : memref<!tpu.dma_semaphore, #tpu.memory_space<semaphore_mem>>)
    %mul3A_42 = arith.constant 78 : i32
    %mul3A_43 = arith.muli %add3A, %mul3A_42 : i32
    %add3A_44 = arith.constant 2 : i32
    %add3A_45 = arith.addi %mul3A_43, %add3A_44 : i32
    %mul3A_46 = arith.constant 128 : i32
    %mul3A_47 = arith.muli %add3A_45, %mul3A_46 : i32
    %dma_start3A_48 = tpu.memref_slice %arg4[%mul3A_47] : memref<320000xi32, #tpu.memory_space<hbm>> -> memref<128xi32, #tpu.memory_space<hbm>>
    %dma_start3A_49 = tpu.memref_slice %arg4[%mul3A_47] : memref<320000xi32, #tpu.memory_space<hbm>> -> memref<128xi32, #tpu.memory_space<hbm>>
    tpu.enqueue_dma source(%dma_start3A_49 : memref<128xi32, #tpu.memory_space<hbm>>) target(%arg15 : memref<128xi32, #tpu.memory_space<vmem>>) target_semaphore(%arg23 : memref<!tpu.dma_semaphore, #tpu.memory_space<semaphore_mem>>)
    %mul3A_50 = arith.constant 78 : i32
    %mul3A_51 = arith.muli %add3A, %mul3A_50 : i32
    %add3A_52 = arith.constant 3 : i32
    %add3A_53 = arith.addi %mul3A_51, %add3A_52 : i32
    %mul3A_54 = arith.constant 128 : i32
    %mul3A_55 = arith.muli %add3A_53, %mul3A_54 : i32
    %dma_start3A_56 = tpu.memref_slice %arg3[%mul3A_55] : memref<320000xi32, #tpu.memory_space<hbm>> -> memref<128xi32, #tpu.memory_space<hbm>>
    %dma_start3A_57 = tpu.memref_slice %arg3[%mul3A_55] : memref<320000xi32, #tpu.memory_space<hbm>> -> memref<128xi32, #tpu.memory_space<hbm>>
    tpu.enqueue_dma source(%dma_start3A_57 : memref<128xi32, #tpu.memory_space<hbm>>) target(%arg10 : memref<128xi32, #tpu.memory_space<vmem>>) target_semaphore(%arg24 : memref<!tpu.dma_semaphore, #tpu.memory_space<semaphore_mem>>)
    %mul3A_58 = arith.constant 78 : i32
    %mul3A_59 = arith.muli %add3A, %mul3A_58 : i32
    %add3A_60 = arith.constant 3 : i32
    %add3A_61 = arith.addi %mul3A_59, %add3A_60 : i32
    %mul3A_62 = arith.constant 128 : i32
    %mul3A_63 = arith.muli %add3A_61, %mul3A_62 : i32
    %dma_start3A_64 = tpu.memref_slice %arg4[%mul3A_63] : memref<320000xi32, #tpu.memory_space<hbm>> -> memref<128xi32, #tpu.memory_space<hbm>>
    %dma_start3A_65 = tpu.memref_slice %arg4[%mul3A_63] : memref<320000xi32, #tpu.memory_space<hbm>> -> memref<128xi32, #tpu.memory_space<hbm>>
    tpu.enqueue_dma source(%dma_start3A_65 : memref<128xi32, #tpu.memory_space<hbm>>) target(%arg16 : memref<128xi32, #tpu.memory_space<vmem>>) target_semaphore(%arg24 : memref<!tpu.dma_semaphore, #tpu.memory_space<semaphore_mem>>)
    %dma_wait3A = arith.constant 0 : i32
    %dma_wait3A_66 = tpu.memref_slice %arg3[%dma_wait3A] : memref<320000xi32, #tpu.memory_space<hbm>> -> memref<128xi32, #tpu.memory_space<hbm>>
    %dma_wait3A_67 = arith.constant 0 : i32
    %dma_wait3A_68 = tpu.memref_slice %arg3[%dma_wait3A_67] : memref<320000xi32, #tpu.memory_space<hbm>> -> memref<128xi32, #tpu.memory_space<hbm>>
    tpu.wait_dma2 semaphore(%arg21 : memref<!tpu.dma_semaphore, #tpu.memory_space<semaphore_mem>>) src(%dma_wait3A_68 : memref<128xi32, #tpu.memory_space<hbm>>) dst(%arg7 : memref<128xi32, #tpu.memory_space<vmem>>)
    %dma_wait3A_69 = arith.constant 0 : i32
    %dma_wait3A_70 = tpu.memref_slice %arg4[%dma_wait3A_69] : memref<320000xi32, #tpu.memory_space<hbm>> -> memref<128xi32, #tpu.memory_space<hbm>>
    %dma_wait3A_71 = arith.constant 0 : i32
    %dma_wait3A_72 = tpu.memref_slice %arg4[%dma_wait3A_71] : memref<320000xi32, #tpu.memory_space<hbm>> -> memref<128xi32, #tpu.memory_space<hbm>>
    tpu.wait_dma2 semaphore(%arg21 : memref<!tpu.dma_semaphore, #tpu.memory_space<semaphore_mem>>) src(%dma_wait3A_72 : memref<128xi32, #tpu.memory_space<hbm>>) dst(%arg13 : memref<128xi32, #tpu.memory_space<vmem>>)
    %dma_start3A_73 = arith.constant 0 : i32
    %dma_start3A_74 = arith.constant 0 : i32
    %dma_start3A_75 = tpu.memref_slice %arg2[%dma_start3A_73, %dma_start3A_74] : memref<10000x128xf32, #tpu.memory_space<hbm>> -> memref<10000x128xf32, #tpu.memory_space<hbm>>
    tpu.enqueue_indirect_dma source(%dma_start3A_75 : memref<10000x128xf32, #tpu.memory_space<hbm>>) target(%arg19 : memref<128x128xf32, #tpu.memory_space<vmem>>) offsets(%arg7 : memref<128xi32, #tpu.memory_space<vmem>>) semaphore(%arg27 : memref<!tpu.dma_semaphore, #tpu.memory_space<semaphore_mem>>)
    %scan3A = arith.constant 0 : i32
    %scan3A_76 = arith.constant 0 : i32
    %scan3A_77 = arith.constant 13 : i32
    %scan3A_78 = arith.addi %scan3A_76, %scan3A_77 : i32
    %scan3A_79 = arith.constant 1 : i32
    scf.for %scan3A_87 = %scan3A_76 to %scan3A_78 step %scan3A_79  : i32 {
      %mul3A_88 = arith.constant 6 : i32
      %mul3A_89 = arith.muli %mul3A_88, %scan3A_87 : i32
      %add3A_90 = arith.constant 0 : i32
      %add3A_91 = arith.addi %mul3A_89, %add3A_90 : i32
      %ge3A = arith.constant 1 : i32
      %ge3A_92 = arith.cmpi sge, %add3A_91, %ge3A : i32
      %convert_element_type3A_93 = arith.extui %ge3A_92 : i1 to i32
      %cond3A_94 = arith.constant 0 : i32
      %cond3A_95 = arith.cmpi ne, %convert_element_type3A_93, %cond3A_94 : i32
      scf.if %cond3A_95 {
        %dma_wait3A_261 = arith.constant 0 : i32
        %dma_wait3A_262 = arith.constant 0 : i32
        %dma_wait3A_263 = tpu.memref_slice %arg31[%dma_wait3A_261, %dma_wait3A_262] : memref<10112x128xf32, #tpu.memory_space<vmem_shared>> -> memref<10112x128xf32, #tpu.memory_space<vmem_shared>>
        tpu.wait_indirect_dma semaphore(%arg30 : memref<!tpu.dma_semaphore, #tpu.memory_space<semaphore_mem>>) src(%arg20 : memref<128x128xf32, #tpu.memory_space<vmem>>) dst(%dma_wait3A_263 : memref<10112x128xf32, #tpu.memory_space<vmem_shared>>)
      } else {
      }
      %add3A_96 = arith.constant 1 : i32
      %add3A_97 = arith.addi %add3A_91, %add3A_96 : i32
      %lt3A_98 = arith.constant 78 : i32
      %lt3A_99 = arith.cmpi slt, %add3A_97, %lt3A_98 : i32
      %convert_element_type3A_100 = arith.extui %lt3A_99 : i1 to i32
      %cond3A_101 = arith.constant 0 : i32
      %cond3A_102 = arith.cmpi ne, %convert_element_type3A_100, %cond3A_101 : i32
      scf.if %cond3A_102 {
        %dma_wait3A_261 = arith.constant 0 : i32
        %dma_wait3A_262 = tpu.memref_slice %arg3[%dma_wait3A_261] : memref<320000xi32, #tpu.memory_space<hbm>> -> memref<128xi32, #tpu.memory_space<hbm>>
        %dma_wait3A_263 = arith.constant 0 : i32
        %dma_wait3A_264 = tpu.memref_slice %arg3[%dma_wait3A_263] : memref<320000xi32, #tpu.memory_space<hbm>> -> memref<128xi32, #tpu.memory_space<hbm>>
        tpu.wait_dma2 semaphore(%arg22 : memref<!tpu.dma_semaphore, #tpu.memory_space<semaphore_mem>>) src(%dma_wait3A_264 : memref<128xi32, #tpu.memory_space<hbm>>) dst(%arg8 : memref<128xi32, #tpu.memory_space<vmem>>)
        %dma_wait3A_265 = arith.constant 0 : i32
        %dma_wait3A_266 = tpu.memref_slice %arg4[%dma_wait3A_265] : memref<320000xi32, #tpu.memory_space<hbm>> -> memref<128xi32, #tpu.memory_space<hbm>>
        %dma_wait3A_267 = arith.constant 0 : i32
        %dma_wait3A_268 = tpu.memref_slice %arg4[%dma_wait3A_267] : memref<320000xi32, #tpu.memory_space<hbm>> -> memref<128xi32, #tpu.memory_space<hbm>>
        tpu.wait_dma2 semaphore(%arg22 : memref<!tpu.dma_semaphore, #tpu.memory_space<semaphore_mem>>) src(%dma_wait3A_268 : memref<128xi32, #tpu.memory_space<hbm>>) dst(%arg14 : memref<128xi32, #tpu.memory_space<vmem>>)
        %dma_start3A_269 = arith.constant 0 : i32
        %dma_start3A_270 = arith.constant 0 : i32
        %dma_start3A_271 = tpu.memref_slice %arg2[%dma_start3A_269, %dma_start3A_270] : memref<10000x128xf32, #tpu.memory_space<hbm>> -> memref<10000x128xf32, #tpu.memory_space<hbm>>
        tpu.enqueue_indirect_dma source(%dma_start3A_271 : memref<10000x128xf32, #tpu.memory_space<hbm>>) target(%arg20 : memref<128x128xf32, #tpu.memory_space<vmem>>) offsets(%arg8 : memref<128xi32, #tpu.memory_space<vmem>>) semaphore(%arg28 : memref<!tpu.dma_semaphore, #tpu.memory_space<semaphore_mem>>)
      } else {
      }
      %dma_wait3A_103 = arith.constant 0 : i32
      %dma_wait3A_104 = arith.constant 0 : i32
      %dma_wait3A_105 = tpu.memref_slice %arg2[%dma_wait3A_103, %dma_wait3A_104] : memref<10000x128xf32, #tpu.memory_space<hbm>> -> memref<10000x128xf32, #tpu.memory_space<hbm>>
      tpu.wait_indirect_dma semaphore(%arg27 : memref<!tpu.dma_semaphore, #tpu.memory_space<semaphore_mem>>) src(%dma_wait3A_105 : memref<10000x128xf32, #tpu.memory_space<hbm>>) dst(%arg19 : memref<128x128xf32, #tpu.memory_space<vmem>>)
      %dma_start3A_106 = arith.constant 0 : i32
      %dma_start3A_107 = arith.constant 0 : i32
      %dma_start3A_108 = tpu.memref_slice %arg31[%dma_start3A_106, %dma_start3A_107] : memref<10112x128xf32, #tpu.memory_space<vmem_shared>> -> memref<10112x128xf32, #tpu.memory_space<vmem_shared>>
      tpu.enqueue_indirect_dma source(%arg19 : memref<128x128xf32, #tpu.memory_space<vmem>>) target(%dma_start3A_108 : memref<10112x128xf32, #tpu.memory_space<vmem_shared>>) offsets(%arg13 : memref<128xi32, #tpu.memory_space<vmem>>) semaphore(%arg29 : memref<!tpu.dma_semaphore, #tpu.memory_space<semaphore_mem>>) {add = true}
      %add3A_109 = arith.constant 4 : i32
      %add3A_110 = arith.addi %add3A_91, %add3A_109 : i32
      %lt3A_111 = arith.constant 78 : i32
      %lt3A_112 = arith.cmpi slt, %add3A_110, %lt3A_111 : i32
      %convert_element_type3A_113 = arith.extui %lt3A_112 : i1 to i32
      %cond3A_114 = arith.constant 0 : i32
      %cond3A_115 = arith.cmpi ne, %convert_element_type3A_113, %cond3A_114 : i32
      scf.if %cond3A_115 {
        %add3A_261 = arith.constant 4 : i32
        %add3A_262 = arith.addi %add3A_91, %add3A_261 : i32
        %mul3A_263 = arith.constant 78 : i32
        %mul3A_264 = arith.muli %add3A, %mul3A_263 : i32
        %add3A_265 = arith.addi %mul3A_264, %add3A_262 : i32
        %mul3A_266 = arith.constant 128 : i32
        %mul3A_267 = arith.muli %add3A_265, %mul3A_266 : i32
        %dma_start3A_268 = tpu.memref_slice %arg3[%mul3A_267] : memref<320000xi32, #tpu.memory_space<hbm>> -> memref<128xi32, #tpu.memory_space<hbm>>
        %dma_start3A_269 = tpu.memref_slice %arg3[%mul3A_267] : memref<320000xi32, #tpu.memory_space<hbm>> -> memref<128xi32, #tpu.memory_space<hbm>>
        tpu.enqueue_dma source(%dma_start3A_269 : memref<128xi32, #tpu.memory_space<hbm>>) target(%arg11 : memref<128xi32, #tpu.memory_space<vmem>>) target_semaphore(%arg25 : memref<!tpu.dma_semaphore, #tpu.memory_space<semaphore_mem>>)
        %mul3A_270 = arith.constant 78 : i32
        %mul3A_271 = arith.muli %add3A, %mul3A_270 : i32
        %add3A_272 = arith.addi %mul3A_271, %add3A_262 : i32
        %mul3A_273 = arith.constant 128 : i32
        %mul3A_274 = arith.muli %add3A_272, %mul3A_273 : i32
        %dma_start3A_275 = tpu.memref_slice %arg4[%mul3A_274] : memref<320000xi32, #tpu.memory_space<hbm>> -> memref<128xi32, #tpu.memory_space<hbm>>
        %dma_start3A_276 = tpu.memref_slice %arg4[%mul3A_274] : memref<320000xi32, #tpu.memory_space<hbm>> -> memref<128xi32, #tpu.memory_space<hbm>>
        tpu.enqueue_dma source(%dma_start3A_276 : memref<128xi32, #tpu.memory_space<hbm>>) target(%arg17 : memref<128xi32, #tpu.memory_space<vmem>>) target_semaphore(%arg25 : memref<!tpu.dma_semaphore, #tpu.memory_space<semaphore_mem>>)
      } else {
      }
      %mul3A_116 = arith.constant 6 : i32
      %mul3A_117 = arith.muli %mul3A_116, %scan3A_87 : i32
      %add3A_118 = arith.constant 1 : i32
      %add3A_119 = arith.addi %mul3A_117, %add3A_118 : i32
      %ge3A_120 = arith.constant 1 : i32
      %ge3A_121 = arith.cmpi sge, %add3A_119, %ge3A_120 : i32
      %convert_element_type3A_122 = arith.extui %ge3A_121 : i1 to i32
      %cond3A_123 = arith.constant 0 : i32
      %cond3A_124 = arith.cmpi ne, %convert_element_type3A_122, %cond3A_123 : i32
      scf.if %cond3A_124 {
        %dma_wait3A_261 = arith.constant 0 : i32
        %dma_wait3A_262 = arith.constant 0 : i32
        %dma_wait3A_263 = tpu.memref_slice %arg31[%dma_wait3A_261, %dma_wait3A_262] : memref<10112x128xf32, #tpu.memory_space<vmem_shared>> -> memref<10112x128xf32, #tpu.memory_space<vmem_shared>>
        tpu.wait_indirect_dma semaphore(%arg29 : memref<!tpu.dma_semaphore, #tpu.memory_space<semaphore_mem>>) src(%arg19 : memref<128x128xf32, #tpu.memory_space<vmem>>) dst(%dma_wait3A_263 : memref<10112x128xf32, #tpu.memory_space<vmem_shared>>)
      } else {
      }
      %add3A_125 = arith.constant 1 : i32
      %add3A_126 = arith.addi %add3A_119, %add3A_125 : i32
      %lt3A_127 = arith.constant 78 : i32
      %lt3A_128 = arith.cmpi slt, %add3A_126, %lt3A_127 : i32
      %convert_element_type3A_129 = arith.extui %lt3A_128 : i1 to i32
      %cond3A_130 = arith.constant 0 : i32
      %cond3A_131 = arith.cmpi ne, %convert_element_type3A_129, %cond3A_130 : i32
      scf.if %cond3A_131 {
        %dma_wait3A_261 = arith.constant 0 : i32
        %dma_wait3A_262 = tpu.memref_slice %arg3[%dma_wait3A_261] : memref<320000xi32, #tpu.memory_space<hbm>> -> memref<128xi32, #tpu.memory_space<hbm>>
        %dma_wait3A_263 = arith.constant 0 : i32
        %dma_wait3A_264 = tpu.memref_slice %arg3[%dma_wait3A_263] : memref<320000xi32, #tpu.memory_space<hbm>> -> memref<128xi32, #tpu.memory_space<hbm>>
        tpu.wait_dma2 semaphore(%arg23 : memref<!tpu.dma_semaphore, #tpu.memory_space<semaphore_mem>>) src(%dma_wait3A_264 : memref<128xi32, #tpu.memory_space<hbm>>) dst(%arg9 : memref<128xi32, #tpu.memory_space<vmem>>)
        %dma_wait3A_265 = arith.constant 0 : i32
        %dma_wait3A_266 = tpu.memref_slice %arg4[%dma_wait3A_265] : memref<320000xi32, #tpu.memory_space<hbm>> -> memref<128xi32, #tpu.memory_space<hbm>>
        %dma_wait3A_267 = arith.constant 0 : i32
        %dma_wait3A_268 = tpu.memref_slice %arg4[%dma_wait3A_267] : memref<320000xi32, #tpu.memory_space<hbm>> -> memref<128xi32, #tpu.memory_space<hbm>>
        tpu.wait_dma2 semaphore(%arg23 : memref<!tpu.dma_semaphore, #tpu.memory_space<semaphore_mem>>) src(%dma_wait3A_268 : memref<128xi32, #tpu.memory_space<hbm>>) dst(%arg15 : memref<128xi32, #tpu.memory_space<vmem>>)
        %dma_start3A_269 = arith.constant 0 : i32
        %dma_start3A_270 = arith.constant 0 : i32
        %dma_start3A_271 = tpu.memref_slice %arg2[%dma_start3A_269, %dma_start3A_270] : memref<10000x128xf32, #tpu.memory_space<hbm>> -> memref<10000x128xf32, #tpu.memory_space<hbm>>
        tpu.enqueue_indirect_dma source(%dma_start3A_271 : memref<10000x128xf32, #tpu.memory_space<hbm>>) target(%arg19 : memref<128x128xf32, #tpu.memory_space<vmem>>) offsets(%arg9 : memref<128xi32, #tpu.memory_space<vmem>>) semaphore(%arg27 : memref<!tpu.dma_semaphore, #tpu.memory_space<semaphore_mem>>)
      } else {
      }
      %dma_wait3A_132 = arith.constant 0 : i32
      %dma_wait3A_133 = arith.constant 0 : i32
      %dma_wait3A_134 = tpu.memref_slice %arg2[%dma_wait3A_132, %dma_wait3A_133] : memref<10000x128xf32, #tpu.memory_space<hbm>> -> memref<10000x128xf32, #tpu.memory_space<hbm>>
      tpu.wait_indirect_dma semaphore(%arg28 : memref<!tpu.dma_semaphore, #tpu.memory_space<semaphore_mem>>) src(%dma_wait3A_134 : memref<10000x128xf32, #tpu.memory_space<hbm>>) dst(%arg20 : memref<128x128xf32, #tpu.memory_space<vmem>>)
      %dma_start3A_135 = arith.constant 0 : i32
      %dma_start3A_136 = arith.constant 0 : i32
      %dma_start3A_137 = tpu.memref_slice %arg31[%dma_start3A_135, %dma_start3A_136] : memref<10112x128xf32, #tpu.memory_space<vmem_shared>> -> memref<10112x128xf32, #tpu.memory_space<vmem_shared>>
      tpu.enqueue_indirect_dma source(%arg20 : memref<128x128xf32, #tpu.memory_space<vmem>>) target(%dma_start3A_137 : memref<10112x128xf32, #tpu.memory_space<vmem_shared>>) offsets(%arg14 : memref<128xi32, #tpu.memory_space<vmem>>) semaphore(%arg30 : memref<!tpu.dma_semaphore, #tpu.memory_space<semaphore_mem>>) {add = true}
      %add3A_138 = arith.constant 4 : i32
      %add3A_139 = arith.addi %add3A_119, %add3A_138 : i32
      %lt3A_140 = arith.constant 78 : i32
      %lt3A_141 = arith.cmpi slt, %add3A_139, %lt3A_140 : i32
      %convert_element_type3A_142 = arith.extui %lt3A_141 : i1 to i32
      %cond3A_143 = arith.constant 0 : i32
      %cond3A_144 = arith.cmpi ne, %convert_element_type3A_142, %cond3A_143 : i32
      scf.if %cond3A_144 {
        %add3A_261 = arith.constant 4 : i32
        %add3A_262 = arith.addi %add3A_119, %add3A_261 : i32
        %mul3A_263 = arith.constant 78 : i32
        %mul3A_264 = arith.muli %add3A, %mul3A_263 : i32
        %add3A_265 = arith.addi %mul3A_264, %add3A_262 : i32
        %mul3A_266 = arith.constant 128 : i32
        %mul3A_267 = arith.muli %add3A_265, %mul3A_266 : i32
        %dma_start3A_268 = tpu.memref_slice %arg3[%mul3A_267] : memref<320000xi32, #tpu.memory_space<hbm>> -> memref<128xi32, #tpu.memory_space<hbm>>
        %dma_start3A_269 = tpu.memref_slice %arg3[%mul3A_267] : memref<320000xi32, #tpu.memory_space<hbm>> -> memref<128xi32, #tpu.memory_space<hbm>>
        tpu.enqueue_dma source(%dma_start3A_269 : memref<128xi32, #tpu.memory_space<hbm>>) target(%arg12 : memref<128xi32, #tpu.memory_space<vmem>>) target_semaphore(%arg26 : memref<!tpu.dma_semaphore, #tpu.memory_space<semaphore_mem>>)
        %mul3A_270 = arith.constant 78 : i32
        %mul3A_271 = arith.muli %add3A, %mul3A_270 : i32
        %add3A_272 = arith.addi %mul3A_271, %add3A_262 : i32
        %mul3A_273 = arith.constant 128 : i32
        %mul3A_274 = arith.muli %add3A_272, %mul3A_273 : i32
        %dma_start3A_275 = tpu.memref_slice %arg4[%mul3A_274] : memref<320000xi32, #tpu.memory_space<hbm>> -> memref<128xi32, #tpu.memory_space<hbm>>
        %dma_start3A_276 = tpu.memref_slice %arg4[%mul3A_274] : memref<320000xi32, #tpu.memory_space<hbm>> -> memref<128xi32, #tpu.memory_space<hbm>>
        tpu.enqueue_dma source(%dma_start3A_276 : memref<128xi32, #tpu.memory_space<hbm>>) target(%arg18 : memref<128xi32, #tpu.memory_space<vmem>>) target_semaphore(%arg26 : memref<!tpu.dma_semaphore, #tpu.memory_space<semaphore_mem>>)
      } else {
      }
      %mul3A_145 = arith.constant 6 : i32
      %mul3A_146 = arith.muli %mul3A_145, %scan3A_87 : i32
      %add3A_147 = arith.constant 2 : i32
      %add3A_148 = arith.addi %mul3A_146, %add3A_147 : i32
      %ge3A_149 = arith.constant 1 : i32
      %ge3A_150 = arith.cmpi sge, %add3A_148, %ge3A_149 : i32
      %convert_element_type3A_151 = arith.extui %ge3A_150 : i1 to i32
      %cond3A_152 = arith.constant 0 : i32
      %cond3A_153 = arith.cmpi ne, %convert_element_type3A_151, %cond3A_152 : i32
      scf.if %cond3A_153 {
        %dma_wait3A_261 = arith.constant 0 : i32
        %dma_wait3A_262 = arith.constant 0 : i32
        %dma_wait3A_263 = tpu.memref_slice %arg31[%dma_wait3A_261, %dma_wait3A_262] : memref<10112x128xf32, #tpu.memory_space<vmem_shared>> -> memref<10112x128xf32, #tpu.memory_space<vmem_shared>>
        tpu.wait_indirect_dma semaphore(%arg30 : memref<!tpu.dma_semaphore, #tpu.memory_space<semaphore_mem>>) src(%arg20 : memref<128x128xf32, #tpu.memory_space<vmem>>) dst(%dma_wait3A_263 : memref<10112x128xf32, #tpu.memory_space<vmem_shared>>)
      } else {
      }
      %add3A_154 = arith.constant 1 : i32
      %add3A_155 = arith.addi %add3A_148, %add3A_154 : i32
      %lt3A_156 = arith.constant 78 : i32
      %lt3A_157 = arith.cmpi slt, %add3A_155, %lt3A_156 : i32
      %convert_element_type3A_158 = arith.extui %lt3A_157 : i1 to i32
      %cond3A_159 = arith.constant 0 : i32
      %cond3A_160 = arith.cmpi ne, %convert_element_type3A_158, %cond3A_159 : i32
      scf.if %cond3A_160 {
        %dma_wait3A_261 = arith.constant 0 : i32
        %dma_wait3A_262 = tpu.memref_slice %arg3[%dma_wait3A_261] : memref<320000xi32, #tpu.memory_space<hbm>> -> memref<128xi32, #tpu.memory_space<hbm>>
        %dma_wait3A_263 = arith.constant 0 : i32
        %dma_wait3A_264 = tpu.memref_slice %arg3[%dma_wait3A_263] : memref<320000xi32, #tpu.memory_space<hbm>> -> memref<128xi32, #tpu.memory_space<hbm>>
        tpu.wait_dma2 semaphore(%arg24 : memref<!tpu.dma_semaphore, #tpu.memory_space<semaphore_mem>>) src(%dma_wait3A_264 : memref<128xi32, #tpu.memory_space<hbm>>) dst(%arg10 : memref<128xi32, #tpu.memory_space<vmem>>)
        %dma_wait3A_265 = arith.constant 0 : i32
        %dma_wait3A_266 = tpu.memref_slice %arg4[%dma_wait3A_265] : memref<320000xi32, #tpu.memory_space<hbm>> -> memref<128xi32, #tpu.memory_space<hbm>>
        %dma_wait3A_267 = arith.constant 0 : i32
        %dma_wait3A_268 = tpu.memref_slice %arg4[%dma_wait3A_267] : memref<320000xi32, #tpu.memory_space<hbm>> -> memref<128xi32, #tpu.memory_space<hbm>>
        tpu.wait_dma2 semaphore(%arg24 : memref<!tpu.dma_semaphore, #tpu.memory_space<semaphore_mem>>) src(%dma_wait3A_268 : memref<128xi32, #tpu.memory_space<hbm>>) dst(%arg16 : memref<128xi32, #tpu.memory_space<vmem>>)
        %dma_start3A_269 = arith.constant 0 : i32
        %dma_start3A_270 = arith.constant 0 : i32
        %dma_start3A_271 = tpu.memref_slice %arg2[%dma_start3A_269, %dma_start3A_270] : memref<10000x128xf32, #tpu.memory_space<hbm>> -> memref<10000x128xf32, #tpu.memory_space<hbm>>
        tpu.enqueue_indirect_dma source(%dma_start3A_271 : memref<10000x128xf32, #tpu.memory_space<hbm>>) target(%arg20 : memref<128x128xf32, #tpu.memory_space<vmem>>) offsets(%arg10 : memref<128xi32, #tpu.memory_space<vmem>>) semaphore(%arg28 : memref<!tpu.dma_semaphore, #tpu.memory_space<semaphore_mem>>)
      } else {
      }
      %dma_wait3A_161 = arith.constant 0 : i32
      %dma_wait3A_162 = arith.constant 0 : i32
      %dma_wait3A_163 = tpu.memref_slice %arg2[%dma_wait3A_161, %dma_wait3A_162] : memref<10000x128xf32, #tpu.memory_space<hbm>> -> memref<10000x128xf32, #tpu.memory_space<hbm>>
      tpu.wait_indirect_dma semaphore(%arg27 : memref<!tpu.dma_semaphore, #tpu.memory_space<semaphore_mem>>) src(%dma_wait3A_163 : memref<10000x128xf32, #tpu.memory_space<hbm>>) dst(%arg19 : memref<128x128xf32, #tpu.memory_space<vmem>>)
      %dma_start3A_164 = arith.constant 0 : i32
      %dma_start3A_165 = arith.constant 0 : i32
      %dma_start3A_166 = tpu.memref_slice %arg31[%dma_start3A_164, %dma_start3A_165] : memref<10112x128xf32, #tpu.memory_space<vmem_shared>> -> memref<10112x128xf32, #tpu.memory_space<vmem_shared>>
      tpu.enqueue_indirect_dma source(%arg19 : memref<128x128xf32, #tpu.memory_space<vmem>>) target(%dma_start3A_166 : memref<10112x128xf32, #tpu.memory_space<vmem_shared>>) offsets(%arg15 : memref<128xi32, #tpu.memory_space<vmem>>) semaphore(%arg29 : memref<!tpu.dma_semaphore, #tpu.memory_space<semaphore_mem>>) {add = true}
      %add3A_167 = arith.constant 4 : i32
      %add3A_168 = arith.addi %add3A_148, %add3A_167 : i32
      %lt3A_169 = arith.constant 78 : i32
      %lt3A_170 = arith.cmpi slt, %add3A_168, %lt3A_169 : i32
      %convert_element_type3A_171 = arith.extui %lt3A_170 : i1 to i32
      %cond3A_172 = arith.constant 0 : i32
      %cond3A_173 = arith.cmpi ne, %convert_element_type3A_171, %cond3A_172 : i32
      scf.if %cond3A_173 {
        %add3A_261 = arith.constant 4 : i32
        %add3A_262 = arith.addi %add3A_148, %add3A_261 : i32
        %mul3A_263 = arith.constant 78 : i32
        %mul3A_264 = arith.muli %add3A, %mul3A_263 : i32
        %add3A_265 = arith.addi %mul3A_264, %add3A_262 : i32
        %mul3A_266 = arith.constant 128 : i32
        %mul3A_267 = arith.muli %add3A_265, %mul3A_266 : i32
        %dma_start3A_268 = tpu.memref_slice %arg3[%mul3A_267] : memref<320000xi32, #tpu.memory_space<hbm>> -> memref<128xi32, #tpu.memory_space<hbm>>
        %dma_start3A_269 = tpu.memref_slice %arg3[%mul3A_267] : memref<320000xi32, #tpu.memory_space<hbm>> -> memref<128xi32, #tpu.memory_space<hbm>>
        tpu.enqueue_dma source(%dma_start3A_269 : memref<128xi32, #tpu.memory_space<hbm>>) target(%arg7 : memref<128xi32, #tpu.memory_space<vmem>>) target_semaphore(%arg21 : memref<!tpu.dma_semaphore, #tpu.memory_space<semaphore_mem>>)
        %mul3A_270 = arith.constant 78 : i32
        %mul3A_271 = arith.muli %add3A, %mul3A_270 : i32
        %add3A_272 = arith.addi %mul3A_271, %add3A_262 : i32
        %mul3A_273 = arith.constant 128 : i32
        %mul3A_274 = arith.muli %add3A_272, %mul3A_273 : i32
        %dma_start3A_275 = tpu.memref_slice %arg4[%mul3A_274] : memref<320000xi32, #tpu.memory_space<hbm>> -> memref<128xi32, #tpu.memory_space<hbm>>
        %dma_start3A_276 = tpu.memref_slice %arg4[%mul3A_274] : memref<320000xi32, #tpu.memory_space<hbm>> -> memref<128xi32, #tpu.memory_space<hbm>>
        tpu.enqueue_dma source(%dma_start3A_276 : memref<128xi32, #tpu.memory_space<hbm>>) target(%arg13 : memref<128xi32, #tpu.memory_space<vmem>>) target_semaphore(%arg21 : memref<!tpu.dma_semaphore, #tpu.memory_space<semaphore_mem>>)
      } else {
      }
      %mul3A_174 = arith.constant 6 : i32
      %mul3A_175 = arith.muli %mul3A_174, %scan3A_87 : i32
      %add3A_176 = arith.constant 3 : i32
      %add3A_177 = arith.addi %mul3A_175, %add3A_176 : i32
      %ge3A_178 = arith.constant 1 : i32
      %ge3A_179 = arith.cmpi sge, %add3A_177, %ge3A_178 : i32
      %convert_element_type3A_180 = arith.extui %ge3A_179 : i1 to i32
      %cond3A_181 = arith.constant 0 : i32
      %cond3A_182 = arith.cmpi ne, %convert_element_type3A_180, %cond3A_181 : i32
      scf.if %cond3A_182 {
        %dma_wait3A_261 = arith.constant 0 : i32
        %dma_wait3A_262 = arith.constant 0 : i32
        %dma_wait3A_263 = tpu.memref_slice %arg31[%dma_wait3A_261, %dma_wait3A_262] : memref<10112x128xf32, #tpu.memory_space<vmem_shared>> -> memref<10112x128xf32, #tpu.memory_space<vmem_shared>>
        tpu.wait_indirect_dma semaphore(%arg29 : memref<!tpu.dma_semaphore, #tpu.memory_space<semaphore_mem>>) src(%arg19 : memref<128x128xf32, #tpu.memory_space<vmem>>) dst(%dma_wait3A_263 : memref<10112x128xf32, #tpu.memory_space<vmem_shared>>)
      } else {
      }
      %add3A_183 = arith.constant 1 : i32
      %add3A_184 = arith.addi %add3A_177, %add3A_183 : i32
      %lt3A_185 = arith.constant 78 : i32
      %lt3A_186 = arith.cmpi slt, %add3A_184, %lt3A_185 : i32
      %convert_element_type3A_187 = arith.extui %lt3A_186 : i1 to i32
      %cond3A_188 = arith.constant 0 : i32
      %cond3A_189 = arith.cmpi ne, %convert_element_type3A_187, %cond3A_188 : i32
      scf.if %cond3A_189 {
        %dma_wait3A_261 = arith.constant 0 : i32
        %dma_wait3A_262 = tpu.memref_slice %arg3[%dma_wait3A_261] : memref<320000xi32, #tpu.memory_space<hbm>> -> memref<128xi32, #tpu.memory_space<hbm>>
        %dma_wait3A_263 = arith.constant 0 : i32
        %dma_wait3A_264 = tpu.memref_slice %arg3[%dma_wait3A_263] : memref<320000xi32, #tpu.memory_space<hbm>> -> memref<128xi32, #tpu.memory_space<hbm>>
        tpu.wait_dma2 semaphore(%arg25 : memref<!tpu.dma_semaphore, #tpu.memory_space<semaphore_mem>>) src(%dma_wait3A_264 : memref<128xi32, #tpu.memory_space<hbm>>) dst(%arg11 : memref<128xi32, #tpu.memory_space<vmem>>)
        %dma_wait3A_265 = arith.constant 0 : i32
        %dma_wait3A_266 = tpu.memref_slice %arg4[%dma_wait3A_265] : memref<320000xi32, #tpu.memory_space<hbm>> -> memref<128xi32, #tpu.memory_space<hbm>>
        %dma_wait3A_267 = arith.constant 0 : i32
        %dma_wait3A_268 = tpu.memref_slice %arg4[%dma_wait3A_267] : memref<320000xi32, #tpu.memory_space<hbm>> -> memref<128xi32, #tpu.memory_space<hbm>>
        tpu.wait_dma2 semaphore(%arg25 : memref<!tpu.dma_semaphore, #tpu.memory_space<semaphore_mem>>) src(%dma_wait3A_268 : memref<128xi32, #tpu.memory_space<hbm>>) dst(%arg17 : memref<128xi32, #tpu.memory_space<vmem>>)
        %dma_start3A_269 = arith.constant 0 : i32
        %dma_start3A_270 = arith.constant 0 : i32
        %dma_start3A_271 = tpu.memref_slice %arg2[%dma_start3A_269, %dma_start3A_270] : memref<10000x128xf32, #tpu.memory_space<hbm>> -> memref<10000x128xf32, #tpu.memory_space<hbm>>
        tpu.enqueue_indirect_dma source(%dma_start3A_271 : memref<10000x128xf32, #tpu.memory_space<hbm>>) target(%arg19 : memref<128x128xf32, #tpu.memory_space<vmem>>) offsets(%arg11 : memref<128xi32, #tpu.memory_space<vmem>>) semaphore(%arg27 : memref<!tpu.dma_semaphore, #tpu.memory_space<semaphore_mem>>)
      } else {
      }
      %dma_wait3A_190 = arith.constant 0 : i32
      %dma_wait3A_191 = arith.constant 0 : i32
      %dma_wait3A_192 = tpu.memref_slice %arg2[%dma_wait3A_190, %dma_wait3A_191] : memref<10000x128xf32, #tpu.memory_space<hbm>> -> memref<10000x128xf32, #tpu.memory_space<hbm>>
      tpu.wait_indirect_dma semaphore(%arg28 : memref<!tpu.dma_semaphore, #tpu.memory_space<semaphore_mem>>) src(%dma_wait3A_192 : memref<10000x128xf32, #tpu.memory_space<hbm>>) dst(%arg20 : memref<128x128xf32, #tpu.memory_space<vmem>>)
      %dma_start3A_193 = arith.constant 0 : i32
      %dma_start3A_194 = arith.constant 0 : i32
      %dma_start3A_195 = tpu.memref_slice %arg31[%dma_start3A_193, %dma_start3A_194] : memref<10112x128xf32, #tpu.memory_space<vmem_shared>> -> memref<10112x128xf32, #tpu.memory_space<vmem_shared>>
      tpu.enqueue_indirect_dma source(%arg20 : memref<128x128xf32, #tpu.memory_space<vmem>>) target(%dma_start3A_195 : memref<10112x128xf32, #tpu.memory_space<vmem_shared>>) offsets(%arg16 : memref<128xi32, #tpu.memory_space<vmem>>) semaphore(%arg30 : memref<!tpu.dma_semaphore, #tpu.memory_space<semaphore_mem>>) {add = true}
      %add3A_196 = arith.constant 4 : i32
      %add3A_197 = arith.addi %add3A_177, %add3A_196 : i32
      %lt3A_198 = arith.constant 78 : i32
      %lt3A_199 = arith.cmpi slt, %add3A_197, %lt3A_198 : i32
      %convert_element_type3A_200 = arith.extui %lt3A_199 : i1 to i32
      %cond3A_201 = arith.constant 0 : i32
      %cond3A_202 = arith.cmpi ne, %convert_element_type3A_200, %cond3A_201 : i32
      scf.if %cond3A_202 {
        %add3A_261 = arith.constant 4 : i32
        %add3A_262 = arith.addi %add3A_177, %add3A_261 : i32
        %mul3A_263 = arith.constant 78 : i32
        %mul3A_264 = arith.muli %add3A, %mul3A_263 : i32
        %add3A_265 = arith.addi %mul3A_264, %add3A_262 : i32
        %mul3A_266 = arith.constant 128 : i32
        %mul3A_267 = arith.muli %add3A_265, %mul3A_266 : i32
        %dma_start3A_268 = tpu.memref_slice %arg3[%mul3A_267] : memref<320000xi32, #tpu.memory_space<hbm>> -> memref<128xi32, #tpu.memory_space<hbm>>
        %dma_start3A_269 = tpu.memref_slice %arg3[%mul3A_267] : memref<320000xi32, #tpu.memory_space<hbm>> -> memref<128xi32, #tpu.memory_space<hbm>>
        tpu.enqueue_dma source(%dma_start3A_269 : memref<128xi32, #tpu.memory_space<hbm>>) target(%arg8 : memref<128xi32, #tpu.memory_space<vmem>>) target_semaphore(%arg22 : memref<!tpu.dma_semaphore, #tpu.memory_space<semaphore_mem>>)
        %mul3A_270 = arith.constant 78 : i32
        %mul3A_271 = arith.muli %add3A, %mul3A_270 : i32
        %add3A_272 = arith.addi %mul3A_271, %add3A_262 : i32
        %mul3A_273 = arith.constant 128 : i32
        %mul3A_274 = arith.muli %add3A_272, %mul3A_273 : i32
        %dma_start3A_275 = tpu.memref_slice %arg4[%mul3A_274] : memref<320000xi32, #tpu.memory_space<hbm>> -> memref<128xi32, #tpu.memory_space<hbm>>
        %dma_start3A_276 = tpu.memref_slice %arg4[%mul3A_274] : memref<320000xi32, #tpu.memory_space<hbm>> -> memref<128xi32, #tpu.memory_space<hbm>>
        tpu.enqueue_dma source(%dma_start3A_276 : memref<128xi32, #tpu.memory_space<hbm>>) target(%arg14 : memref<128xi32, #tpu.memory_space<vmem>>) target_semaphore(%arg22 : memref<!tpu.dma_semaphore, #tpu.memory_space<semaphore_mem>>)
      } else {
      }
      %mul3A_203 = arith.constant 6 : i32
      %mul3A_204 = arith.muli %mul3A_203, %scan3A_87 : i32
      %add3A_205 = arith.constant 4 : i32
      %add3A_206 = arith.addi %mul3A_204, %add3A_205 : i32
      %ge3A_207 = arith.constant 1 : i32
      %ge3A_208 = arith.cmpi sge, %add3A_206, %ge3A_207 : i32
      %convert_element_type3A_209 = arith.extui %ge3A_208 : i1 to i32
      %cond3A_210 = arith.constant 0 : i32
      %cond3A_211 = arith.cmpi ne, %convert_element_type3A_209, %cond3A_210 : i32
      scf.if %cond3A_211 {
        %dma_wait3A_261 = arith.constant 0 : i32
        %dma_wait3A_262 = arith.constant 0 : i32
        %dma_wait3A_263 = tpu.memref_slice %arg31[%dma_wait3A_261, %dma_wait3A_262] : memref<10112x128xf32, #tpu.memory_space<vmem_shared>> -> memref<10112x128xf32, #tpu.memory_space<vmem_shared>>
        tpu.wait_indirect_dma semaphore(%arg30 : memref<!tpu.dma_semaphore, #tpu.memory_space<semaphore_mem>>) src(%arg20 : memref<128x128xf32, #tpu.memory_space<vmem>>) dst(%dma_wait3A_263 : memref<10112x128xf32, #tpu.memory_space<vmem_shared>>)
      } else {
      }
      %add3A_212 = arith.constant 1 : i32
      %add3A_213 = arith.addi %add3A_206, %add3A_212 : i32
      %lt3A_214 = arith.constant 78 : i32
      %lt3A_215 = arith.cmpi slt, %add3A_213, %lt3A_214 : i32
      %convert_element_type3A_216 = arith.extui %lt3A_215 : i1 to i32
      %cond3A_217 = arith.constant 0 : i32
      %cond3A_218 = arith.cmpi ne, %convert_element_type3A_216, %cond3A_217 : i32
      scf.if %cond3A_218 {
        %dma_wait3A_261 = arith.constant 0 : i32
        %dma_wait3A_262 = tpu.memref_slice %arg3[%dma_wait3A_261] : memref<320000xi32, #tpu.memory_space<hbm>> -> memref<128xi32, #tpu.memory_space<hbm>>
        %dma_wait3A_263 = arith.constant 0 : i32
        %dma_wait3A_264 = tpu.memref_slice %arg3[%dma_wait3A_263] : memref<320000xi32, #tpu.memory_space<hbm>> -> memref<128xi32, #tpu.memory_space<hbm>>
        tpu.wait_dma2 semaphore(%arg26 : memref<!tpu.dma_semaphore, #tpu.memory_space<semaphore_mem>>) src(%dma_wait3A_264 : memref<128xi32, #tpu.memory_space<hbm>>) dst(%arg12 : memref<128xi32, #tpu.memory_space<vmem>>)
        %dma_wait3A_265 = arith.constant 0 : i32
        %dma_wait3A_266 = tpu.memref_slice %arg4[%dma_wait3A_265] : memref<320000xi32, #tpu.memory_space<hbm>> -> memref<128xi32, #tpu.memory_space<hbm>>
        %dma_wait3A_267 = arith.constant 0 : i32
        %dma_wait3A_268 = tpu.memref_slice %arg4[%dma_wait3A_267] : memref<320000xi32, #tpu.memory_space<hbm>> -> memref<128xi32, #tpu.memory_space<hbm>>
        tpu.wait_dma2 semaphore(%arg26 : memref<!tpu.dma_semaphore, #tpu.memory_space<semaphore_mem>>) src(%dma_wait3A_268 : memref<128xi32, #tpu.memory_space<hbm>>) dst(%arg18 : memref<128xi32, #tpu.memory_space<vmem>>)
        %dma_start3A_269 = arith.constant 0 : i32
        %dma_start3A_270 = arith.constant 0 : i32
        %dma_start3A_271 = tpu.memref_slice %arg2[%dma_start3A_269, %dma_start3A_270] : memref<10000x128xf32, #tpu.memory_space<hbm>> -> memref<10000x128xf32, #tpu.memory_space<hbm>>
        tpu.enqueue_indirect_dma source(%dma_start3A_271 : memref<10000x128xf32, #tpu.memory_space<hbm>>) target(%arg20 : memref<128x128xf32, #tpu.memory_space<vmem>>) offsets(%arg12 : memref<128xi32, #tpu.memory_space<vmem>>) semaphore(%arg28 : memref<!tpu.dma_semaphore, #tpu.memory_space<semaphore_mem>>)
      } else {
      }
      %dma_wait3A_219 = arith.constant 0 : i32
      %dma_wait3A_220 = arith.constant 0 : i32
      %dma_wait3A_221 = tpu.memref_slice %arg2[%dma_wait3A_219, %dma_wait3A_220] : memref<10000x128xf32, #tpu.memory_space<hbm>> -> memref<10000x128xf32, #tpu.memory_space<hbm>>
      tpu.wait_indirect_dma semaphore(%arg27 : memref<!tpu.dma_semaphore, #tpu.memory_space<semaphore_mem>>) src(%dma_wait3A_221 : memref<10000x128xf32, #tpu.memory_space<hbm>>) dst(%arg19 : memref<128x128xf32, #tpu.memory_space<vmem>>)
      %dma_start3A_222 = arith.constant 0 : i32
      %dma_start3A_223 = arith.constant 0 : i32
      %dma_start3A_224 = tpu.memref_slice %arg31[%dma_start3A_222, %dma_start3A_223] : memref<10112x128xf32, #tpu.memory_space<vmem_shared>> -> memref<10112x128xf32, #tpu.memory_space<vmem_shared>>
      tpu.enqueue_indirect_dma source(%arg19 : memref<128x128xf32, #tpu.memory_space<vmem>>) target(%dma_start3A_224 : memref<10112x128xf32, #tpu.memory_space<vmem_shared>>) offsets(%arg17 : memref<128xi32, #tpu.memory_space<vmem>>) semaphore(%arg29 : memref<!tpu.dma_semaphore, #tpu.memory_space<semaphore_mem>>) {add = true}
      %add3A_225 = arith.constant 4 : i32
      %add3A_226 = arith.addi %add3A_206, %add3A_225 : i32
      %lt3A_227 = arith.constant 78 : i32
      %lt3A_228 = arith.cmpi slt, %add3A_226, %lt3A_227 : i32
      %convert_element_type3A_229 = arith.extui %lt3A_228 : i1 to i32
      %cond3A_230 = arith.constant 0 : i32
      %cond3A_231 = arith.cmpi ne, %convert_element_type3A_229, %cond3A_230 : i32
      scf.if %cond3A_231 {
        %add3A_261 = arith.constant 4 : i32
        %add3A_262 = arith.addi %add3A_206, %add3A_261 : i32
        %mul3A_263 = arith.constant 78 : i32
        %mul3A_264 = arith.muli %add3A, %mul3A_263 : i32
        %add3A_265 = arith.addi %mul3A_264, %add3A_262 : i32
        %mul3A_266 = arith.constant 128 : i32
        %mul3A_267 = arith.muli %add3A_265, %mul3A_266 : i32
        %dma_start3A_268 = tpu.memref_slice %arg3[%mul3A_267] : memref<320000xi32, #tpu.memory_space<hbm>> -> memref<128xi32, #tpu.memory_space<hbm>>
        %dma_start3A_269 = tpu.memref_slice %arg3[%mul3A_267] : memref<320000xi32, #tpu.memory_space<hbm>> -> memref<128xi32, #tpu.memory_space<hbm>>
        tpu.enqueue_dma source(%dma_start3A_269 : memref<128xi32, #tpu.memory_space<hbm>>) target(%arg9 : memref<128xi32, #tpu.memory_space<vmem>>) target_semaphore(%arg23 : memref<!tpu.dma_semaphore, #tpu.memory_space<semaphore_mem>>)
        %mul3A_270 = arith.constant 78 : i32
        %mul3A_271 = arith.muli %add3A, %mul3A_270 : i32
        %add3A_272 = arith.addi %mul3A_271, %add3A_262 : i32
        %mul3A_273 = arith.constant 128 : i32
        %mul3A_274 = arith.muli %add3A_272, %mul3A_273 : i32
        %dma_start3A_275 = tpu.memref_slice %arg4[%mul3A_274] : memref<320000xi32, #tpu.memory_space<hbm>> -> memref<128xi32, #tpu.memory_space<hbm>>
        %dma_start3A_276 = tpu.memref_slice %arg4[%mul3A_274] : memref<320000xi32, #tpu.memory_space<hbm>> -> memref<128xi32, #tpu.memory_space<hbm>>
        tpu.enqueue_dma source(%dma_start3A_276 : memref<128xi32, #tpu.memory_space<hbm>>) target(%arg15 : memref<128xi32, #tpu.memory_space<vmem>>) target_semaphore(%arg23 : memref<!tpu.dma_semaphore, #tpu.memory_space<semaphore_mem>>)
      } else {
      }
      %mul3A_232 = arith.constant 6 : i32
      %mul3A_233 = arith.muli %mul3A_232, %scan3A_87 : i32
      %add3A_234 = arith.constant 5 : i32
      %add3A_235 = arith.addi %mul3A_233, %add3A_234 : i32
      %ge3A_236 = arith.constant 1 : i32
      %ge3A_237 = arith.cmpi sge, %add3A_235, %ge3A_236 : i32
      %convert_element_type3A_238 = arith.extui %ge3A_237 : i1 to i32
      %cond3A_239 = arith.constant 0 : i32
      %cond3A_240 = arith.cmpi ne, %convert_element_type3A_238, %cond3A_239 : i32
      scf.if %cond3A_240 {
        %dma_wait3A_261 = arith.constant 0 : i32
        %dma_wait3A_262 = arith.constant 0 : i32
        %dma_wait3A_263 = tpu.memref_slice %arg31[%dma_wait3A_261, %dma_wait3A_262] : memref<10112x128xf32, #tpu.memory_space<vmem_shared>> -> memref<10112x128xf32, #tpu.memory_space<vmem_shared>>
        tpu.wait_indirect_dma semaphore(%arg29 : memref<!tpu.dma_semaphore, #tpu.memory_space<semaphore_mem>>) src(%arg19 : memref<128x128xf32, #tpu.memory_space<vmem>>) dst(%dma_wait3A_263 : memref<10112x128xf32, #tpu.memory_space<vmem_shared>>)
      } else {
      }
      %add3A_241 = arith.constant 1 : i32
      %add3A_242 = arith.addi %add3A_235, %add3A_241 : i32
      %lt3A_243 = arith.constant 78 : i32
      %lt3A_244 = arith.cmpi slt, %add3A_242, %lt3A_243 : i32
      %convert_element_type3A_245 = arith.extui %lt3A_244 : i1 to i32
      %cond3A_246 = arith.constant 0 : i32
      %cond3A_247 = arith.cmpi ne, %convert_element_type3A_245, %cond3A_246 : i32
      scf.if %cond3A_247 {
        %dma_wait3A_261 = arith.constant 0 : i32
        %dma_wait3A_262 = tpu.memref_slice %arg3[%dma_wait3A_261] : memref<320000xi32, #tpu.memory_space<hbm>> -> memref<128xi32, #tpu.memory_space<hbm>>
        %dma_wait3A_263 = arith.constant 0 : i32
        %dma_wait3A_264 = tpu.memref_slice %arg3[%dma_wait3A_263] : memref<320000xi32, #tpu.memory_space<hbm>> -> memref<128xi32, #tpu.memory_space<hbm>>
        tpu.wait_dma2 semaphore(%arg21 : memref<!tpu.dma_semaphore, #tpu.memory_space<semaphore_mem>>) src(%dma_wait3A_264 : memref<128xi32, #tpu.memory_space<hbm>>) dst(%arg7 : memref<128xi32, #tpu.memory_space<vmem>>)
        %dma_wait3A_265 = arith.constant 0 : i32
        %dma_wait3A_266 = tpu.memref_slice %arg4[%dma_wait3A_265] : memref<320000xi32, #tpu.memory_space<hbm>> -> memref<128xi32, #tpu.memory_space<hbm>>
        %dma_wait3A_267 = arith.constant 0 : i32
        %dma_wait3A_268 = tpu.memref_slice %arg4[%dma_wait3A_267] : memref<320000xi32, #tpu.memory_space<hbm>> -> memref<128xi32, #tpu.memory_space<hbm>>
        tpu.wait_dma2 semaphore(%arg21 : memref<!tpu.dma_semaphore, #tpu.memory_space<semaphore_mem>>) src(%dma_wait3A_268 : memref<128xi32, #tpu.memory_space<hbm>>) dst(%arg13 : memref<128xi32, #tpu.memory_space<vmem>>)
        %dma_start3A_269 = arith.constant 0 : i32
        %dma_start3A_270 = arith.constant 0 : i32
        %dma_start3A_271 = tpu.memref_slice %arg2[%dma_start3A_269, %dma_start3A_270] : memref<10000x128xf32, #tpu.memory_space<hbm>> -> memref<10000x128xf32, #tpu.memory_space<hbm>>
        tpu.enqueue_indirect_dma source(%dma_start3A_271 : memref<10000x128xf32, #tpu.memory_space<hbm>>) target(%arg19 : memref<128x128xf32, #tpu.memory_space<vmem>>) offsets(%arg7 : memref<128xi32, #tpu.memory_space<vmem>>) semaphore(%arg27 : memref<!tpu.dma_semaphore, #tpu.memory_space<semaphore_mem>>)
      } else {
      }
      %dma_wait3A_248 = arith.constant 0 : i32
      %dma_wait3A_249 = arith.constant 0 : i32
      %dma_wait3A_250 = tpu.memref_slice %arg2[%dma_wait3A_248, %dma_wait3A_249] : memref<10000x128xf32, #tpu.memory_space<hbm>> -> memref<10000x128xf32, #tpu.memory_space<hbm>>
      tpu.wait_indirect_dma semaphore(%arg28 : memref<!tpu.dma_semaphore, #tpu.memory_space<semaphore_mem>>) src(%dma_wait3A_250 : memref<10000x128xf32, #tpu.memory_space<hbm>>) dst(%arg20 : memref<128x128xf32, #tpu.memory_space<vmem>>)
      %dma_start3A_251 = arith.constant 0 : i32
      %dma_start3A_252 = arith.constant 0 : i32
      %dma_start3A_253 = tpu.memref_slice %arg31[%dma_start3A_251, %dma_start3A_252] : memref<10112x128xf32, #tpu.memory_space<vmem_shared>> -> memref<10112x128xf32, #tpu.memory_space<vmem_shared>>
      tpu.enqueue_indirect_dma source(%arg20 : memref<128x128xf32, #tpu.memory_space<vmem>>) target(%dma_start3A_253 : memref<10112x128xf32, #tpu.memory_space<vmem_shared>>) offsets(%arg18 : memref<128xi32, #tpu.memory_space<vmem>>) semaphore(%arg30 : memref<!tpu.dma_semaphore, #tpu.memory_space<semaphore_mem>>) {add = true}
      %add3A_254 = arith.constant 4 : i32
      %add3A_255 = arith.addi %add3A_235, %add3A_254 : i32
      %lt3A_256 = arith.constant 78 : i32
      %lt3A_257 = arith.cmpi slt, %add3A_255, %lt3A_256 : i32
      %convert_element_type3A_258 = arith.extui %lt3A_257 : i1 to i32
      %cond3A_259 = arith.constant 0 : i32
      %cond3A_260 = arith.cmpi ne, %convert_element_type3A_258, %cond3A_259 : i32
      scf.if %cond3A_260 {
        %add3A_261 = arith.constant 4 : i32
        %add3A_262 = arith.addi %add3A_235, %add3A_261 : i32
        %mul3A_263 = arith.constant 78 : i32
        %mul3A_264 = arith.muli %add3A, %mul3A_263 : i32
        %add3A_265 = arith.addi %mul3A_264, %add3A_262 : i32
        %mul3A_266 = arith.constant 128 : i32
        %mul3A_267 = arith.muli %add3A_265, %mul3A_266 : i32
        %dma_start3A_268 = tpu.memref_slice %arg3[%mul3A_267] : memref<320000xi32, #tpu.memory_space<hbm>> -> memref<128xi32, #tpu.memory_space<hbm>>
        %dma_start3A_269 = tpu.memref_slice %arg3[%mul3A_267] : memref<320000xi32, #tpu.memory_space<hbm>> -> memref<128xi32, #tpu.memory_space<hbm>>
        tpu.enqueue_dma source(%dma_start3A_269 : memref<128xi32, #tpu.memory_space<hbm>>) target(%arg10 : memref<128xi32, #tpu.memory_space<vmem>>) target_semaphore(%arg24 : memref<!tpu.dma_semaphore, #tpu.memory_space<semaphore_mem>>)
        %mul3A_270 = arith.constant 78 : i32
        %mul3A_271 = arith.muli %add3A, %mul3A_270 : i32
        %add3A_272 = arith.addi %mul3A_271, %add3A_262 : i32
        %mul3A_273 = arith.constant 128 : i32
        %mul3A_274 = arith.muli %add3A_272, %mul3A_273 : i32
        %dma_start3A_275 = tpu.memref_slice %arg4[%mul3A_274] : memref<320000xi32, #tpu.memory_space<hbm>> -> memref<128xi32, #tpu.memory_space<hbm>>
        %dma_start3A_276 = tpu.memref_slice %arg4[%mul3A_274] : memref<320000xi32, #tpu.memory_space<hbm>> -> memref<128xi32, #tpu.memory_space<hbm>>
        tpu.enqueue_dma source(%dma_start3A_276 : memref<128xi32, #tpu.memory_space<hbm>>) target(%arg16 : memref<128xi32, #tpu.memory_space<vmem>>) target_semaphore(%arg24 : memref<!tpu.dma_semaphore, #tpu.memory_space<semaphore_mem>>)
      } else {
      }
    }
    %scan3A_80 = arith.constant 13 : i32
    %dma_wait3A_81 = arith.constant 0 : i32
    %dma_wait3A_82 = arith.constant 0 : i32
    %dma_wait3A_83 = tpu.memref_slice %arg31[%dma_wait3A_81, %dma_wait3A_82] : memref<10112x128xf32, #tpu.memory_space<vmem_shared>> -> memref<10112x128xf32, #tpu.memory_space<vmem_shared>>
    tpu.wait_indirect_dma semaphore(%arg30 : memref<!tpu.dma_semaphore, #tpu.memory_space<semaphore_mem>>) src(%arg20 : memref<128x128xf32, #tpu.memory_space<vmem>>) dst(%dma_wait3A_83 : memref<10112x128xf32, #tpu.memory_space<vmem_shared>>)
    %lt3A = arith.constant 4 : i32
    %lt3A_84 = arith.cmpi slt, %add3A, %lt3A : i32
    %convert_element_type3A = arith.extui %lt3A_84 : i1 to i32
    %cond3A = arith.constant 0 : i32
    %cond3A_85 = arith.cmpi ne, %convert_element_type3A, %cond3A : i32
    scf.if %cond3A_85 {
      %add3A_87 = arith.constant 2496 : i32
      %add3A_88 = arith.addi %add3A_87, %add3A : i32
      %mul3A_89 = arith.constant 128 : i32
      %mul3A_90 = arith.muli %add3A_88, %mul3A_89 : i32
      "tpu.region"() ({
        %run_scoped3A = tpu.sem_alloc : memref<!tpu.dma_semaphore, #tpu.memory_space<semaphore_mem>>
        %dma_start3A_97 = tpu.memref_slice %arg3[%mul3A_90] : memref<320000xi32, #tpu.memory_space<hbm>> -> memref<128xi32, #tpu.memory_space<hbm>>
        %dma_start3A_98 = tpu.memref_slice %arg3[%mul3A_90] : memref<320000xi32, #tpu.memory_space<hbm>> -> memref<128xi32, #tpu.memory_space<hbm>>
        tpu.enqueue_dma source(%dma_start3A_98 : memref<128xi32, #tpu.memory_space<hbm>>) target(%arg7 : memref<128xi32, #tpu.memory_space<vmem>>) target_semaphore(%run_scoped3A : memref<!tpu.dma_semaphore, #tpu.memory_space<semaphore_mem>>)
        %dma_wait3A_99 = tpu.memref_slice %arg3[%mul3A_90] : memref<320000xi32, #tpu.memory_space<hbm>> -> memref<128xi32, #tpu.memory_space<hbm>>
        %dma_wait3A_100 = tpu.memref_slice %arg3[%mul3A_90] : memref<320000xi32, #tpu.memory_space<hbm>> -> memref<128xi32, #tpu.memory_space<hbm>>
        tpu.wait_dma2 semaphore(%run_scoped3A : memref<!tpu.dma_semaphore, #tpu.memory_space<semaphore_mem>>) src(%dma_wait3A_100 : memref<128xi32, #tpu.memory_space<hbm>>) dst(%arg7 : memref<128xi32, #tpu.memory_space<vmem>>)
        tpu.yield
      }) : () -> ()
      "tpu.region"() ({
        %run_scoped3A = tpu.sem_alloc : memref<!tpu.dma_semaphore, #tpu.memory_space<semaphore_mem>>
        %dma_start3A_97 = tpu.memref_slice %arg4[%mul3A_90] : memref<320000xi32, #tpu.memory_space<hbm>> -> memref<128xi32, #tpu.memory_space<hbm>>
        %dma_start3A_98 = tpu.memref_slice %arg4[%mul3A_90] : memref<320000xi32, #tpu.memory_space<hbm>> -> memref<128xi32, #tpu.memory_space<hbm>>
        tpu.enqueue_dma source(%dma_start3A_98 : memref<128xi32, #tpu.memory_space<hbm>>) target(%arg13 : memref<128xi32, #tpu.memory_space<vmem>>) target_semaphore(%run_scoped3A : memref<!tpu.dma_semaphore, #tpu.memory_space<semaphore_mem>>)
        %dma_wait3A_99 = tpu.memref_slice %arg4[%mul3A_90] : memref<320000xi32, #tpu.memory_space<hbm>> -> memref<128xi32, #tpu.memory_space<hbm>>
        %dma_wait3A_100 = tpu.memref_slice %arg4[%mul3A_90] : memref<320000xi32, #tpu.memory_space<hbm>> -> memref<128xi32, #tpu.memory_space<hbm>>
        tpu.wait_dma2 semaphore(%run_scoped3A : memref<!tpu.dma_semaphore, #tpu.memory_space<semaphore_mem>>) src(%dma_wait3A_100 : memref<128xi32, #tpu.memory_space<hbm>>) dst(%arg13 : memref<128xi32, #tpu.memory_space<vmem>>)
        tpu.yield
      }) : () -> ()
      %dma_start3A_91 = arith.constant 0 : i32
      %dma_start3A_92 = arith.constant 0 : i32
      %dma_start3A_93 = tpu.memref_slice %arg2[%dma_start3A_91, %dma_start3A_92] : memref<10000x128xf32, #tpu.memory_space<hbm>> -> memref<10000x128xf32, #tpu.memory_space<hbm>>
      tpu.enqueue_indirect_dma source(%dma_start3A_93 : memref<10000x128xf32, #tpu.memory_space<hbm>>) target(%arg19 : memref<128x128xf32, #tpu.memory_space<vmem>>) offsets(%arg7 : memref<128xi32, #tpu.memory_space<vmem>>) semaphore(%arg27 : memref<!tpu.dma_semaphore, #tpu.memory_space<semaphore_mem>>)
      %dma_wait3A_94 = arith.constant 0 : i32
      %dma_wait3A_95 = arith.constant 0 : i32
      %dma_wait3A_96 = tpu.memref_slice %arg2[%dma_wait3A_94, %dma_wait3A_95] : memref<10000x128xf32, #tpu.memory_space<hbm>> -> memref<10000x128xf32, #tpu.memory_space<hbm>>
      tpu.wait_indirect_dma semaphore(%arg27 : memref<!tpu.dma_semaphore, #tpu.memory_space<semaphore_mem>>) src(%dma_wait3A_96 : memref<10000x128xf32, #tpu.memory_space<hbm>>) dst(%arg19 : memref<128x128xf32, #tpu.memory_space<vmem>>)
      "tpu.region"() ({
        %run_scoped3A = tpu.sem_alloc : memref<!tpu.dma_semaphore, #tpu.memory_space<semaphore_mem>>
        %dma_start3A_97 = arith.constant 0 : i32
        %dma_start3A_98 = arith.constant 0 : i32
        %dma_start3A_99 = tpu.memref_slice %arg31[%dma_start3A_97, %dma_start3A_98] : memref<10112x128xf32, #tpu.memory_space<vmem_shared>> -> memref<10112x128xf32, #tpu.memory_space<vmem_shared>>
        tpu.enqueue_indirect_dma source(%arg19 : memref<128x128xf32, #tpu.memory_space<vmem>>) target(%dma_start3A_99 : memref<10112x128xf32, #tpu.memory_space<vmem_shared>>) offsets(%arg13 : memref<128xi32, #tpu.memory_space<vmem>>) semaphore(%run_scoped3A : memref<!tpu.dma_semaphore, #tpu.memory_space<semaphore_mem>>) {add = true}
        %dma_wait3A_100 = arith.constant 0 : i32
        %dma_wait3A_101 = arith.constant 0 : i32
        %dma_wait3A_102 = tpu.memref_slice %arg31[%dma_wait3A_100, %dma_wait3A_101] : memref<10112x128xf32, #tpu.memory_space<vmem_shared>> -> memref<10112x128xf32, #tpu.memory_space<vmem_shared>>
        tpu.wait_indirect_dma semaphore(%run_scoped3A : memref<!tpu.dma_semaphore, #tpu.memory_space<semaphore_mem>>) src(%arg19 : memref<128x128xf32, #tpu.memory_space<vmem>>) dst(%dma_wait3A_102 : memref<10112x128xf32, #tpu.memory_space<vmem_shared>>)
        tpu.yield
      }) : () -> ()
    } else {
    }
    %barrier3A_86 = arith.constant 0 : index
    tpu.barrier barrier_id(%barrier3A_86)
    "tpu.region"() ({
      %run_scoped3A = tpu.sem_alloc : memref<!tpu.dma_semaphore, #tpu.memory_space<semaphore_mem>>
      %dma_start3A_87 = arith.constant 0 : i32
      %dma_start3A_88 = tpu.memref_slice %arg6[%arg0, %mul3A_2, %dma_start3A_87] : memref<2x10112x128xf32, #tpu.memory_space<hbm>> -> memref<1x632x128xf32, #tpu.memory_space<hbm>>
      %dma_start3A_89 = tpu.memref_squeeze %dma_start3A_88 : memref<1x632x128xf32, #tpu.memory_space<hbm>> -> memref<632x128xf32, #tpu.memory_space<hbm>>
      %dma_start3A_90 = arith.constant 0 : i32
      %dma_start3A_91 = tpu.memref_slice %arg31[%mul3A_2, %dma_start3A_90] : memref<10112x128xf32, #tpu.memory_space<vmem_shared>> -> memref<632x128xf32, #tpu.memory_space<vmem_shared>>
      tpu.enqueue_dma source(%dma_start3A_91 : memref<632x128xf32, #tpu.memory_space<vmem_shared>>) target(%dma_start3A_89 : memref<632x128xf32, #tpu.memory_space<hbm>>) target_semaphore(%run_scoped3A : memref<!tpu.dma_semaphore, #tpu.memory_space<semaphore_mem>>)
      %dma_wait3A_92 = arith.constant 0 : i32
      %dma_wait3A_93 = tpu.memref_slice %arg6[%arg0, %mul3A_2, %dma_wait3A_92] : memref<2x10112x128xf32, #tpu.memory_space<hbm>> -> memref<1x632x128xf32, #tpu.memory_space<hbm>>
      %dma_wait3A_94 = tpu.memref_squeeze %dma_wait3A_93 : memref<1x632x128xf32, #tpu.memory_space<hbm>> -> memref<632x128xf32, #tpu.memory_space<hbm>>
      %dma_wait3A_95 = arith.constant 0 : i32
      %dma_wait3A_96 = tpu.memref_slice %arg31[%mul3A_2, %dma_wait3A_95] : memref<10112x128xf32, #tpu.memory_space<vmem_shared>> -> memref<632x128xf32, #tpu.memory_space<vmem_shared>>
      tpu.wait_dma2 semaphore(%run_scoped3A : memref<!tpu.dma_semaphore, #tpu.memory_space<semaphore_mem>>) src(%dma_wait3A_96 : memref<632x128xf32, #tpu.memory_space<vmem_shared>>) dst(%dma_wait3A_94 : memref<632x128xf32, #tpu.memory_space<hbm>>)
      tpu.yield
    }) : () -> ()
    return
  }
}

#map = affine_map<(d0, d1) -> (0, 0)>
#map1 = affine_map<(d0, d1) -> (0)>
module attributes {stable_mosaic.version = 14 : i64} {
  func.func @_sc_pair_gather(%arg0: i32, %arg1: i32, %arg2: memref<10000x128xf32, #tpu.memory_space<hbm>>, %arg3: memref<10000x128xf32, #tpu.memory_space<hbm>>, %arg4: memref<20480xi32, #tpu.memory_space<hbm>>, %arg5: memref<20480xi32, #tpu.memory_space<hbm>>, %arg6: memref<20480x128xf32, #tpu.memory_space<hbm>>, %arg7: memref<20480x128xf32, #tpu.memory_space<hbm>>, %arg8: memref<640xi32, #tpu.memory_space<vmem>>, %arg9: memref<640xi32, #tpu.memory_space<vmem>>, %arg10: memref<128x128xf32, #tpu.memory_space<vmem>>, %arg11: memref<128x128xf32, #tpu.memory_space<vmem>>, %arg12: memref<!tpu.dma_semaphore, #tpu.memory_space<semaphore_mem>>, %arg13: memref<!tpu.dma_semaphore, #tpu.memory_space<semaphore_mem>>) attributes {dimension_semantics = [#tpu.dimension_semantics<core_parallel>, #tpu.dimension_semantics<subcore_parallel>], iteration_bounds = array<i64: 2, 16>, scalar_prefetch = 0 : i64, scratch_operands = 6 : i64, tpu.core_type = #tpu.core_type<sc_vector_subcore>, window_params = [{transform_indices = #map}, {transform_indices = #map}, {transform_indices = #map1}, {transform_indices = #map1}, {transform_indices = #map}, {transform_indices = #map}]} {
    %mul3A = arith.constant 2 : i32
    %mul3A_0 = arith.muli %arg1, %mul3A : i32
    %add3A = arith.addi %mul3A_0, %arg0 : i32
    %mul3A_1 = arith.constant 5 : i32
    %mul3A_2 = arith.muli %add3A, %mul3A_1 : i32
    %mul3A_3 = arith.constant 128 : i32
    %mul3A_4 = arith.muli %mul3A_2, %mul3A_3 : i32
    "tpu.region"() ({
      %run_scoped3A = tpu.sem_alloc : memref<!tpu.dma_semaphore, #tpu.memory_space<semaphore_mem>>
      %dma_start3A_123 = tpu.memref_slice %arg4[%mul3A_4] : memref<20480xi32, #tpu.memory_space<hbm>> -> memref<640xi32, #tpu.memory_space<hbm>>
      %dma_start3A_124 = tpu.memref_slice %arg4[%mul3A_4] : memref<20480xi32, #tpu.memory_space<hbm>> -> memref<640xi32, #tpu.memory_space<hbm>>
      tpu.enqueue_dma source(%dma_start3A_124 : memref<640xi32, #tpu.memory_space<hbm>>) target(%arg8 : memref<640xi32, #tpu.memory_space<vmem>>) target_semaphore(%run_scoped3A : memref<!tpu.dma_semaphore, #tpu.memory_space<semaphore_mem>>)
      %dma_wait3A_125 = tpu.memref_slice %arg4[%mul3A_4] : memref<20480xi32, #tpu.memory_space<hbm>> -> memref<640xi32, #tpu.memory_space<hbm>>
      %dma_wait3A_126 = tpu.memref_slice %arg4[%mul3A_4] : memref<20480xi32, #tpu.memory_space<hbm>> -> memref<640xi32, #tpu.memory_space<hbm>>
      tpu.wait_dma2 semaphore(%run_scoped3A : memref<!tpu.dma_semaphore, #tpu.memory_space<semaphore_mem>>) src(%dma_wait3A_126 : memref<640xi32, #tpu.memory_space<hbm>>) dst(%arg8 : memref<640xi32, #tpu.memory_space<vmem>>)
      tpu.yield
    }) : () -> ()
    "tpu.region"() ({
      %run_scoped3A = tpu.sem_alloc : memref<!tpu.dma_semaphore, #tpu.memory_space<semaphore_mem>>
      %dma_start3A_123 = tpu.memref_slice %arg5[%mul3A_4] : memref<20480xi32, #tpu.memory_space<hbm>> -> memref<640xi32, #tpu.memory_space<hbm>>
      %dma_start3A_124 = tpu.memref_slice %arg5[%mul3A_4] : memref<20480xi32, #tpu.memory_space<hbm>> -> memref<640xi32, #tpu.memory_space<hbm>>
      tpu.enqueue_dma source(%dma_start3A_124 : memref<640xi32, #tpu.memory_space<hbm>>) target(%arg9 : memref<640xi32, #tpu.memory_space<vmem>>) target_semaphore(%run_scoped3A : memref<!tpu.dma_semaphore, #tpu.memory_space<semaphore_mem>>)
      %dma_wait3A_125 = tpu.memref_slice %arg5[%mul3A_4] : memref<20480xi32, #tpu.memory_space<hbm>> -> memref<640xi32, #tpu.memory_space<hbm>>
      %dma_wait3A_126 = tpu.memref_slice %arg5[%mul3A_4] : memref<20480xi32, #tpu.memory_space<hbm>> -> memref<640xi32, #tpu.memory_space<hbm>>
      tpu.wait_dma2 semaphore(%run_scoped3A : memref<!tpu.dma_semaphore, #tpu.memory_space<semaphore_mem>>) src(%dma_wait3A_126 : memref<640xi32, #tpu.memory_space<hbm>>) dst(%arg9 : memref<640xi32, #tpu.memory_space<vmem>>)
      tpu.yield
    }) : () -> ()
    %dma_start3A = arith.constant 0 : i32
    %dma_start3A_5 = tpu.memref_slice %arg8[%dma_start3A] : memref<640xi32, #tpu.memory_space<vmem>> -> memref<128xi32, #tpu.memory_space<vmem>>
    %dma_start3A_6 = arith.constant 0 : i32
    %dma_start3A_7 = arith.constant 0 : i32
    %dma_start3A_8 = tpu.memref_slice %arg2[%dma_start3A_6, %dma_start3A_7] : memref<10000x128xf32, #tpu.memory_space<hbm>> -> memref<10000x128xf32, #tpu.memory_space<hbm>>
    tpu.enqueue_indirect_dma source(%dma_start3A_8 : memref<10000x128xf32, #tpu.memory_space<hbm>>) target(%arg10 : memref<128x128xf32, #tpu.memory_space<vmem>>) offsets(%dma_start3A_5 : memref<128xi32, #tpu.memory_space<vmem>>) semaphore(%arg12 : memref<!tpu.dma_semaphore, #tpu.memory_space<semaphore_mem>>)
    %dma_start3A_9 = arith.constant 0 : i32
    %dma_start3A_10 = tpu.memref_slice %arg9[%dma_start3A_9] : memref<640xi32, #tpu.memory_space<vmem>> -> memref<128xi32, #tpu.memory_space<vmem>>
    %dma_start3A_11 = arith.constant 0 : i32
    %dma_start3A_12 = arith.constant 0 : i32
    %dma_start3A_13 = tpu.memref_slice %arg3[%dma_start3A_11, %dma_start3A_12] : memref<10000x128xf32, #tpu.memory_space<hbm>> -> memref<10000x128xf32, #tpu.memory_space<hbm>>
    tpu.enqueue_indirect_dma source(%dma_start3A_13 : memref<10000x128xf32, #tpu.memory_space<hbm>>) target(%arg11 : memref<128x128xf32, #tpu.memory_space<vmem>>) offsets(%dma_start3A_10 : memref<128xi32, #tpu.memory_space<vmem>>) semaphore(%arg13 : memref<!tpu.dma_semaphore, #tpu.memory_space<semaphore_mem>>)
    %dma_wait3A = arith.constant 0 : i32
    %dma_wait3A_14 = tpu.memref_slice %arg8[%dma_wait3A] : memref<640xi32, #tpu.memory_space<vmem>> -> memref<128xi32, #tpu.memory_space<vmem>>
    %dma_wait3A_15 = arith.constant 0 : i32
    %dma_wait3A_16 = arith.constant 0 : i32
    %dma_wait3A_17 = tpu.memref_slice %arg2[%dma_wait3A_15, %dma_wait3A_16] : memref<10000x128xf32, #tpu.memory_space<hbm>> -> memref<10000x128xf32, #tpu.memory_space<hbm>>
    tpu.wait_indirect_dma semaphore(%arg12 : memref<!tpu.dma_semaphore, #tpu.memory_space<semaphore_mem>>) src(%dma_wait3A_17 : memref<10000x128xf32, #tpu.memory_space<hbm>>) dst(%arg10 : memref<128x128xf32, #tpu.memory_space<vmem>>)
    %add3A_18 = arith.constant 0 : i32
    %add3A_19 = arith.addi %mul3A_4, %add3A_18 : i32
    "tpu.region"() ({
      %run_scoped3A = tpu.sem_alloc : memref<!tpu.dma_semaphore, #tpu.memory_space<semaphore_mem>>
      %dma_start3A_123 = arith.constant 0 : i32
      %dma_start3A_124 = tpu.memref_slice %arg6[%add3A_19, %dma_start3A_123] : memref<20480x128xf32, #tpu.memory_space<hbm>> -> memref<128x128xf32, #tpu.memory_space<hbm>>
      %dma_start3A_125 = arith.constant 0 : i32
      %dma_start3A_126 = tpu.memref_slice %arg6[%add3A_19, %dma_start3A_125] : memref<20480x128xf32, #tpu.memory_space<hbm>> -> memref<128x128xf32, #tpu.memory_space<hbm>>
      tpu.enqueue_dma source(%arg10 : memref<128x128xf32, #tpu.memory_space<vmem>>) target(%dma_start3A_126 : memref<128x128xf32, #tpu.memory_space<hbm>>) target_semaphore(%run_scoped3A : memref<!tpu.dma_semaphore, #tpu.memory_space<semaphore_mem>>)
      %dma_wait3A_127 = arith.constant 0 : i32
      %dma_wait3A_128 = tpu.memref_slice %arg6[%add3A_19, %dma_wait3A_127] : memref<20480x128xf32, #tpu.memory_space<hbm>> -> memref<128x128xf32, #tpu.memory_space<hbm>>
      %dma_wait3A_129 = arith.constant 0 : i32
      %dma_wait3A_130 = tpu.memref_slice %arg6[%add3A_19, %dma_wait3A_129] : memref<20480x128xf32, #tpu.memory_space<hbm>> -> memref<128x128xf32, #tpu.memory_space<hbm>>
      tpu.wait_dma2 semaphore(%run_scoped3A : memref<!tpu.dma_semaphore, #tpu.memory_space<semaphore_mem>>) src(%arg10 : memref<128x128xf32, #tpu.memory_space<vmem>>) dst(%dma_wait3A_130 : memref<128x128xf32, #tpu.memory_space<hbm>>)
      tpu.yield
    }) : () -> ()
    %dma_start3A_20 = arith.constant 128 : i32
    %dma_start3A_21 = tpu.memref_slice %arg8[%dma_start3A_20] : memref<640xi32, #tpu.memory_space<vmem>> -> memref<128xi32, #tpu.memory_space<vmem>>
    %dma_start3A_22 = arith.constant 0 : i32
    %dma_start3A_23 = arith.constant 0 : i32
    %dma_start3A_24 = tpu.memref_slice %arg2[%dma_start3A_22, %dma_start3A_23] : memref<10000x128xf32, #tpu.memory_space<hbm>> -> memref<10000x128xf32, #tpu.memory_space<hbm>>
    tpu.enqueue_indirect_dma source(%dma_start3A_24 : memref<10000x128xf32, #tpu.memory_space<hbm>>) target(%arg10 : memref<128x128xf32, #tpu.memory_space<vmem>>) offsets(%dma_start3A_21 : memref<128xi32, #tpu.memory_space<vmem>>) semaphore(%arg12 : memref<!tpu.dma_semaphore, #tpu.memory_space<semaphore_mem>>)
    %dma_wait3A_25 = arith.constant 0 : i32
    %dma_wait3A_26 = tpu.memref_slice %arg9[%dma_wait3A_25] : memref<640xi32, #tpu.memory_space<vmem>> -> memref<128xi32, #tpu.memory_space<vmem>>
    %dma_wait3A_27 = arith.constant 0 : i32
    %dma_wait3A_28 = arith.constant 0 : i32
    %dma_wait3A_29 = tpu.memref_slice %arg3[%dma_wait3A_27, %dma_wait3A_28] : memref<10000x128xf32, #tpu.memory_space<hbm>> -> memref<10000x128xf32, #tpu.memory_space<hbm>>
    tpu.wait_indirect_dma semaphore(%arg13 : memref<!tpu.dma_semaphore, #tpu.memory_space<semaphore_mem>>) src(%dma_wait3A_29 : memref<10000x128xf32, #tpu.memory_space<hbm>>) dst(%arg11 : memref<128x128xf32, #tpu.memory_space<vmem>>)
    %add3A_30 = arith.constant 0 : i32
    %add3A_31 = arith.addi %mul3A_4, %add3A_30 : i32
    "tpu.region"() ({
      %run_scoped3A = tpu.sem_alloc : memref<!tpu.dma_semaphore, #tpu.memory_space<semaphore_mem>>
      %dma_start3A_123 = arith.constant 0 : i32
      %dma_start3A_124 = tpu.memref_slice %arg7[%add3A_31, %dma_start3A_123] : memref<20480x128xf32, #tpu.memory_space<hbm>> -> memref<128x128xf32, #tpu.memory_space<hbm>>
      %dma_start3A_125 = arith.constant 0 : i32
      %dma_start3A_126 = tpu.memref_slice %arg7[%add3A_31, %dma_start3A_125] : memref<20480x128xf32, #tpu.memory_space<hbm>> -> memref<128x128xf32, #tpu.memory_space<hbm>>
      tpu.enqueue_dma source(%arg11 : memref<128x128xf32, #tpu.memory_space<vmem>>) target(%dma_start3A_126 : memref<128x128xf32, #tpu.memory_space<hbm>>) target_semaphore(%run_scoped3A : memref<!tpu.dma_semaphore, #tpu.memory_space<semaphore_mem>>)
      %dma_wait3A_127 = arith.constant 0 : i32
      %dma_wait3A_128 = tpu.memref_slice %arg7[%add3A_31, %dma_wait3A_127] : memref<20480x128xf32, #tpu.memory_space<hbm>> -> memref<128x128xf32, #tpu.memory_space<hbm>>
      %dma_wait3A_129 = arith.constant 0 : i32
      %dma_wait3A_130 = tpu.memref_slice %arg7[%add3A_31, %dma_wait3A_129] : memref<20480x128xf32, #tpu.memory_space<hbm>> -> memref<128x128xf32, #tpu.memory_space<hbm>>
      tpu.wait_dma2 semaphore(%run_scoped3A : memref<!tpu.dma_semaphore, #tpu.memory_space<semaphore_mem>>) src(%arg11 : memref<128x128xf32, #tpu.memory_space<vmem>>) dst(%dma_wait3A_130 : memref<128x128xf32, #tpu.memory_space<hbm>>)
      tpu.yield
    }) : () -> ()
    %dma_start3A_32 = arith.constant 128 : i32
    %dma_start3A_33 = tpu.memref_slice %arg9[%dma_start3A_32] : memref<640xi32, #tpu.memory_space<vmem>> -> memref<128xi32, #tpu.memory_space<vmem>>
    %dma_start3A_34 = arith.constant 0 : i32
    %dma_start3A_35 = arith.constant 0 : i32
    %dma_start3A_36 = tpu.memref_slice %arg3[%dma_start3A_34, %dma_start3A_35] : memref<10000x128xf32, #tpu.memory_space<hbm>> -> memref<10000x128xf32, #tpu.memory_space<hbm>>
    tpu.enqueue_indirect_dma source(%dma_start3A_36 : memref<10000x128xf32, #tpu.memory_space<hbm>>) target(%arg11 : memref<128x128xf32, #tpu.memory_space<vmem>>) offsets(%dma_start3A_33 : memref<128xi32, #tpu.memory_space<vmem>>) semaphore(%arg13 : memref<!tpu.dma_semaphore, #tpu.memory_space<semaphore_mem>>)
    %dma_wait3A_37 = arith.constant 128 : i32
    %dma_wait3A_38 = tpu.memref_slice %arg8[%dma_wait3A_37] : memref<640xi32, #tpu.memory_space<vmem>> -> memref<128xi32, #tpu.memory_space<vmem>>
    %dma_wait3A_39 = arith.constant 0 : i32
    %dma_wait3A_40 = arith.constant 0 : i32
    %dma_wait3A_41 = tpu.memref_slice %arg2[%dma_wait3A_39, %dma_wait3A_40] : memref<10000x128xf32, #tpu.memory_space<hbm>> -> memref<10000x128xf32, #tpu.memory_space<hbm>>
    tpu.wait_indirect_dma semaphore(%arg12 : memref<!tpu.dma_semaphore, #tpu.memory_space<semaphore_mem>>) src(%dma_wait3A_41 : memref<10000x128xf32, #tpu.memory_space<hbm>>) dst(%arg10 : memref<128x128xf32, #tpu.memory_space<vmem>>)
    %add3A_42 = arith.constant 128 : i32
    %add3A_43 = arith.addi %mul3A_4, %add3A_42 : i32
    "tpu.region"() ({
      %run_scoped3A = tpu.sem_alloc : memref<!tpu.dma_semaphore, #tpu.memory_space<semaphore_mem>>
      %dma_start3A_123 = arith.constant 0 : i32
      %dma_start3A_124 = tpu.memref_slice %arg6[%add3A_43, %dma_start3A_123] : memref<20480x128xf32, #tpu.memory_space<hbm>> -> memref<128x128xf32, #tpu.memory_space<hbm>>
      %dma_start3A_125 = arith.constant 0 : i32
      %dma_start3A_126 = tpu.memref_slice %arg6[%add3A_43, %dma_start3A_125] : memref<20480x128xf32, #tpu.memory_space<hbm>> -> memref<128x128xf32, #tpu.memory_space<hbm>>
      tpu.enqueue_dma source(%arg10 : memref<128x128xf32, #tpu.memory_space<vmem>>) target(%dma_start3A_126 : memref<128x128xf32, #tpu.memory_space<hbm>>) target_semaphore(%run_scoped3A : memref<!tpu.dma_semaphore, #tpu.memory_space<semaphore_mem>>)
      %dma_wait3A_127 = arith.constant 0 : i32
      %dma_wait3A_128 = tpu.memref_slice %arg6[%add3A_43, %dma_wait3A_127] : memref<20480x128xf32, #tpu.memory_space<hbm>> -> memref<128x128xf32, #tpu.memory_space<hbm>>
      %dma_wait3A_129 = arith.constant 0 : i32
      %dma_wait3A_130 = tpu.memref_slice %arg6[%add3A_43, %dma_wait3A_129] : memref<20480x128xf32, #tpu.memory_space<hbm>> -> memref<128x128xf32, #tpu.memory_space<hbm>>
      tpu.wait_dma2 semaphore(%run_scoped3A : memref<!tpu.dma_semaphore, #tpu.memory_space<semaphore_mem>>) src(%arg10 : memref<128x128xf32, #tpu.memory_space<vmem>>) dst(%dma_wait3A_130 : memref<128x128xf32, #tpu.memory_space<hbm>>)
      tpu.yield
    }) : () -> ()
    %dma_start3A_44 = arith.constant 256 : i32
    %dma_start3A_45 = tpu.memref_slice %arg8[%dma_start3A_44] : memref<640xi32, #tpu.memory_space<vmem>> -> memref<128xi32, #tpu.memory_space<vmem>>
    %dma_start3A_46 = arith.constant 0 : i32
    %dma_start3A_47 = arith.constant 0 : i32
    %dma_start3A_48 = tpu.memref_slice %arg2[%dma_start3A_46, %dma_start3A_47] : memref<10000x128xf32, #tpu.memory_space<hbm>> -> memref<10000x128xf32, #tpu.memory_space<hbm>>
    tpu.enqueue_indirect_dma source(%dma_start3A_48 : memref<10000x128xf32, #tpu.memory_space<hbm>>) target(%arg10 : memref<128x128xf32, #tpu.memory_space<vmem>>) offsets(%dma_start3A_45 : memref<128xi32, #tpu.memory_space<vmem>>) semaphore(%arg12 : memref<!tpu.dma_semaphore, #tpu.memory_space<semaphore_mem>>)
    %dma_wait3A_49 = arith.constant 128 : i32
    %dma_wait3A_50 = tpu.memref_slice %arg9[%dma_wait3A_49] : memref<640xi32, #tpu.memory_space<vmem>> -> memref<128xi32, #tpu.memory_space<vmem>>
    %dma_wait3A_51 = arith.constant 0 : i32
    %dma_wait3A_52 = arith.constant 0 : i32
    %dma_wait3A_53 = tpu.memref_slice %arg3[%dma_wait3A_51, %dma_wait3A_52] : memref<10000x128xf32, #tpu.memory_space<hbm>> -> memref<10000x128xf32, #tpu.memory_space<hbm>>
    tpu.wait_indirect_dma semaphore(%arg13 : memref<!tpu.dma_semaphore, #tpu.memory_space<semaphore_mem>>) src(%dma_wait3A_53 : memref<10000x128xf32, #tpu.memory_space<hbm>>) dst(%arg11 : memref<128x128xf32, #tpu.memory_space<vmem>>)
    %add3A_54 = arith.constant 128 : i32
    %add3A_55 = arith.addi %mul3A_4, %add3A_54 : i32
    "tpu.region"() ({
      %run_scoped3A = tpu.sem_alloc : memref<!tpu.dma_semaphore, #tpu.memory_space<semaphore_mem>>
      %dma_start3A_123 = arith.constant 0 : i32
      %dma_start3A_124 = tpu.memref_slice %arg7[%add3A_55, %dma_start3A_123] : memref<20480x128xf32, #tpu.memory_space<hbm>> -> memref<128x128xf32, #tpu.memory_space<hbm>>
      %dma_start3A_125 = arith.constant 0 : i32
      %dma_start3A_126 = tpu.memref_slice %arg7[%add3A_55, %dma_start3A_125] : memref<20480x128xf32, #tpu.memory_space<hbm>> -> memref<128x128xf32, #tpu.memory_space<hbm>>
      tpu.enqueue_dma source(%arg11 : memref<128x128xf32, #tpu.memory_space<vmem>>) target(%dma_start3A_126 : memref<128x128xf32, #tpu.memory_space<hbm>>) target_semaphore(%run_scoped3A : memref<!tpu.dma_semaphore, #tpu.memory_space<semaphore_mem>>)
      %dma_wait3A_127 = arith.constant 0 : i32
      %dma_wait3A_128 = tpu.memref_slice %arg7[%add3A_55, %dma_wait3A_127] : memref<20480x128xf32, #tpu.memory_space<hbm>> -> memref<128x128xf32, #tpu.memory_space<hbm>>
      %dma_wait3A_129 = arith.constant 0 : i32
      %dma_wait3A_130 = tpu.memref_slice %arg7[%add3A_55, %dma_wait3A_129] : memref<20480x128xf32, #tpu.memory_space<hbm>> -> memref<128x128xf32, #tpu.memory_space<hbm>>
      tpu.wait_dma2 semaphore(%run_scoped3A : memref<!tpu.dma_semaphore, #tpu.memory_space<semaphore_mem>>) src(%arg11 : memref<128x128xf32, #tpu.memory_space<vmem>>) dst(%dma_wait3A_130 : memref<128x128xf32, #tpu.memory_space<hbm>>)
      tpu.yield
    }) : () -> ()
    %dma_start3A_56 = arith.constant 256 : i32
    %dma_start3A_57 = tpu.memref_slice %arg9[%dma_start3A_56] : memref<640xi32, #tpu.memory_space<vmem>> -> memref<128xi32, #tpu.memory_space<vmem>>
    %dma_start3A_58 = arith.constant 0 : i32
    %dma_start3A_59 = arith.constant 0 : i32
    %dma_start3A_60 = tpu.memref_slice %arg3[%dma_start3A_58, %dma_start3A_59] : memref<10000x128xf32, #tpu.memory_space<hbm>> -> memref<10000x128xf32, #tpu.memory_space<hbm>>
    tpu.enqueue_indirect_dma source(%dma_start3A_60 : memref<10000x128xf32, #tpu.memory_space<hbm>>) target(%arg11 : memref<128x128xf32, #tpu.memory_space<vmem>>) offsets(%dma_start3A_57 : memref<128xi32, #tpu.memory_space<vmem>>) semaphore(%arg13 : memref<!tpu.dma_semaphore, #tpu.memory_space<semaphore_mem>>)
    %dma_wait3A_61 = arith.constant 256 : i32
    %dma_wait3A_62 = tpu.memref_slice %arg8[%dma_wait3A_61] : memref<640xi32, #tpu.memory_space<vmem>> -> memref<128xi32, #tpu.memory_space<vmem>>
    %dma_wait3A_63 = arith.constant 0 : i32
    %dma_wait3A_64 = arith.constant 0 : i32
    %dma_wait3A_65 = tpu.memref_slice %arg2[%dma_wait3A_63, %dma_wait3A_64] : memref<10000x128xf32, #tpu.memory_space<hbm>> -> memref<10000x128xf32, #tpu.memory_space<hbm>>
    tpu.wait_indirect_dma semaphore(%arg12 : memref<!tpu.dma_semaphore, #tpu.memory_space<semaphore_mem>>) src(%dma_wait3A_65 : memref<10000x128xf32, #tpu.memory_space<hbm>>) dst(%arg10 : memref<128x128xf32, #tpu.memory_space<vmem>>)
    %add3A_66 = arith.constant 256 : i32
    %add3A_67 = arith.addi %mul3A_4, %add3A_66 : i32
    "tpu.region"() ({
      %run_scoped3A = tpu.sem_alloc : memref<!tpu.dma_semaphore, #tpu.memory_space<semaphore_mem>>
      %dma_start3A_123 = arith.constant 0 : i32
      %dma_start3A_124 = tpu.memref_slice %arg6[%add3A_67, %dma_start3A_123] : memref<20480x128xf32, #tpu.memory_space<hbm>> -> memref<128x128xf32, #tpu.memory_space<hbm>>
      %dma_start3A_125 = arith.constant 0 : i32
      %dma_start3A_126 = tpu.memref_slice %arg6[%add3A_67, %dma_start3A_125] : memref<20480x128xf32, #tpu.memory_space<hbm>> -> memref<128x128xf32, #tpu.memory_space<hbm>>
      tpu.enqueue_dma source(%arg10 : memref<128x128xf32, #tpu.memory_space<vmem>>) target(%dma_start3A_126 : memref<128x128xf32, #tpu.memory_space<hbm>>) target_semaphore(%run_scoped3A : memref<!tpu.dma_semaphore, #tpu.memory_space<semaphore_mem>>)
      %dma_wait3A_127 = arith.constant 0 : i32
      %dma_wait3A_128 = tpu.memref_slice %arg6[%add3A_67, %dma_wait3A_127] : memref<20480x128xf32, #tpu.memory_space<hbm>> -> memref<128x128xf32, #tpu.memory_space<hbm>>
      %dma_wait3A_129 = arith.constant 0 : i32
      %dma_wait3A_130 = tpu.memref_slice %arg6[%add3A_67, %dma_wait3A_129] : memref<20480x128xf32, #tpu.memory_space<hbm>> -> memref<128x128xf32, #tpu.memory_space<hbm>>
      tpu.wait_dma2 semaphore(%run_scoped3A : memref<!tpu.dma_semaphore, #tpu.memory_space<semaphore_mem>>) src(%arg10 : memref<128x128xf32, #tpu.memory_space<vmem>>) dst(%dma_wait3A_130 : memref<128x128xf32, #tpu.memory_space<hbm>>)
      tpu.yield
    }) : () -> ()
    %dma_start3A_68 = arith.constant 384 : i32
    %dma_start3A_69 = tpu.memref_slice %arg8[%dma_start3A_68] : memref<640xi32, #tpu.memory_space<vmem>> -> memref<128xi32, #tpu.memory_space<vmem>>
    %dma_start3A_70 = arith.constant 0 : i32
    %dma_start3A_71 = arith.constant 0 : i32
    %dma_start3A_72 = tpu.memref_slice %arg2[%dma_start3A_70, %dma_start3A_71] : memref<10000x128xf32, #tpu.memory_space<hbm>> -> memref<10000x128xf32, #tpu.memory_space<hbm>>
    tpu.enqueue_indirect_dma source(%dma_start3A_72 : memref<10000x128xf32, #tpu.memory_space<hbm>>) target(%arg10 : memref<128x128xf32, #tpu.memory_space<vmem>>) offsets(%dma_start3A_69 : memref<128xi32, #tpu.memory_space<vmem>>) semaphore(%arg12 : memref<!tpu.dma_semaphore, #tpu.memory_space<semaphore_mem>>)
    %dma_wait3A_73 = arith.constant 256 : i32
    %dma_wait3A_74 = tpu.memref_slice %arg9[%dma_wait3A_73] : memref<640xi32, #tpu.memory_space<vmem>> -> memref<128xi32, #tpu.memory_space<vmem>>
    %dma_wait3A_75 = arith.constant 0 : i32
    %dma_wait3A_76 = arith.constant 0 : i32
    %dma_wait3A_77 = tpu.memref_slice %arg3[%dma_wait3A_75, %dma_wait3A_76] : memref<10000x128xf32, #tpu.memory_space<hbm>> -> memref<10000x128xf32, #tpu.memory_space<hbm>>
    tpu.wait_indirect_dma semaphore(%arg13 : memref<!tpu.dma_semaphore, #tpu.memory_space<semaphore_mem>>) src(%dma_wait3A_77 : memref<10000x128xf32, #tpu.memory_space<hbm>>) dst(%arg11 : memref<128x128xf32, #tpu.memory_space<vmem>>)
    %add3A_78 = arith.constant 256 : i32
    %add3A_79 = arith.addi %mul3A_4, %add3A_78 : i32
    "tpu.region"() ({
      %run_scoped3A = tpu.sem_alloc : memref<!tpu.dma_semaphore, #tpu.memory_space<semaphore_mem>>
      %dma_start3A_123 = arith.constant 0 : i32
      %dma_start3A_124 = tpu.memref_slice %arg7[%add3A_79, %dma_start3A_123] : memref<20480x128xf32, #tpu.memory_space<hbm>> -> memref<128x128xf32, #tpu.memory_space<hbm>>
      %dma_start3A_125 = arith.constant 0 : i32
      %dma_start3A_126 = tpu.memref_slice %arg7[%add3A_79, %dma_start3A_125] : memref<20480x128xf32, #tpu.memory_space<hbm>> -> memref<128x128xf32, #tpu.memory_space<hbm>>
      tpu.enqueue_dma source(%arg11 : memref<128x128xf32, #tpu.memory_space<vmem>>) target(%dma_start3A_126 : memref<128x128xf32, #tpu.memory_space<hbm>>) target_semaphore(%run_scoped3A : memref<!tpu.dma_semaphore, #tpu.memory_space<semaphore_mem>>)
      %dma_wait3A_127 = arith.constant 0 : i32
      %dma_wait3A_128 = tpu.memref_slice %arg7[%add3A_79, %dma_wait3A_127] : memref<20480x128xf32, #tpu.memory_space<hbm>> -> memref<128x128xf32, #tpu.memory_space<hbm>>
      %dma_wait3A_129 = arith.constant 0 : i32
      %dma_wait3A_130 = tpu.memref_slice %arg7[%add3A_79, %dma_wait3A_129] : memref<20480x128xf32, #tpu.memory_space<hbm>> -> memref<128x128xf32, #tpu.memory_space<hbm>>
      tpu.wait_dma2 semaphore(%run_scoped3A : memref<!tpu.dma_semaphore, #tpu.memory_space<semaphore_mem>>) src(%arg11 : memref<128x128xf32, #tpu.memory_space<vmem>>) dst(%dma_wait3A_130 : memref<128x128xf32, #tpu.memory_space<hbm>>)
      tpu.yield
    }) : () -> ()
    %dma_start3A_80 = arith.constant 384 : i32
    %dma_start3A_81 = tpu.memref_slice %arg9[%dma_start3A_80] : memref<640xi32, #tpu.memory_space<vmem>> -> memref<128xi32, #tpu.memory_space<vmem>>
    %dma_start3A_82 = arith.constant 0 : i32
    %dma_start3A_83 = arith.constant 0 : i32
    %dma_start3A_84 = tpu.memref_slice %arg3[%dma_start3A_82, %dma_start3A_83] : memref<10000x128xf32, #tpu.memory_space<hbm>> -> memref<10000x128xf32, #tpu.memory_space<hbm>>
    tpu.enqueue_indirect_dma source(%dma_start3A_84 : memref<10000x128xf32, #tpu.memory_space<hbm>>) target(%arg11 : memref<128x128xf32, #tpu.memory_space<vmem>>) offsets(%dma_start3A_81 : memref<128xi32, #tpu.memory_space<vmem>>) semaphore(%arg13 : memref<!tpu.dma_semaphore, #tpu.memory_space<semaphore_mem>>)
    %dma_wait3A_85 = arith.constant 384 : i32
    %dma_wait3A_86 = tpu.memref_slice %arg8[%dma_wait3A_85] : memref<640xi32, #tpu.memory_space<vmem>> -> memref<128xi32, #tpu.memory_space<vmem>>
    %dma_wait3A_87 = arith.constant 0 : i32
    %dma_wait3A_88 = arith.constant 0 : i32
    %dma_wait3A_89 = tpu.memref_slice %arg2[%dma_wait3A_87, %dma_wait3A_88] : memref<10000x128xf32, #tpu.memory_space<hbm>> -> memref<10000x128xf32, #tpu.memory_space<hbm>>
    tpu.wait_indirect_dma semaphore(%arg12 : memref<!tpu.dma_semaphore, #tpu.memory_space<semaphore_mem>>) src(%dma_wait3A_89 : memref<10000x128xf32, #tpu.memory_space<hbm>>) dst(%arg10 : memref<128x128xf32, #tpu.memory_space<vmem>>)
    %add3A_90 = arith.constant 384 : i32
    %add3A_91 = arith.addi %mul3A_4, %add3A_90 : i32
    "tpu.region"() ({
      %run_scoped3A = tpu.sem_alloc : memref<!tpu.dma_semaphore, #tpu.memory_space<semaphore_mem>>
      %dma_start3A_123 = arith.constant 0 : i32
      %dma_start3A_124 = tpu.memref_slice %arg6[%add3A_91, %dma_start3A_123] : memref<20480x128xf32, #tpu.memory_space<hbm>> -> memref<128x128xf32, #tpu.memory_space<hbm>>
      %dma_start3A_125 = arith.constant 0 : i32
      %dma_start3A_126 = tpu.memref_slice %arg6[%add3A_91, %dma_start3A_125] : memref<20480x128xf32, #tpu.memory_space<hbm>> -> memref<128x128xf32, #tpu.memory_space<hbm>>
      tpu.enqueue_dma source(%arg10 : memref<128x128xf32, #tpu.memory_space<vmem>>) target(%dma_start3A_126 : memref<128x128xf32, #tpu.memory_space<hbm>>) target_semaphore(%run_scoped3A : memref<!tpu.dma_semaphore, #tpu.memory_space<semaphore_mem>>)
      %dma_wait3A_127 = arith.constant 0 : i32
      %dma_wait3A_128 = tpu.memref_slice %arg6[%add3A_91, %dma_wait3A_127] : memref<20480x128xf32, #tpu.memory_space<hbm>> -> memref<128x128xf32, #tpu.memory_space<hbm>>
      %dma_wait3A_129 = arith.constant 0 : i32
      %dma_wait3A_130 = tpu.memref_slice %arg6[%add3A_91, %dma_wait3A_129] : memref<20480x128xf32, #tpu.memory_space<hbm>> -> memref<128x128xf32, #tpu.memory_space<hbm>>
      tpu.wait_dma2 semaphore(%run_scoped3A : memref<!tpu.dma_semaphore, #tpu.memory_space<semaphore_mem>>) src(%arg10 : memref<128x128xf32, #tpu.memory_space<vmem>>) dst(%dma_wait3A_130 : memref<128x128xf32, #tpu.memory_space<hbm>>)
      tpu.yield
    }) : () -> ()
    %dma_start3A_92 = arith.constant 512 : i32
    %dma_start3A_93 = tpu.memref_slice %arg8[%dma_start3A_92] : memref<640xi32, #tpu.memory_space<vmem>> -> memref<128xi32, #tpu.memory_space<vmem>>
    %dma_start3A_94 = arith.constant 0 : i32
    %dma_start3A_95 = arith.constant 0 : i32
    %dma_start3A_96 = tpu.memref_slice %arg2[%dma_start3A_94, %dma_start3A_95] : memref<10000x128xf32, #tpu.memory_space<hbm>> -> memref<10000x128xf32, #tpu.memory_space<hbm>>
    tpu.enqueue_indirect_dma source(%dma_start3A_96 : memref<10000x128xf32, #tpu.memory_space<hbm>>) target(%arg10 : memref<128x128xf32, #tpu.memory_space<vmem>>) offsets(%dma_start3A_93 : memref<128xi32, #tpu.memory_space<vmem>>) semaphore(%arg12 : memref<!tpu.dma_semaphore, #tpu.memory_space<semaphore_mem>>)
    %dma_wait3A_97 = arith.constant 384 : i32
    %dma_wait3A_98 = tpu.memref_slice %arg9[%dma_wait3A_97] : memref<640xi32, #tpu.memory_space<vmem>> -> memref<128xi32, #tpu.memory_space<vmem>>
    %dma_wait3A_99 = arith.constant 0 : i32
    %dma_wait3A_100 = arith.constant 0 : i32
    %dma_wait3A_101 = tpu.memref_slice %arg3[%dma_wait3A_99, %dma_wait3A_100] : memref<10000x128xf32, #tpu.memory_space<hbm>> -> memref<10000x128xf32, #tpu.memory_space<hbm>>
    tpu.wait_indirect_dma semaphore(%arg13 : memref<!tpu.dma_semaphore, #tpu.memory_space<semaphore_mem>>) src(%dma_wait3A_101 : memref<10000x128xf32, #tpu.memory_space<hbm>>) dst(%arg11 : memref<128x128xf32, #tpu.memory_space<vmem>>)
    %add3A_102 = arith.constant 384 : i32
    %add3A_103 = arith.addi %mul3A_4, %add3A_102 : i32
    "tpu.region"() ({
      %run_scoped3A = tpu.sem_alloc : memref<!tpu.dma_semaphore, #tpu.memory_space<semaphore_mem>>
      %dma_start3A_123 = arith.constant 0 : i32
      %dma_start3A_124 = tpu.memref_slice %arg7[%add3A_103, %dma_start3A_123] : memref<20480x128xf32, #tpu.memory_space<hbm>> -> memref<128x128xf32, #tpu.memory_space<hbm>>
      %dma_start3A_125 = arith.constant 0 : i32
      %dma_start3A_126 = tpu.memref_slice %arg7[%add3A_103, %dma_start3A_125] : memref<20480x128xf32, #tpu.memory_space<hbm>> -> memref<128x128xf32, #tpu.memory_space<hbm>>
      tpu.enqueue_dma source(%arg11 : memref<128x128xf32, #tpu.memory_space<vmem>>) target(%dma_start3A_126 : memref<128x128xf32, #tpu.memory_space<hbm>>) target_semaphore(%run_scoped3A : memref<!tpu.dma_semaphore, #tpu.memory_space<semaphore_mem>>)
      %dma_wait3A_127 = arith.constant 0 : i32
      %dma_wait3A_128 = tpu.memref_slice %arg7[%add3A_103, %dma_wait3A_127] : memref<20480x128xf32, #tpu.memory_space<hbm>> -> memref<128x128xf32, #tpu.memory_space<hbm>>
      %dma_wait3A_129 = arith.constant 0 : i32
      %dma_wait3A_130 = tpu.memref_slice %arg7[%add3A_103, %dma_wait3A_129] : memref<20480x128xf32, #tpu.memory_space<hbm>> -> memref<128x128xf32, #tpu.memory_space<hbm>>
      tpu.wait_dma2 semaphore(%run_scoped3A : memref<!tpu.dma_semaphore, #tpu.memory_space<semaphore_mem>>) src(%arg11 : memref<128x128xf32, #tpu.memory_space<vmem>>) dst(%dma_wait3A_130 : memref<128x128xf32, #tpu.memory_space<hbm>>)
      tpu.yield
    }) : () -> ()
    %dma_start3A_104 = arith.constant 512 : i32
    %dma_start3A_105 = tpu.memref_slice %arg9[%dma_start3A_104] : memref<640xi32, #tpu.memory_space<vmem>> -> memref<128xi32, #tpu.memory_space<vmem>>
    %dma_start3A_106 = arith.constant 0 : i32
    %dma_start3A_107 = arith.constant 0 : i32
    %dma_start3A_108 = tpu.memref_slice %arg3[%dma_start3A_106, %dma_start3A_107] : memref<10000x128xf32, #tpu.memory_space<hbm>> -> memref<10000x128xf32, #tpu.memory_space<hbm>>
    tpu.enqueue_indirect_dma source(%dma_start3A_108 : memref<10000x128xf32, #tpu.memory_space<hbm>>) target(%arg11 : memref<128x128xf32, #tpu.memory_space<vmem>>) offsets(%dma_start3A_105 : memref<128xi32, #tpu.memory_space<vmem>>) semaphore(%arg13 : memref<!tpu.dma_semaphore, #tpu.memory_space<semaphore_mem>>)
    %dma_wait3A_109 = arith.constant 512 : i32
    %dma_wait3A_110 = tpu.memref_slice %arg8[%dma_wait3A_109] : memref<640xi32, #tpu.memory_space<vmem>> -> memref<128xi32, #tpu.memory_space<vmem>>
    %dma_wait3A_111 = arith.constant 0 : i32
    %dma_wait3A_112 = arith.constant 0 : i32
    %dma_wait3A_113 = tpu.memref_slice %arg2[%dma_wait3A_111, %dma_wait3A_112] : memref<10000x128xf32, #tpu.memory_space<hbm>> -> memref<10000x128xf32, #tpu.memory_space<hbm>>
    tpu.wait_indirect_dma semaphore(%arg12 : memref<!tpu.dma_semaphore, #tpu.memory_space<semaphore_mem>>) src(%dma_wait3A_113 : memref<10000x128xf32, #tpu.memory_space<hbm>>) dst(%arg10 : memref<128x128xf32, #tpu.memory_space<vmem>>)
    %add3A_114 = arith.constant 512 : i32
    %add3A_115 = arith.addi %mul3A_4, %add3A_114 : i32
    "tpu.region"() ({
      %run_scoped3A = tpu.sem_alloc : memref<!tpu.dma_semaphore, #tpu.memory_space<semaphore_mem>>
      %dma_start3A_123 = arith.constant 0 : i32
      %dma_start3A_124 = tpu.memref_slice %arg6[%add3A_115, %dma_start3A_123] : memref<20480x128xf32, #tpu.memory_space<hbm>> -> memref<128x128xf32, #tpu.memory_space<hbm>>
      %dma_start3A_125 = arith.constant 0 : i32
      %dma_start3A_126 = tpu.memref_slice %arg6[%add3A_115, %dma_start3A_125] : memref<20480x128xf32, #tpu.memory_space<hbm>> -> memref<128x128xf32, #tpu.memory_space<hbm>>
      tpu.enqueue_dma source(%arg10 : memref<128x128xf32, #tpu.memory_space<vmem>>) target(%dma_start3A_126 : memref<128x128xf32, #tpu.memory_space<hbm>>) target_semaphore(%run_scoped3A : memref<!tpu.dma_semaphore, #tpu.memory_space<semaphore_mem>>)
      %dma_wait3A_127 = arith.constant 0 : i32
      %dma_wait3A_128 = tpu.memref_slice %arg6[%add3A_115, %dma_wait3A_127] : memref<20480x128xf32, #tpu.memory_space<hbm>> -> memref<128x128xf32, #tpu.memory_space<hbm>>
      %dma_wait3A_129 = arith.constant 0 : i32
      %dma_wait3A_130 = tpu.memref_slice %arg6[%add3A_115, %dma_wait3A_129] : memref<20480x128xf32, #tpu.memory_space<hbm>> -> memref<128x128xf32, #tpu.memory_space<hbm>>
      tpu.wait_dma2 semaphore(%run_scoped3A : memref<!tpu.dma_semaphore, #tpu.memory_space<semaphore_mem>>) src(%arg10 : memref<128x128xf32, #tpu.memory_space<vmem>>) dst(%dma_wait3A_130 : memref<128x128xf32, #tpu.memory_space<hbm>>)
      tpu.yield
    }) : () -> ()
    %dma_wait3A_116 = arith.constant 512 : i32
    %dma_wait3A_117 = tpu.memref_slice %arg9[%dma_wait3A_116] : memref<640xi32, #tpu.memory_space<vmem>> -> memref<128xi32, #tpu.memory_space<vmem>>
    %dma_wait3A_118 = arith.constant 0 : i32
    %dma_wait3A_119 = arith.constant 0 : i32
    %dma_wait3A_120 = tpu.memref_slice %arg3[%dma_wait3A_118, %dma_wait3A_119] : memref<10000x128xf32, #tpu.memory_space<hbm>> -> memref<10000x128xf32, #tpu.memory_space<hbm>>
    tpu.wait_indirect_dma semaphore(%arg13 : memref<!tpu.dma_semaphore, #tpu.memory_space<semaphore_mem>>) src(%dma_wait3A_120 : memref<10000x128xf32, #tpu.memory_space<hbm>>) dst(%arg11 : memref<128x128xf32, #tpu.memory_space<vmem>>)
    %add3A_121 = arith.constant 512 : i32
    %add3A_122 = arith.addi %mul3A_4, %add3A_121 : i32
    "tpu.region"() ({
      %run_scoped3A = tpu.sem_alloc : memref<!tpu.dma_semaphore, #tpu.memory_space<semaphore_mem>>
      %dma_start3A_123 = arith.constant 0 : i32
      %dma_start3A_124 = tpu.memref_slice %arg7[%add3A_122, %dma_start3A_123] : memref<20480x128xf32, #tpu.memory_space<hbm>> -> memref<128x128xf32, #tpu.memory_space<hbm>>
      %dma_start3A_125 = arith.constant 0 : i32
      %dma_start3A_126 = tpu.memref_slice %arg7[%add3A_122, %dma_start3A_125] : memref<20480x128xf32, #tpu.memory_space<hbm>> -> memref<128x128xf32, #tpu.memory_space<hbm>>
      tpu.enqueue_dma source(%arg11 : memref<128x128xf32, #tpu.memory_space<vmem>>) target(%dma_start3A_126 : memref<128x128xf32, #tpu.memory_space<hbm>>) target_semaphore(%run_scoped3A : memref<!tpu.dma_semaphore, #tpu.memory_space<semaphore_mem>>)
      %dma_wait3A_127 = arith.constant 0 : i32
      %dma_wait3A_128 = tpu.memref_slice %arg7[%add3A_122, %dma_wait3A_127] : memref<20480x128xf32, #tpu.memory_space<hbm>> -> memref<128x128xf32, #tpu.memory_space<hbm>>
      %dma_wait3A_129 = arith.constant 0 : i32
      %dma_wait3A_130 = tpu.memref_slice %arg7[%add3A_122, %dma_wait3A_129] : memref<20480x128xf32, #tpu.memory_space<hbm>> -> memref<128x128xf32, #tpu.memory_space<hbm>>
      tpu.wait_dma2 semaphore(%run_scoped3A : memref<!tpu.dma_semaphore, #tpu.memory_space<semaphore_mem>>) src(%arg11 : memref<128x128xf32, #tpu.memory_space<vmem>>) dst(%dma_wait3A_130 : memref<128x128xf32, #tpu.memory_space<hbm>>)
      tpu.yield
    }) : () -> ()
    return
  }
}

module attributes {stable_mosaic.version = 14 : i64} {
  func.func @_enc_body(%arg0: i32, %arg1: memref<1000x1xi32, #tpu.memory_space<vmem>>, %arg2: memref<128x128xf32, #tpu.memory_space<vmem>>, %arg3: memref<128x128xf32, #tpu.memory_space<vmem>>, %arg4: memref<1x128xf32, #tpu.memory_space<vmem>>, %arg5: memref<1000x128xf32, #tpu.memory_space<vmem>>, %arg6: memref<1000x128xf32, #tpu.memory_space<vmem>>, %arg7: memref<1000x128xf32, #tpu.memory_space<vmem>>) attributes {dimension_semantics = [#tpu.dimension_semantics<arbitrary>], iteration_bounds = array<i64: 10>, scalar_prefetch = 0 : i64, scratch_operands = 0 : i64, tpu.core_type = #tpu.core_type<tc>, window_params = [{transform_indices = @transform_0, window_bounds = array<i64: 1000, 1>}, {pipeline_mode = #tpu.pipeline_mode<synchronous>, transform_indices = @transform_1, window_bounds = array<i64: 128, 128>}, {pipeline_mode = #tpu.pipeline_mode<synchronous>, transform_indices = @transform_2, window_bounds = array<i64: 128, 128>}, {pipeline_mode = #tpu.pipeline_mode<synchronous>, transform_indices = @transform_3, window_bounds = array<i64: 1, 128>}, {transform_indices = @transform_4, window_bounds = array<i64: 1000, 128>}, {transform_indices = @transform_5, window_bounds = array<i64: 1000, 128>}, {transform_indices = @transform_6, window_bounds = array<i64: 1000, 128>}]} {
    %get3A = arith.constant 0 : index
    %get3A_0 = arith.constant 0 : index
    %get3A_1 = vector.load %arg1[%get3A, %get3A_0] : memref<1000x1xi32, #tpu.memory_space<vmem>>, vector<1000x1xi32>
    %iota3A = tpu.iota {dimensions = array<i32: 1>} : vector<1000x128xi32>
    %eq3A = vector.broadcast %get3A_1 : vector<1000x1xi32> to vector<1000x128xi32>
    %eq3A_2 = arith.cmpi eq, %eq3A, %iota3A : vector<1000x128xi32>
    %convert_element_type3A = arith.extui %eq3A_2 : vector<1000x128xi1> to vector<1000x128xi32>
    %convert_element_type3A_3 = arith.sitofp %convert_element_type3A : vector<1000x128xi32> to vector<1000x128xf32>
    %get3A_4 = arith.constant 0 : index
    %get3A_5 = arith.constant 0 : index
    %get3A_6 = vector.load %arg2[%get3A_4, %get3A_5] : memref<128x128xf32, #tpu.memory_space<vmem>>, vector<128x128xf32>
    %get3A_7 = arith.constant 0 : index
    %get3A_8 = arith.constant 0 : index
    %get3A_9 = vector.load %arg3[%get3A_7, %get3A_8] : memref<128x128xf32, #tpu.memory_space<vmem>>, vector<128x128xf32>
    %dot_general3A = arith.constant dense<0.000000e+00> : vector<128x128xf32>
    %dot_general3A_10 = tpu.matmul %get3A_6, %get3A_9, %dot_general3A {dimension_numbers = #tpu.dot_dimension_numbers<[1], [0], [0], [1], [0, 0, 1, 1], [], []>, transpose_lhs_hint = false} : vector<128x128xf32>, vector<128x128xf32>, vector<128x128xf32> -> vector<128x128xf32>
    %dot_general3A_11 = arith.constant dense<0.000000e+00> : vector<1000x128xf32>
    %dot_general3A_12 = tpu.matmul %convert_element_type3A_3, %dot_general3A_10, %dot_general3A_11 {dimension_numbers = #tpu.dot_dimension_numbers<[1], [0], [0], [1], [0, 0, 1, 1], [], []>, transpose_lhs_hint = false} : vector<1000x128xf32>, vector<128x128xf32>, vector<1000x128xf32> -> vector<1000x128xf32>
    %get3A_13 = arith.constant 0 : index
    %get3A_14 = arith.constant 0 : index
    %get3A_15 = vector.load %arg4[%get3A_13, %get3A_14] : memref<1x128xf32, #tpu.memory_space<vmem>>, vector<1x128xf32>
    %add3A = vector.broadcast %get3A_15 : vector<1x128xf32> to vector<1000x128xf32>
    %add3A_16 = arith.addf %dot_general3A_12, %add3A : vector<1000x128xf32>
    %get3A_17 = arith.constant 0 : index
    %get3A_18 = arith.constant 0 : index
    %get3A_19 = vector.load %arg5[%get3A_17, %get3A_18] : memref<1000x128xf32, #tpu.memory_space<vmem>>, vector<1000x1xf32>
    %get3A_20 = arith.constant 0 : index
    %get3A_21 = arith.constant 0 : index
    %get3A_22 = vector.load %arg6[%get3A_20, %get3A_21] : memref<1000x128xf32, #tpu.memory_space<vmem>>, vector<1000x1xf32>
    %add3A_23 = arith.addf %get3A_19, %get3A_22 : vector<1000x1xf32>
    %max3A = arith.constant 1.000000e+00 : f32
    %max3A_24 = vector.broadcast %max3A : f32 to vector<1000x1xf32>
    %max3A_25 = arith.maximumf %add3A_23, %max3A_24 : vector<1000x1xf32>
    %rsqrt3A = math.rsqrt %max3A_25 : vector<1000x1xf32>
    %mul3A = vector.broadcast %rsqrt3A : vector<1000x1xf32> to vector<1000x128xf32>
    %mul3A_26 = arith.mulf %add3A_16, %mul3A : vector<1000x128xf32>
    %swap3A = arith.constant 0 : index
    %swap3A_27 = arith.constant 0 : index
    %swap3A_28 = vector.load %arg7[%swap3A, %swap3A_27] : memref<1000x128xf32, #tpu.memory_space<vmem>>, vector<1000x128xf32>
    tpu.vector_store %arg7[%swap3A, %swap3A_27], %mul3A_26 {strides = array<i32>} : memref<1000x128xf32, #tpu.memory_space<vmem>>, vector<1000x128xf32>,
    return
  }
  func.func @transform_0(%arg0: i32) -> (i32, i32) {
    %c0_i32 = arith.constant 0 : i32
    %c0_i32_0 = arith.constant 0 : i32
    return %arg0, %c0_i32 : i32, i32
  }
  func.func @transform_1(%arg0: i32) -> (i32, i32) {
    %c0_i32 = arith.constant 0 : i32
    %c0_i32_0 = arith.constant 0 : i32
    %c0_i32_1 = arith.constant 0 : i32
    return %c0_i32, %c0_i32_0 : i32, i32
  }
  func.func @transform_2(%arg0: i32) -> (i32, i32) {
    %c0_i32 = arith.constant 0 : i32
    %c0_i32_0 = arith.constant 0 : i32
    %c0_i32_1 = arith.constant 0 : i32
    return %c0_i32, %c0_i32_0 : i32, i32
  }
  func.func @transform_3(%arg0: i32) -> (i32, i32) {
    %c0_i32 = arith.constant 0 : i32
    %c0_i32_0 = arith.constant 0 : i32
    %c0_i32_1 = arith.constant 0 : i32
    return %c0_i32, %c0_i32_0 : i32, i32
  }
  func.func @transform_4(%arg0: i32) -> (i32, i32) {
    %c0_i32 = arith.constant 0 : i32
    %c0_i32_0 = arith.constant 0 : i32
    return %arg0, %c0_i32 : i32, i32
  }
  func.func @transform_5(%arg0: i32) -> (i32, i32) {
    %c0_i32 = arith.constant 0 : i32
    %c0_i32_0 = arith.constant 0 : i32
    return %arg0, %c0_i32 : i32, i32
  }
  func.func @transform_6(%arg0: i32) -> (i32, i32) {
    %c0_i32 = arith.constant 0 : i32
    %c0_i32_0 = arith.constant 0 : i32
    return %arg0, %c0_i32 : i32, i32
  }
}

module attributes {stable_mosaic.version = 14 : i64} {
  func.func @_layer_body(%arg0: i32, %arg1: memref<1000x128xf32, #tpu.memory_space<vmem>>, %arg2: memref<1000x128xf32, #tpu.memory_space<vmem>>, %arg3: memref<1000x128xf32, #tpu.memory_space<vmem>>, %arg4: memref<1000x128xf32, #tpu.memory_space<vmem>>, %arg5: memref<128x128xf32, #tpu.memory_space<vmem>>, %arg6: memref<1x128xf32, #tpu.memory_space<vmem>>, %arg7: memref<1000x128xf32, #tpu.memory_space<vmem>>) attributes {dimension_semantics = [#tpu.dimension_semantics<arbitrary>], iteration_bounds = array<i64: 10>, scalar_prefetch = 0 : i64, scratch_operands = 0 : i64, tpu.core_type = #tpu.core_type<tc>, window_params = [{transform_indices = @transform_0, window_bounds = array<i64: 1000, 128>}, {transform_indices = @transform_1, window_bounds = array<i64: 1000, 128>}, {transform_indices = @transform_2, window_bounds = array<i64: 1000, 128>}, {transform_indices = @transform_3, window_bounds = array<i64: 1000, 128>}, {pipeline_mode = #tpu.pipeline_mode<synchronous>, transform_indices = @transform_4, window_bounds = array<i64: 128, 128>}, {pipeline_mode = #tpu.pipeline_mode<synchronous>, transform_indices = @transform_5, window_bounds = array<i64: 1, 128>}, {transform_indices = @transform_6, window_bounds = array<i64: 1000, 128>}]} {
    %get3A = arith.constant 0 : index
    %get3A_0 = arith.constant 0 : index
    %get3A_1 = vector.load %arg1[%get3A, %get3A_0] : memref<1000x128xf32, #tpu.memory_space<vmem>>, vector<1000x128xf32>
    %get3A_2 = arith.constant 0 : index
    %get3A_3 = arith.constant 0 : index
    %get3A_4 = vector.load %arg2[%get3A_2, %get3A_3] : memref<1000x128xf32, #tpu.memory_space<vmem>>, vector<1000x128xf32>
    %add3A = arith.addf %get3A_1, %get3A_4 : vector<1000x128xf32>
    %get3A_5 = arith.constant 0 : index
    %get3A_6 = arith.constant 64 : index
    %get3A_7 = vector.load %arg3[%get3A_5, %get3A_6] : memref<1000x128xf32, #tpu.memory_space<vmem>>, vector<1000x1xf32>
    %get3A_8 = arith.constant 0 : index
    %get3A_9 = arith.constant 64 : index
    %get3A_10 = vector.load %arg4[%get3A_8, %get3A_9] : memref<1000x128xf32, #tpu.memory_space<vmem>>, vector<1000x1xf32>
    %add3A_11 = arith.addf %get3A_7, %get3A_10 : vector<1000x1xf32>
    %max3A = arith.constant 1.000000e+00 : f32
    %max3A_12 = vector.broadcast %max3A : f32 to vector<1000x1xf32>
    %max3A_13 = arith.maximumf %add3A_11, %max3A_12 : vector<1000x1xf32>
    %rsqrt3A = math.rsqrt %max3A_13 : vector<1000x1xf32>
    %mul3A = vector.broadcast %rsqrt3A : vector<1000x1xf32> to vector<1000x128xf32>
    %mul3A_14 = arith.mulf %add3A, %mul3A : vector<1000x128xf32>
    %get3A_15 = arith.constant 0 : index
    %get3A_16 = arith.constant 0 : index
    %get3A_17 = vector.load %arg5[%get3A_15, %get3A_16] : memref<128x128xf32, #tpu.memory_space<vmem>>, vector<128x128xf32>
    %dot_general3A = arith.constant dense<0.000000e+00> : vector<1000x128xf32>
    %dot_general3A_18 = tpu.matmul %mul3A_14, %get3A_17, %dot_general3A {dimension_numbers = #tpu.dot_dimension_numbers<[1], [0], [0], [1], [0, 0, 1, 1], [], []>, transpose_lhs_hint = false} : vector<1000x128xf32>, vector<128x128xf32>, vector<1000x128xf32> -> vector<1000x128xf32>
    %get3A_19 = arith.constant 0 : index
    %get3A_20 = arith.constant 0 : index
    %get3A_21 = vector.load %arg6[%get3A_19, %get3A_20] : memref<1x128xf32, #tpu.memory_space<vmem>>, vector<1x128xf32>
    %add3A_22 = vector.broadcast %get3A_21 : vector<1x128xf32> to vector<1000x128xf32>
    %add3A_23 = arith.addf %dot_general3A_18, %add3A_22 : vector<1000x128xf32>
    %max3A_24 = arith.constant 0.000000e+00 : f32
    %max3A_25 = vector.broadcast %max3A_24 : f32 to vector<1000x128xf32>
    %max3A_26 = arith.maximumf %add3A_23, %max3A_25 : vector<1000x128xf32>
    %get3A_27 = arith.constant 0 : index
    %get3A_28 = arith.constant 0 : index
    %get3A_29 = vector.load %arg3[%get3A_27, %get3A_28] : memref<1000x128xf32, #tpu.memory_space<vmem>>, vector<1000x1xf32>
    %get3A_30 = arith.constant 0 : index
    %get3A_31 = arith.constant 0 : index
    %get3A_32 = vector.load %arg4[%get3A_30, %get3A_31] : memref<1000x128xf32, #tpu.memory_space<vmem>>, vector<1000x1xf32>
    %add3A_33 = arith.addf %get3A_29, %get3A_32 : vector<1000x1xf32>
    %max3A_34 = arith.constant 1.000000e+00 : f32
    %max3A_35 = vector.broadcast %max3A_34 : f32 to vector<1000x1xf32>
    %max3A_36 = arith.maximumf %add3A_33, %max3A_35 : vector<1000x1xf32>
    %rsqrt3A_37 = math.rsqrt %max3A_36 : vector<1000x1xf32>
    %mul3A_38 = vector.broadcast %rsqrt3A_37 : vector<1000x1xf32> to vector<1000x128xf32>
    %mul3A_39 = arith.mulf %max3A_26, %mul3A_38 : vector<1000x128xf32>
    %swap3A = arith.constant 0 : index
    %swap3A_40 = arith.constant 0 : index
    %swap3A_41 = vector.load %arg7[%swap3A, %swap3A_40] : memref<1000x128xf32, #tpu.memory_space<vmem>>, vector<1000x128xf32>
    tpu.vector_store %arg7[%swap3A, %swap3A_40], %mul3A_39 {strides = array<i32>} : memref<1000x128xf32, #tpu.memory_space<vmem>>, vector<1000x128xf32>,
    return
  }
  func.func @transform_0(%arg0: i32) -> (i32, i32) {
    %c0_i32 = arith.constant 0 : i32
    %c0_i32_0 = arith.constant 0 : i32
    return %arg0, %c0_i32 : i32, i32
  }
  func.func @transform_1(%arg0: i32) -> (i32, i32) {
    %c0_i32 = arith.constant 0 : i32
    %c0_i32_0 = arith.constant 0 : i32
    return %arg0, %c0_i32 : i32, i32
  }
  func.func @transform_2(%arg0: i32) -> (i32, i32) {
    %c0_i32 = arith.constant 0 : i32
    %c0_i32_0 = arith.constant 0 : i32
    return %arg0, %c0_i32 : i32, i32
  }
  func.func @transform_3(%arg0: i32) -> (i32, i32) {
    %c0_i32 = arith.constant 0 : i32
    %c0_i32_0 = arith.constant 0 : i32
    return %arg0, %c0_i32 : i32, i32
  }
  func.func @transform_4(%arg0: i32) -> (i32, i32) {
    %c0_i32 = arith.constant 0 : i32
    %c0_i32_0 = arith.constant 0 : i32
    %c0_i32_1 = arith.constant 0 : i32
    return %c0_i32, %c0_i32_0 : i32, i32
  }
  func.func @transform_5(%arg0: i32) -> (i32, i32) {
    %c0_i32 = arith.constant 0 : i32
    %c0_i32_0 = arith.constant 0 : i32
    %c0_i32_1 = arith.constant 0 : i32
    return %c0_i32, %c0_i32_0 : i32, i32
  }
  func.func @transform_6(%arg0: i32) -> (i32, i32) {
    %c0_i32 = arith.constant 0 : i32
    %c0_i32_0 = arith.constant 0 : i32
    return %arg0, %c0_i32 : i32, i32
  }
}

module attributes {stable_mosaic.version = 14 : i64} {
  func.func @_layer3_body(%arg0: i32, %arg1: memref<1000x128xf32, #tpu.memory_space<vmem>>, %arg2: memref<1000x128xf32, #tpu.memory_space<vmem>>, %arg3: memref<1000x128xf32, #tpu.memory_space<vmem>>, %arg4: memref<1000x128xf32, #tpu.memory_space<vmem>>, %arg5: memref<128x128xf32, #tpu.memory_space<vmem>>, %arg6: memref<1x128xf32, #tpu.memory_space<vmem>>, %arg7: memref<128x128xf32, #tpu.memory_space<vmem>>, %arg8: memref<128x128xf32, #tpu.memory_space<vmem>>, %arg9: memref<1x128xf32, #tpu.memory_space<vmem>>, %arg10: memref<1000x128xf32, #tpu.memory_space<vmem>>, %arg11: memref<1000x128xf32, #tpu.memory_space<vmem>>) attributes {dimension_semantics = [#tpu.dimension_semantics<arbitrary>], iteration_bounds = array<i64: 10>, scalar_prefetch = 0 : i64, scratch_operands = 0 : i64, tpu.core_type = #tpu.core_type<tc>, window_params = [{transform_indices = @transform_0, window_bounds = array<i64: 1000, 128>}, {transform_indices = @transform_1, window_bounds = array<i64: 1000, 128>}, {transform_indices = @transform_2, window_bounds = array<i64: 1000, 128>}, {transform_indices = @transform_3, window_bounds = array<i64: 1000, 128>}, {pipeline_mode = #tpu.pipeline_mode<synchronous>, transform_indices = @transform_4, window_bounds = array<i64: 128, 128>}, {pipeline_mode = #tpu.pipeline_mode<synchronous>, transform_indices = @transform_5, window_bounds = array<i64: 1, 128>}, {pipeline_mode = #tpu.pipeline_mode<synchronous>, transform_indices = @transform_6, window_bounds = array<i64: 128, 128>}, {pipeline_mode = #tpu.pipeline_mode<synchronous>, transform_indices = @transform_7, window_bounds = array<i64: 128, 128>}, {pipeline_mode = #tpu.pipeline_mode<synchronous>, transform_indices = @transform_8, window_bounds = array<i64: 1, 128>}, {transform_indices = @transform_9, window_bounds = array<i64: 1000, 128>}, {transform_indices = @transform_10, window_bounds = array<i64: 1000, 128>}]} {
    %get3A = arith.constant 0 : index
    %get3A_0 = arith.constant 0 : index
    %get3A_1 = vector.load %arg1[%get3A, %get3A_0] : memref<1000x128xf32, #tpu.memory_space<vmem>>, vector<1000x128xf32>
    %get3A_2 = arith.constant 0 : index
    %get3A_3 = arith.constant 0 : index
    %get3A_4 = vector.load %arg2[%get3A_2, %get3A_3] : memref<1000x128xf32, #tpu.memory_space<vmem>>, vector<1000x128xf32>
    %add3A = arith.addf %get3A_1, %get3A_4 : vector<1000x128xf32>
    %get3A_5 = arith.constant 0 : index
    %get3A_6 = arith.constant 64 : index
    %get3A_7 = vector.load %arg3[%get3A_5, %get3A_6] : memref<1000x128xf32, #tpu.memory_space<vmem>>, vector<1000x1xf32>
    %get3A_8 = arith.constant 0 : index
    %get3A_9 = arith.constant 64 : index
    %get3A_10 = vector.load %arg4[%get3A_8, %get3A_9] : memref<1000x128xf32, #tpu.memory_space<vmem>>, vector<1000x1xf32>
    %add3A_11 = arith.addf %get3A_7, %get3A_10 : vector<1000x1xf32>
    %max3A = arith.constant 1.000000e+00 : f32
    %max3A_12 = vector.broadcast %max3A : f32 to vector<1000x1xf32>
    %max3A_13 = arith.maximumf %add3A_11, %max3A_12 : vector<1000x1xf32>
    %rsqrt3A = math.rsqrt %max3A_13 : vector<1000x1xf32>
    %mul3A = vector.broadcast %rsqrt3A : vector<1000x1xf32> to vector<1000x128xf32>
    %mul3A_14 = arith.mulf %add3A, %mul3A : vector<1000x128xf32>
    %get3A_15 = arith.constant 0 : index
    %get3A_16 = arith.constant 0 : index
    %get3A_17 = vector.load %arg5[%get3A_15, %get3A_16] : memref<128x128xf32, #tpu.memory_space<vmem>>, vector<128x128xf32>
    %dot_general3A = arith.constant dense<0.000000e+00> : vector<1000x128xf32>
    %dot_general3A_18 = tpu.matmul %mul3A_14, %get3A_17, %dot_general3A {dimension_numbers = #tpu.dot_dimension_numbers<[1], [0], [0], [1], [0, 0, 1, 1], [], []>, transpose_lhs_hint = false} : vector<1000x128xf32>, vector<128x128xf32>, vector<1000x128xf32> -> vector<1000x128xf32>
    %get3A_19 = arith.constant 0 : index
    %get3A_20 = arith.constant 0 : index
    %get3A_21 = vector.load %arg6[%get3A_19, %get3A_20] : memref<1x128xf32, #tpu.memory_space<vmem>>, vector<1x128xf32>
    %add3A_22 = vector.broadcast %get3A_21 : vector<1x128xf32> to vector<1000x128xf32>
    %add3A_23 = arith.addf %dot_general3A_18, %add3A_22 : vector<1000x128xf32>
    %max3A_24 = arith.constant 0.000000e+00 : f32
    %max3A_25 = vector.broadcast %max3A_24 : f32 to vector<1000x128xf32>
    %max3A_26 = arith.maximumf %add3A_23, %max3A_25 : vector<1000x128xf32>
    %get3A_27 = arith.constant 0 : index
    %get3A_28 = arith.constant 0 : index
    %get3A_29 = vector.load %arg7[%get3A_27, %get3A_28] : memref<128x128xf32, #tpu.memory_space<vmem>>, vector<128x128xf32>
    %dot_general3A_30 = arith.constant dense<0.000000e+00> : vector<1000x128xf32>
    %dot_general3A_31 = tpu.matmul %max3A_26, %get3A_29, %dot_general3A_30 {dimension_numbers = #tpu.dot_dimension_numbers<[1], [0], [0], [1], [0, 0, 1, 1], [], []>, transpose_lhs_hint = false} : vector<1000x128xf32>, vector<128x128xf32>, vector<1000x128xf32> -> vector<1000x128xf32>
    %get3A_32 = arith.constant 0 : index
    %get3A_33 = arith.constant 0 : index
    %get3A_34 = vector.load %arg9[%get3A_32, %get3A_33] : memref<1x128xf32, #tpu.memory_space<vmem>>, vector<1x128xf32>
    %add3A_35 = vector.broadcast %get3A_34 : vector<1x128xf32> to vector<1000x128xf32>
    %add3A_36 = arith.addf %dot_general3A_31, %add3A_35 : vector<1000x128xf32>
    %swap3A = arith.constant 0 : index
    %swap3A_37 = arith.constant 0 : index
    %swap3A_38 = vector.load %arg10[%swap3A, %swap3A_37] : memref<1000x128xf32, #tpu.memory_space<vmem>>, vector<1000x128xf32>
    tpu.vector_store %arg10[%swap3A, %swap3A_37], %add3A_36 {strides = array<i32>} : memref<1000x128xf32, #tpu.memory_space<vmem>>, vector<1000x128xf32>,
    %get3A_39 = arith.constant 0 : index
    %get3A_40 = arith.constant 0 : index
    %get3A_41 = vector.load %arg8[%get3A_39, %get3A_40] : memref<128x128xf32, #tpu.memory_space<vmem>>, vector<128x128xf32>
    %dot_general3A_42 = arith.constant dense<0.000000e+00> : vector<1000x128xf32>
    %dot_general3A_43 = tpu.matmul %max3A_26, %get3A_41, %dot_general3A_42 {dimension_numbers = #tpu.dot_dimension_numbers<[1], [0], [0], [1], [0, 0, 1, 1], [], []>, transpose_lhs_hint = false} : vector<1000x128xf32>, vector<128x128xf32>, vector<1000x128xf32> -> vector<1000x128xf32>
    %swap3A_44 = arith.constant 0 : index
    %swap3A_45 = arith.constant 0 : index
    %swap3A_46 = vector.load %arg11[%swap3A_44, %swap3A_45] : memref<1000x128xf32, #tpu.memory_space<vmem>>, vector<1000x128xf32>
    tpu.vector_store %arg11[%swap3A_44, %swap3A_45], %dot_general3A_43 {strides = array<i32>} : memref<1000x128xf32, #tpu.memory_space<vmem>>, vector<1000x128xf32>,
    return
  }
  func.func @transform_0(%arg0: i32) -> (i32, i32) {
    %c0_i32 = arith.constant 0 : i32
    %c0_i32_0 = arith.constant 0 : i32
    return %arg0, %c0_i32 : i32, i32
  }
  func.func @transform_1(%arg0: i32) -> (i32, i32) {
    %c0_i32 = arith.constant 0 : i32
    %c0_i32_0 = arith.constant 0 : i32
    return %arg0, %c0_i32 : i32, i32
  }
  func.func @transform_2(%arg0: i32) -> (i32, i32) {
    %c0_i32 = arith.constant 0 : i32
    %c0_i32_0 = arith.constant 0 : i32
    return %arg0, %c0_i32 : i32, i32
  }
  func.func @transform_3(%arg0: i32) -> (i32, i32) {
    %c0_i32 = arith.constant 0 : i32
    %c0_i32_0 = arith.constant 0 : i32
    return %arg0, %c0_i32 : i32, i32
  }
  func.func @transform_4(%arg0: i32) -> (i32, i32) {
    %c0_i32 = arith.constant 0 : i32
    %c0_i32_0 = arith.constant 0 : i32
    %c0_i32_1 = arith.constant 0 : i32
    return %c0_i32, %c0_i32_0 : i32, i32
  }
  func.func @transform_5(%arg0: i32) -> (i32, i32) {
    %c0_i32 = arith.constant 0 : i32
    %c0_i32_0 = arith.constant 0 : i32
    %c0_i32_1 = arith.constant 0 : i32
    return %c0_i32, %c0_i32_0 : i32, i32
  }
  func.func @transform_6(%arg0: i32) -> (i32, i32) {
    %c0_i32 = arith.constant 0 : i32
    %c0_i32_0 = arith.constant 0 : i32
    %c0_i32_1 = arith.constant 0 : i32
    return %c0_i32, %c0_i32_0 : i32, i32
  }
  func.func @transform_7(%arg0: i32) -> (i32, i32) {
    %c0_i32 = arith.constant 0 : i32
    %c0_i32_0 = arith.constant 0 : i32
    %c0_i32_1 = arith.constant 0 : i32
    return %c0_i32, %c0_i32_0 : i32, i32
  }
  func.func @transform_8(%arg0: i32) -> (i32, i32) {
    %c0_i32 = arith.constant 0 : i32
    %c0_i32_0 = arith.constant 0 : i32
    %c0_i32_1 = arith.constant 0 : i32
    return %c0_i32, %c0_i32_0 : i32, i32
  }
  func.func @transform_9(%arg0: i32) -> (i32, i32) {
    %c0_i32 = arith.constant 0 : i32
    %c0_i32_0 = arith.constant 0 : i32
    return %arg0, %c0_i32 : i32, i32
  }
  func.func @transform_10(%arg0: i32) -> (i32, i32) {
    %c0_i32 = arith.constant 0 : i32
    %c0_i32_0 = arith.constant 0 : i32
    return %arg0, %c0_i32 : i32, i32
  }
}

module attributes {stable_mosaic.version = 14 : i64} {
  func.func @_score_body(%arg0: i32, %arg1: memref<1024x128xf32, #tpu.memory_space<vmem>>, %arg2: memref<1024x128xf32, #tpu.memory_space<vmem>>, %arg3: memref<1x128xf32, #tpu.memory_space<vmem>>, %arg4: memref<1x128xf32, #tpu.memory_space<vmem>>, %arg5: memref<1024x1xf32, #tpu.memory_space<vmem>>) attributes {dimension_semantics = [#tpu.dimension_semantics<arbitrary>], iteration_bounds = array<i64: 20>, scalar_prefetch = 0 : i64, scratch_operands = 0 : i64, tpu.core_type = #tpu.core_type<tc>, window_params = [{transform_indices = @transform_0, window_bounds = array<i64: 1024, 128>}, {transform_indices = @transform_1, window_bounds = array<i64: 1024, 128>}, {pipeline_mode = #tpu.pipeline_mode<synchronous>, transform_indices = @transform_2, window_bounds = array<i64: 1, 128>}, {pipeline_mode = #tpu.pipeline_mode<synchronous>, transform_indices = @transform_3, window_bounds = array<i64: 1, 128>}, {transform_indices = @transform_4, window_bounds = array<i64: 1024, 1>}]} {
    %get3A = arith.constant 0 : index
    %get3A_0 = arith.constant 0 : index
    %get3A_1 = vector.load %arg1[%get3A, %get3A_0] : memref<1024x128xf32, #tpu.memory_space<vmem>>, vector<1024x128xf32>
    %get3A_2 = arith.constant 0 : index
    %get3A_3 = arith.constant 0 : index
    %get3A_4 = vector.load %arg2[%get3A_2, %get3A_3] : memref<1024x128xf32, #tpu.memory_space<vmem>>, vector<1024x128xf32>
    %add3A = arith.addf %get3A_1, %get3A_4 : vector<1024x128xf32>
    %max3A = arith.constant 0.000000e+00 : f32
    %max3A_5 = vector.broadcast %max3A : f32 to vector<1024x128xf32>
    %max3A_6 = arith.maximumf %add3A, %max3A_5 : vector<1024x128xf32>
    %get3A_7 = arith.constant 0 : index
    %get3A_8 = arith.constant 0 : index
    %get3A_9 = vector.load %arg3[%get3A_7, %get3A_8] : memref<1x128xf32, #tpu.memory_space<vmem>>, vector<1x128xf32>
    %mul3A = vector.broadcast %get3A_9 : vector<1x128xf32> to vector<1024x128xf32>
    %mul3A_10 = arith.mulf %max3A_6, %mul3A : vector<1024x128xf32>
    %reduce_sum3A = arith.constant dense<0.000000e+00> : vector<1024xf32>
    %reduce_sum3A_11 = vector.multi_reduction <add>, %mul3A_10, %reduce_sum3A [1] : vector<1024x128xf32> to vector<1024xf32>
    %broadcast_in_dim3A = vector.shape_cast %reduce_sum3A_11 : vector<1024xf32> to vector<1024x1xf32>
    %get3A_12 = arith.constant 0 : index
    %get3A_13 = arith.constant 0 : index
    %get3A_14 = vector.load %arg4[%get3A_12, %get3A_13] : memref<1x128xf32, #tpu.memory_space<vmem>>, vector<1x1xf32>
    %add3A_15 = vector.broadcast %get3A_14 : vector<1x1xf32> to vector<1024x1xf32>
    %add3A_16 = arith.addf %broadcast_in_dim3A, %add3A_15 : vector<1024x1xf32>
    %swap3A = arith.constant 0 : index
    %swap3A_17 = arith.constant 0 : index
    %swap3A_18 = vector.load %arg5[%swap3A, %swap3A_17] : memref<1024x1xf32, #tpu.memory_space<vmem>>, vector<1024x1xf32>
    tpu.vector_store %arg5[%swap3A, %swap3A_17], %add3A_16 {strides = array<i32>} : memref<1024x1xf32, #tpu.memory_space<vmem>>, vector<1024x1xf32>,
    return
  }
  func.func @transform_0(%arg0: i32) -> (i32, i32) {
    %c0_i32 = arith.constant 0 : i32
    %c0_i32_0 = arith.constant 0 : i32
    return %arg0, %c0_i32 : i32, i32
  }
  func.func @transform_1(%arg0: i32) -> (i32, i32) {
    %c0_i32 = arith.constant 0 : i32
    %c0_i32_0 = arith.constant 0 : i32
    return %arg0, %c0_i32 : i32, i32
  }
  func.func @transform_2(%arg0: i32) -> (i32, i32) {
    %c0_i32 = arith.constant 0 : i32
    %c0_i32_0 = arith.constant 0 : i32
    %c0_i32_1 = arith.constant 0 : i32
    return %c0_i32, %c0_i32_0 : i32, i32
  }
  func.func @transform_3(%arg0: i32) -> (i32, i32) {
    %c0_i32 = arith.constant 0 : i32
    %c0_i32_0 = arith.constant 0 : i32
    %c0_i32_1 = arith.constant 0 : i32
    return %c0_i32, %c0_i32_0 : i32, i32
  }
  func.func @transform_4(%arg0: i32) -> (i32, i32) {
    %c0_i32 = arith.constant 0 : i32
    %c0_i32_0 = arith.constant 0 : i32
    return %arg0, %c0_i32 : i32, i32
  }
}

</mosaic_0001>

<sc_bundles>
// kernel: kernel.12.cloned.1.call-start
scs
__scs_entry_jumppad:
0x0: {  	(pc) =	sbr.rel $0x88, $3  }
0x1: {  	(tag) =	ssettag $0x0;
	lr =	simm.s32 $0x1  }
0x2: {  	[smem:$0x3F91] =	sst lr;
	_ =	strace $0xD0000000  }
0x3: {  	_ = 	snop  }
0x4: {  	_ = 	snop  }
0x5: {  	_ = 	snop  }
0x6: {  	_ = 	snop  }
0x7: {  	_ = 	snop  }
__scs_overlays_trampoline_lowered:
0x8: {  	[smem:$0x3FA0] =	sst s0  }
0x9: {  	[smem:$0x3FA1] =	sst s1  }
0xa: {  	[smem:$0x3FA2] =	sst s2  }
0xb: {  	[smem:$0x3FA3] =	sst s3  }
0xc: {  	[smem:$0x3FA4] =	sst s4  }
0xd: {  	[smem:$0x3FA5] =	sst s5  }
0xe: {  	[smem:$0x3FA6] =	sst s6  }
0xf: {  	[smem:$0x3FA7] =	sst s7  }
0x10: {  	[smem:$0x3FA8] =	sst s8  }
0x11: {  	[smem:$0x3FA9] =	sst s9;
	s0 =	simm.s32 @!p0 $0x0  }
0x12: {  	s1 =	sld [smem:$0x3F8F];
	s0 =	simm.s32 @p0 $0x1  }
0x13: {  	[smem:$0x3FAA] =	sst s0;
	s0 =	simm.s32 @!p1 $0x0  }
0x14: {  	s2 =	sld [smem:$0x3F8E];
	s0 =	simm.s32 @p1 $0x1  }
0x15: {  	[smem:$0x3FAB] =	sst s0;
	s0 =	simm.s32 @!p2 $0x0  }
0x16: {  	s3 =	sld [smem:$0x3FDB];
	s0 =	simm.s32 @p2 $0x1  }
0x17: {  	s4 =	simm.s32 $0x1BF5;
	[smem:$0x3FAD] =	sst s0  }
0x18: {  	s0 =	sld [smem:$0x3F90];
	_ =	swait.ge [sflag:s4], $0x0  }
0x19: {  	s7 =	sld [smem:$0x3F91]  }
0x1a: {  	s8 =	sadd.s32 $0xFFFFE003, lr  }
0x1b: {  	s9 =	sadd.s32 $0xFFFFFEF7, lr;
	s5 =	simm.s32 $0xFFFFFFFF;
	p2 =	slt.u32 s8, $0xFFFFF086  }
0x1c: {  	p1 =	slt.u32 s9, $0xF7A;
	s5 =	simm.s32 @!p2 $0x0  }
0x1d: {  	s5 =	simm.s32 @p1 $0x1;
	p0 =	seq.s32 s7, s2  }
0x1e: {  	s7 =	smul.u32 @!p0 $0xF7A, s2;
	p2 =	seq.s32 @!p0 s5, $0x0  }
0x1f: {  	s9 =	smul.u32 $0xF7A, s1;
	s8 =	simm.s32 @!p0 $0x1BF5;
	p2 =	por !p2, p0  }
0x20: {  	[sflag:s8] =	ssyncset.s32 @!p0 $0xFFFFF086;
	s6 =	sadd.s32 @!p0 s3, s7;
	s7 =	simm.s32 @!p0 $0x108  }
0x21: {  	s3 =	sadd.s32 s3, s9;
	s6 =	sadd.s32 @!p0 $0x88, s6;
	s7 =	simm.s32 @p2 $0x1082  }
0x22: {  	[simem:s7], [sflag:s8] =	dma.local @!p0 [hbm:s6], $0xF7A  }
0x23: {  	s9 =	sor.u32 $0xD0000000, s2;
	s6 =	simm.s32 $0x108;
	_ =	swait.ge @!p0 [sflag:s8], $0x0  }
0x24: {  	s3 =	sadd.s32 $0x88, s3;
	s6 =	simm.s32 @!p1 $0x1082;
	[sflag:s4] =	ssyncset.s32 $0xFFFFF086  }
0x25: {  	[simem:s6], [sflag:s4] =	dma.local [hbm:s3], $0xF7A  }
0x26: {  	[smem:$0x3F91] =	sst s1;
	(tag) =	ssettag s2;
	_ =	strace s9  }
0x27: {  	s1 =	sld [smem:$0x3FA1]  }
0x28: {  	s2 =	sld [smem:$0x3FA2]  }
0x29: {  	s4 =	sld [smem:$0x3FA4]  }
0x2a: {  	p0 =	seq.s32 s5, $0x0;
	s5 =	sld [smem:$0x3FA5]  }
0x2b: {  	s6 =	sld [smem:$0x3FA6]  }
0x2c: {  	s7 =	sld [smem:$0x3FA7]  }
0x2d: {  	s3 =	simm.s32 $0x108;
	s8 =	sld [smem:$0x3FA8]  }
0x2e: {  	s3 =	simm.s32 @!p0 $0x1082;
	s9 =	sld [smem:$0x3FA9]  }
0x2f: {  	lr =	sadd.s32 s0, s3;
	s0 =	sld [smem:$0x3FA0]  }
0x30: {  	s3 =	sld [smem:$0x3FA3]  }
0x31: {  	[smem:$0x3FAC] =	sst s10  }
0x32: {  	s10 =	sld [smem:$0x3FAA];
	_ =	sdelay $0x3  }
0x33: {  	p0 =	seq.s32 s10, $0x1;
	s10 =	sld [smem:$0x3FAC];
	_ =	sdelay $0x3  }
0x34: {  	[smem:$0x3FAC] =	sst s10  }
0x35: {  	s10 =	sld [smem:$0x3FAB];
	_ =	sdelay $0x3  }
0x36: {  	p1 =	seq.s32 s10, $0x1;
	s10 =	sld [smem:$0x3FAC];
	_ =	sdelay $0x3  }
0x37: {  	[smem:$0x3FAC] =	sst s10  }
0x38: {  	s10 =	sld [smem:$0x3FAD]  }
0x39: {  	_ = 	snop;
	(pc) =	sbr.ind lr, $3  }
0x3a: {  	_ = 	snop  }
0x3b: {  	_ = 	snop  }
0x3c: {  	p2 =	seq.s32 s10, $0x1;
	s10 =	sld [smem:$0x3FAC]  }
0x3d: {  	_ =	shalt  }
0x3e: {  	_ =	shalt  }
0x3f: {  	_ =	shalt  }
0x40: {  	_ =	shalt  }
0x41: {  	_ =	shalt  }
0x42: {  	_ =	shalt  }
0x43: {  	_ =	shalt  }
0x44: {  	_ =	shalt  }
0x45: {  	_ =	shalt  }
0x46: {  	_ =	shalt  }
0x47: {  	_ =	shalt  }
0x48: {  	_ =	shalt  }
0x49: {  	_ =	shalt  }
0x4a: {  	_ =	shalt  }
0x4b: {  	_ =	shalt  }
0x4c: {  	_ =	shalt  }
0x4d: {  	_ =	shalt  }
0x4e: {  	_ =	shalt  }
0x4f: {  	_ =	shalt  }
0x50: {  	_ =	shalt  }
0x51: {  	_ =	shalt  }
0x52: {  	_ =	shalt  }
0x53: {  	_ =	shalt  }
0x54: {  	_ =	shalt  }
0x55: {  	_ =	shalt  }
0x56: {  	_ =	shalt  }
0x57: {  	_ =	shalt  }
0x58: {  	_ =	shalt  }
0x59: {  	_ =	shalt  }
0x5a: {  	_ =	shalt  }
0x5b: {  	_ =	shalt  }
0x5c: {  	_ =	shalt  }
0x5d: {  	_ =	shalt  }
0x5e: {  	_ =	shalt  }
0x5f: {  	_ =	shalt  }
0x60: {  	_ =	shalt  }
0x61: {  	_ =	shalt  }
0x62: {  	_ =	shalt  }
0x63: {  	_ =	shalt  }
0x64: {  	_ =	shalt  }
0x65: {  	_ =	shalt  }
0x66: {  	_ =	shalt  }
0x67: {  	_ =	shalt  }
0x68: {  	_ =	shalt  }
0x69: {  	_ =	shalt  }
0x6a: {  	_ =	shalt  }
0x6b: {  	_ =	shalt  }
0x6c: {  	_ =	shalt  }
0x6d: {  	_ =	shalt  }
0x6e: {  	_ =	shalt  }
0x6f: {  	_ =	shalt  }
0x70: {  	_ =	shalt  }
0x71: {  	_ =	shalt  }
0x72: {  	_ =	shalt  }
0x73: {  	_ =	shalt  }
0x74: {  	_ =	shalt  }
0x75: {  	_ =	shalt  }
0x76: {  	_ =	shalt  }
0x77: {  	_ =	shalt  }
0x78: {  	_ =	shalt  }
0x79: {  	_ =	shalt  }
0x7a: {  	_ =	shalt  }
0x7b: {  	_ =	shalt  }
0x7c: {  	_ =	shalt  }
0x7d: {  	_ =	shalt  }
0x7e: {  	_ =	shalt  }
0x7f: {  	_ =	shalt  }
0x80: {  	_ =	shalt  }
0x81: {  	_ =	shalt  }
0x82: {  	_ =	shalt  }
0x83: {  	_ =	shalt  }
0x84: {  	_ =	shalt  }
0x85: {  	_ =	shalt  }
0x86: {  	_ =	shalt  }
0x87: {  	_ =	shalt  }
.Lfunc_end0:
.L_simem_size_0:
called_computation_lowered:
.L_overlay_start_0:
0x88: {  	s2 =	sld [smem:$0x3FD9]  }
0x89: {  	s3 =	sld [smem:$0x3FFE];
	_ =	sdelay $0x1  }
0x8a: {  	s1 =	srdreg.scid  }
0x8b: {  	s0 =	sand.u32 $0x1, s1  }
0x8c: {  	s17 =	sshll.u32 s0, $0xA;
	s2 =	sadd.s32 s3, s2  }
0x8d: {  	s2 =	sadd.s32 s2, s17  }
0x8e: {  	[smem:$0x3FB8] =	sst s2  }
0x8f: {  	_ = 	snop  }
0x90: {  	s2 =	sld [smem:$0x3FD0];
	(tm) =	ssettm $0x1  }
0x91: {  	s18 =	sld [smem:$0x3FFB];
	_ =	sdelay $0x3  }
0x92: {  	_ =	strace s18  }
0x93: {  	s3 =	sld [smem:$0x3FFC];
	_ =	sdelay $0x3  }
0x94: {  	_ =	strace s3  }
0x95: {  	s3 =	sld [smem:$0x3FFD];
	_ =	sdelay $0x3  }
0x96: {  	_ =	strace s3  }
0x97: {  	_ =	strace $0x8FFFFFFF  }
0x98: {  	s19 =	sld [smem:$0x3FDB];
	_ =	sdelay $0x1  }
0x99: {  	s4 =	simm.s32 $_scs_section_size  }
0x9a: {  	s5 =	simm.s32 $_size__tile_overlayer_lowered;
	s6 =	simm.s32 $_tile_overlayer_lowered  }
0x9b: {  	s22 =	simm.s32 $0x1BFF;
	s21 =	sshll.u32 s6, $0x1;
	s3 =	sadd.s32 s4, s19  }
0x9c: {  	s7 =	simm.s32 $0x0;
	s20 =	sshll.u32 s5, $0x1;
	s5 =	sadd.s32 s21, s3  }
0x9d: {  	[timem:s7], [sflag:s22] =	dma.local [hbm:s5], s20  }
0x9e: {  	_ =	swait.ge [sflag:s22], s20  }
0x9f: {  	s4 =	ssub.s32 $0x0, s20;
	[sflag:s22] =	ssyncset.done $0x0  }
0xa0: {  	[sflag:s22] =	ssyncadd.s32 s4;
	_ =	sdelay $0x1  }
0xa1: {  	s23 =	simm.s32 $0x1B8B  }
0xa2: {  	_ =	swait.ge [sflag:s23], $0x1  }
0xa3: {  	[sflag:s23] =	ssyncset.done $0x0  }
0xa4: {  	s25 =	simm.s32 $0x1B8E;
	s24 =	sld [smem:$0x3FFE];
	[sflag:s23] =	ssyncadd.s32 $0xFFFFFFFF  }
0xa5: {  	s26 =	simm.s32 $execute0_lowered;
	[smem:$0x3FD2] =	sst s25  }
0xa6: {  	s5 =	sshll.u32 s26, $0x1;
	_ =	strace $0x80000046;
	[dreg:$0x1] =	wrdreg $0xFFFFFFFF  }
0xa7: {  	s28 =	simm.s32 $_size_execute0_lowered;
	s3 =	sadd.s32 s3, s5;
	[dreg:$0x0] =	wrdreg $0x0  }
0xa8: {  	s5 =	sshll.u32 s28, $0x1;
	[dreg:$0x2] =	wrdreg s3  }
0xa9: {  	[dreg:$0x3] =	wrdreg s5  }
0xaa: {  	[dreg:$0x4] =	wrdreg $0xC0  }
0xab: {  	_ =	task [dreg:s7], $0x5FFFF  }
0xac: {  	[dreg:$0x1] =	wrdreg $0xFFFFFFFF  }
0xad: {  	[dreg:$0x0] =	wrdreg $0x60  }
0xae: {  	[dreg:$0x2] =	wrdreg s24  }
0xaf: {  	[dreg:$0x3] =	wrdreg s2  }
0xb0: {  	[dreg:$0x4] =	wrdreg $0x86000  }
0xb1: {  	[dreg:$0x5] =	wrdreg $0x9  }
0xb2: {  	_ =	task.clear_ibuf [dreg:s7], $0x6FFFF;
	_ =	strace $0x90000046  }
0xb3: {  	s29 =	simm.s32 $0x9;
	_ =	strace $0x80000048  }
0xb4: {  	_ =	swait.ge [sflag:s29], $0x1  }
0xb5: {  	[sflag:s29] =	ssyncadd.s32 $0xFFFFFFFF  }
0xb6: {  	_ =	strace $0x90000048  }
0xb7: {  	_ =	sfence  }
0xb8: {  	s30 =	sld [smem:$0x0];
	_ =	sdelay $0x2  }
0xb9: {  	s31 =	sshll.u32 s1, $0xD;
	s1 =	sshrl.u32 s1, $0x2  }
0xba: {  	s3 =	sand.u32 $0x4000, s31;
	s1 =	sadd.s32 s1, s30  }
0xbb: {  	s0 =	sor.u32 s3, s0;
	s1 =	sshll.u32 s1, $0x11  }
0xbc: {  	s0 =	sor.u32 s1, s0  }
0xbd: {  	s0 =	sadd.s32 $0x8F2B, s0  }
0xbe: {  	[sflag:s0] =	ssyncadd.remote.s32 $0x1  }
0xbf: {  	_ =	sfence.sel $0xFFFF  }
0xc0: {  	[dreg:$0x0] =	wrdreg $0xFFFFFFFF;
	(pc) =	sbr.abs _section_cstart, $3  }
0xc1: {  	[dreg:$0x1] =	wrdreg $0xFFFFFFFF  }
0xc2: {  	_ =	task.clear_ibuf [dreg:s7], $0x2FFFF;
	_ =	strace $0x9FFFFFFF  }
0xc3: {  	(tm) =	ssettm $0x7FFFFFFF  }
tec
execute0_lowered:
.L_overlay_start_1:
0x0: {  	(tag) =	ssettag $0x1  }
0x1: {  	s0 =	rddreg [dreg:$0x0]  }
0x2: {  	s3 =	rddreg [dreg:$0x2];
	s4 =	simm.s32 $0x0  }
0x3: {  	s13 =	stileid.u32;
	s1 =	srdreg.scid;
	s28 =	simm.s32 $0xD  }
0x4: {  	s29 =	simm.s32 $0x0;
	[smem:$0x7FF] =	sst s4;
	s5 =	smul.u32 $0x13C00, s13  }
0x5: {  	s2 =	sadd.s32 $0xD800, s0;
	s1 =	sand.u32 $0x1, s1;
	s17 =	smul.u32 $0x9C, s13  }
0x6: {  	s6 =	sadd.s32 $0x3A00, s0;
	s8 =	sshll.u32 s13, $0x1;
	s7 =	smul.u32 $0x13C000, s1  }
0x7: {  	s10 =	ssub.s32 $0x2, s1;
	s8 =	sor.u32 s1, s8;
	s1 =	smul.u32 $0x4E, s1  }
0x8: {  	p0 =	sgt.u32 s13, $0x1;
	s9 =	sshrl.u32 s5, $0x3;
	s11 =	smul.u32 $0x4E0, s8  }
0x9: {  	s12 =	sshrl.u32 s10, $0x1;
	s14 =	smul.u32 $0x2700, s8;
	s8 =	sshll.u32 s8, $0x4  }
0xa: {  	s5 =	sadd.s32 s5, s7;
	s7 =	ssub.s32 s10, s12;
	s1 =	sadd.s32 s1, s17  }
0xb: {  	s8 =	sor.u32 $0x9C00, s8;
	s17 =	sshll.u32 s13, $0x6;
	s5 =	sshrl.u32 s5, $0x3  }
0xc: {  	s12 =	sadd.s32 s2, s11;
	s15 =	sadd.s32 s6, s11;
	s11 =	sor.u32 $0x10, s11  }
0xd: {  	s10 =	sshrl.u32 s14, $0x3;
	s1 =	sshll.u32 s1, $0x4;
	[dreg:$0x4] =	wrdreg s12  }
0xe: {  	s20 =	sadd.s32 s2, s8;
	s8 =	sadd.s32 s6, s8;
	[dreg:$0x5] =	wrdreg s15  }
0xf: {  	s16 =	sadd.s32 s2, s11;
	s11 =	sadd.s32 s6, s11;
	[dreg:$0xc] =	wrdreg s20  }
0x10: {  	s18 =	sadd.s32 $0x20, s10;
	s10 =	sadd.s32 $0x30, s10;
	[dreg:$0xd] =	wrdreg s8  }
0x11: {  	s21 =	sadd.s32 $0x80, s1;
	s24 =	sadd.s32 $0x60, s1;
	s1 =	sadd.s32 $0x40, s1  }
0x12: {  	s15 =	sadd.s32 s9, s0;
	s5 =	sadd.s32 s5, s0;
	s0 =	sadd.s32 $0x17600, s0  }
0x13: {  	s20 =	sor.u32 $0x1C0D, s17;
	s12 =	simm.s32 $0x180;
	[dreg:$0x6] =	wrdreg s16  }
0x14: {  	s9 =	simm.s32 $0x4;
	s17 =	simm.s32 $0xC;
	[dreg:$0x7] =	wrdreg s11  }
0x15: {  	s14 =	sadd.s32 s2, s18;
	s11 =	sadd.s32 s6, s18;
	s19 =	sadd.s32 s2, s10  }
0x16: {  	s10 =	sadd.s32 s6, s10;
	s22 =	sadd.s32 s21, s2;
	s23 =	sadd.s32 s21, s6  }
0x17: {  	s25 =	sadd.s32 s24, s2;
	s8 =	sadd.s32 s24, s6;
	[dreg:$0x8] =	wrdreg s14  }
0x18: {  	s26 =	sadd.s32 s1, s2;
	s6 =	sadd.s32 s1, s6;
	[dreg:$0x9] =	wrdreg s11  }
0x19: {  	s2 =	smul.u32 $0x4F000, s13;
	s18 =	sadd.s32 $0x17E00, s15;
	[dreg:$0xa] =	wrdreg s19  }
0x1a: {  	s21 =	smax.u32 s7, $0x1;
	s13 =	simm.s32 $0x480;
	[dreg:$0xb] =	wrdreg s10  }
0x1b: {  	s1 =	simm.s32 $0x7;
	_ =	strace $0x80000047;
	[dreg:$0x11] =	wrdreg s0  }
0x1c: {  	s7 =	simm.s32 $0xA;
	s19 =	sadd.s32 $0x3F600, s5;
	[dreg:$0x13] =	wrdreg s18  }
0x1d: {  	s15 =	simm.s32 $0x5;
	s24 =	sadd.s32 $0x10, s25;
	[dreg:$0x15] =	wrdreg s19  }
0x1e: {  	s31 =	smov.u32 s8;
	s30 =	smov.u32 s26;
	[dreg:$0x16] =	wrdreg s21  }
0x1f: {  	s26 =	sadd.s32 $0x10, s26;
	s5 =	simm.s32 $0x600;
	[dreg:$0xe] =	wrdreg s22  }
0x20: {  	s14 =	simm.s32 $0x1;
	s10 =	simm.s32 $0x8;
	[dreg:$0xf] =	wrdreg s23  }
0x21: {  	s11 =	simm.s32 $0xB;
	s16 =	sshrl.u32 s2, $0x2;
	[dreg:$0x10] =	wrdreg s25  }
0x22: {  	s22 =	sadd.s32 $0x10, s22;
	s23 =	sadd.s32 $0x10, s23;
	[dreg:$0x19] =	wrdreg s24  }
0x23: {  	s25 =	sadd.s32 $0x10, s8;
	[dreg:$0x1b] =	wrdreg s26;
	s2 =	sadd.s32 $0x10, s6  }
0x24: {  	s8 =	simm.s32 $0x80;
	s21 =	simm.s32 $0x200;
	[dreg:$0x14] =	wrdreg s20  }
.Ltmp0:
0x25: {  	s26 =	simm.s32 $0x580;
	[dreg:$0x17] =	wrdreg s22;
	(pc) =	sbr.rel .LBB2_1-.Ltmp0, $4  }
0x26: {  	s24 =	simm.s32 $0x3;
	s18 =	simm.s32 $0x6;
	[dreg:$0x18] =	wrdreg s23  }
0x27: {  	s0 =	sadd.s32 s16, s3;
	[dreg:$0x1a] =	wrdreg s25;
	s22 =	simm.s32 $0x500  }
0x28: {  	s23 =	simm.s32 $0x2;
	s25 =	simm.s32 $0x280;
	s16 =	simm.s32 $0x9  }
0x29: {  	[dreg:$0x12] =	wrdreg s0;
	s0 =	smov.u32 s6;
	s6 =	simm.s32 $0x4600  }
.LBB2_4:
0x2a: {  	_ =	swait.ge [sflag:s10], $0x4000  }
0x2b: {  	[sflag:s10] =	ssyncset.done $0x0  }
0x2c: {  	[sflag:s10] =	ssyncadd.s32 $0xFFFFC000  }
0x2d: {  	_ =	swait.ge [sflag:s11], $0x4000  }
0x2e: {  	[sflag:s11] =	ssyncset.done $0x0  }
0x2f: {  	[sflag:s11] =	ssyncadd.s32 $0xFFFFC000  }
0x30: {  	_ =	swait.ge [sflag:s16], $0x4000  }
0x31: {  	[sflag:s16] =	ssyncset.done $0x0  }
0x32: {  	[sflag:s16] =	ssyncadd.s32 $0xFFFFC000  }
0x33: {  	_ =	swait.ge [sflag:s17], $0x4000  }
0x34: {  	[sflag:s17] =	ssyncset.done $0x0  }
0x35: {  	s19 =	simm.s32 @!p0 $0x0;
	s20 =	rddreg [dreg:$0xc];
	[sflag:s17] =	ssyncadd.s32 $0xFFFFC000  }
0x36: {  	[tilespmem:s19], [sflag:$0xD] =	stream.linear.gather @!p0 [hbm4b:s20+s19], $0x80, $0x38;
	[tilespmem:$0x1C200] =	vst v63  }
0x37: {  	s20 =	simm.s32 @!p0 $0xD  }
0x38: {  	_ =	swait.ge @!p0 [sflag:s20], $0x80  }
0x39: {  	[sflag:s20] =	ssyncset.done @!p0 $0x0  }
0x3a: {  	s29 =	simm.s32 @!p0 $0x300;
	s28 =	rddreg [dreg:$0xd];
	[sflag:s20] =	ssyncadd.s32 @!p0 $0xFFFFFF80  }
0x3b: {  	[tilespmem:s29], [sflag:$0xD] =	stream.linear.gather @!p0 [hbm4b:s28+s19], $0x80, $0x38;
	[tilespmem:$0x1C200] =	vst v63  }
0x3c: {  	_ =	swait.ge @!p0 [sflag:s20], $0x80  }
0x3d: {  	[sflag:s20] =	ssyncset.done @!p0 $0x0  }
0x3e: {  	s29 =	simm.s32 @!p0 $0x80;
	s28 =	simm.s32 @!p0 $0x600;
	[sflag:s20] =	ssyncadd.s32 @!p0 $0xFFFFFF80  }
0x3f: {  	[spmem:s3] =	stream.indirect.scatter.add.f32 @!p0 [tilespmem:s28], [sflag:$0xD], $0x80, s19, s29, $0xb8;
	[tilespmem:$0x1C200] =	vst v63  }
0x40: {  	_ =	swait.ge @!p0 [sflag:s20], $0x4000  }
0x41: {  	[sflag:s20] =	ssyncset.done @!p0 $0x0  }
0x42: {  	s19 =	simm.s32 @!p0 $0x4600;
	s28 =	simm.s32 @!p0 $0x300;
	[sflag:s20] =	ssyncadd.s32 @!p0 $0xFFFFC000  }
0x43: {  	[spmem:s3] =	stream.indirect.scatter.add.f32 @!p0 [tilespmem:s19], [sflag:$0xD], $0x80, s28, s29, $0xb8;
	[tilespmem:$0x1C200] =	vst v63  }
0x44: {  	_ =	swait.ge @!p0 [sflag:s20], $0x4000  }
0x45: {  	[sflag:s20] =	ssyncset.done @!p0 $0x0  }
0x46: {  	[sflag:s20] =	ssyncadd.s32 @!p0 $0xFFFFC000  }
0x47: {  	[bflag:$0x0] =	sbarrier.arrive $0xFFFF  }
0x48: {  	s20 =	rddreg [dreg:$0x14]  }
0x49: {  	s19 =	rddreg [dreg:$0x15]  }
0x4a: {  	s28 =	rddreg [dreg:$0x1d]  }
0x4b: {  	[hbm:s19], [sflag:s20] =	dma.local [spmem:s28], $0x2780  }
0x4c: {  	s28 =	simm.s32 $0xD  }
0x4d: {  	_ =	swait.ge [sflag:s28], $0x2780  }
0x4e: {  	s29 =	rddreg [dreg:$0x1c]  }
0x4f: {  	s19 =	rddreg [dreg:$0x16];
	s29 =	sadd.s32 $0x1, s29  }
0x50: {  	p1 =	sne.s32 s29, s19  }
.Ltmp1:
0x51: {  	_ = 	snop;
	(pc) =	sbr.rel @!p1 .LBB2_5-.Ltmp1, $3  }
0x52: {  	_ =	sdelay $0x1  }
0x53: {  	[sflag:s28] =	ssyncset.done $0x0  }
0x54: {  	[sflag:s28] =	ssyncadd.s32 $0xFFFFD880  }
.LBB2_1:
0x55: {  	[dreg:$0x1c] =	wrdreg s29  }
0x56: {  	s19 =	rddreg [dreg:$0x12]  }
0x57: {  	s29 =	sshrl.u32 s19, $0x3;
	s19 =	rddreg [dreg:$0x13]  }
0x58: {  	[dreg:$0x1d] =	wrdreg s29  }
0x59: {  	[spmem:s29], [sflag:s20] =	dma.local [hbm:s19], $0x2780  }
0x5a: {  	_ =	swait.ge [sflag:s28], $0x2780  }
0x5b: {  	[sflag:s28] =	ssyncset.done $0x0  }
0x5c: {  	[sflag:s28] =	ssyncadd.s32 $0xFFFFD880  }
0x5d: {  	s20 =	rddreg [dreg:$0x1]  }
0x5e: {  	[tilespmem:s5], [sflag:$0xD] =	stream.linear.gather [hbm4b:s20+s4], $0x4000, $0x38;
	[tilespmem:$0x1C200] =	vst v63  }
0x5f: {  	_ =	swait.ge [sflag:s28], $0x4000  }
0x60: {  	[sflag:s28] =	ssyncset.done $0x0  }
0x61: {  	s29 =	rddreg [dreg:$0x11];
	[sflag:s28] =	ssyncadd.s32 $0xFFFFC000  }
0x62: {  	[tilespmem:s6], [sflag:$0xD] =	stream.linear.gather [hbm4b:s29+s4], $0x4000, $0x38;
	[tilespmem:$0x1C200] =	vst v63  }
0x63: {  	_ =	swait.ge [sflag:s28], $0x4000  }
0x64: {  	[sflag:s28] =	ssyncset.done $0x0  }
0x65: {  	[sflag:s28] =	ssyncadd.s32 $0xFFFFC000  }
0x66: {  	[bflag:$0x0] =	sbarrier.arrive $0xFFFF  }
0x67: {  	s20 =	rddreg [dreg:$0x4]  }
0x68: {  	[tilespmem:s4], [sflag:$0x1] =	stream.linear.gather [hbm4b:s20+s4], $0x80, $0x38;
	[tilespmem:$0x1C200] =	vst v63  }
0x69: {  	s29 =	simm.s32 $0x300;
	s28 =	rddreg [dreg:$0x5]  }
0x6a: {  	[tilespmem:s29], [sflag:$0x1] =	stream.linear.gather [hbm4b:s28+s4], $0x80, $0x38;
	[tilespmem:$0x1C200] =	vst v63  }
0x6b: {  	s20 =	rddreg [dreg:$0x6]  }
0x6c: {  	[tilespmem:s8], [sflag:$0x2] =	stream.linear.gather [hbm4b:s20+s4], $0x80, $0x38;
	[tilespmem:$0x1C200] =	vst v63  }
0x6d: {  	s28 =	rddreg [dreg:$0x7];
	s29 =	simm.s32 $0x380  }
0x6e: {  	[tilespmem:s29], [sflag:$0x2] =	stream.linear.gather [hbm4b:s28+s4], $0x80, $0x38;
	[tilespmem:$0x1C200] =	vst v63  }
0x6f: {  	s28 =	rddreg [dreg:$0x8];
	s29 =	simm.s32 $0x100  }
0x70: {  	[tilespmem:s29], [sflag:$0x3] =	stream.linear.gather [hbm4b:s28+s4], $0x80, $0x38;
	[tilespmem:$0x1C200] =	vst v63  }
0x71: {  	s28 =	rddreg [dreg:$0x9];
	s29 =	simm.s32 $0x400  }
0x72: {  	[tilespmem:s29], [sflag:$0x3] =	stream.linear.gather [hbm4b:s28+s4], $0x80, $0x38;
	[tilespmem:$0x1C200] =	vst v63  }
0x73: {  	s28 =	rddreg [dreg:$0xa]  }
0x74: {  	[tilespmem:s12], [sflag:$0x4] =	stream.linear.gather [hbm4b:s28+s4], $0x80, $0x38;
	[tilespmem:$0x1C200] =	vst v63  }
0x75: {  	s19 =	simm.s32 $0x0;
	s29 =	rddreg [dreg:$0xb]  }
0x76: {  	[tilespmem:s13], [sflag:$0x4] =	stream.linear.gather [hbm4b:s29+s4], $0x80, $0x38;
	[tilespmem:$0x1C200] =	vst v63  }
.LBB2_2:
0x77: {  	_ =	swait.ge [sflag:s14], $0x80  }
0x78: {  	[sflag:s14] =	ssyncset.done $0x0  }
0x79: {  	[sflag:s14] =	ssyncadd.s32 $0xFFFFFF80  }
0x7a: {  	_ =	swait.ge [sflag:s14], $0x80  }
0x7b: {  	[sflag:s14] =	ssyncset.done $0x0  }
0x7c: {  	[sflag:s14] =	ssyncadd.s32 $0xFFFFFF80  }
0x7d: {  	[spmem:s3] =	stream.indirect.scatter.add.f32 [tilespmem:s5], [sflag:$0x7], $0x80, s4, s8, $0xb8;
	[tilespmem:$0x1C200] =	vst v63  }
0x7e: {  	s20 =	simm.s32 $0x300;
	p1 =	seq.s32 s19, $0x0  }
0x7f: {  	[spmem:s3] =	stream.indirect.scatter.add.f32 [tilespmem:s6], [sflag:$0xA], $0x80, s20, s8, $0xb8;
	[tilespmem:$0x1C200] =	vst v63  }
0x80: {  	s20 =	simm.s32 @!p1 $0x8  }
0x81: {  	_ =	swait.ge @!p1 [sflag:s20], $0x4000  }
0x82: {  	[sflag:s20] =	ssyncset.done @!p1 $0x0  }
0x83: {  	[sflag:s20] =	ssyncadd.s32 @!p1 $0xFFFFC000;
	s20 =	simm.s32 @!p1 $0xB  }
0x84: {  	_ =	swait.ge @!p1 [sflag:s20], $0x4000  }
0x85: {  	[sflag:s20] =	ssyncset.done @!p1 $0x0  }
0x86: {  	s29 =	sadd.s32 s19, s30;
	[sflag:s20] =	ssyncadd.s32 @!p1 $0xFFFFC000  }
0x87: {  	[tilespmem:s21], [sflag:$0x5] =	stream.linear.gather [hbm4b:s29+s4], $0x80, $0x38;
	[tilespmem:$0x1C200] =	vst v63  }
0x88: {  	s28 =	sadd.s32 s19, s0  }
0x89: {  	[tilespmem:s22], [sflag:$0x5] =	stream.linear.gather [hbm4b:s28+s4], $0x80, $0x38;
	[tilespmem:$0x1C200] =	vst v63  }
0x8a: {  	_ =	swait.ge [sflag:s23], $0x80  }
0x8b: {  	[sflag:s23] =	ssyncset.done $0x0  }
0x8c: {  	[sflag:s23] =	ssyncadd.s32 $0xFFFFFF80  }
0x8d: {  	_ =	swait.ge [sflag:s23], $0x80  }
0x8e: {  	[sflag:s23] =	ssyncset.done $0x0  }
0x8f: {  	[sflag:s23] =	ssyncadd.s32 $0xFFFFFF80  }
0x90: {  	[spmem:s3] =	stream.indirect.scatter.add.f32 [tilespmem:s5], [sflag:$0x8], $0x80, s8, s8, $0xb8;
	[tilespmem:$0x1C200] =	vst v63  }
0x91: {  	s20 =	simm.s32 @!p1 $0x9;
	s29 =	simm.s32 $0x380  }
0x92: {  	[spmem:s3] =	stream.indirect.scatter.add.f32 [tilespmem:s6], [sflag:$0xB], $0x80, s29, s8, $0xb8;
	[tilespmem:$0x1C200] =	vst v63  }
0x93: {  	_ =	swait.ge @!p1 [sflag:s20], $0x4000  }
0x94: {  	[sflag:s20] =	ssyncset.done @!p1 $0x0  }
0x95: {  	[sflag:s20] =	ssyncadd.s32 @!p1 $0xFFFFC000;
	s20 =	simm.s32 @!p1 $0xC  }
0x96: {  	_ =	swait.ge @!p1 [sflag:s20], $0x4000  }
0x97: {  	[sflag:s20] =	ssyncset.done @!p1 $0x0;
	s28 =	rddreg [dreg:$0x1b]  }
0x98: {  	[sflag:s20] =	ssyncadd.s32 @!p1 $0xFFFFC000;
	s20 =	sadd.s32 s19, s28  }
0x99: {  	[tilespmem:s25], [sflag:$0x6] =	stream.linear.gather [hbm4b:s20+s4], $0x80, $0x38;
	[tilespmem:$0x1C200] =	vst v63  }
0x9a: {  	s29 =	sadd.s32 s19, s2  }
0x9b: {  	[tilespmem:s26], [sflag:$0x6] =	stream.linear.gather [hbm4b:s29+s4], $0x80, $0x38;
	[tilespmem:$0x1C200] =	vst v63  }
0x9c: {  	_ =	swait.ge [sflag:s24], $0x80  }
0x9d: {  	[sflag:s24] =	ssyncset.done $0x0  }
0x9e: {  	[sflag:s24] =	ssyncadd.s32 $0xFFFFFF80  }
0x9f: {  	_ =	swait.ge [sflag:s24], $0x80  }
0xa0: {  	[sflag:s24] =	ssyncset.done $0x0  }
0xa1: {  	s28 =	simm.s32 $0x100;
	[sflag:s24] =	ssyncadd.s32 $0xFFFFFF80  }
0xa2: {  	[spmem:s3] =	stream.indirect.scatter.add.f32 [tilespmem:s5], [sflag:$0x9], $0x80, s28, s8, $0xb8;
	[tilespmem:$0x1C200] =	vst v63  }
0xa3: {  	s29 =	simm.s32 $0x400  }
0xa4: {  	[spmem:s3] =	stream.indirect.scatter.add.f32 [tilespmem:s6], [sflag:$0xC], $0x80, s29, s8, $0xb8;
	[tilespmem:$0x1C200] =	vst v63  }
0xa5: {  	_ =	swait.ge [sflag:s1], $0x4000  }
0xa6: {  	[sflag:s1] =	ssyncset.done $0x0  }
0xa7: {  	[sflag:s1] =	ssyncadd.s32 $0xFFFFC000  }
0xa8: {  	_ =	swait.ge [sflag:s7], $0x4000  }
0xa9: {  	p1 =	seq.s32 s19, $0x480;
	[sflag:s7] =	ssyncset.done $0x0;
	s20 =	rddreg [dreg:$0x10]  }
0xaa: {  	s28 =	simm.s32 @!p1 $0x0;
	[sflag:s7] =	ssyncadd.s32 $0xFFFFC000;
	s20 =	sadd.s32 @!p1 s19, s20  }
0xab: {  	[tilespmem:s28], [sflag:$0x1] =	stream.linear.gather @!p1 [hbm4b:s20+s28], $0x80, $0x38;
	[tilespmem:$0x1C200] =	vst v63  }
0xac: {  	s29 =	simm.s32 @!p1 $0x300;
	s20 =	sadd.s32 @!p1 s19, s31  }
0xad: {  	[tilespmem:s29], [sflag:$0x1] =	stream.linear.gather @!p1 [hbm4b:s20+s28], $0x80, $0x38;
	[tilespmem:$0x1C200] =	vst v63  }
0xae: {  	_ =	swait.ge [sflag:s9], $0x80  }
0xaf: {  	[sflag:s9] =	ssyncset.done $0x0  }
0xb0: {  	[sflag:s9] =	ssyncadd.s32 $0xFFFFFF80  }
0xb1: {  	_ =	swait.ge [sflag:s9], $0x80  }
0xb2: {  	[sflag:s9] =	ssyncset.done $0x0  }
0xb3: {  	[sflag:s9] =	ssyncadd.s32 $0xFFFFFF80  }
0xb4: {  	[spmem:s3] =	stream.indirect.scatter.add.f32 [tilespmem:s5], [sflag:$0x7], $0x80, s12, s8, $0xb8;
	[tilespmem:$0x1C200] =	vst v63  }
0xb5: {  	_ = 	snop  }
0xb6: {  	[spmem:s3] =	stream.indirect.scatter.add.f32 [tilespmem:s6], [sflag:$0xA], $0x80, s13, s8, $0xb8;
	[tilespmem:$0x1C200] =	vst v63  }
0xb7: {  	_ =	swait.ge [sflag:s10], $0x4000  }
0xb8: {  	[sflag:s10] =	ssyncset.done $0x0  }
0xb9: {  	[sflag:s10] =	ssyncadd.s32 $0xFFFFC000  }
0xba: {  	_ =	swait.ge [sflag:s11], $0x4000  }
0xbb: {  	[sflag:s11] =	ssyncset.done $0x0;
	s20 =	rddreg [dreg:$0x19]  }
0xbc: {  	s29 =	simm.s32 @!p1 $0x80;
	[sflag:s11] =	ssyncadd.s32 $0xFFFFC000;
	s20 =	sadd.s32 @!p1 s19, s20  }
0xbd: {  	[tilespmem:s29], [sflag:$0x2] =	stream.linear.gather @!p1 [hbm4b:s20+s28], $0x80, $0x38;
	[tilespmem:$0x1C200] =	vst v63  }
0xbe: {  	s20 =	rddreg [dreg:$0x1a]  }
0xbf: {  	s29 =	simm.s32 @!p1 $0x380;
	s20 =	sadd.s32 @!p1 s19, s20  }
0xc0: {  	[tilespmem:s29], [sflag:$0x2] =	stream.linear.gather @!p1 [hbm4b:s20+s28], $0x80, $0x38;
	[tilespmem:$0x1C200] =	vst v63  }
0xc1: {  	_ =	swait.ge [sflag:s15], $0x80  }
0xc2: {  	[sflag:s15] =	ssyncset.done $0x0  }
0xc3: {  	[sflag:s15] =	ssyncadd.s32 $0xFFFFFF80  }
0xc4: {  	_ =	swait.ge [sflag:s15], $0x80  }
0xc5: {  	[sflag:s15] =	ssyncset.done $0x0  }
0xc6: {  	[sflag:s15] =	ssyncadd.s32 $0xFFFFFF80  }
0xc7: {  	[spmem:s3] =	stream.indirect.scatter.add.f32 [tilespmem:s5], [sflag:$0x8], $0x80, s21, s8, $0xb8;
	[tilespmem:$0x1C200] =	vst v63  }
0xc8: {  	_ = 	snop  }
0xc9: {  	[spmem:s3] =	stream.indirect.scatter.add.f32 [tilespmem:s6], [sflag:$0xB], $0x80, s22, s8, $0xb8;
	[tilespmem:$0x1C200] =	vst v63  }
0xca: {  	_ =	swait.ge [sflag:s16], $0x4000  }
0xcb: {  	[sflag:s16] =	ssyncset.done $0x0  }
0xcc: {  	[sflag:s16] =	ssyncadd.s32 $0xFFFFC000  }
0xcd: {  	_ =	swait.ge [sflag:s17], $0x4000  }
0xce: {  	[sflag:s17] =	ssyncset.done $0x0;
	s20 =	rddreg [dreg:$0xe]  }
0xcf: {  	s29 =	simm.s32 @!p1 $0x100;
	[sflag:s17] =	ssyncadd.s32 $0xFFFFC000;
	s20 =	sadd.s32 @!p1 s19, s20  }
0xd0: {  	[tilespmem:s29], [sflag:$0x3] =	stream.linear.gather @!p1 [hbm4b:s20+s28], $0x80, $0x38;
	[tilespmem:$0x1C200] =	vst v63  }
0xd1: {  	s20 =	rddreg [dreg:$0xf]  }
0xd2: {  	s29 =	simm.s32 @!p1 $0x400;
	s20 =	sadd.s32 @!p1 s19, s20  }
0xd3: {  	[tilespmem:s29], [sflag:$0x3] =	stream.linear.gather @!p1 [hbm4b:s20+s28], $0x80, $0x38;
	[tilespmem:$0x1C200] =	vst v63  }
0xd4: {  	_ =	swait.ge [sflag:s18], $0x80  }
0xd5: {  	[sflag:s18] =	ssyncset.done $0x0  }
0xd6: {  	[sflag:s18] =	ssyncadd.s32 $0xFFFFFF80  }
0xd7: {  	_ =	swait.ge [sflag:s18], $0x80  }
0xd8: {  	[sflag:s18] =	ssyncset.done $0x0  }
0xd9: {  	[sflag:s18] =	ssyncadd.s32 $0xFFFFFF80  }
0xda: {  	[spmem:s3] =	stream.indirect.scatter.add.f32 [tilespmem:s5], [sflag:$0x9], $0x80, s25, s8, $0xb8;
	[tilespmem:$0x1C200] =	vst v63  }
0xdb: {  	_ = 	snop  }
0xdc: {  	[spmem:s3] =	stream.indirect.scatter.add.f32 [tilespmem:s6], [sflag:$0xC], $0x80, s26, s8, $0xb8;
	[tilespmem:$0x1C200] =	vst v63  }
0xdd: {  	_ =	swait.ge [sflag:s1], $0x4000  }
.Ltmp2:
0xde: {  	[sflag:s1] =	ssyncset.done $0x0;
	(pc) =	sbr.rel @p1 .LBB2_4-.Ltmp2, $4  }
0xdf: {  	[sflag:s1] =	ssyncadd.s32 $0xFFFFC000  }
0xe0: {  	_ =	swait.ge [sflag:s7], $0x4000  }
0xe1: {  	[sflag:s7] =	ssyncset.done $0x0  }
0xe2: {  	[sflag:s7] =	ssyncadd.s32 $0xFFFFC000  }
.Ltmp3:
0xe3: {  	s20 =	rddreg [dreg:$0x17];
	(pc) =	sbr.rel .LBB2_2-.Ltmp3, $4  }
0xe4: {  	s29 =	rddreg [dreg:$0x18];
	s20 =	sadd.s32 s19, s20  }
0xe5: {  	[tilespmem:s12], [sflag:$0x4] =	stream.linear.gather [hbm4b:s20+s4], $0x80, $0x38;
	[tilespmem:$0x1C200] =	vst v63  }
0xe6: {  	s20 =	sadd.s32 s19, s29;
	s19 =	sadd.s32 $0x60, s19  }
0xe7: {  	[tilespmem:s13], [sflag:$0x4] =	stream.linear.gather [hbm4b:s20+s4], $0x80, $0x38;
	[tilespmem:$0x1C200] =	vst v63  }
.LBB2_5:
0xe8: {  	_ =	sfence.sel $0x180000  }
0xe9: {  	[bflag:$0x0] =	sbarrier.arrive $0xFFFF  }
0xea: {  	_ =	strace $0x90000047  }
0xeb: {  	s0 =	stileid.u32;
	[bflag:$0x2] =	sbarrier.arrive $0xFFFF  }
0xec: {  	p0 =	sne.s32 s0, $0x0;
	s0 =	rddreg [dreg:$0x3]  }
0xed: {  	s0 =	sadd.s32 @!p0 $0x100000, s0  }
0xee: {  	[sflag:s0] =	ssyncadd.tile.s32 @!p0 $0x1;
	_ =	shalt  }
.Lfunc_end2:
_tile_overlayer_lowered:
.L_overlay_start_2:
0xef: {  	(tag) =	ssettag $0x2  }
0xf0: {  	s0 =	rddreg [dreg:$0x0];
	s2 =	stileid.u32  }
0xf1: {  	s1 =	rddreg [dreg:$0x1];
	p0 =	sne.s32 s2, $0x0  }
0xf2: {  	s3 =	rddreg [dreg:$0x2];
	[bflag:$0x3] =	sbarrier.arrive $0xFFFF;
	s2 =	simm.s32 @!p0 $0x1C0D  }
0xf3: {  	[timem:s3], [sflag:s2] =	dma.local @!p0 [hbm:s0], s1  }
0xf4: {  	s0 =	simm.s32 @!p0 $0xD  }
0xf5: {  	_ =	swait.ge @!p0 [sflag:s0], s1  }
0xf6: {  	s1 =	ssub.s32 @!p0 $0x0, s1;
	[sflag:s0] =	ssyncset.done @!p0 $0x0  }
0xf7: {  	[sflag:s0] =	ssyncadd.s32 @!p0 s1  }
0xf8: {  	[bflag:$0x3] =	sbarrier.arrive $0xFFFF  }
0xf9: {  	_ =	shalt  }

// kernel: kernel.15.cloned.1.call-start
scs
__scs_entry_jumppad:
0x0: {  	(pc) =	sbr.rel $0x88, $3  }
0x1: {  	(tag) =	ssettag $0x0;
	lr =	simm.s32 $0x1  }
0x2: {  	[smem:$0x3F91] =	sst lr;
	_ =	strace $0xD0000000  }
0x3: {  	_ = 	snop  }
0x4: {  	_ = 	snop  }
0x5: {  	_ = 	snop  }
0x6: {  	_ = 	snop  }
0x7: {  	_ = 	snop  }
__scs_overlays_trampoline_lowered:
0x8: {  	[smem:$0x3FA0] =	sst s0  }
0x9: {  	[smem:$0x3FA1] =	sst s1  }
0xa: {  	[smem:$0x3FA2] =	sst s2  }
0xb: {  	[smem:$0x3FA3] =	sst s3  }
0xc: {  	[smem:$0x3FA4] =	sst s4  }
0xd: {  	[smem:$0x3FA5] =	sst s5  }
0xe: {  	[smem:$0x3FA6] =	sst s6  }
0xf: {  	[smem:$0x3FA7] =	sst s7  }
0x10: {  	[smem:$0x3FA8] =	sst s8  }
0x11: {  	[smem:$0x3FA9] =	sst s9;
	s0 =	simm.s32 @!p0 $0x0  }
0x12: {  	s1 =	sld [smem:$0x3F8F];
	s0 =	simm.s32 @p0 $0x1  }
0x13: {  	[smem:$0x3FAA] =	sst s0;
	s0 =	simm.s32 @!p1 $0x0  }
0x14: {  	s2 =	sld [smem:$0x3F8E];
	s0 =	simm.s32 @p1 $0x1  }
0x15: {  	[smem:$0x3FAB] =	sst s0;
	s0 =	simm.s32 @!p2 $0x0  }
0x16: {  	s3 =	sld [smem:$0x3FDB];
	s0 =	simm.s32 @p2 $0x1  }
0x17: {  	s4 =	simm.s32 $0x1BF5;
	[smem:$0x3FAD] =	sst s0  }
0x18: {  	s0 =	sld [smem:$0x3F90];
	_ =	swait.ge [sflag:s4], $0x0  }
0x19: {  	s7 =	sld [smem:$0x3F91]  }
0x1a: {  	s8 =	sadd.s32 $0xFFFFE003, lr  }
0x1b: {  	s9 =	sadd.s32 $0xFFFFFEF7, lr;
	s5 =	simm.s32 $0xFFFFFFFF;
	p2 =	slt.u32 s8, $0xFFFFF086  }
0x1c: {  	p1 =	slt.u32 s9, $0xF7A;
	s5 =	simm.s32 @!p2 $0x0  }
0x1d: {  	s5 =	simm.s32 @p1 $0x1;
	p0 =	seq.s32 s7, s2  }
0x1e: {  	s7 =	smul.u32 @!p0 $0xF7A, s2;
	p2 =	seq.s32 @!p0 s5, $0x0  }
0x1f: {  	s9 =	smul.u32 $0xF7A, s1;
	s8 =	simm.s32 @!p0 $0x1BF5;
	p2 =	por !p2, p0  }
0x20: {  	[sflag:s8] =	ssyncset.s32 @!p0 $0xFFFFF086;
	s6 =	sadd.s32 @!p0 s3, s7;
	s7 =	simm.s32 @!p0 $0x108  }
0x21: {  	s3 =	sadd.s32 s3, s9;
	s6 =	sadd.s32 @!p0 $0x88, s6;
	s7 =	simm.s32 @p2 $0x1082  }
0x22: {  	[simem:s7], [sflag:s8] =	dma.local @!p0 [hbm:s6], $0xF7A  }
0x23: {  	s9 =	sor.u32 $0xD0000000, s2;
	s6 =	simm.s32 $0x108;
	_ =	swait.ge @!p0 [sflag:s8], $0x0  }
0x24: {  	s3 =	sadd.s32 $0x88, s3;
	s6 =	simm.s32 @!p1 $0x1082;
	[sflag:s4] =	ssyncset.s32 $0xFFFFF086  }
0x25: {  	[simem:s6], [sflag:s4] =	dma.local [hbm:s3], $0xF7A  }
0x26: {  	[smem:$0x3F91] =	sst s1;
	(tag) =	ssettag s2;
	_ =	strace s9  }
0x27: {  	s1 =	sld [smem:$0x3FA1]  }
0x28: {  	s2 =	sld [smem:$0x3FA2]  }
0x29: {  	s4 =	sld [smem:$0x3FA4]  }
0x2a: {  	p0 =	seq.s32 s5, $0x0;
	s5 =	sld [smem:$0x3FA5]  }
0x2b: {  	s6 =	sld [smem:$0x3FA6]  }
0x2c: {  	s7 =	sld [smem:$0x3FA7]  }
0x2d: {  	s3 =	simm.s32 $0x108;
	s8 =	sld [smem:$0x3FA8]  }
0x2e: {  	s3 =	simm.s32 @!p0 $0x1082;
	s9 =	sld [smem:$0x3FA9]  }
0x2f: {  	lr =	sadd.s32 s0, s3;
	s0 =	sld [smem:$0x3FA0]  }
0x30: {  	s3 =	sld [smem:$0x3FA3]  }
0x31: {  	[smem:$0x3FAC] =	sst s10  }
0x32: {  	s10 =	sld [smem:$0x3FAA];
	_ =	sdelay $0x3  }
0x33: {  	p0 =	seq.s32 s10, $0x1;
	s10 =	sld [smem:$0x3FAC];
	_ =	sdelay $0x3  }
0x34: {  	[smem:$0x3FAC] =	sst s10  }
0x35: {  	s10 =	sld [smem:$0x3FAB];
	_ =	sdelay $0x3  }
0x36: {  	p1 =	seq.s32 s10, $0x1;
	s10 =	sld [smem:$0x3FAC];
	_ =	sdelay $0x3  }
0x37: {  	[smem:$0x3FAC] =	sst s10  }
0x38: {  	s10 =	sld [smem:$0x3FAD]  }
0x39: {  	_ = 	snop;
	(pc) =	sbr.ind lr, $3  }
0x3a: {  	_ = 	snop  }
0x3b: {  	_ = 	snop  }
0x3c: {  	p2 =	seq.s32 s10, $0x1;
	s10 =	sld [smem:$0x3FAC]  }
0x3d: {  	_ =	shalt  }
0x3e: {  	_ =	shalt  }
0x3f: {  	_ =	shalt  }
0x40: {  	_ =	shalt  }
0x41: {  	_ =	shalt  }
0x42: {  	_ =	shalt  }
0x43: {  	_ =	shalt  }
0x44: {  	_ =	shalt  }
0x45: {  	_ =	shalt  }
0x46: {  	_ =	shalt  }
0x47: {  	_ =	shalt  }
0x48: {  	_ =	shalt  }
0x49: {  	_ =	shalt  }
0x4a: {  	_ =	shalt  }
0x4b: {  	_ =	shalt  }
0x4c: {  	_ =	shalt  }
0x4d: {  	_ =	shalt  }
0x4e: {  	_ =	shalt  }
0x4f: {  	_ =	shalt  }
0x50: {  	_ =	shalt  }
0x51: {  	_ =	shalt  }
0x52: {  	_ =	shalt  }
0x53: {  	_ =	shalt  }
0x54: {  	_ =	shalt  }
0x55: {  	_ =	shalt  }
0x56: {  	_ =	shalt  }
0x57: {  	_ =	shalt  }
0x58: {  	_ =	shalt  }
0x59: {  	_ =	shalt  }
0x5a: {  	_ =	shalt  }
0x5b: {  	_ =	shalt  }
0x5c: {  	_ =	shalt  }
0x5d: {  	_ =	shalt  }
0x5e: {  	_ =	shalt  }
0x5f: {  	_ =	shalt  }
0x60: {  	_ =	shalt  }
0x61: {  	_ =	shalt  }
0x62: {  	_ =	shalt  }
0x63: {  	_ =	shalt  }
0x64: {  	_ =	shalt  }
0x65: {  	_ =	shalt  }
0x66: {  	_ =	shalt  }
0x67: {  	_ =	shalt  }
0x68: {  	_ =	shalt  }
0x69: {  	_ =	shalt  }
0x6a: {  	_ =	shalt  }
0x6b: {  	_ =	shalt  }
0x6c: {  	_ =	shalt  }
0x6d: {  	_ =	shalt  }
0x6e: {  	_ =	shalt  }
0x6f: {  	_ =	shalt  }
0x70: {  	_ =	shalt  }
0x71: {  	_ =	shalt  }
0x72: {  	_ =	shalt  }
0x73: {  	_ =	shalt  }
0x74: {  	_ =	shalt  }
0x75: {  	_ =	shalt  }
0x76: {  	_ =	shalt  }
0x77: {  	_ =	shalt  }
0x78: {  	_ =	shalt  }
0x79: {  	_ =	shalt  }
0x7a: {  	_ =	shalt  }
0x7b: {  	_ =	shalt  }
0x7c: {  	_ =	shalt  }
0x7d: {  	_ =	shalt  }
0x7e: {  	_ =	shalt  }
0x7f: {  	_ =	shalt  }
0x80: {  	_ =	shalt  }
0x81: {  	_ =	shalt  }
0x82: {  	_ =	shalt  }
0x83: {  	_ =	shalt  }
0x84: {  	_ =	shalt  }
0x85: {  	_ =	shalt  }
0x86: {  	_ =	shalt  }
0x87: {  	_ =	shalt  }
.Lfunc_end0:
.L_simem_size_0:
called_computation.1_lowered:
.L_overlay_start_0:
0x88: {  	s2 =	sld [smem:$0x3FD9]  }
0x89: {  	s3 =	sld [smem:$0x3FFE];
	_ =	sdelay $0x1  }
0x8a: {  	s1 =	srdreg.scid  }
0x8b: {  	s0 =	sand.u32 $0x1, s1  }
0x8c: {  	s16 =	sshll.u32 s0, $0xA;
	s2 =	sadd.s32 s3, s2  }
0x8d: {  	s2 =	sadd.s32 s2, s16  }
0x8e: {  	[smem:$0x3FB8] =	sst s2  }
0x8f: {  	_ = 	snop  }
0x90: {  	(tm) =	ssettm $0x1  }
0x91: {  	s17 =	sld [smem:$0x3FFB];
	_ =	sdelay $0x3  }
0x92: {  	_ =	strace s17  }
0x93: {  	s2 =	sld [smem:$0x3FFC];
	_ =	sdelay $0x3  }
0x94: {  	_ =	strace s2  }
0x95: {  	s2 =	sld [smem:$0x3FFD];
	_ =	sdelay $0x3  }
0x96: {  	_ =	strace s2  }
0x97: {  	_ =	strace $0x8FFFFFFF  }
0x98: {  	s18 =	sld [smem:$0x3FDB];
	_ =	sdelay $0x1  }
0x99: {  	s19 =	simm.s32 $_scs_section_size  }
0x9a: {  	s4 =	simm.s32 $_size__tile_overlayer_lowered;
	s5 =	simm.s32 $_tile_overlayer_lowered  }
0x9b: {  	s22 =	simm.s32 $0x1BFF;
	s21 =	sshll.u32 s5, $0x1;
	s2 =	sadd.s32 s19, s18  }
0x9c: {  	s6 =	simm.s32 $0x0;
	s20 =	sshll.u32 s4, $0x1;
	s4 =	sadd.s32 s21, s2  }
0x9d: {  	[timem:s6], [sflag:s22] =	dma.local [hbm:s4], s20  }
0x9e: {  	_ =	swait.ge [sflag:s22], s20  }
0x9f: {  	s3 =	ssub.s32 $0x0, s20;
	[sflag:s22] =	ssyncset.done $0x0  }
0xa0: {  	[sflag:s22] =	ssyncadd.s32 s3;
	_ =	sdelay $0x1  }
0xa1: {  	s23 =	simm.s32 $0x1B8B  }
0xa2: {  	_ =	swait.ge [sflag:s23], $0x1  }
0xa3: {  	[sflag:s23] =	ssyncset.done $0x0  }
0xa4: {  	s25 =	simm.s32 $0x1B8E;
	s24 =	sld [smem:$0x3FFE];
	[sflag:s23] =	ssyncadd.s32 $0xFFFFFFFF  }
0xa5: {  	s26 =	simm.s32 $execute0_lowered;
	[smem:$0x3FD2] =	sst s25  }
0xa6: {  	s4 =	sshll.u32 s26, $0x1;
	_ =	strace $0x80000049;
	[dreg:$0x1] =	wrdreg $0xFFFFFFFF  }
0xa7: {  	s28 =	simm.s32 $_size_execute0_lowered;
	s2 =	sadd.s32 s2, s4;
	[dreg:$0x0] =	wrdreg $0x0  }
0xa8: {  	s4 =	sshll.u32 s28, $0x1;
	[dreg:$0x2] =	wrdreg s2  }
0xa9: {  	[dreg:$0x3] =	wrdreg s4  }
0xaa: {  	[dreg:$0x4] =	wrdreg $0xC0  }
0xab: {  	_ =	task [dreg:s6], $0x5FFFF  }
0xac: {  	[dreg:$0x1] =	wrdreg $0xFFFFFFFF  }
0xad: {  	[dreg:$0x0] =	wrdreg $0x60  }
0xae: {  	[dreg:$0x2] =	wrdreg s24  }
0xaf: {  	[dreg:$0x3] =	wrdreg $0x86000  }
0xb0: {  	[dreg:$0x4] =	wrdreg $0x9  }
0xb1: {  	_ =	task.clear_ibuf [dreg:s6], $0x5FFFF;
	_ =	strace $0x90000049  }
0xb2: {  	s29 =	simm.s32 $0x9;
	_ =	strace $0x8000004B  }
0xb3: {  	_ =	swait.ge [sflag:s29], $0x1  }
0xb4: {  	[sflag:s29] =	ssyncadd.s32 $0xFFFFFFFF  }
0xb5: {  	_ =	strace $0x9000004B  }
0xb6: {  	_ =	sfence  }
0xb7: {  	s30 =	sld [smem:$0x0];
	_ =	sdelay $0x2  }
0xb8: {  	s31 =	sshll.u32 s1, $0xD;
	s1 =	sshrl.u32 s1, $0x2  }
0xb9: {  	s3 =	sand.u32 $0x4000, s31;
	s1 =	sadd.s32 s1, s30  }
0xba: {  	s0 =	sor.u32 s3, s0;
	s1 =	sshll.u32 s1, $0x11  }
0xbb: {  	s0 =	sor.u32 s1, s0  }
0xbc: {  	s0 =	sadd.s32 $0x8F2B, s0  }
0xbd: {  	[sflag:s0] =	ssyncadd.remote.s32 $0x1  }
0xbe: {  	_ =	sfence.sel $0xFFFF  }
0xbf: {  	[dreg:$0x0] =	wrdreg $0xFFFFFFFF;
	(pc) =	sbr.abs _section_cstart, $3  }
0xc0: {  	[dreg:$0x1] =	wrdreg $0xFFFFFFFF  }
0xc1: {  	_ =	task.clear_ibuf [dreg:s6], $0x2FFFF;
	_ =	strace $0x9FFFFFFF  }
0xc2: {  	(tm) =	ssettm $0x7FFFFFFF  }
0xc3: {  	_ =	shalt  }
tec
execute0_lowered:
.L_overlay_start_1:
0x0: {  	(tag) =	ssettag $0x1  }
0x1: {  	s0 =	rddreg [dreg:$0x0]  }
0x2: {  	s2 =	rddreg [dreg:$0x1]  }
0x3: {  	s3 =	simm.s32 $0x0;
	s13 =	stileid.u32;
	s1 =	srdreg.scid  }
0x4: {  	[smem:$0x7FF] =	sst s3;
	s5 =	smul.u32 $0x13C00, s13  }
0x5: {  	s1 =	sand.u32 $0x1, s1;
	s4 =	sadd.s32 $0x8E600, s0;
	s7 =	sadd.s32 $0xD800, s0  }
0x6: {  	s9 =	sadd.s32 $0x3A00, s0;
	s19 =	sshll.u32 s13, $0x1;
	s10 =	smul.u32 $0x4F000, s13  }
0x7: {  	s25 =	smul.u32 $0x9C, s13;
	p0 =	sgt.u32 s13, $0x1;
	_ =	strace $0x8000004A  }
0x8: {  	s6 =	smul.u32 $0x13C000, s1;
	s20 =	ssub.s32 $0x2, s1;
	s8 =	sshrl.u32 s5, $0x3  }
0x9: {  	s11 =	sshrl.u32 s20, $0x1;
	s10 =	sshrl.u32 s10, $0x2;
	s8 =	sadd.s32 s8, s0  }
0xa: {  	s5 =	sadd.s32 s5, s6;
	s6 =	sor.u32 s1, s19;
	s1 =	smul.u32 $0x4E, s1  }
0xb: {  	s10 =	sadd.s32 s10, s2;
	s5 =	sshrl.u32 s5, $0x3;
	s12 =	smul.u32 $0x4E0, s6  }
0xc: {  	[dreg:$0x3] =	wrdreg s10;
	s21 =	smul.u32 $0x2700, s6;
	s6 =	sshll.u32 s6, $0x4  }
0xd: {  	s8 =	sadd.s32 $0x17E00, s8;
	s0 =	sadd.s32 s5, s0;
	s5 =	ssub.s32 s20, s11  }
0xe: {  	s1 =	sadd.s32 s1, s25;
	s6 =	sor.u32 $0x9C00, s6;
	[dreg:$0x10] =	wrdreg s8  }
0xf: {  	s8 =	simm.s32 $0xA;
	s22 =	sadd.s32 s7, s12;
	s23 =	sadd.s32 s9, s12  }
0x10: {  	s24 =	sor.u32 $0x10, s12;
	s10 =	sshrl.u32 s21, $0x3;
	s1 =	sshll.u32 s1, $0x4  }
0x11: {  	s15 =	sadd.s32 s7, s6;
	s6 =	sadd.s32 s9, s6;
	s21 =	sshll.u32 s13, $0x6  }
0x12: {  	s0 =	sadd.s32 $0xB5800, s0;
	s13 =	simm.s32 $0x600;
	[dreg:$0x4] =	wrdreg s22  }
0x13: {  	[dreg:$0x5] =	wrdreg s23;
	s12 =	sadd.s32 s7, s24;
	s11 =	sadd.s32 s9, s24  }
0x14: {  	s26 =	sadd.s32 $0x20, s10;
	s10 =	sadd.s32 $0x30, s10;
	[dreg:$0xc] =	wrdreg s15  }
0x15: {  	[dreg:$0xd] =	wrdreg s6;
	s16 =	sadd.s32 $0x80, s1;
	s19 =	sadd.s32 $0x60, s1  }
0x16: {  	s1 =	sadd.s32 $0x40, s1;
	[dreg:$0x12] =	wrdreg s0;
	s22 =	smax.u32 s5, $0x1  }
0x17: {  	s15 =	simm.s32 $0x4600;
	s5 =	simm.s32 $0x280;
	[dreg:$0x6] =	wrdreg s12  }
0x18: {  	[dreg:$0x7] =	wrdreg s11;
	s14 =	sadd.s32 s7, s26;
	s11 =	sadd.s32 s9, s26  }
0x19: {  	s17 =	sadd.s32 s16, s7;
	s18 =	sadd.s32 s16, s9;
	[dreg:$0x13] =	wrdreg s22  }
0x1a: {  	s20 =	sadd.s32 s19, s7;
	s6 =	sadd.s32 s19, s9;
	[dreg:$0x8] =	wrdreg s14  }
0x1b: {  	s19 =	sor.u32 $0x1C0B, s21;
	s22 =	simm.s32 $0x7;
	[dreg:$0x9] =	wrdreg s11  }
0x1c: {  	s12 =	simm.s32 $0x8;
	s16 =	simm.s32 $0x5;
	[dreg:$0xe] =	wrdreg s17  }
0x1d: {  	s14 =	sadd.s32 s7, s10;
	s10 =	sadd.s32 s9, s10;
	[dreg:$0xf] =	wrdreg s18  }
0x1e: {  	s7 =	sadd.s32 s1, s7;
	s9 =	sadd.s32 s1, s9;
	[dreg:$0x11] =	wrdreg s19  }
0x1f: {  	s23 =	sadd.s32 $0x10, s17;
	s24 =	sadd.s32 $0x10, s18;
	[dreg:$0xa] =	wrdreg s14  }
0x20: {  	s28 =	smov.u32 s20;
	s25 =	sadd.s32 $0x10, s20;
	[dreg:$0xb] =	wrdreg s10  }
0x21: {  	s29 =	smov.u32 s6;
	s26 =	sadd.s32 $0x10, s6;
	[dreg:$0x14] =	wrdreg s23  }
0x22: {  	s20 =	simm.s32 $0xB;
	s6 =	simm.s32 $0x80;
	[dreg:$0x15] =	wrdreg s24  }
0x23: {  	s11 =	simm.s32 $0x480;
	s1 =	simm.s32 $0x3;
	[dreg:$0x16] =	wrdreg s25  }
.Ltmp0:
0x24: {  	s17 =	simm.s32 $0x6;
	[dreg:$0x17] =	wrdreg s26;
	(pc) =	sbr.rel .LBB2_1-.Ltmp0, $4  }
0x25: {  	s21 =	smov.u32 s7;
	s31 =	sadd.s32 $0x10, s7;
	s30 =	smov.u32 s9  }
0x26: {  	s0 =	sadd.s32 $0x10, s9;
	s10 =	simm.s32 $0x180;
	s14 =	simm.s32 $0x2  }
0x27: {  	s24 =	simm.s32 $0x200;
	s25 =	simm.s32 $0x500;
	s23 =	simm.s32 $0x9  }
0x28: {  	s7 =	simm.s32 $0x580;
	s9 =	simm.s32 $0x4;
	s26 =	simm.s32 $0x0  }
.LBB2_4:
0x29: {  	_ =	swait.ge [sflag:s8], $0x4000  }
0x2a: {  	[sflag:s8] =	ssyncset.done $0x0  }
0x2b: {  	s18 =	simm.s32 @!p0 $0x0;
	s19 =	rddreg [dreg:$0xc];
	[sflag:s8] =	ssyncadd.s32 $0xFFFFC000  }
0x2c: {  	[tilespmem:s18], [sflag:$0xB] =	stream.linear.gather @!p0 [hbm4b:s19+s18], $0x80, $0x38;
	[tilespmem:$0x1C200] =	vst v63  }
0x2d: {  	s19 =	simm.s32 @!p0 $0xB  }
0x2e: {  	_ =	swait.ge @!p0 [sflag:s19], $0x80  }
0x2f: {  	[sflag:s19] =	ssyncset.done @!p0 $0x0  }
0x30: {  	s26 =	simm.s32 @!p0 $0x300;
	s20 =	rddreg [dreg:$0xd];
	[sflag:s19] =	ssyncadd.s32 @!p0 $0xFFFFFF80  }
0x31: {  	[tilespmem:s26], [sflag:$0xB] =	stream.linear.gather @!p0 [hbm4b:s20+s18], $0x80, $0x38;
	[tilespmem:$0x1C200] =	vst v63  }
0x32: {  	_ =	swait.ge @!p0 [sflag:s19], $0x80  }
0x33: {  	[sflag:s19] =	ssyncset.done @!p0 $0x0  }
0x34: {  	s26 =	simm.s32 @!p0 $0x80;
	s20 =	simm.s32 @!p0 $0x600;
	[sflag:s19] =	ssyncadd.s32 @!p0 $0xFFFFFF80  }
0x35: {  	[tilespmem:s20], [sflag:$0x7] =	stream.indirect.gather @!p0 [hbm4b:s4+s26], $0x80, s18, s26, $0xb8;
	[tilespmem:$0x1C200] =	vst v63  }
0x36: {  	s18 =	simm.s32 @!p0 $0x7  }
0x37: {  	_ =	swait.ge @!p0 [sflag:s18], $0x4000  }
0x38: {  	[sflag:s18] =	ssyncset.done @!p0 $0x0  }
0x39: {  	[sflag:s18] =	ssyncadd.s32 @!p0 $0xFFFFC000;
	s18 =	simm.s32 @!p0 $0x300  }
0x3a: {  	[spmem:s2] =	stream.indirect.scatter.add.f32 @!p0 [tilespmem:s20], [sflag:$0xB], $0x80, s18, s26, $0xb8;
	[tilespmem:$0x1C200] =	vst v63  }
0x3b: {  	_ =	swait.ge @!p0 [sflag:s19], $0x4000  }
0x3c: {  	[sflag:s19] =	ssyncset.done @!p0 $0x0  }
0x3d: {  	[sflag:s19] =	ssyncadd.s32 @!p0 $0xFFFFC000  }
0x3e: {  	[bflag:$0x0] =	sbarrier.arrive $0xFFFF  }
0x3f: {  	s19 =	rddreg [dreg:$0x11]  }
0x40: {  	s20 =	rddreg [dreg:$0x12]  }
0x41: {  	s26 =	rddreg [dreg:$0x19]  }
0x42: {  	[hbm:s20], [sflag:s19] =	dma.local [spmem:s26], $0x2780  }
0x43: {  	s20 =	simm.s32 $0xB  }
0x44: {  	_ =	swait.ge [sflag:s20], $0x2780  }
0x45: {  	s18 =	rddreg [dreg:$0x18]  }
0x46: {  	s26 =	sadd.s32 $0x1, s18;
	s18 =	rddreg [dreg:$0x13]  }
0x47: {  	p1 =	sne.s32 s26, s18  }
.Ltmp1:
0x48: {  	_ = 	snop;
	(pc) =	sbr.rel @!p1 .LBB2_5-.Ltmp1, $3  }
0x49: {  	_ =	sdelay $0x1  }
0x4a: {  	[sflag:s20] =	ssyncset.done $0x0  }
0x4b: {  	[sflag:s20] =	ssyncadd.s32 $0xFFFFD880  }
.LBB2_1:
0x4c: {  	[dreg:$0x18] =	wrdreg s26  }
0x4d: {  	s18 =	rddreg [dreg:$0x3]  }
0x4e: {  	s26 =	sshrl.u32 s18, $0x3;
	s18 =	rddreg [dreg:$0x10]  }
0x4f: {  	[dreg:$0x19] =	wrdreg s26  }
0x50: {  	[spmem:s26], [sflag:s19] =	dma.local [hbm:s18], $0x2780  }
0x51: {  	_ =	swait.ge [sflag:s20], $0x2780  }
0x52: {  	[sflag:s20] =	ssyncset.done $0x0  }
0x53: {  	[sflag:s20] =	ssyncadd.s32 $0xFFFFD880  }
0x54: {  	[bflag:$0x0] =	sbarrier.arrive $0xFFFF  }
0x55: {  	s19 =	rddreg [dreg:$0x4]  }
0x56: {  	[tilespmem:s3], [sflag:$0x1] =	stream.linear.gather [hbm4b:s19+s3], $0x80, $0x38;
	[tilespmem:$0x1C200] =	vst v63  }
0x57: {  	s26 =	simm.s32 $0x300;
	s20 =	rddreg [dreg:$0x5]  }
0x58: {  	[tilespmem:s26], [sflag:$0x1] =	stream.linear.gather [hbm4b:s20+s3], $0x80, $0x38;
	[tilespmem:$0x1C200] =	vst v63  }
0x59: {  	s19 =	rddreg [dreg:$0x6]  }
0x5a: {  	[tilespmem:s6], [sflag:$0x2] =	stream.linear.gather [hbm4b:s19+s3], $0x80, $0x38;
	[tilespmem:$0x1C200] =	vst v63  }
0x5b: {  	s20 =	rddreg [dreg:$0x7];
	s26 =	simm.s32 $0x380  }
0x5c: {  	[tilespmem:s26], [sflag:$0x2] =	stream.linear.gather [hbm4b:s20+s3], $0x80, $0x38;
	[tilespmem:$0x1C200] =	vst v63  }
0x5d: {  	s20 =	rddreg [dreg:$0x8];
	s26 =	simm.s32 $0x100  }
0x5e: {  	[tilespmem:s26], [sflag:$0x3] =	stream.linear.gather [hbm4b:s20+s3], $0x80, $0x38;
	[tilespmem:$0x1C200] =	vst v63  }
0x5f: {  	s20 =	rddreg [dreg:$0x9];
	s26 =	simm.s32 $0x400  }
0x60: {  	[tilespmem:s26], [sflag:$0x3] =	stream.linear.gather [hbm4b:s20+s3], $0x80, $0x38;
	[tilespmem:$0x1C200] =	vst v63  }
0x61: {  	s19 =	rddreg [dreg:$0xa]  }
0x62: {  	[tilespmem:s10], [sflag:$0x4] =	stream.linear.gather [hbm4b:s19+s3], $0x80, $0x38;
	[tilespmem:$0x1C200] =	vst v63  }
0x63: {  	s20 =	rddreg [dreg:$0xb];
	s26 =	simm.s32 $0x1  }
0x64: {  	[tilespmem:s11], [sflag:$0x4] =	stream.linear.gather [hbm4b:s20+s3], $0x80, $0x38;
	[tilespmem:$0x1C200] =	vst v63  }
0x65: {  	_ =	swait.ge [sflag:s26], $0x80  }
0x66: {  	[sflag:s26] =	ssyncset.done $0x0  }
0x67: {  	[sflag:s26] =	ssyncadd.s32 $0xFFFFFF80  }
0x68: {  	_ =	swait.ge [sflag:s26], $0x80  }
0x69: {  	[sflag:s26] =	ssyncset.done $0x0  }
0x6a: {  	s18 =	simm.s32 $0x0;
	[sflag:s26] =	ssyncadd.s32 $0xFFFFFF80  }
0x6b: {  	[tilespmem:s13], [sflag:$0x7] =	stream.indirect.gather [hbm4b:s4+s6], $0x80, s3, s6, $0xb8;
	[tilespmem:$0x1C200] =	vst v63  }
.LBB2_2:
0x6c: {  	p1 =	seq.s32 s18, $0x0  }
0x6d: {  	s19 =	simm.s32 @!p1 $0xA  }
0x6e: {  	_ =	swait.ge @!p1 [sflag:s19], $0x4000  }
0x6f: {  	[sflag:s19] =	ssyncset.done @!p1 $0x0  }
0x70: {  	[sflag:s19] =	ssyncadd.s32 @!p1 $0xFFFFC000  }
0x71: {  	_ =	swait.ge [sflag:s14], $0x80  }
0x72: {  	[sflag:s14] =	ssyncset.done $0x0  }
0x73: {  	[sflag:s14] =	ssyncadd.s32 $0xFFFFFF80  }
0x74: {  	_ =	swait.ge [sflag:s14], $0x80  }
0x75: {  	[sflag:s14] =	ssyncset.done $0x0  }
0x76: {  	[sflag:s14] =	ssyncadd.s32 $0xFFFFFF80  }
0x77: {  	[tilespmem:s15], [sflag:$0x8] =	stream.indirect.gather [hbm4b:s4+s6], $0x80, s6, s6, $0xb8;
	[tilespmem:$0x1C200] =	vst v63  }
0x78: {  	_ =	swait.ge [sflag:s22], $0x4000  }
0x79: {  	[sflag:s22] =	ssyncset.done $0x0  }
0x7a: {  	s20 =	simm.s32 $0x300;
	[sflag:s22] =	ssyncadd.s32 $0xFFFFC000  }
0x7b: {  	[spmem:s2] =	stream.indirect.scatter.add.f32 [tilespmem:s13], [sflag:$0x9], $0x80, s20, s6, $0xb8;
	[tilespmem:$0x1C200] =	vst v63  }
0x7c: {  	s26 =	sadd.s32 s18, s21  }
0x7d: {  	[tilespmem:s24], [sflag:$0x5] =	stream.linear.gather [hbm4b:s26+s3], $0x80, $0x38;
	[tilespmem:$0x1C200] =	vst v63  }
0x7e: {  	s20 =	sadd.s32 s18, s30  }
0x7f: {  	[tilespmem:s25], [sflag:$0x5] =	stream.linear.gather [hbm4b:s20+s3], $0x80, $0x38;
	[tilespmem:$0x1C200] =	vst v63  }
0x80: {  	_ =	swait.ge [sflag:s23], $0x4000  }
0x81: {  	[sflag:s23] =	ssyncset.done $0x0  }
0x82: {  	[sflag:s23] =	ssyncadd.s32 $0xFFFFC000  }
0x83: {  	_ =	swait.ge [sflag:s1], $0x80  }
0x84: {  	[sflag:s1] =	ssyncset.done $0x0  }
0x85: {  	[sflag:s1] =	ssyncadd.s32 $0xFFFFFF80  }
0x86: {  	_ =	swait.ge [sflag:s1], $0x80  }
0x87: {  	[sflag:s1] =	ssyncset.done $0x0  }
0x88: {  	s26 =	simm.s32 $0x100;
	[sflag:s1] =	ssyncadd.s32 $0xFFFFFF80  }
0x89: {  	[tilespmem:s13], [sflag:$0x7] =	stream.indirect.gather [hbm4b:s4+s6], $0x80, s26, s6, $0xb8;
	[tilespmem:$0x1C200] =	vst v63  }
0x8a: {  	_ =	swait.ge [sflag:s12], $0x4000  }
0x8b: {  	[sflag:s12] =	ssyncset.done $0x0  }
0x8c: {  	s20 =	simm.s32 $0x380;
	[sflag:s12] =	ssyncadd.s32 $0xFFFFC000  }
0x8d: {  	[spmem:s2] =	stream.indirect.scatter.add.f32 [tilespmem:s15], [sflag:$0xA], $0x80, s20, s6, $0xb8;
	[tilespmem:$0x1C200] =	vst v63  }
0x8e: {  	s26 =	sadd.s32 s18, s31  }
0x8f: {  	[tilespmem:s5], [sflag:$0x6] =	stream.linear.gather [hbm4b:s26+s3], $0x80, $0x38;
	[tilespmem:$0x1C200] =	vst v63  }
0x90: {  	s20 =	sadd.s32 s18, s0  }
0x91: {  	[tilespmem:s7], [sflag:$0x6] =	stream.linear.gather [hbm4b:s20+s3], $0x80, $0x38;
	[tilespmem:$0x1C200] =	vst v63  }
0x92: {  	_ =	swait.ge [sflag:s8], $0x4000  }
0x93: {  	[sflag:s8] =	ssyncset.done $0x0  }
0x94: {  	[sflag:s8] =	ssyncadd.s32 $0xFFFFC000  }
0x95: {  	_ =	swait.ge [sflag:s9], $0x80  }
0x96: {  	[sflag:s9] =	ssyncset.done $0x0  }
0x97: {  	[sflag:s9] =	ssyncadd.s32 $0xFFFFFF80  }
0x98: {  	_ =	swait.ge [sflag:s9], $0x80  }
0x99: {  	[sflag:s9] =	ssyncset.done $0x0  }
0x9a: {  	[sflag:s9] =	ssyncadd.s32 $0xFFFFFF80  }
0x9b: {  	[tilespmem:s15], [sflag:$0x8] =	stream.indirect.gather [hbm4b:s4+s6], $0x80, s10, s6, $0xb8;
	[tilespmem:$0x1C200] =	vst v63  }
0x9c: {  	_ =	swait.ge [sflag:s22], $0x4000  }
0x9d: {  	[sflag:s22] =	ssyncset.done $0x0  }
0x9e: {  	p1 =	seq.s32 s18, $0x480;
	s26 =	simm.s32 $0x400;
	[sflag:s22] =	ssyncadd.s32 $0xFFFFC000  }
0x9f: {  	[spmem:s2] =	stream.indirect.scatter.add.f32 [tilespmem:s13], [sflag:$0x9], $0x80, s26, s6, $0xb8;
	[tilespmem:$0x1C200] =	vst v63  }
0xa0: {  	s19 =	sadd.s32 @!p1 s18, s28;
	s26 =	simm.s32 @!p1 $0x0  }
0xa1: {  	[tilespmem:s26], [sflag:$0x1] =	stream.linear.gather @!p1 [hbm4b:s19+s26], $0x80, $0x38;
	[tilespmem:$0x1C200] =	vst v63  }
0xa2: {  	s20 =	simm.s32 @!p1 $0x300;
	s19 =	sadd.s32 @!p1 s18, s29  }
0xa3: {  	[tilespmem:s20], [sflag:$0x1] =	stream.linear.gather @!p1 [hbm4b:s19+s26], $0x80, $0x38;
	[tilespmem:$0x1C200] =	vst v63  }
0xa4: {  	_ =	swait.ge [sflag:s23], $0x4000  }
0xa5: {  	[sflag:s23] =	ssyncset.done $0x0  }
0xa6: {  	[sflag:s23] =	ssyncadd.s32 $0xFFFFC000  }
0xa7: {  	_ =	swait.ge [sflag:s16], $0x80  }
0xa8: {  	[sflag:s16] =	ssyncset.done $0x0  }
0xa9: {  	[sflag:s16] =	ssyncadd.s32 $0xFFFFFF80  }
0xaa: {  	_ =	swait.ge [sflag:s16], $0x80  }
0xab: {  	[sflag:s16] =	ssyncset.done $0x0  }
0xac: {  	[sflag:s16] =	ssyncadd.s32 $0xFFFFFF80  }
0xad: {  	[tilespmem:s13], [sflag:$0x7] =	stream.indirect.gather [hbm4b:s4+s6], $0x80, s24, s6, $0xb8;
	[tilespmem:$0x1C200] =	vst v63  }
0xae: {  	_ =	swait.ge [sflag:s12], $0x4000  }
0xaf: {  	[sflag:s12] =	ssyncset.done $0x0  }
0xb0: {  	s19 =	rddreg [dreg:$0x16];
	[sflag:s12] =	ssyncadd.s32 $0xFFFFC000  }
0xb1: {  	[spmem:s2] =	stream.indirect.scatter.add.f32 [tilespmem:s15], [sflag:$0xA], $0x80, s11, s6, $0xb8;
	[tilespmem:$0x1C200] =	vst v63  }
0xb2: {  	s20 =	simm.s32 @!p1 $0x80;
	s19 =	sadd.s32 @!p1 s18, s19  }
0xb3: {  	[tilespmem:s20], [sflag:$0x2] =	stream.linear.gather @!p1 [hbm4b:s19+s26], $0x80, $0x38;
	[tilespmem:$0x1C200] =	vst v63  }
0xb4: {  	s19 =	rddreg [dreg:$0x17]  }
0xb5: {  	s20 =	simm.s32 @!p1 $0x380;
	s19 =	sadd.s32 @!p1 s18, s19  }
0xb6: {  	[tilespmem:s20], [sflag:$0x2] =	stream.linear.gather @!p1 [hbm4b:s19+s26], $0x80, $0x38;
	[tilespmem:$0x1C200] =	vst v63  }
0xb7: {  	_ =	swait.ge [sflag:s8], $0x4000  }
0xb8: {  	[sflag:s8] =	ssyncset.done $0x0  }
0xb9: {  	[sflag:s8] =	ssyncadd.s32 $0xFFFFC000  }
0xba: {  	_ =	swait.ge [sflag:s17], $0x80  }
0xbb: {  	[sflag:s17] =	ssyncset.done $0x0  }
0xbc: {  	[sflag:s17] =	ssyncadd.s32 $0xFFFFFF80  }
0xbd: {  	_ =	swait.ge [sflag:s17], $0x80  }
0xbe: {  	[sflag:s17] =	ssyncset.done $0x0  }
0xbf: {  	[sflag:s17] =	ssyncadd.s32 $0xFFFFFF80  }
0xc0: {  	[tilespmem:s15], [sflag:$0x8] =	stream.indirect.gather [hbm4b:s4+s6], $0x80, s5, s6, $0xb8;
	[tilespmem:$0x1C200] =	vst v63  }
0xc1: {  	_ =	swait.ge [sflag:s22], $0x4000  }
0xc2: {  	[sflag:s22] =	ssyncset.done $0x0  }
0xc3: {  	p2 =	sne.s32 s18, $0x480;
	s19 =	rddreg [dreg:$0xe];
	[sflag:s22] =	ssyncadd.s32 $0xFFFFC000  }
0xc4: {  	[spmem:s2] =	stream.indirect.scatter.add.f32 [tilespmem:s13], [sflag:$0x9], $0x80, s25, s6, $0xb8;
	[tilespmem:$0x1C200] =	vst v63  }
0xc5: {  	s20 =	simm.s32 @p2 $0x0;
	s26 =	simm.s32 @p2 $0x100;
	s19 =	sadd.s32 @p2 s18, s19  }
0xc6: {  	[tilespmem:s26], [sflag:$0x3] =	stream.linear.gather @p2 [hbm4b:s19+s20], $0x80, $0x38;
	[tilespmem:$0x1C200] =	vst v63  }
0xc7: {  	s19 =	rddreg [dreg:$0xf]  }
0xc8: {  	s26 =	simm.s32 @p2 $0x400;
	s19 =	sadd.s32 @p2 s18, s19  }
0xc9: {  	[tilespmem:s26], [sflag:$0x3] =	stream.linear.gather @p2 [hbm4b:s19+s20], $0x80, $0x38;
	[tilespmem:$0x1C200] =	vst v63  }
0xca: {  	s19 =	simm.s32 @p2 $0x9  }
0xcb: {  	_ =	swait.ge @p2 [sflag:s19], $0x4000  }
0xcc: {  	[sflag:s19] =	ssyncset.done @p2 $0x0  }
0xcd: {  	[sflag:s19] =	ssyncadd.s32 @p2 $0xFFFFC000;
	s19 =	simm.s32 @p2 $0x1  }
0xce: {  	_ =	swait.ge @p2 [sflag:s19], $0x80  }
0xcf: {  	[sflag:s19] =	ssyncset.done @p2 $0x0  }
0xd0: {  	[sflag:s19] =	ssyncadd.s32 @p2 $0xFFFFFF80  }
0xd1: {  	_ =	swait.ge @p2 [sflag:s19], $0x80  }
0xd2: {  	[sflag:s19] =	ssyncset.done @p2 $0x0  }
0xd3: {  	s26 =	simm.s32 @p2 $0x600;
	[sflag:s19] =	ssyncadd.s32 @p2 $0xFFFFFF80;
	s19 =	simm.s32 @p2 $0x80  }
0xd4: {  	[tilespmem:s26], [sflag:$0x7] =	stream.indirect.gather @p2 [hbm4b:s4+s19], $0x80, s20, s19, $0xb8;
	[tilespmem:$0x1C200] =	vst v63  }
0xd5: {  	s19 =	simm.s32 @!p2 $0x9  }
0xd6: {  	_ =	swait.ge @!p2 [sflag:s19], $0x4000  }
0xd7: {  	[sflag:s19] =	ssyncset.done @!p2 $0x0  }
.Ltmp2:
0xd8: {  	[sflag:s19] =	ssyncadd.s32 @!p2 $0xFFFFC000;
	(pc) =	sbr.rel @p1 .LBB2_4-.Ltmp2, $4  }
0xd9: {  	_ =	swait.ge [sflag:s12], $0x4000  }
0xda: {  	[sflag:s12] =	ssyncset.done $0x0  }
0xdb: {  	[sflag:s12] =	ssyncadd.s32 $0xFFFFC000  }
0xdc: {  	[spmem:s2] =	stream.indirect.scatter.add.f32 [tilespmem:s15], [sflag:$0xA], $0x80, s7, s6, $0xb8;
	[tilespmem:$0x1C200] =	vst v63  }
.Ltmp3:
0xdd: {  	s19 =	rddreg [dreg:$0x14];
	(pc) =	sbr.rel .LBB2_2-.Ltmp3, $4  }
0xde: {  	s26 =	rddreg [dreg:$0x15];
	s19 =	sadd.s32 s18, s19  }
0xdf: {  	[tilespmem:s10], [sflag:$0x4] =	stream.linear.gather [hbm4b:s19+s3], $0x80, $0x38;
	[tilespmem:$0x1C200] =	vst v63  }
0xe0: {  	s19 =	sadd.s32 s18, s26;
	s18 =	sadd.s32 $0x60, s18  }
0xe1: {  	[tilespmem:s11], [sflag:$0x4] =	stream.linear.gather [hbm4b:s19+s3], $0x80, $0x38;
	[tilespmem:$0x1C200] =	vst v63  }
.LBB2_5:
0xe2: {  	_ =	sfence.sel $0x180000  }
0xe3: {  	[bflag:$0x0] =	sbarrier.arrive $0xFFFF  }
0xe4: {  	_ =	strace $0x9000004A  }
0xe5: {  	s0 =	stileid.u32;
	[bflag:$0x2] =	sbarrier.arrive $0xFFFF  }
0xe6: {  	p0 =	sne.s32 s0, $0x0;
	s0 =	rddreg [dreg:$0x2]  }
0xe7: {  	s0 =	sadd.s32 @!p0 $0x100000, s0  }
0xe8: {  	[sflag:s0] =	ssyncadd.tile.s32 @!p0 $0x1;
	_ =	shalt  }
.Lfunc_end2:
_tile_overlayer_lowered:
.L_overlay_start_2:
0xe9: {  	(tag) =	ssettag $0x2  }
0xea: {  	s0 =	rddreg [dreg:$0x0];
	s2 =	stileid.u32  }
0xeb: {  	s1 =	rddreg [dreg:$0x1];
	p0 =	sne.s32 s2, $0x0  }
0xec: {  	s3 =	rddreg [dreg:$0x2];
	[bflag:$0x3] =	sbarrier.arrive $0xFFFF;
	s2 =	simm.s32 @!p0 $0x1C0B  }
0xed: {  	[timem:s3], [sflag:s2] =	dma.local @!p0 [hbm:s0], s1  }
0xee: {  	s0 =	simm.s32 @!p0 $0xB  }
0xef: {  	_ =	swait.ge @!p0 [sflag:s0], s1  }
0xf0: {  	s1 =	ssub.s32 @!p0 $0x0, s1;
	[sflag:s0] =	ssyncset.done @!p0 $0x0  }
0xf1: {  	[sflag:s0] =	ssyncadd.s32 @!p0 s1  }
0xf2: {  	[bflag:$0x3] =	sbarrier.arrive $0xFFFF  }
0xf3: {  	_ =	shalt  }

// kernel: kernel.18.cloned.1.call-start
scs
__scs_entry_jumppad:
0x0: {  	(pc) =	sbr.rel $0x88, $3  }
0x1: {  	(tag) =	ssettag $0x0;
	lr =	simm.s32 $0x1  }
0x2: {  	[smem:$0x3F91] =	sst lr;
	_ =	strace $0xD0000000  }
0x3: {  	_ = 	snop  }
0x4: {  	_ = 	snop  }
0x5: {  	_ = 	snop  }
0x6: {  	_ = 	snop  }
0x7: {  	_ = 	snop  }
__scs_overlays_trampoline_lowered:
0x8: {  	[smem:$0x3FA0] =	sst s0  }
0x9: {  	[smem:$0x3FA1] =	sst s1  }
0xa: {  	[smem:$0x3FA2] =	sst s2  }
0xb: {  	[smem:$0x3FA3] =	sst s3  }
0xc: {  	[smem:$0x3FA4] =	sst s4  }
0xd: {  	[smem:$0x3FA5] =	sst s5  }
0xe: {  	[smem:$0x3FA6] =	sst s6  }
0xf: {  	[smem:$0x3FA7] =	sst s7  }
0x10: {  	[smem:$0x3FA8] =	sst s8  }
0x11: {  	[smem:$0x3FA9] =	sst s9;
	s0 =	simm.s32 @!p0 $0x0  }
0x12: {  	s1 =	sld [smem:$0x3F8F];
	s0 =	simm.s32 @p0 $0x1  }
0x13: {  	[smem:$0x3FAA] =	sst s0;
	s0 =	simm.s32 @!p1 $0x0  }
0x14: {  	s2 =	sld [smem:$0x3F8E];
	s0 =	simm.s32 @p1 $0x1  }
0x15: {  	[smem:$0x3FAB] =	sst s0;
	s0 =	simm.s32 @!p2 $0x0  }
0x16: {  	s3 =	sld [smem:$0x3FDB];
	s0 =	simm.s32 @p2 $0x1  }
0x17: {  	s4 =	simm.s32 $0x1BF5;
	[smem:$0x3FAD] =	sst s0  }
0x18: {  	s0 =	sld [smem:$0x3F90];
	_ =	swait.ge [sflag:s4], $0x0  }
0x19: {  	s7 =	sld [smem:$0x3F91]  }
0x1a: {  	s8 =	sadd.s32 $0xFFFFE003, lr  }
0x1b: {  	s9 =	sadd.s32 $0xFFFFFEF7, lr;
	s5 =	simm.s32 $0xFFFFFFFF;
	p2 =	slt.u32 s8, $0xFFFFF086  }
0x1c: {  	p1 =	slt.u32 s9, $0xF7A;
	s5 =	simm.s32 @!p2 $0x0  }
0x1d: {  	s5 =	simm.s32 @p1 $0x1;
	p0 =	seq.s32 s7, s2  }
0x1e: {  	s7 =	smul.u32 @!p0 $0xF7A, s2;
	p2 =	seq.s32 @!p0 s5, $0x0  }
0x1f: {  	s9 =	smul.u32 $0xF7A, s1;
	s8 =	simm.s32 @!p0 $0x1BF5;
	p2 =	por !p2, p0  }
0x20: {  	[sflag:s8] =	ssyncset.s32 @!p0 $0xFFFFF086;
	s6 =	sadd.s32 @!p0 s3, s7;
	s7 =	simm.s32 @!p0 $0x108  }
0x21: {  	s3 =	sadd.s32 s3, s9;
	s6 =	sadd.s32 @!p0 $0x88, s6;
	s7 =	simm.s32 @p2 $0x1082  }
0x22: {  	[simem:s7], [sflag:s8] =	dma.local @!p0 [hbm:s6], $0xF7A  }
0x23: {  	s9 =	sor.u32 $0xD0000000, s2;
	s6 =	simm.s32 $0x108;
	_ =	swait.ge @!p0 [sflag:s8], $0x0  }
0x24: {  	s3 =	sadd.s32 $0x88, s3;
	s6 =	simm.s32 @!p1 $0x1082;
	[sflag:s4] =	ssyncset.s32 $0xFFFFF086  }
0x25: {  	[simem:s6], [sflag:s4] =	dma.local [hbm:s3], $0xF7A  }
0x26: {  	[smem:$0x3F91] =	sst s1;
	(tag) =	ssettag s2;
	_ =	strace s9  }
0x27: {  	s1 =	sld [smem:$0x3FA1]  }
0x28: {  	s2 =	sld [smem:$0x3FA2]  }
0x29: {  	s4 =	sld [smem:$0x3FA4]  }
0x2a: {  	p0 =	seq.s32 s5, $0x0;
	s5 =	sld [smem:$0x3FA5]  }
0x2b: {  	s6 =	sld [smem:$0x3FA6]  }
0x2c: {  	s7 =	sld [smem:$0x3FA7]  }
0x2d: {  	s3 =	simm.s32 $0x108;
	s8 =	sld [smem:$0x3FA8]  }
0x2e: {  	s3 =	simm.s32 @!p0 $0x1082;
	s9 =	sld [smem:$0x3FA9]  }
0x2f: {  	lr =	sadd.s32 s0, s3;
	s0 =	sld [smem:$0x3FA0]  }
0x30: {  	s3 =	sld [smem:$0x3FA3]  }
0x31: {  	[smem:$0x3FAC] =	sst s10  }
0x32: {  	s10 =	sld [smem:$0x3FAA];
	_ =	sdelay $0x3  }
0x33: {  	p0 =	seq.s32 s10, $0x1;
	s10 =	sld [smem:$0x3FAC];
	_ =	sdelay $0x3  }
0x34: {  	[smem:$0x3FAC] =	sst s10  }
0x35: {  	s10 =	sld [smem:$0x3FAB];
	_ =	sdelay $0x3  }
0x36: {  	p1 =	seq.s32 s10, $0x1;
	s10 =	sld [smem:$0x3FAC];
	_ =	sdelay $0x3  }
0x37: {  	[smem:$0x3FAC] =	sst s10  }
0x38: {  	s10 =	sld [smem:$0x3FAD]  }
0x39: {  	_ = 	snop;
	(pc) =	sbr.ind lr, $3  }
0x3a: {  	_ = 	snop  }
0x3b: {  	_ = 	snop  }
0x3c: {  	p2 =	seq.s32 s10, $0x1;
	s10 =	sld [smem:$0x3FAC]  }
0x3d: {  	_ =	shalt  }
0x3e: {  	_ =	shalt  }
0x3f: {  	_ =	shalt  }
0x40: {  	_ =	shalt  }
0x41: {  	_ =	shalt  }
0x42: {  	_ =	shalt  }
0x43: {  	_ =	shalt  }
0x44: {  	_ =	shalt  }
0x45: {  	_ =	shalt  }
0x46: {  	_ =	shalt  }
0x47: {  	_ =	shalt  }
0x48: {  	_ =	shalt  }
0x49: {  	_ =	shalt  }
0x4a: {  	_ =	shalt  }
0x4b: {  	_ =	shalt  }
0x4c: {  	_ =	shalt  }
0x4d: {  	_ =	shalt  }
0x4e: {  	_ =	shalt  }
0x4f: {  	_ =	shalt  }
0x50: {  	_ =	shalt  }
0x51: {  	_ =	shalt  }
0x52: {  	_ =	shalt  }
0x53: {  	_ =	shalt  }
0x54: {  	_ =	shalt  }
0x55: {  	_ =	shalt  }
0x56: {  	_ =	shalt  }
0x57: {  	_ =	shalt  }
0x58: {  	_ =	shalt  }
0x59: {  	_ =	shalt  }
0x5a: {  	_ =	shalt  }
0x5b: {  	_ =	shalt  }
0x5c: {  	_ =	shalt  }
0x5d: {  	_ =	shalt  }
0x5e: {  	_ =	shalt  }
0x5f: {  	_ =	shalt  }
0x60: {  	_ =	shalt  }
0x61: {  	_ =	shalt  }
0x62: {  	_ =	shalt  }
0x63: {  	_ =	shalt  }
0x64: {  	_ =	shalt  }
0x65: {  	_ =	shalt  }
0x66: {  	_ =	shalt  }
0x67: {  	_ =	shalt  }
0x68: {  	_ =	shalt  }
0x69: {  	_ =	shalt  }
0x6a: {  	_ =	shalt  }
0x6b: {  	_ =	shalt  }
0x6c: {  	_ =	shalt  }
0x6d: {  	_ =	shalt  }
0x6e: {  	_ =	shalt  }
0x6f: {  	_ =	shalt  }
0x70: {  	_ =	shalt  }
0x71: {  	_ =	shalt  }
0x72: {  	_ =	shalt  }
0x73: {  	_ =	shalt  }
0x74: {  	_ =	shalt  }
0x75: {  	_ =	shalt  }
0x76: {  	_ =	shalt  }
0x77: {  	_ =	shalt  }
0x78: {  	_ =	shalt  }
0x79: {  	_ =	shalt  }
0x7a: {  	_ =	shalt  }
0x7b: {  	_ =	shalt  }
0x7c: {  	_ =	shalt  }
0x7d: {  	_ =	shalt  }
0x7e: {  	_ =	shalt  }
0x7f: {  	_ =	shalt  }
0x80: {  	_ =	shalt  }
0x81: {  	_ =	shalt  }
0x82: {  	_ =	shalt  }
0x83: {  	_ =	shalt  }
0x84: {  	_ =	shalt  }
0x85: {  	_ =	shalt  }
0x86: {  	_ =	shalt  }
0x87: {  	_ =	shalt  }
.Lfunc_end0:
.L_simem_size_0:
called_computation.2_lowered:
.L_overlay_start_0:
0x88: {  	s2 =	sld [smem:$0x3FD9]  }
0x89: {  	s3 =	sld [smem:$0x3FFE];
	_ =	sdelay $0x1  }
0x8a: {  	s1 =	srdreg.scid  }
0x8b: {  	s0 =	sand.u32 $0x1, s1  }
0x8c: {  	s16 =	sshll.u32 s0, $0xA;
	s2 =	sadd.s32 s3, s2  }
0x8d: {  	s2 =	sadd.s32 s2, s16  }
0x8e: {  	[smem:$0x3FB8] =	sst s2  }
0x8f: {  	_ = 	snop  }
0x90: {  	(tm) =	ssettm $0x1  }
0x91: {  	s17 =	sld [smem:$0x3FFB];
	_ =	sdelay $0x3  }
0x92: {  	_ =	strace s17  }
0x93: {  	s2 =	sld [smem:$0x3FFC];
	_ =	sdelay $0x3  }
0x94: {  	_ =	strace s2  }
0x95: {  	s2 =	sld [smem:$0x3FFD];
	_ =	sdelay $0x3  }
0x96: {  	_ =	strace s2  }
0x97: {  	_ =	strace $0x8FFFFFFF  }
0x98: {  	s18 =	sld [smem:$0x3FDB];
	_ =	sdelay $0x1  }
0x99: {  	s19 =	simm.s32 $_scs_section_size  }
0x9a: {  	s4 =	simm.s32 $_size__tile_overlayer_lowered;
	s5 =	simm.s32 $_tile_overlayer_lowered  }
0x9b: {  	s22 =	simm.s32 $0x1BFF;
	s21 =	sshll.u32 s5, $0x1;
	s2 =	sadd.s32 s19, s18  }
0x9c: {  	s6 =	simm.s32 $0x0;
	s20 =	sshll.u32 s4, $0x1;
	s4 =	sadd.s32 s21, s2  }
0x9d: {  	[timem:s6], [sflag:s22] =	dma.local [hbm:s4], s20  }
0x9e: {  	_ =	swait.ge [sflag:s22], s20  }
0x9f: {  	s3 =	ssub.s32 $0x0, s20;
	[sflag:s22] =	ssyncset.done $0x0  }
0xa0: {  	[sflag:s22] =	ssyncadd.s32 s3;
	_ =	sdelay $0x1  }
0xa1: {  	s23 =	simm.s32 $0x1B8B  }
0xa2: {  	_ =	swait.ge [sflag:s23], $0x1  }
0xa3: {  	[sflag:s23] =	ssyncset.done $0x0  }
0xa4: {  	s25 =	simm.s32 $0x1B8E;
	s24 =	sld [smem:$0x3FFE];
	[sflag:s23] =	ssyncadd.s32 $0xFFFFFFFF  }
0xa5: {  	s26 =	simm.s32 $execute0_lowered;
	[smem:$0x3FD2] =	sst s25  }
0xa6: {  	s4 =	sshll.u32 s26, $0x1;
	_ =	strace $0x8000004C;
	[dreg:$0x1] =	wrdreg $0xFFFFFFFF  }
0xa7: {  	s28 =	simm.s32 $_size_execute0_lowered;
	s2 =	sadd.s32 s2, s4;
	[dreg:$0x0] =	wrdreg $0x0  }
0xa8: {  	s4 =	sshll.u32 s28, $0x1;
	[dreg:$0x2] =	wrdreg s2  }
0xa9: {  	[dreg:$0x3] =	wrdreg s4  }
0xaa: {  	[dreg:$0x4] =	wrdreg $0xC0  }
0xab: {  	_ =	task [dreg:s6], $0x5FFFF  }
0xac: {  	[dreg:$0x1] =	wrdreg $0xFFFFFFFF  }
0xad: {  	[dreg:$0x0] =	wrdreg $0x60  }
0xae: {  	[dreg:$0x2] =	wrdreg s24  }
0xaf: {  	[dreg:$0x3] =	wrdreg $0x86000  }
0xb0: {  	[dreg:$0x4] =	wrdreg $0x9  }
0xb1: {  	_ =	task.clear_ibuf [dreg:s6], $0x5FFFF;
	_ =	strace $0x9000004C  }
0xb2: {  	s29 =	simm.s32 $0x9;
	_ =	strace $0x8000004E  }
0xb3: {  	_ =	swait.ge [sflag:s29], $0x1  }
0xb4: {  	[sflag:s29] =	ssyncadd.s32 $0xFFFFFFFF  }
0xb5: {  	_ =	strace $0x9000004E  }
0xb6: {  	_ =	sfence  }
0xb7: {  	s30 =	sld [smem:$0x0];
	_ =	sdelay $0x2  }
0xb8: {  	s31 =	sshll.u32 s1, $0xD;
	s1 =	sshrl.u32 s1, $0x2  }
0xb9: {  	s3 =	sand.u32 $0x4000, s31;
	s1 =	sadd.s32 s1, s30  }
0xba: {  	s0 =	sor.u32 s3, s0;
	s1 =	sshll.u32 s1, $0x11  }
0xbb: {  	s0 =	sor.u32 s1, s0  }
0xbc: {  	s0 =	sadd.s32 $0x8F2B, s0  }
0xbd: {  	[sflag:s0] =	ssyncadd.remote.s32 $0x1  }
0xbe: {  	_ =	sfence.sel $0xFFFF  }
0xbf: {  	[dreg:$0x0] =	wrdreg $0xFFFFFFFF;
	(pc) =	sbr.abs _section_cstart, $3  }
0xc0: {  	[dreg:$0x1] =	wrdreg $0xFFFFFFFF  }
0xc1: {  	_ =	task.clear_ibuf [dreg:s6], $0x2FFFF;
	_ =	strace $0x9FFFFFFF  }
0xc2: {  	(tm) =	ssettm $0x7FFFFFFF  }
0xc3: {  	_ =	shalt  }
tec
execute0_lowered:
.L_overlay_start_1:
0x0: {  	(tag) =	ssettag $0x1  }
0x1: {  	s0 =	rddreg [dreg:$0x0]  }
0x2: {  	s2 =	rddreg [dreg:$0x1]  }
0x3: {  	s3 =	simm.s32 $0x0;
	s13 =	stileid.u32;
	s1 =	srdreg.scid  }
0x4: {  	[smem:$0x7FF] =	sst s3;
	s5 =	smul.u32 $0x13C00, s13  }
0x5: {  	s1 =	sand.u32 $0x1, s1;
	s4 =	sadd.s32 $0x8E600, s0;
	s7 =	sadd.s32 $0xD800, s0  }
0x6: {  	s9 =	sadd.s32 $0x3A00, s0;
	s19 =	sshll.u32 s13, $0x1;
	s10 =	smul.u32 $0x4F000, s13  }
0x7: {  	s25 =	smul.u32 $0x9C, s13;
	p0 =	sgt.u32 s13, $0x1;
	_ =	strace $0x8000004D  }
0x8: {  	s6 =	smul.u32 $0x13C000, s1;
	s20 =	ssub.s32 $0x2, s1;
	s8 =	sshrl.u32 s5, $0x3  }
0x9: {  	s11 =	sshrl.u32 s20, $0x1;
	s10 =	sshrl.u32 s10, $0x2;
	s8 =	sadd.s32 s8, s0  }
0xa: {  	s5 =	sadd.s32 s5, s6;
	s6 =	sor.u32 s1, s19;
	s1 =	smul.u32 $0x4E, s1  }
0xb: {  	s10 =	sadd.s32 s10, s2;
	s5 =	sshrl.u32 s5, $0x3;
	s12 =	smul.u32 $0x4E0, s6  }
0xc: {  	[dreg:$0x3] =	wrdreg s10;
	s21 =	smul.u32 $0x2700, s6;
	s6 =	sshll.u32 s6, $0x4  }
0xd: {  	s8 =	sadd.s32 $0x17E00, s8;
	s0 =	sadd.s32 s5, s0;
	s5 =	ssub.s32 s20, s11  }
0xe: {  	s1 =	sadd.s32 s1, s25;
	s6 =	sor.u32 $0x9C00, s6;
	[dreg:$0x10] =	wrdreg s8  }
0xf: {  	s8 =	simm.s32 $0xA;
	s22 =	sadd.s32 s7, s12;
	s23 =	sadd.s32 s9, s12  }
0x10: {  	s24 =	sor.u32 $0x10, s12;
	s10 =	sshrl.u32 s21, $0x3;
	s1 =	sshll.u32 s1, $0x4  }
0x11: {  	s15 =	sadd.s32 s7, s6;
	s6 =	sadd.s32 s9, s6;
	s21 =	sshll.u32 s13, $0x6  }
0x12: {  	s0 =	sadd.s32 $0xB5800, s0;
	s13 =	simm.s32 $0x600;
	[dreg:$0x4] =	wrdreg s22  }
0x13: {  	[dreg:$0x5] =	wrdreg s23;
	s12 =	sadd.s32 s7, s24;
	s11 =	sadd.s32 s9, s24  }
0x14: {  	s26 =	sadd.s32 $0x20, s10;
	s10 =	sadd.s32 $0x30, s10;
	[dreg:$0xc] =	wrdreg s15  }
0x15: {  	[dreg:$0xd] =	wrdreg s6;
	s16 =	sadd.s32 $0x80, s1;
	s19 =	sadd.s32 $0x60, s1  }
0x16: {  	s1 =	sadd.s32 $0x40, s1;
	[dreg:$0x12] =	wrdreg s0;
	s22 =	smax.u32 s5, $0x1  }
0x17: {  	s15 =	simm.s32 $0x4600;
	s5 =	simm.s32 $0x280;
	[dreg:$0x6] =	wrdreg s12  }
0x18: {  	[dreg:$0x7] =	wrdreg s11;
	s14 =	sadd.s32 s7, s26;
	s11 =	sadd.s32 s9, s26  }
0x19: {  	s17 =	sadd.s32 s16, s7;
	s18 =	sadd.s32 s16, s9;
	[dreg:$0x13] =	wrdreg s22  }
0x1a: {  	s20 =	sadd.s32 s19, s7;
	s6 =	sadd.s32 s19, s9;
	[dreg:$0x8] =	wrdreg s14  }
0x1b: {  	s19 =	sor.u32 $0x1C0B, s21;
	s22 =	simm.s32 $0x7;
	[dreg:$0x9] =	wrdreg s11  }
0x1c: {  	s12 =	simm.s32 $0x8;
	s16 =	simm.s32 $0x5;
	[dreg:$0xe] =	wrdreg s17  }
0x1d: {  	s14 =	sadd.s32 s7, s10;
	s10 =	sadd.s32 s9, s10;
	[dreg:$0xf] =	wrdreg s18  }
0x1e: {  	s7 =	sadd.s32 s1, s7;
	s9 =	sadd.s32 s1, s9;
	[dreg:$0x11] =	wrdreg s19  }
0x1f: {  	s23 =	sadd.s32 $0x10, s17;
	s24 =	sadd.s32 $0x10, s18;
	[dreg:$0xa] =	wrdreg s14  }
0x20: {  	s28 =	smov.u32 s20;
	s25 =	sadd.s32 $0x10, s20;
	[dreg:$0xb] =	wrdreg s10  }
0x21: {  	s29 =	smov.u32 s6;
	s26 =	sadd.s32 $0x10, s6;
	[dreg:$0x14] =	wrdreg s23  }
0x22: {  	s20 =	simm.s32 $0xB;
	s6 =	simm.s32 $0x80;
	[dreg:$0x15] =	wrdreg s24  }
0x23: {  	s11 =	simm.s32 $0x480;
	s1 =	simm.s32 $0x3;
	[dreg:$0x16] =	wrdreg s25  }
.Ltmp0:
0x24: {  	s17 =	simm.s32 $0x6;
	[dreg:$0x17] =	wrdreg s26;
	(pc) =	sbr.rel .LBB2_1-.Ltmp0, $4  }
0x25: {  	s21 =	smov.u32 s7;
	s31 =	sadd.s32 $0x10, s7;
	s30 =	smov.u32 s9  }
0x26: {  	s0 =	sadd.s32 $0x10, s9;
	s10 =	simm.s32 $0x180;
	s14 =	simm.s32 $0x2  }
0x27: {  	s24 =	simm.s32 $0x200;
	s25 =	simm.s32 $0x500;
	s23 =	simm.s32 $0x9  }
0x28: {  	s7 =	simm.s32 $0x580;
	s9 =	simm.s32 $0x4;
	s26 =	simm.s32 $0x0  }
.LBB2_4:
0x29: {  	_ =	swait.ge [sflag:s8], $0x4000  }
0x2a: {  	[sflag:s8] =	ssyncset.done $0x0  }
0x2b: {  	s18 =	simm.s32 @!p0 $0x0;
	s19 =	rddreg [dreg:$0xc];
	[sflag:s8] =	ssyncadd.s32 $0xFFFFC000  }
0x2c: {  	[tilespmem:s18], [sflag:$0xB] =	stream.linear.gather @!p0 [hbm4b:s19+s18], $0x80, $0x38;
	[tilespmem:$0x1C200] =	vst v63  }
0x2d: {  	s19 =	simm.s32 @!p0 $0xB  }
0x2e: {  	_ =	swait.ge @!p0 [sflag:s19], $0x80  }
0x2f: {  	[sflag:s19] =	ssyncset.done @!p0 $0x0  }
0x30: {  	s26 =	simm.s32 @!p0 $0x300;
	s20 =	rddreg [dreg:$0xd];
	[sflag:s19] =	ssyncadd.s32 @!p0 $0xFFFFFF80  }
0x31: {  	[tilespmem:s26], [sflag:$0xB] =	stream.linear.gather @!p0 [hbm4b:s20+s18], $0x80, $0x38;
	[tilespmem:$0x1C200] =	vst v63  }
0x32: {  	_ =	swait.ge @!p0 [sflag:s19], $0x80  }
0x33: {  	[sflag:s19] =	ssyncset.done @!p0 $0x0  }
0x34: {  	s26 =	simm.s32 @!p0 $0x80;
	s20 =	simm.s32 @!p0 $0x600;
	[sflag:s19] =	ssyncadd.s32 @!p0 $0xFFFFFF80  }
0x35: {  	[tilespmem:s20], [sflag:$0x7] =	stream.indirect.gather @!p0 [hbm4b:s4+s26], $0x80, s18, s26, $0xb8;
	[tilespmem:$0x1C200] =	vst v63  }
0x36: {  	s18 =	simm.s32 @!p0 $0x7  }
0x37: {  	_ =	swait.ge @!p0 [sflag:s18], $0x4000  }
0x38: {  	[sflag:s18] =	ssyncset.done @!p0 $0x0  }
0x39: {  	[sflag:s18] =	ssyncadd.s32 @!p0 $0xFFFFC000;
	s18 =	simm.s32 @!p0 $0x300  }
0x3a: {  	[spmem:s2] =	stream.indirect.scatter.add.f32 @!p0 [tilespmem:s20], [sflag:$0xB], $0x80, s18, s26, $0xb8;
	[tilespmem:$0x1C200] =	vst v63  }
0x3b: {  	_ =	swait.ge @!p0 [sflag:s19], $0x4000  }
0x3c: {  	[sflag:s19] =	ssyncset.done @!p0 $0x0  }
0x3d: {  	[sflag:s19] =	ssyncadd.s32 @!p0 $0xFFFFC000  }
0x3e: {  	[bflag:$0x0] =	sbarrier.arrive $0xFFFF  }
0x3f: {  	s19 =	rddreg [dreg:$0x11]  }
0x40: {  	s20 =	rddreg [dreg:$0x12]  }
0x41: {  	s26 =	rddreg [dreg:$0x19]  }
0x42: {  	[hbm:s20], [sflag:s19] =	dma.local [spmem:s26], $0x2780  }
0x43: {  	s20 =	simm.s32 $0xB  }
0x44: {  	_ =	swait.ge [sflag:s20], $0x2780  }
0x45: {  	s18 =	rddreg [dreg:$0x18]  }
0x46: {  	s26 =	sadd.s32 $0x1, s18;
	s18 =	rddreg [dreg:$0x13]  }
0x47: {  	p1 =	sne.s32 s26, s18  }
.Ltmp1:
0x48: {  	_ = 	snop;
	(pc) =	sbr.rel @!p1 .LBB2_5-.Ltmp1, $3  }
0x49: {  	_ =	sdelay $0x1  }
0x4a: {  	[sflag:s20] =	ssyncset.done $0x0  }
0x4b: {  	[sflag:s20] =	ssyncadd.s32 $0xFFFFD880  }
.LBB2_1:
0x4c: {  	[dreg:$0x18] =	wrdreg s26  }
0x4d: {  	s18 =	rddreg [dreg:$0x3]  }
0x4e: {  	s26 =	sshrl.u32 s18, $0x3;
	s18 =	rddreg [dreg:$0x10]  }
0x4f: {  	[dreg:$0x19] =	wrdreg s26  }
0x50: {  	[spmem:s26], [sflag:s19] =	dma.local [hbm:s18], $0x2780  }
0x51: {  	_ =	swait.ge [sflag:s20], $0x2780  }
0x52: {  	[sflag:s20] =	ssyncset.done $0x0  }
0x53: {  	[sflag:s20] =	ssyncadd.s32 $0xFFFFD880  }
0x54: {  	[bflag:$0x0] =	sbarrier.arrive $0xFFFF  }
0x55: {  	s19 =	rddreg [dreg:$0x4]  }
0x56: {  	[tilespmem:s3], [sflag:$0x1] =	stream.linear.gather [hbm4b:s19+s3], $0x80, $0x38;
	[tilespmem:$0x1C200] =	vst v63  }
0x57: {  	s26 =	simm.s32 $0x300;
	s20 =	rddreg [dreg:$0x5]  }
0x58: {  	[tilespmem:s26], [sflag:$0x1] =	stream.linear.gather [hbm4b:s20+s3], $0x80, $0x38;
	[tilespmem:$0x1C200] =	vst v63  }
0x59: {  	s19 =	rddreg [dreg:$0x6]  }
0x5a: {  	[tilespmem:s6], [sflag:$0x2] =	stream.linear.gather [hbm4b:s19+s3], $0x80, $0x38;
	[tilespmem:$0x1C200] =	vst v63  }
0x5b: {  	s20 =	rddreg [dreg:$0x7];
	s26 =	simm.s32 $0x380  }
0x5c: {  	[tilespmem:s26], [sflag:$0x2] =	stream.linear.gather [hbm4b:s20+s3], $0x80, $0x38;
	[tilespmem:$0x1C200] =	vst v63  }
0x5d: {  	s20 =	rddreg [dreg:$0x8];
	s26 =	simm.s32 $0x100  }
0x5e: {  	[tilespmem:s26], [sflag:$0x3] =	stream.linear.gather [hbm4b:s20+s3], $0x80, $0x38;
	[tilespmem:$0x1C200] =	vst v63  }
0x5f: {  	s20 =	rddreg [dreg:$0x9];
	s26 =	simm.s32 $0x400  }
0x60: {  	[tilespmem:s26], [sflag:$0x3] =	stream.linear.gather [hbm4b:s20+s3], $0x80, $0x38;
	[tilespmem:$0x1C200] =	vst v63  }
0x61: {  	s19 =	rddreg [dreg:$0xa]  }
0x62: {  	[tilespmem:s10], [sflag:$0x4] =	stream.linear.gather [hbm4b:s19+s3], $0x80, $0x38;
	[tilespmem:$0x1C200] =	vst v63  }
0x63: {  	s20 =	rddreg [dreg:$0xb];
	s26 =	simm.s32 $0x1  }
0x64: {  	[tilespmem:s11], [sflag:$0x4] =	stream.linear.gather [hbm4b:s20+s3], $0x80, $0x38;
	[tilespmem:$0x1C200] =	vst v63  }
0x65: {  	_ =	swait.ge [sflag:s26], $0x80  }
0x66: {  	[sflag:s26] =	ssyncset.done $0x0  }
0x67: {  	[sflag:s26] =	ssyncadd.s32 $0xFFFFFF80  }
0x68: {  	_ =	swait.ge [sflag:s26], $0x80  }
0x69: {  	[sflag:s26] =	ssyncset.done $0x0  }
0x6a: {  	s18 =	simm.s32 $0x0;
	[sflag:s26] =	ssyncadd.s32 $0xFFFFFF80  }
0x6b: {  	[tilespmem:s13], [sflag:$0x7] =	stream.indirect.gather [hbm4b:s4+s6], $0x80, s3, s6, $0xb8;
	[tilespmem:$0x1C200] =	vst v63  }
.LBB2_2:
0x6c: {  	p1 =	seq.s32 s18, $0x0  }
0x6d: {  	s19 =	simm.s32 @!p1 $0xA  }
0x6e: {  	_ =	swait.ge @!p1 [sflag:s19], $0x4000  }
0x6f: {  	[sflag:s19] =	ssyncset.done @!p1 $0x0  }
0x70: {  	[sflag:s19] =	ssyncadd.s32 @!p1 $0xFFFFC000  }
0x71: {  	_ =	swait.ge [sflag:s14], $0x80  }
0x72: {  	[sflag:s14] =	ssyncset.done $0x0  }
0x73: {  	[sflag:s14] =	ssyncadd.s32 $0xFFFFFF80  }
0x74: {  	_ =	swait.ge [sflag:s14], $0x80  }
0x75: {  	[sflag:s14] =	ssyncset.done $0x0  }
0x76: {  	[sflag:s14] =	ssyncadd.s32 $0xFFFFFF80  }
0x77: {  	[tilespmem:s15], [sflag:$0x8] =	stream.indirect.gather [hbm4b:s4+s6], $0x80, s6, s6, $0xb8;
	[tilespmem:$0x1C200] =	vst v63  }
0x78: {  	_ =	swait.ge [sflag:s22], $0x4000  }
0x79: {  	[sflag:s22] =	ssyncset.done $0x0  }
0x7a: {  	s20 =	simm.s32 $0x300;
	[sflag:s22] =	ssyncadd.s32 $0xFFFFC000  }
0x7b: {  	[spmem:s2] =	stream.indirect.scatter.add.f32 [tilespmem:s13], [sflag:$0x9], $0x80, s20, s6, $0xb8;
	[tilespmem:$0x1C200] =	vst v63  }
0x7c: {  	s26 =	sadd.s32 s18, s21  }
0x7d: {  	[tilespmem:s24], [sflag:$0x5] =	stream.linear.gather [hbm4b:s26+s3], $0x80, $0x38;
	[tilespmem:$0x1C200] =	vst v63  }
0x7e: {  	s20 =	sadd.s32 s18, s30  }
0x7f: {  	[tilespmem:s25], [sflag:$0x5] =	stream.linear.gather [hbm4b:s20+s3], $0x80, $0x38;
	[tilespmem:$0x1C200] =	vst v63  }
0x80: {  	_ =	swait.ge [sflag:s23], $0x4000  }
0x81: {  	[sflag:s23] =	ssyncset.done $0x0  }
0x82: {  	[sflag:s23] =	ssyncadd.s32 $0xFFFFC000  }
0x83: {  	_ =	swait.ge [sflag:s1], $0x80  }
0x84: {  	[sflag:s1] =	ssyncset.done $0x0  }
0x85: {  	[sflag:s1] =	ssyncadd.s32 $0xFFFFFF80  }
0x86: {  	_ =	swait.ge [sflag:s1], $0x80  }
0x87: {  	[sflag:s1] =	ssyncset.done $0x0  }
0x88: {  	s26 =	simm.s32 $0x100;
	[sflag:s1] =	ssyncadd.s32 $0xFFFFFF80  }
0x89: {  	[tilespmem:s13], [sflag:$0x7] =	stream.indirect.gather [hbm4b:s4+s6], $0x80, s26, s6, $0xb8;
	[tilespmem:$0x1C200] =	vst v63  }
0x8a: {  	_ =	swait.ge [sflag:s12], $0x4000  }
0x8b: {  	[sflag:s12] =	ssyncset.done $0x0  }
0x8c: {  	s20 =	simm.s32 $0x380;
	[sflag:s12] =	ssyncadd.s32 $0xFFFFC000  }
0x8d: {  	[spmem:s2] =	stream.indirect.scatter.add.f32 [tilespmem:s15], [sflag:$0xA], $0x80, s20, s6, $0xb8;
	[tilespmem:$0x1C200] =	vst v63  }
0x8e: {  	s26 =	sadd.s32 s18, s31  }
0x8f: {  	[tilespmem:s5], [sflag:$0x6] =	stream.linear.gather [hbm4b:s26+s3], $0x80, $0x38;
	[tilespmem:$0x1C200] =	vst v63  }
0x90: {  	s20 =	sadd.s32 s18, s0  }
0x91: {  	[tilespmem:s7], [sflag:$0x6] =	stream.linear.gather [hbm4b:s20+s3], $0x80, $0x38;
	[tilespmem:$0x1C200] =	vst v63  }
0x92: {  	_ =	swait.ge [sflag:s8], $0x4000  }
0x93: {  	[sflag:s8] =	ssyncset.done $0x0  }
0x94: {  	[sflag:s8] =	ssyncadd.s32 $0xFFFFC000  }
0x95: {  	_ =	swait.ge [sflag:s9], $0x80  }
0x96: {  	[sflag:s9] =	ssyncset.done $0x0  }
0x97: {  	[sflag:s9] =	ssyncadd.s32 $0xFFFFFF80  }
0x98: {  	_ =	swait.ge [sflag:s9], $0x80  }
0x99: {  	[sflag:s9] =	ssyncset.done $0x0  }
0x9a: {  	[sflag:s9] =	ssyncadd.s32 $0xFFFFFF80  }
0x9b: {  	[tilespmem:s15], [sflag:$0x8] =	stream.indirect.gather [hbm4b:s4+s6], $0x80, s10, s6, $0xb8;
	[tilespmem:$0x1C200] =	vst v63  }
0x9c: {  	_ =	swait.ge [sflag:s22], $0x4000  }
0x9d: {  	[sflag:s22] =	ssyncset.done $0x0  }
0x9e: {  	p1 =	seq.s32 s18, $0x480;
	s26 =	simm.s32 $0x400;
	[sflag:s22] =	ssyncadd.s32 $0xFFFFC000  }
0x9f: {  	[spmem:s2] =	stream.indirect.scatter.add.f32 [tilespmem:s13], [sflag:$0x9], $0x80, s26, s6, $0xb8;
	[tilespmem:$0x1C200] =	vst v63  }
0xa0: {  	s19 =	sadd.s32 @!p1 s18, s28;
	s26 =	simm.s32 @!p1 $0x0  }
0xa1: {  	[tilespmem:s26], [sflag:$0x1] =	stream.linear.gather @!p1 [hbm4b:s19+s26], $0x80, $0x38;
	[tilespmem:$0x1C200] =	vst v63  }
0xa2: {  	s20 =	simm.s32 @!p1 $0x300;
	s19 =	sadd.s32 @!p1 s18, s29  }
0xa3: {  	[tilespmem:s20], [sflag:$0x1] =	stream.linear.gather @!p1 [hbm4b:s19+s26], $0x80, $0x38;
	[tilespmem:$0x1C200] =	vst v63  }
0xa4: {  	_ =	swait.ge [sflag:s23], $0x4000  }
0xa5: {  	[sflag:s23] =	ssyncset.done $0x0  }
0xa6: {  	[sflag:s23] =	ssyncadd.s32 $0xFFFFC000  }
0xa7: {  	_ =	swait.ge [sflag:s16], $0x80  }
0xa8: {  	[sflag:s16] =	ssyncset.done $0x0  }
0xa9: {  	[sflag:s16] =	ssyncadd.s32 $0xFFFFFF80  }
0xaa: {  	_ =	swait.ge [sflag:s16], $0x80  }
0xab: {  	[sflag:s16] =	ssyncset.done $0x0  }
0xac: {  	[sflag:s16] =	ssyncadd.s32 $0xFFFFFF80  }
0xad: {  	[tilespmem:s13], [sflag:$0x7] =	stream.indirect.gather [hbm4b:s4+s6], $0x80, s24, s6, $0xb8;
	[tilespmem:$0x1C200] =	vst v63  }
0xae: {  	_ =	swait.ge [sflag:s12], $0x4000  }
0xaf: {  	[sflag:s12] =	ssyncset.done $0x0  }
0xb0: {  	s19 =	rddreg [dreg:$0x16];
	[sflag:s12] =	ssyncadd.s32 $0xFFFFC000  }
0xb1: {  	[spmem:s2] =	stream.indirect.scatter.add.f32 [tilespmem:s15], [sflag:$0xA], $0x80, s11, s6, $0xb8;
	[tilespmem:$0x1C200] =	vst v63  }
0xb2: {  	s20 =	simm.s32 @!p1 $0x80;
	s19 =	sadd.s32 @!p1 s18, s19  }
0xb3: {  	[tilespmem:s20], [sflag:$0x2] =	stream.linear.gather @!p1 [hbm4b:s19+s26], $0x80, $0x38;
	[tilespmem:$0x1C200] =	vst v63  }
0xb4: {  	s19 =	rddreg [dreg:$0x17]  }
0xb5: {  	s20 =	simm.s32 @!p1 $0x380;
	s19 =	sadd.s32 @!p1 s18, s19  }
0xb6: {  	[tilespmem:s20], [sflag:$0x2] =	stream.linear.gather @!p1 [hbm4b:s19+s26], $0x80, $0x38;
	[tilespmem:$0x1C200] =	vst v63  }
0xb7: {  	_ =	swait.ge [sflag:s8], $0x4000  }
0xb8: {  	[sflag:s8] =	ssyncset.done $0x0  }
0xb9: {  	[sflag:s8] =	ssyncadd.s32 $0xFFFFC000  }
0xba: {  	_ =	swait.ge [sflag:s17], $0x80  }
0xbb: {  	[sflag:s17] =	ssyncset.done $0x0  }
0xbc: {  	[sflag:s17] =	ssyncadd.s32 $0xFFFFFF80  }
0xbd: {  	_ =	swait.ge [sflag:s17], $0x80  }
0xbe: {  	[sflag:s17] =	ssyncset.done $0x0  }
0xbf: {  	[sflag:s17] =	ssyncadd.s32 $0xFFFFFF80  }
0xc0: {  	[tilespmem:s15], [sflag:$0x8] =	stream.indirect.gather [hbm4b:s4+s6], $0x80, s5, s6, $0xb8;
	[tilespmem:$0x1C200] =	vst v63  }
0xc1: {  	_ =	swait.ge [sflag:s22], $0x4000  }
0xc2: {  	[sflag:s22] =	ssyncset.done $0x0  }
0xc3: {  	p2 =	sne.s32 s18, $0x480;
	s19 =	rddreg [dreg:$0xe];
	[sflag:s22] =	ssyncadd.s32 $0xFFFFC000  }
0xc4: {  	[spmem:s2] =	stream.indirect.scatter.add.f32 [tilespmem:s13], [sflag:$0x9], $0x80, s25, s6, $0xb8;
	[tilespmem:$0x1C200] =	vst v63  }
0xc5: {  	s20 =	simm.s32 @p2 $0x0;
	s26 =	simm.s32 @p2 $0x100;
	s19 =	sadd.s32 @p2 s18, s19  }
0xc6: {  	[tilespmem:s26], [sflag:$0x3] =	stream.linear.gather @p2 [hbm4b:s19+s20], $0x80, $0x38;
	[tilespmem:$0x1C200] =	vst v63  }
0xc7: {  	s19 =	rddreg [dreg:$0xf]  }
0xc8: {  	s26 =	simm.s32 @p2 $0x400;
	s19 =	sadd.s32 @p2 s18, s19  }
0xc9: {  	[tilespmem:s26], [sflag:$0x3] =	stream.linear.gather @p2 [hbm4b:s19+s20], $0x80, $0x38;
	[tilespmem:$0x1C200] =	vst v63  }
0xca: {  	s19 =	simm.s32 @p2 $0x9  }
0xcb: {  	_ =	swait.ge @p2 [sflag:s19], $0x4000  }
0xcc: {  	[sflag:s19] =	ssyncset.done @p2 $0x0  }
0xcd: {  	[sflag:s19] =	ssyncadd.s32 @p2 $0xFFFFC000;
	s19 =	simm.s32 @p2 $0x1  }
0xce: {  	_ =	swait.ge @p2 [sflag:s19], $0x80  }
0xcf: {  	[sflag:s19] =	ssyncset.done @p2 $0x0  }
0xd0: {  	[sflag:s19] =	ssyncadd.s32 @p2 $0xFFFFFF80  }
0xd1: {  	_ =	swait.ge @p2 [sflag:s19], $0x80  }
0xd2: {  	[sflag:s19] =	ssyncset.done @p2 $0x0  }
0xd3: {  	s26 =	simm.s32 @p2 $0x600;
	[sflag:s19] =	ssyncadd.s32 @p2 $0xFFFFFF80;
	s19 =	simm.s32 @p2 $0x80  }
0xd4: {  	[tilespmem:s26], [sflag:$0x7] =	stream.indirect.gather @p2 [hbm4b:s4+s19], $0x80, s20, s19, $0xb8;
	[tilespmem:$0x1C200] =	vst v63  }
0xd5: {  	s19 =	simm.s32 @!p2 $0x9  }
0xd6: {  	_ =	swait.ge @!p2 [sflag:s19], $0x4000  }
0xd7: {  	[sflag:s19] =	ssyncset.done @!p2 $0x0  }
.Ltmp2:
0xd8: {  	[sflag:s19] =	ssyncadd.s32 @!p2 $0xFFFFC000;
	(pc) =	sbr.rel @p1 .LBB2_4-.Ltmp2, $4  }
0xd9: {  	_ =	swait.ge [sflag:s12], $0x4000  }
0xda: {  	[sflag:s12] =	ssyncset.done $0x0  }
0xdb: {  	[sflag:s12] =	ssyncadd.s32 $0xFFFFC000  }
0xdc: {  	[spmem:s2] =	stream.indirect.scatter.add.f32 [tilespmem:s15], [sflag:$0xA], $0x80, s7, s6, $0xb8;
	[tilespmem:$0x1C200] =	vst v63  }
.Ltmp3:
0xdd: {  	s19 =	rddreg [dreg:$0x14];
	(pc) =	sbr.rel .LBB2_2-.Ltmp3, $4  }
0xde: {  	s26 =	rddreg [dreg:$0x15];
	s19 =	sadd.s32 s18, s19  }
0xdf: {  	[tilespmem:s10], [sflag:$0x4] =	stream.linear.gather [hbm4b:s19+s3], $0x80, $0x38;
	[tilespmem:$0x1C200] =	vst v63  }
0xe0: {  	s19 =	sadd.s32 s18, s26;
	s18 =	sadd.s32 $0x60, s18  }
0xe1: {  	[tilespmem:s11], [sflag:$0x4] =	stream.linear.gather [hbm4b:s19+s3], $0x80, $0x38;
	[tilespmem:$0x1C200] =	vst v63  }
.LBB2_5:
0xe2: {  	_ =	sfence.sel $0x180000  }
0xe3: {  	[bflag:$0x0] =	sbarrier.arrive $0xFFFF  }
0xe4: {  	_ =	strace $0x9000004D  }
0xe5: {  	s0 =	stileid.u32;
	[bflag:$0x2] =	sbarrier.arrive $0xFFFF  }
0xe6: {  	p0 =	sne.s32 s0, $0x0;
	s0 =	rddreg [dreg:$0x2]  }
0xe7: {  	s0 =	sadd.s32 @!p0 $0x100000, s0  }
0xe8: {  	[sflag:s0] =	ssyncadd.tile.s32 @!p0 $0x1;
	_ =	shalt  }
.Lfunc_end2:
_tile_overlayer_lowered:
.L_overlay_start_2:
0xe9: {  	(tag) =	ssettag $0x2  }
0xea: {  	s0 =	rddreg [dreg:$0x0];
	s2 =	stileid.u32  }
0xeb: {  	s1 =	rddreg [dreg:$0x1];
	p0 =	sne.s32 s2, $0x0  }
0xec: {  	s3 =	rddreg [dreg:$0x2];
	[bflag:$0x3] =	sbarrier.arrive $0xFFFF;
	s2 =	simm.s32 @!p0 $0x1C0B  }
0xed: {  	[timem:s3], [sflag:s2] =	dma.local @!p0 [hbm:s0], s1  }
0xee: {  	s0 =	simm.s32 @!p0 $0xB  }
0xef: {  	_ =	swait.ge @!p0 [sflag:s0], s1  }
0xf0: {  	s1 =	ssub.s32 @!p0 $0x0, s1;
	[sflag:s0] =	ssyncset.done @!p0 $0x0  }
0xf1: {  	[sflag:s0] =	ssyncadd.s32 @!p0 s1  }
0xf2: {  	[bflag:$0x3] =	sbarrier.arrive $0xFFFF  }
0xf3: {  	_ =	shalt  }

// kernel: kernel.21.cloned.1.call-start
scs
__scs_entry_jumppad:
0x0: {  	(pc) =	sbr.rel $0x88, $3  }
0x1: {  	(tag) =	ssettag $0x0;
	lr =	simm.s32 $0x1  }
0x2: {  	[smem:$0x3F91] =	sst lr;
	_ =	strace $0xD0000000  }
0x3: {  	_ = 	snop  }
0x4: {  	_ = 	snop  }
0x5: {  	_ = 	snop  }
0x6: {  	_ = 	snop  }
0x7: {  	_ = 	snop  }
__scs_overlays_trampoline_lowered:
0x8: {  	[smem:$0x3FA0] =	sst s0  }
0x9: {  	[smem:$0x3FA1] =	sst s1  }
0xa: {  	[smem:$0x3FA2] =	sst s2  }
0xb: {  	[smem:$0x3FA3] =	sst s3  }
0xc: {  	[smem:$0x3FA4] =	sst s4  }
0xd: {  	[smem:$0x3FA5] =	sst s5  }
0xe: {  	[smem:$0x3FA6] =	sst s6  }
0xf: {  	[smem:$0x3FA7] =	sst s7  }
0x10: {  	[smem:$0x3FA8] =	sst s8  }
0x11: {  	[smem:$0x3FA9] =	sst s9;
	s0 =	simm.s32 @!p0 $0x0  }
0x12: {  	s1 =	sld [smem:$0x3F8F];
	s0 =	simm.s32 @p0 $0x1  }
0x13: {  	[smem:$0x3FAA] =	sst s0;
	s0 =	simm.s32 @!p1 $0x0  }
0x14: {  	s2 =	sld [smem:$0x3F8E];
	s0 =	simm.s32 @p1 $0x1  }
0x15: {  	[smem:$0x3FAB] =	sst s0;
	s0 =	simm.s32 @!p2 $0x0  }
0x16: {  	s3 =	sld [smem:$0x3FDB];
	s0 =	simm.s32 @p2 $0x1  }
0x17: {  	s4 =	simm.s32 $0x1BF5;
	[smem:$0x3FAD] =	sst s0  }
0x18: {  	s0 =	sld [smem:$0x3F90];
	_ =	swait.ge [sflag:s4], $0x0  }
0x19: {  	s7 =	sld [smem:$0x3F91]  }
0x1a: {  	s8 =	sadd.s32 $0xFFFFE003, lr  }
0x1b: {  	s9 =	sadd.s32 $0xFFFFFEF7, lr;
	s5 =	simm.s32 $0xFFFFFFFF;
	p2 =	slt.u32 s8, $0xFFFFF086  }
0x1c: {  	p1 =	slt.u32 s9, $0xF7A;
	s5 =	simm.s32 @!p2 $0x0  }
0x1d: {  	s5 =	simm.s32 @p1 $0x1;
	p0 =	seq.s32 s7, s2  }
0x1e: {  	s7 =	smul.u32 @!p0 $0xF7A, s2;
	p2 =	seq.s32 @!p0 s5, $0x0  }
0x1f: {  	s9 =	smul.u32 $0xF7A, s1;
	s8 =	simm.s32 @!p0 $0x1BF5;
	p2 =	por !p2, p0  }
0x20: {  	[sflag:s8] =	ssyncset.s32 @!p0 $0xFFFFF086;
	s6 =	sadd.s32 @!p0 s3, s7;
	s7 =	simm.s32 @!p0 $0x108  }
0x21: {  	s3 =	sadd.s32 s3, s9;
	s6 =	sadd.s32 @!p0 $0x88, s6;
	s7 =	simm.s32 @p2 $0x1082  }
0x22: {  	[simem:s7], [sflag:s8] =	dma.local @!p0 [hbm:s6], $0xF7A  }
0x23: {  	s9 =	sor.u32 $0xD0000000, s2;
	s6 =	simm.s32 $0x108;
	_ =	swait.ge @!p0 [sflag:s8], $0x0  }
0x24: {  	s3 =	sadd.s32 $0x88, s3;
	s6 =	simm.s32 @!p1 $0x1082;
	[sflag:s4] =	ssyncset.s32 $0xFFFFF086  }
0x25: {  	[simem:s6], [sflag:s4] =	dma.local [hbm:s3], $0xF7A  }
0x26: {  	[smem:$0x3F91] =	sst s1;
	(tag) =	ssettag s2;
	_ =	strace s9  }
0x27: {  	s1 =	sld [smem:$0x3FA1]  }
0x28: {  	s2 =	sld [smem:$0x3FA2]  }
0x29: {  	s4 =	sld [smem:$0x3FA4]  }
0x2a: {  	p0 =	seq.s32 s5, $0x0;
	s5 =	sld [smem:$0x3FA5]  }
0x2b: {  	s6 =	sld [smem:$0x3FA6]  }
0x2c: {  	s7 =	sld [smem:$0x3FA7]  }
0x2d: {  	s3 =	simm.s32 $0x108;
	s8 =	sld [smem:$0x3FA8]  }
0x2e: {  	s3 =	simm.s32 @!p0 $0x1082;
	s9 =	sld [smem:$0x3FA9]  }
0x2f: {  	lr =	sadd.s32 s0, s3;
	s0 =	sld [smem:$0x3FA0]  }
0x30: {  	s3 =	sld [smem:$0x3FA3]  }
0x31: {  	[smem:$0x3FAC] =	sst s10  }
0x32: {  	s10 =	sld [smem:$0x3FAA];
	_ =	sdelay $0x3  }
0x33: {  	p0 =	seq.s32 s10, $0x1;
	s10 =	sld [smem:$0x3FAC];
	_ =	sdelay $0x3  }
0x34: {  	[smem:$0x3FAC] =	sst s10  }
0x35: {  	s10 =	sld [smem:$0x3FAB];
	_ =	sdelay $0x3  }
0x36: {  	p1 =	seq.s32 s10, $0x1;
	s10 =	sld [smem:$0x3FAC];
	_ =	sdelay $0x3  }
0x37: {  	[smem:$0x3FAC] =	sst s10  }
0x38: {  	s10 =	sld [smem:$0x3FAD]  }
0x39: {  	_ = 	snop;
	(pc) =	sbr.ind lr, $3  }
0x3a: {  	_ = 	snop  }
0x3b: {  	_ = 	snop  }
0x3c: {  	p2 =	seq.s32 s10, $0x1;
	s10 =	sld [smem:$0x3FAC]  }
0x3d: {  	_ =	shalt  }
0x3e: {  	_ =	shalt  }
0x3f: {  	_ =	shalt  }
0x40: {  	_ =	shalt  }
0x41: {  	_ =	shalt  }
0x42: {  	_ =	shalt  }
0x43: {  	_ =	shalt  }
0x44: {  	_ =	shalt  }
0x45: {  	_ =	shalt  }
0x46: {  	_ =	shalt  }
0x47: {  	_ =	shalt  }
0x48: {  	_ =	shalt  }
0x49: {  	_ =	shalt  }
0x4a: {  	_ =	shalt  }
0x4b: {  	_ =	shalt  }
0x4c: {  	_ =	shalt  }
0x4d: {  	_ =	shalt  }
0x4e: {  	_ =	shalt  }
0x4f: {  	_ =	shalt  }
0x50: {  	_ =	shalt  }
0x51: {  	_ =	shalt  }
0x52: {  	_ =	shalt  }
0x53: {  	_ =	shalt  }
0x54: {  	_ =	shalt  }
0x55: {  	_ =	shalt  }
0x56: {  	_ =	shalt  }
0x57: {  	_ =	shalt  }
0x58: {  	_ =	shalt  }
0x59: {  	_ =	shalt  }
0x5a: {  	_ =	shalt  }
0x5b: {  	_ =	shalt  }
0x5c: {  	_ =	shalt  }
0x5d: {  	_ =	shalt  }
0x5e: {  	_ =	shalt  }
0x5f: {  	_ =	shalt  }
0x60: {  	_ =	shalt  }
0x61: {  	_ =	shalt  }
0x62: {  	_ =	shalt  }
0x63: {  	_ =	shalt  }
0x64: {  	_ =	shalt  }
0x65: {  	_ =	shalt  }
0x66: {  	_ =	shalt  }
0x67: {  	_ =	shalt  }
0x68: {  	_ =	shalt  }
0x69: {  	_ =	shalt  }
0x6a: {  	_ =	shalt  }
0x6b: {  	_ =	shalt  }
0x6c: {  	_ =	shalt  }
0x6d: {  	_ =	shalt  }
0x6e: {  	_ =	shalt  }
0x6f: {  	_ =	shalt  }
0x70: {  	_ =	shalt  }
0x71: {  	_ =	shalt  }
0x72: {  	_ =	shalt  }
0x73: {  	_ =	shalt  }
0x74: {  	_ =	shalt  }
0x75: {  	_ =	shalt  }
0x76: {  	_ =	shalt  }
0x77: {  	_ =	shalt  }
0x78: {  	_ =	shalt  }
0x79: {  	_ =	shalt  }
0x7a: {  	_ =	shalt  }
0x7b: {  	_ =	shalt  }
0x7c: {  	_ =	shalt  }
0x7d: {  	_ =	shalt  }
0x7e: {  	_ =	shalt  }
0x7f: {  	_ =	shalt  }
0x80: {  	_ =	shalt  }
0x81: {  	_ =	shalt  }
0x82: {  	_ =	shalt  }
0x83: {  	_ =	shalt  }
0x84: {  	_ =	shalt  }
0x85: {  	_ =	shalt  }
0x86: {  	_ =	shalt  }
0x87: {  	_ =	shalt  }
.Lfunc_end0:
.L_simem_size_0:
called_computation.3_lowered:
.L_overlay_start_0:
0x88: {  	s2 =	sld [smem:$0x3FD9]  }
0x89: {  	s3 =	sld [smem:$0x3FFE];
	_ =	sdelay $0x1  }
0x8a: {  	s1 =	srdreg.scid  }
0x8b: {  	s0 =	sand.u32 $0x1, s1  }
0x8c: {  	s16 =	sshll.u32 s0, $0xA;
	s2 =	sadd.s32 s3, s2  }
0x8d: {  	s2 =	sadd.s32 s2, s16  }
0x8e: {  	[smem:$0x3FB8] =	sst s2  }
0x8f: {  	_ = 	snop  }
0x90: {  	(tm) =	ssettm $0x1  }
0x91: {  	s17 =	sld [smem:$0x3FFB];
	_ =	sdelay $0x3  }
0x92: {  	_ =	strace s17  }
0x93: {  	s2 =	sld [smem:$0x3FFC];
	_ =	sdelay $0x3  }
0x94: {  	_ =	strace s2  }
0x95: {  	s2 =	sld [smem:$0x3FFD];
	_ =	sdelay $0x3  }
0x96: {  	_ =	strace s2  }
0x97: {  	_ =	strace $0x8FFFFFFF  }
0x98: {  	s18 =	sld [smem:$0x3FDB];
	_ =	sdelay $0x1  }
0x99: {  	s19 =	simm.s32 $_scs_section_size  }
0x9a: {  	s4 =	simm.s32 $_size__tile_overlayer_lowered;
	s5 =	simm.s32 $_tile_overlayer_lowered  }
0x9b: {  	s22 =	simm.s32 $0x1BFF;
	s21 =	sshll.u32 s5, $0x1;
	s2 =	sadd.s32 s19, s18  }
0x9c: {  	s6 =	simm.s32 $0x0;
	s20 =	sshll.u32 s4, $0x1;
	s4 =	sadd.s32 s21, s2  }
0x9d: {  	[timem:s6], [sflag:s22] =	dma.local [hbm:s4], s20  }
0x9e: {  	_ =	swait.ge [sflag:s22], s20  }
0x9f: {  	s3 =	ssub.s32 $0x0, s20;
	[sflag:s22] =	ssyncset.done $0x0  }
0xa0: {  	[sflag:s22] =	ssyncadd.s32 s3;
	_ =	sdelay $0x1  }
0xa1: {  	s23 =	simm.s32 $0x1B8B  }
0xa2: {  	_ =	swait.ge [sflag:s23], $0x1  }
0xa3: {  	[sflag:s23] =	ssyncset.done $0x0  }
0xa4: {  	s25 =	simm.s32 $0x1B8E;
	s24 =	sld [smem:$0x3FFE];
	[sflag:s23] =	ssyncadd.s32 $0xFFFFFFFF  }
0xa5: {  	s26 =	simm.s32 $execute0_lowered;
	[smem:$0x3FD2] =	sst s25  }
0xa6: {  	s4 =	sshll.u32 s26, $0x1;
	_ =	strace $0x8000004F;
	[dreg:$0x1] =	wrdreg $0xFFFFFFFF  }
0xa7: {  	s28 =	simm.s32 $_size_execute0_lowered;
	s2 =	sadd.s32 s2, s4;
	[dreg:$0x0] =	wrdreg $0x0  }
0xa8: {  	s4 =	sshll.u32 s28, $0x1;
	[dreg:$0x2] =	wrdreg s2  }
0xa9: {  	[dreg:$0x3] =	wrdreg s4  }
0xaa: {  	[dreg:$0x4] =	wrdreg $0xC0  }
0xab: {  	_ =	task [dreg:s6], $0x5FFFF  }
0xac: {  	[dreg:$0x1] =	wrdreg $0xFFFFFFFF  }
0xad: {  	[dreg:$0x0] =	wrdreg $0x60  }
0xae: {  	[dreg:$0x2] =	wrdreg s24  }
0xaf: {  	[dreg:$0x3] =	wrdreg $0x86000  }
0xb0: {  	[dreg:$0x4] =	wrdreg $0x9  }
0xb1: {  	_ =	task.clear_ibuf [dreg:s6], $0x5FFFF;
	_ =	strace $0x9000004F  }
0xb2: {  	s29 =	simm.s32 $0x9;
	_ =	strace $0x80000051  }
0xb3: {  	_ =	swait.ge [sflag:s29], $0x1  }
0xb4: {  	[sflag:s29] =	ssyncadd.s32 $0xFFFFFFFF  }
0xb5: {  	_ =	strace $0x90000051  }
0xb6: {  	_ =	sfence  }
0xb7: {  	s30 =	sld [smem:$0x0];
	_ =	sdelay $0x2  }
0xb8: {  	s31 =	sshll.u32 s1, $0xD;
	s1 =	sshrl.u32 s1, $0x2  }
0xb9: {  	s3 =	sand.u32 $0x4000, s31;
	s1 =	sadd.s32 s1, s30  }
0xba: {  	s0 =	sor.u32 s3, s0;
	s1 =	sshll.u32 s1, $0x11  }
0xbb: {  	s0 =	sor.u32 s1, s0  }
0xbc: {  	s0 =	sadd.s32 $0x8F2B, s0  }
0xbd: {  	[sflag:s0] =	ssyncadd.remote.s32 $0x1  }
0xbe: {  	_ =	sfence.sel $0xFFFF  }
0xbf: {  	[dreg:$0x0] =	wrdreg $0xFFFFFFFF;
	(pc) =	sbr.abs _section_cstart, $3  }
0xc0: {  	[dreg:$0x1] =	wrdreg $0xFFFFFFFF  }
0xc1: {  	_ =	task.clear_ibuf [dreg:s6], $0x2FFFF;
	_ =	strace $0x9FFFFFFF  }
0xc2: {  	(tm) =	ssettm $0x7FFFFFFF  }
0xc3: {  	_ =	shalt  }
tec
execute0_lowered:
.L_overlay_start_1:
0x0: {  	(tag) =	ssettag $0x1  }
0x1: {  	s0 =	rddreg [dreg:$0x0]  }
0x2: {  	s2 =	rddreg [dreg:$0x1]  }
0x3: {  	s3 =	simm.s32 $0x0;
	s13 =	stileid.u32;
	s1 =	srdreg.scid  }
0x4: {  	[smem:$0x7FF] =	sst s3;
	s5 =	smul.u32 $0x13C00, s13  }
0x5: {  	s1 =	sand.u32 $0x1, s1;
	s4 =	sadd.s32 $0x8E600, s0;
	s7 =	sadd.s32 $0xD800, s0  }
0x6: {  	s9 =	sadd.s32 $0x3A00, s0;
	s19 =	sshll.u32 s13, $0x1;
	s10 =	smul.u32 $0x4F000, s13  }
0x7: {  	s25 =	smul.u32 $0x9C, s13;
	p0 =	sgt.u32 s13, $0x1;
	_ =	strace $0x80000050  }
0x8: {  	s6 =	smul.u32 $0x13C000, s1;
	s20 =	ssub.s32 $0x2, s1;
	s8 =	sshrl.u32 s5, $0x3  }
0x9: {  	s11 =	sshrl.u32 s20, $0x1;
	s10 =	sshrl.u32 s10, $0x2;
	s8 =	sadd.s32 s8, s0  }
0xa: {  	s5 =	sadd.s32 s5, s6;
	s6 =	sor.u32 s1, s19;
	s1 =	smul.u32 $0x4E, s1  }
0xb: {  	s10 =	sadd.s32 s10, s2;
	s5 =	sshrl.u32 s5, $0x3;
	s12 =	smul.u32 $0x4E0, s6  }
0xc: {  	[dreg:$0x3] =	wrdreg s10;
	s21 =	smul.u32 $0x2700, s6;
	s6 =	sshll.u32 s6, $0x4  }
0xd: {  	s8 =	sadd.s32 $0x17E00, s8;
	s0 =	sadd.s32 s5, s0;
	s5 =	ssub.s32 s20, s11  }
0xe: {  	s1 =	sadd.s32 s1, s25;
	s6 =	sor.u32 $0x9C00, s6;
	[dreg:$0x10] =	wrdreg s8  }
0xf: {  	s8 =	simm.s32 $0xA;
	s22 =	sadd.s32 s7, s12;
	s23 =	sadd.s32 s9, s12  }
0x10: {  	s24 =	sor.u32 $0x10, s12;
	s10 =	sshrl.u32 s21, $0x3;
	s1 =	sshll.u32 s1, $0x4  }
0x11: {  	s15 =	sadd.s32 s7, s6;
	s6 =	sadd.s32 s9, s6;
	s21 =	sshll.u32 s13, $0x6  }
0x12: {  	s0 =	sadd.s32 $0xB5800, s0;
	s13 =	simm.s32 $0x600;
	[dreg:$0x4] =	wrdreg s22  }
0x13: {  	[dreg:$0x5] =	wrdreg s23;
	s12 =	sadd.s32 s7, s24;
	s11 =	sadd.s32 s9, s24  }
0x14: {  	s26 =	sadd.s32 $0x20, s10;
	s10 =	sadd.s32 $0x30, s10;
	[dreg:$0xc] =	wrdreg s15  }
0x15: {  	[dreg:$0xd] =	wrdreg s6;
	s16 =	sadd.s32 $0x80, s1;
	s19 =	sadd.s32 $0x60, s1  }
0x16: {  	s1 =	sadd.s32 $0x40, s1;
	[dreg:$0x12] =	wrdreg s0;
	s22 =	smax.u32 s5, $0x1  }
0x17: {  	s15 =	simm.s32 $0x4600;
	s5 =	simm.s32 $0x280;
	[dreg:$0x6] =	wrdreg s12  }
0x18: {  	[dreg:$0x7] =	wrdreg s11;
	s14 =	sadd.s32 s7, s26;
	s11 =	sadd.s32 s9, s26  }
0x19: {  	s17 =	sadd.s32 s16, s7;
	s18 =	sadd.s32 s16, s9;
	[dreg:$0x13] =	wrdreg s22  }
0x1a: {  	s20 =	sadd.s32 s19, s7;
	s6 =	sadd.s32 s19, s9;
	[dreg:$0x8] =	wrdreg s14  }
0x1b: {  	s19 =	sor.u32 $0x1C0B, s21;
	s22 =	simm.s32 $0x7;
	[dreg:$0x9] =	wrdreg s11  }
0x1c: {  	s12 =	simm.s32 $0x8;
	s16 =	simm.s32 $0x5;
	[dreg:$0xe] =	wrdreg s17  }
0x1d: {  	s14 =	sadd.s32 s7, s10;
	s10 =	sadd.s32 s9, s10;
	[dreg:$0xf] =	wrdreg s18  }
0x1e: {  	s7 =	sadd.s32 s1, s7;
	s9 =	sadd.s32 s1, s9;
	[dreg:$0x11] =	wrdreg s19  }
0x1f: {  	s23 =	sadd.s32 $0x10, s17;
	s24 =	sadd.s32 $0x10, s18;
	[dreg:$0xa] =	wrdreg s14  }
0x20: {  	s28 =	smov.u32 s20;
	s25 =	sadd.s32 $0x10, s20;
	[dreg:$0xb] =	wrdreg s10  }
0x21: {  	s29 =	smov.u32 s6;
	s26 =	sadd.s32 $0x10, s6;
	[dreg:$0x14] =	wrdreg s23  }
0x22: {  	s20 =	simm.s32 $0xB;
	s6 =	simm.s32 $0x80;
	[dreg:$0x15] =	wrdreg s24  }
0x23: {  	s11 =	simm.s32 $0x480;
	s1 =	simm.s32 $0x3;
	[dreg:$0x16] =	wrdreg s25  }
.Ltmp0:
0x24: {  	s17 =	simm.s32 $0x6;
	[dreg:$0x17] =	wrdreg s26;
	(pc) =	sbr.rel .LBB2_1-.Ltmp0, $4  }
0x25: {  	s21 =	smov.u32 s7;
	s31 =	sadd.s32 $0x10, s7;
	s30 =	smov.u32 s9  }
0x26: {  	s0 =	sadd.s32 $0x10, s9;
	s10 =	simm.s32 $0x180;
	s14 =	simm.s32 $0x2  }
0x27: {  	s24 =	simm.s32 $0x200;
	s25 =	simm.s32 $0x500;
	s23 =	simm.s32 $0x9  }
0x28: {  	s7 =	simm.s32 $0x580;
	s9 =	simm.s32 $0x4;
	s26 =	simm.s32 $0x0  }
.LBB2_4:
0x29: {  	_ =	swait.ge [sflag:s8], $0x4000  }
0x2a: {  	[sflag:s8] =	ssyncset.done $0x0  }
0x2b: {  	s18 =	simm.s32 @!p0 $0x0;
	s19 =	rddreg [dreg:$0xc];
	[sflag:s8] =	ssyncadd.s32 $0xFFFFC000  }
0x2c: {  	[tilespmem:s18], [sflag:$0xB] =	stream.linear.gather @!p0 [hbm4b:s19+s18], $0x80, $0x38;
	[tilespmem:$0x1C200] =	vst v63  }
0x2d: {  	s19 =	simm.s32 @!p0 $0xB  }
0x2e: {  	_ =	swait.ge @!p0 [sflag:s19], $0x80  }
0x2f: {  	[sflag:s19] =	ssyncset.done @!p0 $0x0  }
0x30: {  	s26 =	simm.s32 @!p0 $0x300;
	s20 =	rddreg [dreg:$0xd];
	[sflag:s19] =	ssyncadd.s32 @!p0 $0xFFFFFF80  }
0x31: {  	[tilespmem:s26], [sflag:$0xB] =	stream.linear.gather @!p0 [hbm4b:s20+s18], $0x80, $0x38;
	[tilespmem:$0x1C200] =	vst v63  }
0x32: {  	_ =	swait.ge @!p0 [sflag:s19], $0x80  }
0x33: {  	[sflag:s19] =	ssyncset.done @!p0 $0x0  }
0x34: {  	s26 =	simm.s32 @!p0 $0x80;
	s20 =	simm.s32 @!p0 $0x600;
	[sflag:s19] =	ssyncadd.s32 @!p0 $0xFFFFFF80  }
0x35: {  	[tilespmem:s20], [sflag:$0x7] =	stream.indirect.gather @!p0 [hbm4b:s4+s26], $0x80, s18, s26, $0xb8;
	[tilespmem:$0x1C200] =	vst v63  }
0x36: {  	s18 =	simm.s32 @!p0 $0x7  }
0x37: {  	_ =	swait.ge @!p0 [sflag:s18], $0x4000  }
0x38: {  	[sflag:s18] =	ssyncset.done @!p0 $0x0  }
0x39: {  	[sflag:s18] =	ssyncadd.s32 @!p0 $0xFFFFC000;
	s18 =	simm.s32 @!p0 $0x300  }
0x3a: {  	[spmem:s2] =	stream.indirect.scatter.add.f32 @!p0 [tilespmem:s20], [sflag:$0xB], $0x80, s18, s26, $0xb8;
	[tilespmem:$0x1C200] =	vst v63  }
0x3b: {  	_ =	swait.ge @!p0 [sflag:s19], $0x4000  }
0x3c: {  	[sflag:s19] =	ssyncset.done @!p0 $0x0  }
0x3d: {  	[sflag:s19] =	ssyncadd.s32 @!p0 $0xFFFFC000  }
0x3e: {  	[bflag:$0x0] =	sbarrier.arrive $0xFFFF  }
0x3f: {  	s19 =	rddreg [dreg:$0x11]  }
0x40: {  	s20 =	rddreg [dreg:$0x12]  }
0x41: {  	s26 =	rddreg [dreg:$0x19]  }
0x42: {  	[hbm:s20], [sflag:s19] =	dma.local [spmem:s26], $0x2780  }
0x43: {  	s20 =	simm.s32 $0xB  }
0x44: {  	_ =	swait.ge [sflag:s20], $0x2780  }
0x45: {  	s18 =	rddreg [dreg:$0x18]  }
0x46: {  	s26 =	sadd.s32 $0x1, s18;
	s18 =	rddreg [dreg:$0x13]  }
0x47: {  	p1 =	sne.s32 s26, s18  }
.Ltmp1:
0x48: {  	_ = 	snop;
	(pc) =	sbr.rel @!p1 .LBB2_5-.Ltmp1, $3  }
0x49: {  	_ =	sdelay $0x1  }
0x4a: {  	[sflag:s20] =	ssyncset.done $0x0  }
0x4b: {  	[sflag:s20] =	ssyncadd.s32 $0xFFFFD880  }
.LBB2_1:
0x4c: {  	[dreg:$0x18] =	wrdreg s26  }
0x4d: {  	s18 =	rddreg [dreg:$0x3]  }
0x4e: {  	s26 =	sshrl.u32 s18, $0x3;
	s18 =	rddreg [dreg:$0x10]  }
0x4f: {  	[dreg:$0x19] =	wrdreg s26  }
0x50: {  	[spmem:s26], [sflag:s19] =	dma.local [hbm:s18], $0x2780  }
0x51: {  	_ =	swait.ge [sflag:s20], $0x2780  }
0x52: {  	[sflag:s20] =	ssyncset.done $0x0  }
0x53: {  	[sflag:s20] =	ssyncadd.s32 $0xFFFFD880  }
0x54: {  	[bflag:$0x0] =	sbarrier.arrive $0xFFFF  }
0x55: {  	s19 =	rddreg [dreg:$0x4]  }
0x56: {  	[tilespmem:s3], [sflag:$0x1] =	stream.linear.gather [hbm4b:s19+s3], $0x80, $0x38;
	[tilespmem:$0x1C200] =	vst v63  }
0x57: {  	s26 =	simm.s32 $0x300;
	s20 =	rddreg [dreg:$0x5]  }
0x58: {  	[tilespmem:s26], [sflag:$0x1] =	stream.linear.gather [hbm4b:s20+s3], $0x80, $0x38;
	[tilespmem:$0x1C200] =	vst v63  }
0x59: {  	s19 =	rddreg [dreg:$0x6]  }
0x5a: {  	[tilespmem:s6], [sflag:$0x2] =	stream.linear.gather [hbm4b:s19+s3], $0x80, $0x38;
	[tilespmem:$0x1C200] =	vst v63  }
0x5b: {  	s20 =	rddreg [dreg:$0x7];
	s26 =	simm.s32 $0x380  }
0x5c: {  	[tilespmem:s26], [sflag:$0x2] =	stream.linear.gather [hbm4b:s20+s3], $0x80, $0x38;
	[tilespmem:$0x1C200] =	vst v63  }
0x5d: {  	s20 =	rddreg [dreg:$0x8];
	s26 =	simm.s32 $0x100  }
0x5e: {  	[tilespmem:s26], [sflag:$0x3] =	stream.linear.gather [hbm4b:s20+s3], $0x80, $0x38;
	[tilespmem:$0x1C200] =	vst v63  }
0x5f: {  	s20 =	rddreg [dreg:$0x9];
	s26 =	simm.s32 $0x400  }
0x60: {  	[tilespmem:s26], [sflag:$0x3] =	stream.linear.gather [hbm4b:s20+s3], $0x80, $0x38;
	[tilespmem:$0x1C200] =	vst v63  }
0x61: {  	s19 =	rddreg [dreg:$0xa]  }
0x62: {  	[tilespmem:s10], [sflag:$0x4] =	stream.linear.gather [hbm4b:s19+s3], $0x80, $0x38;
	[tilespmem:$0x1C200] =	vst v63  }
0x63: {  	s20 =	rddreg [dreg:$0xb];
	s26 =	simm.s32 $0x1  }
0x64: {  	[tilespmem:s11], [sflag:$0x4] =	stream.linear.gather [hbm4b:s20+s3], $0x80, $0x38;
	[tilespmem:$0x1C200] =	vst v63  }
0x65: {  	_ =	swait.ge [sflag:s26], $0x80  }
0x66: {  	[sflag:s26] =	ssyncset.done $0x0  }
0x67: {  	[sflag:s26] =	ssyncadd.s32 $0xFFFFFF80  }
0x68: {  	_ =	swait.ge [sflag:s26], $0x80  }
0x69: {  	[sflag:s26] =	ssyncset.done $0x0  }
0x6a: {  	s18 =	simm.s32 $0x0;
	[sflag:s26] =	ssyncadd.s32 $0xFFFFFF80  }
0x6b: {  	[tilespmem:s13], [sflag:$0x7] =	stream.indirect.gather [hbm4b:s4+s6], $0x80, s3, s6, $0xb8;
	[tilespmem:$0x1C200] =	vst v63  }
.LBB2_2:
0x6c: {  	p1 =	seq.s32 s18, $0x0  }
0x6d: {  	s19 =	simm.s32 @!p1 $0xA  }
0x6e: {  	_ =	swait.ge @!p1 [sflag:s19], $0x4000  }
0x6f: {  	[sflag:s19] =	ssyncset.done @!p1 $0x0  }
0x70: {  	[sflag:s19] =	ssyncadd.s32 @!p1 $0xFFFFC000  }
0x71: {  	_ =	swait.ge [sflag:s14], $0x80  }
0x72: {  	[sflag:s14] =	ssyncset.done $0x0  }
0x73: {  	[sflag:s14] =	ssyncadd.s32 $0xFFFFFF80  }
0x74: {  	_ =	swait.ge [sflag:s14], $0x80  }
0x75: {  	[sflag:s14] =	ssyncset.done $0x0  }
0x76: {  	[sflag:s14] =	ssyncadd.s32 $0xFFFFFF80  }
0x77: {  	[tilespmem:s15], [sflag:$0x8] =	stream.indirect.gather [hbm4b:s4+s6], $0x80, s6, s6, $0xb8;
	[tilespmem:$0x1C200] =	vst v63  }
0x78: {  	_ =	swait.ge [sflag:s22], $0x4000  }
0x79: {  	[sflag:s22] =	ssyncset.done $0x0  }
0x7a: {  	s20 =	simm.s32 $0x300;
	[sflag:s22] =	ssyncadd.s32 $0xFFFFC000  }
0x7b: {  	[spmem:s2] =	stream.indirect.scatter.add.f32 [tilespmem:s13], [sflag:$0x9], $0x80, s20, s6, $0xb8;
	[tilespmem:$0x1C200] =	vst v63  }
0x7c: {  	s26 =	sadd.s32 s18, s21  }
0x7d: {  	[tilespmem:s24], [sflag:$0x5] =	stream.linear.gather [hbm4b:s26+s3], $0x80, $0x38;
	[tilespmem:$0x1C200] =	vst v63  }
0x7e: {  	s20 =	sadd.s32 s18, s30  }
0x7f: {  	[tilespmem:s25], [sflag:$0x5] =	stream.linear.gather [hbm4b:s20+s3], $0x80, $0x38;
	[tilespmem:$0x1C200] =	vst v63  }
0x80: {  	_ =	swait.ge [sflag:s23], $0x4000  }
0x81: {  	[sflag:s23] =	ssyncset.done $0x0  }
0x82: {  	[sflag:s23] =	ssyncadd.s32 $0xFFFFC000  }
0x83: {  	_ =	swait.ge [sflag:s1], $0x80  }
0x84: {  	[sflag:s1] =	ssyncset.done $0x0  }
0x85: {  	[sflag:s1] =	ssyncadd.s32 $0xFFFFFF80  }
0x86: {  	_ =	swait.ge [sflag:s1], $0x80  }
0x87: {  	[sflag:s1] =	ssyncset.done $0x0  }
0x88: {  	s26 =	simm.s32 $0x100;
	[sflag:s1] =	ssyncadd.s32 $0xFFFFFF80  }
0x89: {  	[tilespmem:s13], [sflag:$0x7] =	stream.indirect.gather [hbm4b:s4+s6], $0x80, s26, s6, $0xb8;
	[tilespmem:$0x1C200] =	vst v63  }
0x8a: {  	_ =	swait.ge [sflag:s12], $0x4000  }
0x8b: {  	[sflag:s12] =	ssyncset.done $0x0  }
0x8c: {  	s20 =	simm.s32 $0x380;
	[sflag:s12] =	ssyncadd.s32 $0xFFFFC000  }
0x8d: {  	[spmem:s2] =	stream.indirect.scatter.add.f32 [tilespmem:s15], [sflag:$0xA], $0x80, s20, s6, $0xb8;
	[tilespmem:$0x1C200] =	vst v63  }
0x8e: {  	s26 =	sadd.s32 s18, s31  }
0x8f: {  	[tilespmem:s5], [sflag:$0x6] =	stream.linear.gather [hbm4b:s26+s3], $0x80, $0x38;
	[tilespmem:$0x1C200] =	vst v63  }
0x90: {  	s20 =	sadd.s32 s18, s0  }
0x91: {  	[tilespmem:s7], [sflag:$0x6] =	stream.linear.gather [hbm4b:s20+s3], $0x80, $0x38;
	[tilespmem:$0x1C200] =	vst v63  }
0x92: {  	_ =	swait.ge [sflag:s8], $0x4000  }
0x93: {  	[sflag:s8] =	ssyncset.done $0x0  }
0x94: {  	[sflag:s8] =	ssyncadd.s32 $0xFFFFC000  }
0x95: {  	_ =	swait.ge [sflag:s9], $0x80  }
0x96: {  	[sflag:s9] =	ssyncset.done $0x0  }
0x97: {  	[sflag:s9] =	ssyncadd.s32 $0xFFFFFF80  }
0x98: {  	_ =	swait.ge [sflag:s9], $0x80  }
0x99: {  	[sflag:s9] =	ssyncset.done $0x0  }
0x9a: {  	[sflag:s9] =	ssyncadd.s32 $0xFFFFFF80  }
0x9b: {  	[tilespmem:s15], [sflag:$0x8] =	stream.indirect.gather [hbm4b:s4+s6], $0x80, s10, s6, $0xb8;
	[tilespmem:$0x1C200] =	vst v63  }
0x9c: {  	_ =	swait.ge [sflag:s22], $0x4000  }
0x9d: {  	[sflag:s22] =	ssyncset.done $0x0  }
0x9e: {  	p1 =	seq.s32 s18, $0x480;
	s26 =	simm.s32 $0x400;
	[sflag:s22] =	ssyncadd.s32 $0xFFFFC000  }
0x9f: {  	[spmem:s2] =	stream.indirect.scatter.add.f32 [tilespmem:s13], [sflag:$0x9], $0x80, s26, s6, $0xb8;
	[tilespmem:$0x1C200] =	vst v63  }
0xa0: {  	s19 =	sadd.s32 @!p1 s18, s28;
	s26 =	simm.s32 @!p1 $0x0  }
0xa1: {  	[tilespmem:s26], [sflag:$0x1] =	stream.linear.gather @!p1 [hbm4b:s19+s26], $0x80, $0x38;
	[tilespmem:$0x1C200] =	vst v63  }
0xa2: {  	s20 =	simm.s32 @!p1 $0x300;
	s19 =	sadd.s32 @!p1 s18, s29  }
0xa3: {  	[tilespmem:s20], [sflag:$0x1] =	stream.linear.gather @!p1 [hbm4b:s19+s26], $0x80, $0x38;
	[tilespmem:$0x1C200] =	vst v63  }
0xa4: {  	_ =	swait.ge [sflag:s23], $0x4000  }
0xa5: {  	[sflag:s23] =	ssyncset.done $0x0  }
0xa6: {  	[sflag:s23] =	ssyncadd.s32 $0xFFFFC000  }
0xa7: {  	_ =	swait.ge [sflag:s16], $0x80  }
0xa8: {  	[sflag:s16] =	ssyncset.done $0x0  }
0xa9: {  	[sflag:s16] =	ssyncadd.s32 $0xFFFFFF80  }
0xaa: {  	_ =	swait.ge [sflag:s16], $0x80  }
0xab: {  	[sflag:s16] =	ssyncset.done $0x0  }
0xac: {  	[sflag:s16] =	ssyncadd.s32 $0xFFFFFF80  }
0xad: {  	[tilespmem:s13], [sflag:$0x7] =	stream.indirect.gather [hbm4b:s4+s6], $0x80, s24, s6, $0xb8;
	[tilespmem:$0x1C200] =	vst v63  }
0xae: {  	_ =	swait.ge [sflag:s12], $0x4000  }
0xaf: {  	[sflag:s12] =	ssyncset.done $0x0  }
0xb0: {  	s19 =	rddreg [dreg:$0x16];
	[sflag:s12] =	ssyncadd.s32 $0xFFFFC000  }
0xb1: {  	[spmem:s2] =	stream.indirect.scatter.add.f32 [tilespmem:s15], [sflag:$0xA], $0x80, s11, s6, $0xb8;
	[tilespmem:$0x1C200] =	vst v63  }
0xb2: {  	s20 =	simm.s32 @!p1 $0x80;
	s19 =	sadd.s32 @!p1 s18, s19  }
0xb3: {  	[tilespmem:s20], [sflag:$0x2] =	stream.linear.gather @!p1 [hbm4b:s19+s26], $0x80, $0x38;
	[tilespmem:$0x1C200] =	vst v63  }
0xb4: {  	s19 =	rddreg [dreg:$0x17]  }
0xb5: {  	s20 =	simm.s32 @!p1 $0x380;
	s19 =	sadd.s32 @!p1 s18, s19  }
0xb6: {  	[tilespmem:s20], [sflag:$0x2] =	stream.linear.gather @!p1 [hbm4b:s19+s26], $0x80, $0x38;
	[tilespmem:$0x1C200] =	vst v63  }
0xb7: {  	_ =	swait.ge [sflag:s8], $0x4000  }
0xb8: {  	[sflag:s8] =	ssyncset.done $0x0  }
0xb9: {  	[sflag:s8] =	ssyncadd.s32 $0xFFFFC000  }
0xba: {  	_ =	swait.ge [sflag:s17], $0x80  }
0xbb: {  	[sflag:s17] =	ssyncset.done $0x0  }
0xbc: {  	[sflag:s17] =	ssyncadd.s32 $0xFFFFFF80  }
0xbd: {  	_ =	swait.ge [sflag:s17], $0x80  }
0xbe: {  	[sflag:s17] =	ssyncset.done $0x0  }
0xbf: {  	[sflag:s17] =	ssyncadd.s32 $0xFFFFFF80  }
0xc0: {  	[tilespmem:s15], [sflag:$0x8] =	stream.indirect.gather [hbm4b:s4+s6], $0x80, s5, s6, $0xb8;
	[tilespmem:$0x1C200] =	vst v63  }
0xc1: {  	_ =	swait.ge [sflag:s22], $0x4000  }
0xc2: {  	[sflag:s22] =	ssyncset.done $0x0  }
0xc3: {  	p2 =	sne.s32 s18, $0x480;
	s19 =	rddreg [dreg:$0xe];
	[sflag:s22] =	ssyncadd.s32 $0xFFFFC000  }
0xc4: {  	[spmem:s2] =	stream.indirect.scatter.add.f32 [tilespmem:s13], [sflag:$0x9], $0x80, s25, s6, $0xb8;
	[tilespmem:$0x1C200] =	vst v63  }
0xc5: {  	s20 =	simm.s32 @p2 $0x0;
	s26 =	simm.s32 @p2 $0x100;
	s19 =	sadd.s32 @p2 s18, s19  }
0xc6: {  	[tilespmem:s26], [sflag:$0x3] =	stream.linear.gather @p2 [hbm4b:s19+s20], $0x80, $0x38;
	[tilespmem:$0x1C200] =	vst v63  }
0xc7: {  	s19 =	rddreg [dreg:$0xf]  }
0xc8: {  	s26 =	simm.s32 @p2 $0x400;
	s19 =	sadd.s32 @p2 s18, s19  }
0xc9: {  	[tilespmem:s26], [sflag:$0x3] =	stream.linear.gather @p2 [hbm4b:s19+s20], $0x80, $0x38;
	[tilespmem:$0x1C200] =	vst v63  }
0xca: {  	s19 =	simm.s32 @p2 $0x9  }
0xcb: {  	_ =	swait.ge @p2 [sflag:s19], $0x4000  }
0xcc: {  	[sflag:s19] =	ssyncset.done @p2 $0x0  }
0xcd: {  	[sflag:s19] =	ssyncadd.s32 @p2 $0xFFFFC000;
	s19 =	simm.s32 @p2 $0x1  }
0xce: {  	_ =	swait.ge @p2 [sflag:s19], $0x80  }
0xcf: {  	[sflag:s19] =	ssyncset.done @p2 $0x0  }
0xd0: {  	[sflag:s19] =	ssyncadd.s32 @p2 $0xFFFFFF80  }
0xd1: {  	_ =	swait.ge @p2 [sflag:s19], $0x80  }
0xd2: {  	[sflag:s19] =	ssyncset.done @p2 $0x0  }
0xd3: {  	s26 =	simm.s32 @p2 $0x600;
	[sflag:s19] =	ssyncadd.s32 @p2 $0xFFFFFF80;
	s19 =	simm.s32 @p2 $0x80  }
0xd4: {  	[tilespmem:s26], [sflag:$0x7] =	stream.indirect.gather @p2 [hbm4b:s4+s19], $0x80, s20, s19, $0xb8;
	[tilespmem:$0x1C200] =	vst v63  }
0xd5: {  	s19 =	simm.s32 @!p2 $0x9  }
0xd6: {  	_ =	swait.ge @!p2 [sflag:s19], $0x4000  }
0xd7: {  	[sflag:s19] =	ssyncset.done @!p2 $0x0  }
.Ltmp2:
0xd8: {  	[sflag:s19] =	ssyncadd.s32 @!p2 $0xFFFFC000;
	(pc) =	sbr.rel @p1 .LBB2_4-.Ltmp2, $4  }
0xd9: {  	_ =	swait.ge [sflag:s12], $0x4000  }
0xda: {  	[sflag:s12] =	ssyncset.done $0x0  }
0xdb: {  	[sflag:s12] =	ssyncadd.s32 $0xFFFFC000  }
0xdc: {  	[spmem:s2] =	stream.indirect.scatter.add.f32 [tilespmem:s15], [sflag:$0xA], $0x80, s7, s6, $0xb8;
	[tilespmem:$0x1C200] =	vst v63  }
.Ltmp3:
0xdd: {  	s19 =	rddreg [dreg:$0x14];
	(pc) =	sbr.rel .LBB2_2-.Ltmp3, $4  }
0xde: {  	s26 =	rddreg [dreg:$0x15];
	s19 =	sadd.s32 s18, s19  }
0xdf: {  	[tilespmem:s10], [sflag:$0x4] =	stream.linear.gather [hbm4b:s19+s3], $0x80, $0x38;
	[tilespmem:$0x1C200] =	vst v63  }
0xe0: {  	s19 =	sadd.s32 s18, s26;
	s18 =	sadd.s32 $0x60, s18  }
0xe1: {  	[tilespmem:s11], [sflag:$0x4] =	stream.linear.gather [hbm4b:s19+s3], $0x80, $0x38;
	[tilespmem:$0x1C200] =	vst v63  }
.LBB2_5:
0xe2: {  	_ =	sfence.sel $0x180000  }
0xe3: {  	[bflag:$0x0] =	sbarrier.arrive $0xFFFF  }
0xe4: {  	_ =	strace $0x90000050  }
0xe5: {  	s0 =	stileid.u32;
	[bflag:$0x2] =	sbarrier.arrive $0xFFFF  }
0xe6: {  	p0 =	sne.s32 s0, $0x0;
	s0 =	rddreg [dreg:$0x2]  }
0xe7: {  	s0 =	sadd.s32 @!p0 $0x100000, s0  }
0xe8: {  	[sflag:s0] =	ssyncadd.tile.s32 @!p0 $0x1;
	_ =	shalt  }
.Lfunc_end2:
_tile_overlayer_lowered:
.L_overlay_start_2:
0xe9: {  	(tag) =	ssettag $0x2  }
0xea: {  	s0 =	rddreg [dreg:$0x0];
	s2 =	stileid.u32  }
0xeb: {  	s1 =	rddreg [dreg:$0x1];
	p0 =	sne.s32 s2, $0x0  }
0xec: {  	s3 =	rddreg [dreg:$0x2];
	[bflag:$0x3] =	sbarrier.arrive $0xFFFF;
	s2 =	simm.s32 @!p0 $0x1C0B  }
0xed: {  	[timem:s3], [sflag:s2] =	dma.local @!p0 [hbm:s0], s1  }
0xee: {  	s0 =	simm.s32 @!p0 $0xB  }
0xef: {  	_ =	swait.ge @!p0 [sflag:s0], s1  }
0xf0: {  	s1 =	ssub.s32 @!p0 $0x0, s1;
	[sflag:s0] =	ssyncset.done @!p0 $0x0  }
0xf1: {  	[sflag:s0] =	ssyncadd.s32 @!p0 s1  }
0xf2: {  	[bflag:$0x3] =	sbarrier.arrive $0xFFFF  }
0xf3: {  	_ =	shalt  }

// kernel: kernel.24.cloned.1.call-start
scs
__scs_entry_jumppad:
0x0: {  	(pc) =	sbr.rel $0x88, $3  }
0x1: {  	(tag) =	ssettag $0x0;
	lr =	simm.s32 $0x1  }
0x2: {  	[smem:$0x3F91] =	sst lr;
	_ =	strace $0xD0000000  }
0x3: {  	_ = 	snop  }
0x4: {  	_ = 	snop  }
0x5: {  	_ = 	snop  }
0x6: {  	_ = 	snop  }
0x7: {  	_ = 	snop  }
__scs_overlays_trampoline_lowered:
0x8: {  	[smem:$0x3FA0] =	sst s0  }
0x9: {  	[smem:$0x3FA1] =	sst s1  }
0xa: {  	[smem:$0x3FA2] =	sst s2  }
0xb: {  	[smem:$0x3FA3] =	sst s3  }
0xc: {  	[smem:$0x3FA4] =	sst s4  }
0xd: {  	[smem:$0x3FA5] =	sst s5  }
0xe: {  	[smem:$0x3FA6] =	sst s6  }
0xf: {  	[smem:$0x3FA7] =	sst s7  }
0x10: {  	[smem:$0x3FA8] =	sst s8  }
0x11: {  	[smem:$0x3FA9] =	sst s9;
	s0 =	simm.s32 @!p0 $0x0  }
0x12: {  	s1 =	sld [smem:$0x3F8F];
	s0 =	simm.s32 @p0 $0x1  }
0x13: {  	[smem:$0x3FAA] =	sst s0;
	s0 =	simm.s32 @!p1 $0x0  }
0x14: {  	s2 =	sld [smem:$0x3F8E];
	s0 =	simm.s32 @p1 $0x1  }
0x15: {  	[smem:$0x3FAB] =	sst s0;
	s0 =	simm.s32 @!p2 $0x0  }
0x16: {  	s3 =	sld [smem:$0x3FDB];
	s0 =	simm.s32 @p2 $0x1  }
0x17: {  	s4 =	simm.s32 $0x1BF5;
	[smem:$0x3FAD] =	sst s0  }
0x18: {  	s0 =	sld [smem:$0x3F90];
	_ =	swait.ge [sflag:s4], $0x0  }
0x19: {  	s7 =	sld [smem:$0x3F91]  }
0x1a: {  	s8 =	sadd.s32 $0xFFFFE003, lr  }
0x1b: {  	s9 =	sadd.s32 $0xFFFFFEF7, lr;
	s5 =	simm.s32 $0xFFFFFFFF;
	p2 =	slt.u32 s8, $0xFFFFF086  }
0x1c: {  	p1 =	slt.u32 s9, $0xF7A;
	s5 =	simm.s32 @!p2 $0x0  }
0x1d: {  	s5 =	simm.s32 @p1 $0x1;
	p0 =	seq.s32 s7, s2  }
0x1e: {  	s7 =	smul.u32 @!p0 $0xF7A, s2;
	p2 =	seq.s32 @!p0 s5, $0x0  }
0x1f: {  	s9 =	smul.u32 $0xF7A, s1;
	s8 =	simm.s32 @!p0 $0x1BF5;
	p2 =	por !p2, p0  }
0x20: {  	[sflag:s8] =	ssyncset.s32 @!p0 $0xFFFFF086;
	s6 =	sadd.s32 @!p0 s3, s7;
	s7 =	simm.s32 @!p0 $0x108  }
0x21: {  	s3 =	sadd.s32 s3, s9;
	s6 =	sadd.s32 @!p0 $0x88, s6;
	s7 =	simm.s32 @p2 $0x1082  }
0x22: {  	[simem:s7], [sflag:s8] =	dma.local @!p0 [hbm:s6], $0xF7A  }
0x23: {  	s9 =	sor.u32 $0xD0000000, s2;
	s6 =	simm.s32 $0x108;
	_ =	swait.ge @!p0 [sflag:s8], $0x0  }
0x24: {  	s3 =	sadd.s32 $0x88, s3;
	s6 =	simm.s32 @!p1 $0x1082;
	[sflag:s4] =	ssyncset.s32 $0xFFFFF086  }
0x25: {  	[simem:s6], [sflag:s4] =	dma.local [hbm:s3], $0xF7A  }
0x26: {  	[smem:$0x3F91] =	sst s1;
	(tag) =	ssettag s2;
	_ =	strace s9  }
0x27: {  	s1 =	sld [smem:$0x3FA1]  }
0x28: {  	s2 =	sld [smem:$0x3FA2]  }
0x29: {  	s4 =	sld [smem:$0x3FA4]  }
0x2a: {  	p0 =	seq.s32 s5, $0x0;
	s5 =	sld [smem:$0x3FA5]  }
0x2b: {  	s6 =	sld [smem:$0x3FA6]  }
0x2c: {  	s7 =	sld [smem:$0x3FA7]  }
0x2d: {  	s3 =	simm.s32 $0x108;
	s8 =	sld [smem:$0x3FA8]  }
0x2e: {  	s3 =	simm.s32 @!p0 $0x1082;
	s9 =	sld [smem:$0x3FA9]  }
0x2f: {  	lr =	sadd.s32 s0, s3;
	s0 =	sld [smem:$0x3FA0]  }
0x30: {  	s3 =	sld [smem:$0x3FA3]  }
0x31: {  	[smem:$0x3FAC] =	sst s10  }
0x32: {  	s10 =	sld [smem:$0x3FAA];
	_ =	sdelay $0x3  }
0x33: {  	p0 =	seq.s32 s10, $0x1;
	s10 =	sld [smem:$0x3FAC];
	_ =	sdelay $0x3  }
0x34: {  	[smem:$0x3FAC] =	sst s10  }
0x35: {  	s10 =	sld [smem:$0x3FAB];
	_ =	sdelay $0x3  }
0x36: {  	p1 =	seq.s32 s10, $0x1;
	s10 =	sld [smem:$0x3FAC];
	_ =	sdelay $0x3  }
0x37: {  	[smem:$0x3FAC] =	sst s10  }
0x38: {  	s10 =	sld [smem:$0x3FAD]  }
0x39: {  	_ = 	snop;
	(pc) =	sbr.ind lr, $3  }
0x3a: {  	_ = 	snop  }
0x3b: {  	_ = 	snop  }
0x3c: {  	p2 =	seq.s32 s10, $0x1;
	s10 =	sld [smem:$0x3FAC]  }
0x3d: {  	_ =	shalt  }
0x3e: {  	_ =	shalt  }
0x3f: {  	_ =	shalt  }
0x40: {  	_ =	shalt  }
0x41: {  	_ =	shalt  }
0x42: {  	_ =	shalt  }
0x43: {  	_ =	shalt  }
0x44: {  	_ =	shalt  }
0x45: {  	_ =	shalt  }
0x46: {  	_ =	shalt  }
0x47: {  	_ =	shalt  }
0x48: {  	_ =	shalt  }
0x49: {  	_ =	shalt  }
0x4a: {  	_ =	shalt  }
0x4b: {  	_ =	shalt  }
0x4c: {  	_ =	shalt  }
0x4d: {  	_ =	shalt  }
0x4e: {  	_ =	shalt  }
0x4f: {  	_ =	shalt  }
0x50: {  	_ =	shalt  }
0x51: {  	_ =	shalt  }
0x52: {  	_ =	shalt  }
0x53: {  	_ =	shalt  }
0x54: {  	_ =	shalt  }
0x55: {  	_ =	shalt  }
0x56: {  	_ =	shalt  }
0x57: {  	_ =	shalt  }
0x58: {  	_ =	shalt  }
0x59: {  	_ =	shalt  }
0x5a: {  	_ =	shalt  }
0x5b: {  	_ =	shalt  }
0x5c: {  	_ =	shalt  }
0x5d: {  	_ =	shalt  }
0x5e: {  	_ =	shalt  }
0x5f: {  	_ =	shalt  }
0x60: {  	_ =	shalt  }
0x61: {  	_ =	shalt  }
0x62: {  	_ =	shalt  }
0x63: {  	_ =	shalt  }
0x64: {  	_ =	shalt  }
0x65: {  	_ =	shalt  }
0x66: {  	_ =	shalt  }
0x67: {  	_ =	shalt  }
0x68: {  	_ =	shalt  }
0x69: {  	_ =	shalt  }
0x6a: {  	_ =	shalt  }
0x6b: {  	_ =	shalt  }
0x6c: {  	_ =	shalt  }
0x6d: {  	_ =	shalt  }
0x6e: {  	_ =	shalt  }
0x6f: {  	_ =	shalt  }
0x70: {  	_ =	shalt  }
0x71: {  	_ =	shalt  }
0x72: {  	_ =	shalt  }
0x73: {  	_ =	shalt  }
0x74: {  	_ =	shalt  }
0x75: {  	_ =	shalt  }
0x76: {  	_ =	shalt  }
0x77: {  	_ =	shalt  }
0x78: {  	_ =	shalt  }
0x79: {  	_ =	shalt  }
0x7a: {  	_ =	shalt  }
0x7b: {  	_ =	shalt  }
0x7c: {  	_ =	shalt  }
0x7d: {  	_ =	shalt  }
0x7e: {  	_ =	shalt  }
0x7f: {  	_ =	shalt  }
0x80: {  	_ =	shalt  }
0x81: {  	_ =	shalt  }
0x82: {  	_ =	shalt  }
0x83: {  	_ =	shalt  }
0x84: {  	_ =	shalt  }
0x85: {  	_ =	shalt  }
0x86: {  	_ =	shalt  }
0x87: {  	_ =	shalt  }
.Lfunc_end0:
.L_simem_size_0:
called_computation.4_lowered:
.L_overlay_start_0:
0x88: {  	s2 =	sld [smem:$0x3FD9]  }
0x89: {  	s3 =	sld [smem:$0x3FFE];
	_ =	sdelay $0x1  }
0x8a: {  	s1 =	srdreg.scid  }
0x8b: {  	s0 =	sand.u32 $0x1, s1  }
0x8c: {  	s17 =	sshll.u32 s0, $0xA;
	s2 =	sadd.s32 s3, s2  }
0x8d: {  	s2 =	sadd.s32 s2, s17  }
0x8e: {  	[smem:$0x3FB8] =	sst s2  }
0x8f: {  	_ = 	snop  }
0x90: {  	s2 =	sld [smem:$0x3FD0];
	(tm) =	ssettm $0x1  }
0x91: {  	s18 =	sld [smem:$0x3FFB];
	_ =	sdelay $0x3  }
0x92: {  	_ =	strace s18  }
0x93: {  	s3 =	sld [smem:$0x3FFC];
	_ =	sdelay $0x3  }
0x94: {  	_ =	strace s3  }
0x95: {  	s3 =	sld [smem:$0x3FFD];
	_ =	sdelay $0x3  }
0x96: {  	_ =	strace s3  }
0x97: {  	_ =	strace $0x8FFFFFFF  }
0x98: {  	s19 =	sld [smem:$0x3FDB];
	_ =	sdelay $0x1  }
0x99: {  	s4 =	simm.s32 $_scs_section_size  }
0x9a: {  	s5 =	simm.s32 $_size__tile_overlayer_lowered;
	s6 =	simm.s32 $_tile_overlayer_lowered  }
0x9b: {  	s22 =	simm.s32 $0x1BFF;
	s21 =	sshll.u32 s6, $0x1;
	s3 =	sadd.s32 s4, s19  }
0x9c: {  	s7 =	simm.s32 $0x0;
	s20 =	sshll.u32 s5, $0x1;
	s5 =	sadd.s32 s21, s3  }
0x9d: {  	[timem:s7], [sflag:s22] =	dma.local [hbm:s5], s20  }
0x9e: {  	_ =	swait.ge [sflag:s22], s20  }
0x9f: {  	s4 =	ssub.s32 $0x0, s20;
	[sflag:s22] =	ssyncset.done $0x0  }
0xa0: {  	[sflag:s22] =	ssyncadd.s32 s4;
	_ =	sdelay $0x1  }
0xa1: {  	s23 =	simm.s32 $0x1B8B  }
0xa2: {  	_ =	swait.ge [sflag:s23], $0x1  }
0xa3: {  	[sflag:s23] =	ssyncset.done $0x0  }
0xa4: {  	s25 =	simm.s32 $0x1B8E;
	s24 =	sld [smem:$0x3FFE];
	[sflag:s23] =	ssyncadd.s32 $0xFFFFFFFF  }
0xa5: {  	s26 =	simm.s32 $execute0_lowered;
	[smem:$0x3FD2] =	sst s25  }
0xa6: {  	s5 =	sshll.u32 s26, $0x1;
	_ =	strace $0x80000052;
	[dreg:$0x1] =	wrdreg $0xFFFFFFFF  }
0xa7: {  	s28 =	simm.s32 $_size_execute0_lowered;
	s3 =	sadd.s32 s3, s5;
	[dreg:$0x0] =	wrdreg $0x0  }
0xa8: {  	s5 =	sshll.u32 s28, $0x1;
	[dreg:$0x2] =	wrdreg s3  }
0xa9: {  	[dreg:$0x3] =	wrdreg s5  }
0xaa: {  	[dreg:$0x4] =	wrdreg $0xC0  }
0xab: {  	_ =	task [dreg:s7], $0x5FFFF  }
0xac: {  	[dreg:$0x1] =	wrdreg $0xFFFFFFFF  }
0xad: {  	[dreg:$0x0] =	wrdreg $0x60  }
0xae: {  	[dreg:$0x2] =	wrdreg s24  }
0xaf: {  	[dreg:$0x3] =	wrdreg s2  }
0xb0: {  	[dreg:$0x4] =	wrdreg $0x9  }
0xb1: {  	_ =	task.clear_ibuf [dreg:s7], $0x5FFFF;
	_ =	strace $0x90000052  }
0xb2: {  	s29 =	simm.s32 $0x9;
	_ =	strace $0x80000054  }
0xb3: {  	_ =	swait.ge [sflag:s29], $0x1  }
0xb4: {  	[sflag:s29] =	ssyncadd.s32 $0xFFFFFFFF  }
0xb5: {  	_ =	strace $0x90000054  }
0xb6: {  	_ =	sfence  }
0xb7: {  	s30 =	sld [smem:$0x0];
	_ =	sdelay $0x2  }
0xb8: {  	s31 =	sshll.u32 s1, $0xD;
	s1 =	sshrl.u32 s1, $0x2  }
0xb9: {  	s3 =	sand.u32 $0x4000, s31;
	s1 =	sadd.s32 s1, s30  }
0xba: {  	s0 =	sor.u32 s3, s0;
	s1 =	sshll.u32 s1, $0x11  }
0xbb: {  	s0 =	sor.u32 s1, s0  }
0xbc: {  	s0 =	sadd.s32 $0x8F2B, s0  }
0xbd: {  	[sflag:s0] =	ssyncadd.remote.s32 $0x1  }
0xbe: {  	_ =	sfence.sel $0xFFFF  }
0xbf: {  	[dreg:$0x0] =	wrdreg $0xFFFFFFFF;
	(pc) =	sbr.abs _section_cstart, $3  }
0xc0: {  	[dreg:$0x1] =	wrdreg $0xFFFFFFFF  }
0xc1: {  	_ =	task.clear_ibuf [dreg:s7], $0x2FFFF;
	_ =	strace $0x9FFFFFFF  }
0xc2: {  	(tm) =	ssettm $0x7FFFFFFF  }
0xc3: {  	_ =	shalt  }
tec
execute0_lowered:
.L_overlay_start_1:
0x0: {  	(tag) =	ssettag $0x1  }
0x1: {  	s1 =	srdreg.scid;
	s0 =	stileid.u32  }
0x2: {  	s30 =	sand.u32 $0x1, s1;
	s26 =	sshll.u32 s0, $0x1  }
0x3: {  	s1 =	sor.u32 s30, s26  }
0x4: {  	s5 =	smul.u32 $0x50, s1  }
0x5: {  	s14 =	rddreg [dreg:$0x0]  }
0x6: {  	s4 =	rddreg [dreg:$0x1];
	s2 =	simm.s32 $0x0;
	s3 =	sadd.s32 s5, s14  }
0x7: {  	[smem:$0x7FF] =	sst s2;
	s3 =	sadd.s32 $0x104800, s3  }
0x8: {  	_ =	strace $0x80000053;
	[dreg:$0x3] =	wrdreg s3  }
0x9: {  	s3 =	simm.s32 $0x3;
	s6 =	rddreg [dreg:$0x3]  }
0xa: {  	[tilespmem:s2], [sflag:$0x3] =	stream.linear.gather [hbm4b:s6+s2], $0x280, $0x38;
	[tilespmem:$0x8500] =	vst v63  }
0xb: {  	_ =	swait.ge [sflag:s3], $0x280  }
0xc: {  	[sflag:s3] =	ssyncset.done $0x0  }
0xd: {  	s4 =	sadd.s32 s4, s5;
	s5 =	simm.s32 $0x280;
	[sflag:s3] =	ssyncadd.s32 $0xFFFFFD80  }
0xe: {  	[tilespmem:s5], [sflag:$0x3] =	stream.linear.gather [hbm4b:s4+s2], $0x280, $0x38;
	[tilespmem:$0x8500] =	vst v63  }
0xf: {  	_ =	swait.ge [sflag:s3], $0x280  }
0x10: {  	s7 =	simm.s32 $0x80;
	[sflag:s3] =	ssyncset.done $0x0  }
0x11: {  	s8 =	simm.s32 $0x500;
	s6 =	sadd.s32 $0x3A00, s14;
	[sflag:s3] =	ssyncadd.s32 $0xFFFFFD80  }
0x12: {  	[tilespmem:s8], [sflag:$0x1] =	stream.indirect.gather [hbm4b:s6+s7], $0x80, s2, s7, $0xb8;
	[tilespmem:$0x8500] =	vst v63  }
0x13: {  	s10 =	simm.s32 $0x4500;
	s11 =	simm.s32 $0x1;
	s9 =	sadd.s32 $0x2AC00, s14  }
0x14: {  	[tilespmem:s10], [sflag:$0x2] =	stream.indirect.gather [hbm4b:s9+s7], $0x80, s5, s7, $0xb8;
	[tilespmem:$0x8500] =	vst v63  }
0x15: {  	s15 =	smul.u32 $0x2800, s1;
	_ =	swait.ge [sflag:s11], $0x4000  }
0x16: {  	s29 =	sadd.s32 $0x51E00, s14;
	[sflag:s11] =	ssyncset.done $0x0  }
0x17: {  	s12 =	sadd.s32 s29, s15;
	[sflag:s11] =	ssyncadd.s32 $0xFFFFC000  }
0x18: {  	[hbm4b:s12+s2] =	stream.linear.scatter [tilespmem:s8], [sflag:$0x3], $0x4000, $0x38;
	[tilespmem:$0x8500] =	vst v63  }
0x19: {  	_ =	swait.ge [sflag:s3], $0x4000  }
0x1a: {  	[sflag:s3] =	ssyncset.done $0x0  }
0x1b: {  	s13 =	simm.s32 $0x2;
	[sflag:s3] =	ssyncadd.s32 $0xFFFFC000  }
0x1c: {  	[tilespmem:s8], [sflag:$0x1] =	stream.indirect.gather [hbm4b:s6+s7], $0x80, s7, s7, $0xb8;
	[tilespmem:$0x8500] =	vst v63  }
0x1d: {  	_ =	swait.ge [sflag:s13], $0x4000  }
0x1e: {  	s31 =	sadd.s32 $0xA1E00, s14;
	[sflag:s13] =	ssyncset.done $0x0  }
0x1f: {  	s14 =	sadd.s32 s31, s15;
	[sflag:s13] =	ssyncadd.s32 $0xFFFFC000  }
0x20: {  	[hbm4b:s14+s2] =	stream.linear.scatter [tilespmem:s10], [sflag:$0x3], $0x4000, $0x38;
	[tilespmem:$0x8500] =	vst v63  }
0x21: {  	_ =	swait.ge [sflag:s3], $0x4000  }
0x22: {  	[sflag:s3] =	ssyncset.done $0x0  }
0x23: {  	s1 =	smul.u32 $0x14000, s1;
	s15 =	simm.s32 $0x300;
	[sflag:s3] =	ssyncadd.s32 $0xFFFFC000  }
0x24: {  	[tilespmem:s10], [sflag:$0x2] =	stream.indirect.gather [hbm4b:s9+s7], $0x80, s15, s7, $0xb8;
	[tilespmem:$0x8500] =	vst v63  }
0x25: {  	s1 =	sshrl.u32 s1, $0x3;
	_ =	swait.ge [sflag:s11], $0x4000  }
0x26: {  	s18 =	sadd.s32 $0x800, s1;
	[sflag:s11] =	ssyncset.done $0x0  }
0x27: {  	s16 =	sadd.s32 s29, s18;
	[sflag:s11] =	ssyncadd.s32 $0xFFFFC000  }
0x28: {  	[hbm4b:s16+s2] =	stream.linear.scatter [tilespmem:s8], [sflag:$0x3], $0x4000, $0x38;
	[tilespmem:$0x8500] =	vst v63  }
0x29: {  	_ =	swait.ge [sflag:s3], $0x4000  }
0x2a: {  	[sflag:s3] =	ssyncset.done $0x0  }
0x2b: {  	s17 =	simm.s32 $0x100;
	[sflag:s3] =	ssyncadd.s32 $0xFFFFC000  }
0x2c: {  	[tilespmem:s8], [sflag:$0x1] =	stream.indirect.gather [hbm4b:s6+s7], $0x80, s17, s7, $0xb8;
	[tilespmem:$0x8500] =	vst v63  }
0x2d: {  	_ =	swait.ge [sflag:s13], $0x4000  }
0x2e: {  	[sflag:s13] =	ssyncset.done $0x0  }
0x2f: {  	s18 =	sadd.s32 s31, s18;
	[sflag:s13] =	ssyncadd.s32 $0xFFFFC000  }
0x30: {  	[hbm4b:s18+s2] =	stream.linear.scatter [tilespmem:s10], [sflag:$0x3], $0x4000, $0x38;
	[tilespmem:$0x8500] =	vst v63  }
0x31: {  	_ =	swait.ge [sflag:s3], $0x4000  }
0x32: {  	[sflag:s3] =	ssyncset.done $0x0  }
0x33: {  	s19 =	simm.s32 $0x380;
	[sflag:s3] =	ssyncadd.s32 $0xFFFFC000  }
0x34: {  	[tilespmem:s10], [sflag:$0x2] =	stream.indirect.gather [hbm4b:s9+s7], $0x80, s19, s7, $0xb8;
	[tilespmem:$0x8500] =	vst v63  }
0x35: {  	_ =	swait.ge [sflag:s11], $0x4000  }
0x36: {  	s22 =	sadd.s32 $0x1000, s1;
	[sflag:s11] =	ssyncset.done $0x0  }
0x37: {  	s20 =	sadd.s32 s29, s22;
	[sflag:s11] =	ssyncadd.s32 $0xFFFFC000  }
0x38: {  	[hbm4b:s20+s2] =	stream.linear.scatter [tilespmem:s8], [sflag:$0x3], $0x4000, $0x38;
	[tilespmem:$0x8500] =	vst v63  }
0x39: {  	_ =	swait.ge [sflag:s3], $0x4000  }
0x3a: {  	[sflag:s3] =	ssyncset.done $0x0  }
0x3b: {  	s21 =	simm.s32 $0x180;
	[sflag:s3] =	ssyncadd.s32 $0xFFFFC000  }
0x3c: {  	[tilespmem:s8], [sflag:$0x1] =	stream.indirect.gather [hbm4b:s6+s7], $0x80, s21, s7, $0xb8;
	[tilespmem:$0x8500] =	vst v63  }
0x3d: {  	_ =	swait.ge [sflag:s13], $0x4000  }
0x3e: {  	[sflag:s13] =	ssyncset.done $0x0  }
0x3f: {  	s22 =	sadd.s32 s31, s22;
	[sflag:s13] =	ssyncadd.s32 $0xFFFFC000  }
0x40: {  	[hbm4b:s22+s2] =	stream.linear.scatter [tilespmem:s10], [sflag:$0x3], $0x4000, $0x38;
	[tilespmem:$0x8500] =	vst v63  }
0x41: {  	_ =	swait.ge [sflag:s3], $0x4000  }
0x42: {  	[sflag:s3] =	ssyncset.done $0x0  }
0x43: {  	s23 =	simm.s32 $0x400;
	[sflag:s3] =	ssyncadd.s32 $0xFFFFC000  }
0x44: {  	[tilespmem:s10], [sflag:$0x2] =	stream.indirect.gather [hbm4b:s9+s7], $0x80, s23, s7, $0xb8;
	[tilespmem:$0x8500] =	vst v63  }
0x45: {  	_ =	swait.ge [sflag:s11], $0x4000  }
0x46: {  	s26 =	sadd.s32 $0x1800, s1;
	[sflag:s11] =	ssyncset.done $0x0  }
0x47: {  	s24 =	sadd.s32 s29, s26;
	[sflag:s11] =	ssyncadd.s32 $0xFFFFC000  }
0x48: {  	[hbm4b:s24+s2] =	stream.linear.scatter [tilespmem:s8], [sflag:$0x3], $0x4000, $0x38;
	[tilespmem:$0x8500] =	vst v63  }
0x49: {  	_ =	swait.ge [sflag:s3], $0x4000  }
0x4a: {  	[sflag:s3] =	ssyncset.done $0x0  }
0x4b: {  	s25 =	simm.s32 $0x200;
	[sflag:s3] =	ssyncadd.s32 $0xFFFFC000  }
0x4c: {  	[tilespmem:s8], [sflag:$0x1] =	stream.indirect.gather [hbm4b:s6+s7], $0x80, s25, s7, $0xb8;
	[tilespmem:$0x8500] =	vst v63  }
0x4d: {  	_ =	swait.ge [sflag:s13], $0x4000  }
0x4e: {  	[sflag:s13] =	ssyncset.done $0x0  }
0x4f: {  	s26 =	sadd.s32 s31, s26;
	[sflag:s13] =	ssyncadd.s32 $0xFFFFC000  }
0x50: {  	[hbm4b:s26+s2] =	stream.linear.scatter [tilespmem:s10], [sflag:$0x3], $0x4000, $0x38;
	[tilespmem:$0x8500] =	vst v63  }
0x51: {  	_ =	swait.ge [sflag:s3], $0x4000  }
0x52: {  	[sflag:s3] =	ssyncset.done $0x0  }
0x53: {  	s28 =	simm.s32 $0x480;
	[sflag:s3] =	ssyncadd.s32 $0xFFFFC000  }
0x54: {  	[tilespmem:s10], [sflag:$0x2] =	stream.indirect.gather [hbm4b:s9+s7], $0x80, s28, s7, $0xb8;
	[tilespmem:$0x8500] =	vst v63  }
0x55: {  	_ =	swait.ge [sflag:s11], $0x4000  }
0x56: {  	s30 =	ssub.s32 $0x2, s30;
	s1 =	sadd.s32 $0x2000, s1;
	[sflag:s11] =	ssyncset.done $0x0  }
0x57: {  	s0 =	sshrl.u32 s30, $0x1;
	s29 =	sadd.s32 s29, s1;
	[sflag:s11] =	ssyncadd.s32 $0xFFFFC000  }
0x58: {  	[hbm4b:s29+s2] =	stream.linear.scatter [tilespmem:s8], [sflag:$0x3], $0x4000, $0x38;
	[tilespmem:$0x8500] =	vst v63  }
0x59: {  	s0 =	ssub.s32 s30, s0;
	_ =	swait.ge [sflag:s3], $0x4000  }
0x5a: {  	s0 =	smax.u32 s0, $0x1;
	[sflag:s3] =	ssyncset.done $0x0  }
0x5b: {  	p0 =	sne.s32 s0, $0x1;
	[sflag:s3] =	ssyncadd.s32 $0xFFFFC000  }
.Ltmp0:
0x5c: {  	_ =	swait.ge [sflag:s13], $0x4000;
	(pc) =	sbr.rel @!p0 .LBB2_2-.Ltmp0, $4  }
0x5d: {  	[sflag:s13] =	ssyncset.done $0x0  }
0x5e: {  	s30 =	sadd.s32 s31, s1;
	[sflag:s13] =	ssyncadd.s32 $0xFFFFC000  }
0x5f: {  	[hbm4b:s30+s2] =	stream.linear.scatter [tilespmem:s10], [sflag:$0x3], $0x4000, $0x38;
	[tilespmem:$0x8500] =	vst v63  }
0x60: {  	s31 =	sadd.s32 $0xFFFFFFFF, s0;
	_ =	swait.ge [sflag:s3], $0x4000  }
.LBB2_1:
0x61: {  	[sflag:s3] =	ssyncset.done $0x0  }
0x62: {  	s0 =	rddreg [dreg:$0x3];
	[sflag:s3] =	ssyncadd.s32 $0xFFFFC000  }
0x63: {  	[tilespmem:s2], [sflag:$0x3] =	stream.linear.gather [hbm4b:s0+s2], $0x280, $0x38;
	[tilespmem:$0x8500] =	vst v63  }
0x64: {  	_ =	swait.ge [sflag:s3], $0x280  }
0x65: {  	[sflag:s3] =	ssyncset.done $0x0  }
0x66: {  	[sflag:s3] =	ssyncadd.s32 $0xFFFFFD80  }
0x67: {  	[tilespmem:s5], [sflag:$0x3] =	stream.linear.gather [hbm4b:s4+s2], $0x280, $0x38;
	[tilespmem:$0x8500] =	vst v63  }
0x68: {  	_ =	swait.ge [sflag:s3], $0x280  }
0x69: {  	[sflag:s3] =	ssyncset.done $0x0  }
0x6a: {  	[sflag:s3] =	ssyncadd.s32 $0xFFFFFD80  }
0x6b: {  	[tilespmem:s8], [sflag:$0x1] =	stream.indirect.gather [hbm4b:s6+s7], $0x80, s2, s7, $0xb8;
	[tilespmem:$0x8500] =	vst v63  }
0x6c: {  	_ = 	snop  }
0x6d: {  	[tilespmem:s10], [sflag:$0x2] =	stream.indirect.gather [hbm4b:s9+s7], $0x80, s5, s7, $0xb8;
	[tilespmem:$0x8500] =	vst v63  }
0x6e: {  	_ =	swait.ge [sflag:s11], $0x4000  }
0x6f: {  	[sflag:s11] =	ssyncset.done $0x0  }
0x70: {  	[sflag:s11] =	ssyncadd.s32 $0xFFFFC000  }
0x71: {  	[hbm4b:s12+s2] =	stream.linear.scatter [tilespmem:s8], [sflag:$0x3], $0x4000, $0x38;
	[tilespmem:$0x8500] =	vst v63  }
0x72: {  	_ =	swait.ge [sflag:s3], $0x4000  }
0x73: {  	[sflag:s3] =	ssyncset.done $0x0  }
0x74: {  	[sflag:s3] =	ssyncadd.s32 $0xFFFFC000  }
0x75: {  	[tilespmem:s8], [sflag:$0x1] =	stream.indirect.gather [hbm4b:s6+s7], $0x80, s7, s7, $0xb8;
	[tilespmem:$0x8500] =	vst v63  }
0x76: {  	_ =	swait.ge [sflag:s13], $0x4000  }
0x77: {  	[sflag:s13] =	ssyncset.done $0x0  }
0x78: {  	[sflag:s13] =	ssyncadd.s32 $0xFFFFC000  }
0x79: {  	[hbm4b:s14+s2] =	stream.linear.scatter [tilespmem:s10], [sflag:$0x3], $0x4000, $0x38;
	[tilespmem:$0x8500] =	vst v63  }
0x7a: {  	_ =	swait.ge [sflag:s3], $0x4000  }
0x7b: {  	[sflag:s3] =	ssyncset.done $0x0  }
0x7c: {  	[sflag:s3] =	ssyncadd.s32 $0xFFFFC000  }
0x7d: {  	[tilespmem:s10], [sflag:$0x2] =	stream.indirect.gather [hbm4b:s9+s7], $0x80, s15, s7, $0xb8;
	[tilespmem:$0x8500] =	vst v63  }
0x7e: {  	_ =	swait.ge [sflag:s11], $0x4000  }
0x7f: {  	[sflag:s11] =	ssyncset.done $0x0  }
0x80: {  	[sflag:s11] =	ssyncadd.s32 $0xFFFFC000  }
0x81: {  	[hbm4b:s16+s2] =	stream.linear.scatter [tilespmem:s8], [sflag:$0x3], $0x4000, $0x38;
	[tilespmem:$0x8500] =	vst v63  }
0x82: {  	_ =	swait.ge [sflag:s3], $0x4000  }
0x83: {  	[sflag:s3] =	ssyncset.done $0x0  }
0x84: {  	[sflag:s3] =	ssyncadd.s32 $0xFFFFC000  }
0x85: {  	[tilespmem:s8], [sflag:$0x1] =	stream.indirect.gather [hbm4b:s6+s7], $0x80, s17, s7, $0xb8;
	[tilespmem:$0x8500] =	vst v63  }
0x86: {  	_ =	swait.ge [sflag:s13], $0x4000  }
0x87: {  	[sflag:s13] =	ssyncset.done $0x0  }
0x88: {  	[sflag:s13] =	ssyncadd.s32 $0xFFFFC000  }
0x89: {  	[hbm4b:s18+s2] =	stream.linear.scatter [tilespmem:s10], [sflag:$0x3], $0x4000, $0x38;
	[tilespmem:$0x8500] =	vst v63  }
0x8a: {  	_ =	swait.ge [sflag:s3], $0x4000  }
0x8b: {  	[sflag:s3] =	ssyncset.done $0x0  }
0x8c: {  	[sflag:s3] =	ssyncadd.s32 $0xFFFFC000  }
0x8d: {  	[tilespmem:s10], [sflag:$0x2] =	stream.indirect.gather [hbm4b:s9+s7], $0x80, s19, s7, $0xb8;
	[tilespmem:$0x8500] =	vst v63  }
0x8e: {  	_ =	swait.ge [sflag:s11], $0x4000  }
0x8f: {  	[sflag:s11] =	ssyncset.done $0x0  }
0x90: {  	[sflag:s11] =	ssyncadd.s32 $0xFFFFC000  }
0x91: {  	[hbm4b:s20+s2] =	stream.linear.scatter [tilespmem:s8], [sflag:$0x3], $0x4000, $0x38;
	[tilespmem:$0x8500] =	vst v63  }
0x92: {  	_ =	swait.ge [sflag:s3], $0x4000  }
0x93: {  	[sflag:s3] =	ssyncset.done $0x0  }
0x94: {  	[sflag:s3] =	ssyncadd.s32 $0xFFFFC000  }
0x95: {  	[tilespmem:s8], [sflag:$0x1] =	stream.indirect.gather [hbm4b:s6+s7], $0x80, s21, s7, $0xb8;
	[tilespmem:$0x8500] =	vst v63  }
0x96: {  	_ =	swait.ge [sflag:s13], $0x4000  }
0x97: {  	[sflag:s13] =	ssyncset.done $0x0  }
0x98: {  	[sflag:s13] =	ssyncadd.s32 $0xFFFFC000  }
0x99: {  	[hbm4b:s22+s2] =	stream.linear.scatter [tilespmem:s10], [sflag:$0x3], $0x4000, $0x38;
	[tilespmem:$0x8500] =	vst v63  }
0x9a: {  	_ =	swait.ge [sflag:s3], $0x4000  }
0x9b: {  	[sflag:s3] =	ssyncset.done $0x0  }
0x9c: {  	[sflag:s3] =	ssyncadd.s32 $0xFFFFC000  }
0x9d: {  	[tilespmem:s10], [sflag:$0x2] =	stream.indirect.gather [hbm4b:s9+s7], $0x80, s23, s7, $0xb8;
	[tilespmem:$0x8500] =	vst v63  }
0x9e: {  	_ =	swait.ge [sflag:s11], $0x4000  }
0x9f: {  	[sflag:s11] =	ssyncset.done $0x0  }
0xa0: {  	[sflag:s11] =	ssyncadd.s32 $0xFFFFC000  }
0xa1: {  	[hbm4b:s24+s2] =	stream.linear.scatter [tilespmem:s8], [sflag:$0x3], $0x4000, $0x38;
	[tilespmem:$0x8500] =	vst v63  }
0xa2: {  	_ =	swait.ge [sflag:s3], $0x4000  }
0xa3: {  	[sflag:s3] =	ssyncset.done $0x0  }
0xa4: {  	[sflag:s3] =	ssyncadd.s32 $0xFFFFC000  }
0xa5: {  	[tilespmem:s8], [sflag:$0x1] =	stream.indirect.gather [hbm4b:s6+s7], $0x80, s25, s7, $0xb8;
	[tilespmem:$0x8500] =	vst v63  }
0xa6: {  	_ =	swait.ge [sflag:s13], $0x4000  }
0xa7: {  	[sflag:s13] =	ssyncset.done $0x0  }
0xa8: {  	[sflag:s13] =	ssyncadd.s32 $0xFFFFC000  }
0xa9: {  	[hbm4b:s26+s2] =	stream.linear.scatter [tilespmem:s10], [sflag:$0x3], $0x4000, $0x38;
	[tilespmem:$0x8500] =	vst v63  }
0xaa: {  	_ =	swait.ge [sflag:s3], $0x4000  }
0xab: {  	[sflag:s3] =	ssyncset.done $0x0  }
0xac: {  	[sflag:s3] =	ssyncadd.s32 $0xFFFFC000  }
0xad: {  	[tilespmem:s10], [sflag:$0x2] =	stream.indirect.gather [hbm4b:s9+s7], $0x80, s28, s7, $0xb8;
	[tilespmem:$0x8500] =	vst v63  }
0xae: {  	_ =	swait.ge [sflag:s11], $0x4000  }
0xaf: {  	[sflag:s11] =	ssyncset.done $0x0  }
0xb0: {  	[sflag:s11] =	ssyncadd.s32 $0xFFFFC000  }
0xb1: {  	[hbm4b:s29+s2] =	stream.linear.scatter [tilespmem:s8], [sflag:$0x3], $0x4000, $0x38;
	[tilespmem:$0x8500] =	vst v63  }
0xb2: {  	_ =	swait.ge [sflag:s3], $0x4000  }
0xb3: {  	[sflag:s3] =	ssyncset.done $0x0  }
0xb4: {  	p0 =	sne.s32 s31, $0x1;
	[sflag:s3] =	ssyncadd.s32 $0xFFFFC000  }
.Ltmp1:
0xb5: {  	_ =	swait.ge [sflag:s13], $0x4000;
	(pc) =	sbr.rel @p0 .LBB2_1-.Ltmp1, $4  }
0xb6: {  	[sflag:s13] =	ssyncset.done $0x0  }
0xb7: {  	[sflag:s13] =	ssyncadd.s32 $0xFFFFC000  }
0xb8: {  	[hbm4b:s30+s2] =	stream.linear.scatter [tilespmem:s10], [sflag:$0x3], $0x4000, $0x38;
	[tilespmem:$0x8500] =	vst v63  }
0xb9: {  	s31 =	sadd.s32 $0xFFFFFFFF, s31;
	_ =	swait.ge [sflag:s3], $0x4000  }
.LBB2_2:
0xba: {  	[sflag:s3] =	ssyncset.done $0x0  }
0xbb: {  	[sflag:s3] =	ssyncadd.s32 $0xFFFFC000  }
0xbc: {  	_ =	sfence.sel $0x180000  }
0xbd: {  	[bflag:$0x0] =	sbarrier.arrive $0xFFFF  }
0xbe: {  	_ =	strace $0x90000053  }
0xbf: {  	s0 =	stileid.u32;
	[bflag:$0x2] =	sbarrier.arrive $0xFFFF  }
0xc0: {  	p0 =	sne.s32 s0, $0x0;
	s0 =	rddreg [dreg:$0x2]  }
0xc1: {  	s0 =	sadd.s32 @!p0 $0x100000, s0  }
0xc2: {  	[sflag:s0] =	ssyncadd.tile.s32 @!p0 $0x1;
	_ =	shalt  }
.Lfunc_end2:
_tile_overlayer_lowered:
.L_overlay_start_2:
0xc3: {  	(tag) =	ssettag $0x2  }
0xc4: {  	s0 =	rddreg [dreg:$0x0];
	s2 =	stileid.u32  }
0xc5: {  	s1 =	rddreg [dreg:$0x1];
	p0 =	sne.s32 s2, $0x0  }
0xc6: {  	s3 =	rddreg [dreg:$0x2];
	[bflag:$0x3] =	sbarrier.arrive $0xFFFF;
	s2 =	simm.s32 @!p0 $0x1C03  }
0xc7: {  	[timem:s3], [sflag:s2] =	dma.local @!p0 [hbm:s0], s1  }
0xc8: {  	s0 =	simm.s32 @!p0 $0x3  }
0xc9: {  	_ =	swait.ge @!p0 [sflag:s0], s1  }
0xca: {  	s1 =	ssub.s32 @!p0 $0x0, s1;
	[sflag:s0] =	ssyncset.done @!p0 $0x0  }
0xcb: {  	[sflag:s0] =	ssyncadd.s32 @!p0 s1  }
0xcc: {  	[bflag:$0x3] =	sbarrier.arrive $0xFFFF  }
0xcd: {  	_ =	shalt  }

</sc_bundles>
